<compile_context>
chip_gen: v7x
topology: tpu7x:2x2x1
jax: 0.10.2.dev20260603
libtpu: 0.0.44.dev20260713+nightly
codegen_flags: <defaults>
</compile_context>

<pallas_src>
import functools

import jax
import jax.numpy as jnp
from jax import lax
from jax.experimental import pallas as pl
from jax.experimental.pallas import tpu as pltpu
from jax.experimental.pallas import tpu_sc as plsc

_NW = 32
_CH = 128


def _ln(h, g, b):
    mu = jnp.mean(h, axis=-1, keepdims=True)
    var = jnp.mean((h - mu) ** 2, axis=-1, keepdims=True)
    return (h - mu) * lax.rsqrt(var + 1e-5) * g + b



def _enc_body(xf_ref, w_ref, b_ref, g_ref, beta_ref, o_ref):
    h = jnp.dot(xf_ref[...], w_ref[...], preferred_element_type=jnp.float32)
    o_ref[...] = jnp.maximum(_ln(h + b_ref[...], g_ref[...], beta_ref[...]), 0.0)


def _encode(xf, w, b, g, beta, blk):
    n, din = xf.shape
    h = w.shape[1]
    return pl.pallas_call(
        _enc_body,
        grid=(n // blk,),
        in_specs=[
            pl.BlockSpec((blk, din), lambda i: (i, 0)),
            pl.BlockSpec((din, h), lambda i: (0, 0)),
            pl.BlockSpec((1, h), lambda i: (0, 0)),
            pl.BlockSpec((1, h), lambda i: (0, 0)),
            pl.BlockSpec((1, h), lambda i: (0, 0)),
        ],
        out_specs=pl.BlockSpec((blk, h), lambda i: (i, 0)),
        out_shape=jax.ShapeDtypeStruct((n, h), jnp.float32),
    )(xf, w, b.reshape(1, -1), g.reshape(1, -1), beta.reshape(1, -1))


def _mlp_body(xi_ref, xj_ref, ea_ref, w1a, w1b, w1c, b1, g, beta, w2, b2, o_ref):
    h = (jnp.dot(xi_ref[...], w1a[...], preferred_element_type=jnp.float32)
         + jnp.dot(xj_ref[...], w1b[...], preferred_element_type=jnp.float32)
         + jnp.dot(ea_ref[...], w1c[...], preferred_element_type=jnp.float32))
    h = jnp.maximum(_ln(h + b1[...], g[...], beta[...]), 0.0)
    o_ref[...] = jnp.dot(h, w2[...], preferred_element_type=jnp.float32) + b2[...]


def _edge_mlp(xi, xj, ea, w1, b1, g, beta, w2, b2, blk):
    e, h = xi.shape
    vspec = pl.BlockSpec((1, h), lambda i: (0, 0))
    wspec = pl.BlockSpec((h, h), lambda i: (0, 0))
    espec = pl.BlockSpec((blk, h), lambda i: (i, 0))
    return pl.pallas_call(
        _mlp_body,
        grid=(e // blk,),
        in_specs=[espec, espec, espec, wspec, wspec, wspec, vspec, vspec,
                  vspec, wspec, vspec],
        out_specs=espec,
        out_shape=jax.ShapeDtypeStruct((e, h), jnp.float32),
    )(xi, xj, ea, w1[:h], w1[h:2 * h], w1[2 * h:], b1.reshape(1, -1),
      g.reshape(1, -1), beta.reshape(1, -1), w2, b2.reshape(1, -1))


def _gru_body(a0, a1, x_ref, wi, wh, bi, bh, g, beta, o_ref):
    x = x_ref[...]
    h = x.shape[1]
    gi = jnp.dot(a0[...] + a1[...], wi[...],
                 preferred_element_type=jnp.float32) + bi[...]
    gh = jnp.dot(x, wh[...], preferred_element_type=jnp.float32) + bh[...]
    r = jax.nn.sigmoid(gi[:, :h] + gh[:, :h])
    z = jax.nn.sigmoid(gi[:, h:2 * h] + gh[:, h:2 * h])
    ng = jnp.tanh(gi[:, 2 * h:] + r * gh[:, 2 * h:])
    xn = (1.0 - z) * ng + z * x
    o_ref[...] = _ln(xn + x, g[...], beta[...])


def _gru(a0, a1, x, wi, wh, bi, bh, g, beta, blk):
    n, h = x.shape
    nspec = pl.BlockSpec((blk, h), lambda i: (i, 0))
    wspec = pl.BlockSpec((h, 3 * h), lambda i: (0, 0))
    b3spec = pl.BlockSpec((1, 3 * h), lambda i: (0, 0))
    vspec = pl.BlockSpec((1, h), lambda i: (0, 0))
    return pl.pallas_call(
        _gru_body,
        grid=(n // blk,),
        in_specs=[nspec, nspec, nspec, wspec, wspec, b3spec, b3spec,
                  vspec, vspec],
        out_specs=nspec,
        out_shape=jax.ShapeDtypeStruct((n, h), jnp.float32),
    )(a0, a1, x, wi, wh, bi.reshape(1, -1), bh.reshape(1, -1),
      g.reshape(1, -1), beta.reshape(1, -1))


def _seg_body(x_ref, b_ref, sum_ref, max_ref, cnt_ref, *, nseg, blk):
    @pl.when(pl.program_id(0) == 0)
    def _():
        sum_ref[...] = jnp.zeros_like(sum_ref)
        cnt_ref[...] = jnp.zeros_like(cnt_ref)
        max_ref[...] = jnp.full_like(max_ref, -jnp.inf)

    x = x_ref[...]
    bi = b_ref[...]
    gids = lax.broadcasted_iota(jnp.int32, (1, nseg), 1)
    oh = (bi == gids).astype(jnp.float32)
    sum_ref[...] += lax.dot_general(oh, x, (((0,), (0,)), ((), ())),
                                    preferred_element_type=jnp.float32)
    cnt_ref[...] += jnp.sum(oh, axis=0)[:, None]
    lo = bi[0, 0]
    hi = bi[blk - 1, 0]

    def mx(gg, carry):
        mg = jnp.max(jnp.where(bi == gg, x, -jnp.inf), axis=0, keepdims=True)
        max_ref[pl.ds(gg, 1), :] = jnp.maximum(max_ref[pl.ds(gg, 1), :], mg)
        return carry

    lax.fori_loop(lo, hi + 1, mx, 0)


def _segment_reduce(x, batch, nseg, blk):
    n, h = x.shape
    ospec = pl.BlockSpec((nseg, h), lambda i: (0, 0))
    return pl.pallas_call(
        functools.partial(_seg_body, nseg=nseg, blk=blk),
        grid=(n // blk,),
        in_specs=[
            pl.BlockSpec((blk, h), lambda i: (i, 0)),
            pl.BlockSpec((blk, 1), lambda i: (i, 0)),
        ],
        out_specs=[ospec, ospec, ospec],
        out_shape=[jax.ShapeDtypeStruct((nseg, h), jnp.float32)] * 3,
    )(x, batch.reshape(n, 1))


def _proj_body(sum_ref, max_ref, cnt_ref, wa, wb, b, g, beta, o_ref):
    mean = sum_ref[...] / jnp.maximum(cnt_ref[...], 1.0)
    h = (jnp.dot(mean, wa[...], preferred_element_type=jnp.float32)
         + jnp.dot(max_ref[...], wb[...], preferred_element_type=jnp.float32))
    o_ref[...] = jnp.maximum(_ln(h + b[...], g[...], beta[...]), 0.0)


def _project(s, mx, cnt, w, b, g, beta):
    nseg, h = s.shape
    h2 = w.shape[1]
    return pl.pallas_call(
        _proj_body,
        out_shape=jax.ShapeDtypeStruct((nseg, h2), jnp.float32),
    )(s, mx, cnt, w[:h], w[h:], b.reshape(1, -1), g.reshape(1, -1),
      beta.reshape(1, -1))



def _sc_gather(x, src, dst):
    n, h = x.shape
    e = src.shape[0]
    nchunk = e // _CH
    iters = (nchunk + _NW - 1) // _NW

    @functools.partial(
        pl.kernel,
        mesh=plsc.VectorSubcoreMesh(core_axis_name="c", subcore_axis_name="s"),
        out_type=[jax.ShapeDtypeStruct((e, h), jnp.float32),
                  jax.ShapeDtypeStruct((e, h), jnp.float32)],
        scratch_types=[pltpu.VMEM((_CH,), jnp.int32),
                       pltpu.VMEM((_CH,), jnp.int32),
                       pltpu.VMEM((_CH, h), jnp.float32),
                       pltpu.VMEM((_CH, h), jnp.float32),
                       pltpu.SemaphoreType.DMA,
                       pltpu.SemaphoreType.DMA],
    )
    def k(x_hbm, src_hbm, dst_hbm, xj_hbm, xi_hbm, sidx, didx, srows, drows,
          sem1, sem2):
        wid = lax.axis_index("s") * 2 + lax.axis_index("c")

        def body(i, carry):
            cid = i * _NW + wid

            @pl.when(cid < nchunk)
            def _():
                base = cid * _CH
                pltpu.sync_copy(src_hbm.at[pl.ds(base, _CH)], sidx)
                pltpu.sync_copy(dst_hbm.at[pl.ds(base, _CH)], didx)
                cp1 = pltpu.async_copy(x_hbm.at[sidx], srows, sem1)
                cp2 = pltpu.async_copy(x_hbm.at[didx], drows, sem2)
                cp1.wait()
                cp2.wait()
                pltpu.sync_copy(srows, xj_hbm.at[pl.ds(base, _CH)])
                pltpu.sync_copy(drows, xi_hbm.at[pl.ds(base, _CH)])

            return carry

        lax.fori_loop(0, iters, body, 0)

    return k(x, src, dst)


def _sc_scatter_add(m, dst, zeros):
    e, h = m.shape
    n = zeros.shape[0]
    nchunk = e // _CH
    iters = (nchunk + _NW - 1) // _NW
    zr = 80
    nzc = n // zr
    ziters = (nzc + 15) // 16

    @functools.partial(
        pl.kernel,
        mesh=plsc.VectorSubcoreMesh(core_axis_name="c", subcore_axis_name="s"),
        out_type=jax.ShapeDtypeStruct((2, n, h), jnp.float32),
        scratch_types=[pltpu.VMEM((1, _CH), jnp.int32),
                       pltpu.VMEM((_CH, h), jnp.float32),
                       pltpu.VMEM_SHARED((n, h), jnp.float32)],
    )
    def k(m_hbm, dst_hbm, z_hbm, out_hbm, didx, rows, acc):
        c = lax.axis_index("c")
        s = lax.axis_index("s")
        wid = s * 2 + c

        def zbody(i, carry):
            zc = i * 16 + s

            @pl.when(zc < nzc)
            def _():
                pltpu.sync_copy(z_hbm.at[pl.ds(zc * zr, zr)],
                                acc.at[pl.ds(zc * zr, zr)])

            return carry

        lax.fori_loop(0, ziters, zbody, 0)
        plsc.subcore_barrier()

        def body(i, carry):
            cid = i * _NW + wid

            @pl.when(cid < nchunk)
            def _():
                base = cid * _CH
                pltpu.sync_copy(dst_hbm.at[pl.ds(base, _CH)], didx.at[0])
                pltpu.sync_copy(m_hbm.at[pl.ds(base, _CH)], rows)
                pltpu.sync_copy(rows, acc.at[didx.at[0]], add=True)

            return carry

        lax.fori_loop(0, iters, body, 0)
        plsc.subcore_barrier()

        def obody(i, carry):
            zc = i * 16 + s

            @pl.when(zc < nzc)
            def _():
                pltpu.sync_copy(acc.at[pl.ds(zc * zr, zr)],
                                out_hbm.at[c, pl.ds(zc * zr, zr)])

            return carry

        lax.fori_loop(0, ziters, obody, 0)

    return k(m, dst, zeros)



def kernel(node_features, edge_index, edge_features, batch,
           node_W, node_b, node_g, node_beta,
           edge_W, edge_b, edge_g, edge_beta,
           msg_W1, msg_b1, msg_g, msg_beta, msg_W2, msg_b2,
           gru_Wi, gru_Wh, gru_bi, gru_bh, ln_g, ln_beta,
           out_W, out_b, out_g, out_beta):
    n = node_features.shape[0]
    h = node_W.shape[1]
    nlayers = msg_W1.shape[0]
    nseg = 64
    src = edge_index[0]
    dst = edge_index[1]

    x = _encode(node_features, node_W, node_b, node_g, node_beta, blk=2000)
    ea = _encode(edge_features, edge_W, edge_b, edge_g, edge_beta, blk=4000)
    zeros = jnp.zeros((n, h), jnp.float32)

    for l in range(nlayers):
        xj, xi = _sc_gather(x, src, dst)
        m = _edge_mlp(xi, xj, ea, msg_W1[l], msg_b1[l], msg_g[l], msg_beta[l],
                      msg_W2[l], msg_b2[l], blk=4000)
        agg = _sc_scatter_add(m, dst, zeros)
        x = _gru(agg[0], agg[1], x, gru_Wi[l], gru_Wh[l], gru_bi[l],
                 gru_bh[l], ln_g[l], ln_beta[l], blk=2000)

    s, mx, cnt = _segment_reduce(x, batch, nseg, blk=1000)
    return _project(s, mx, cnt, out_W, out_b, out_g, out_beta)

# --- scband reference (transcript-rebuilt; emitter-appended) ---
"""Pipeline reference for scband-mpnn-28389733826837 (READ-ONLY COPY).

The authoritative reference and input builder live on the scoring server;
editing this copy changes nothing except your own understanding.
"""

import jax, jax.numpy as jnp
import numpy as np

N = 10000
E = 320000
H = 128
L = 6
NODE_IN = 70
EDGE_IN = 16
B = 64


def layer_norm(x, g, b, eps=1e-5):
    mu = jnp.mean(x, axis=-1, keepdims=True)
    var = jnp.var(x, axis=-1, keepdims=True)
    return (x - mu) / jnp.sqrt(var + eps) * g + b


def setup_inputs(seed: int = 0) -> dict:
    key = jax.random.key(seed)
    ks = jax.random.split(key, 24)
    s = 0.05
    inp = {}
    inp["node_features"] = jax.random.normal(ks[0], (N, NODE_IN), dtype=jnp.float32)
    inp["edge_index"] = jax.random.randint(ks[1], (2, E), 0, N, dtype=jnp.int32)
    inp["edge_features"] = jax.random.normal(ks[2], (E, EDGE_IN), dtype=jnp.float32)
    inp["batch"] = jnp.sort(jax.random.randint(ks[3], (N,), 0, B, dtype=jnp.int32))
    # node encoder
    inp["node_W"] = jax.random.normal(ks[4], (NODE_IN, H), jnp.float32) * s
    inp["node_b"] = jnp.zeros((H,), jnp.float32)
    inp["node_g"] = jnp.ones((H,), jnp.float32)
    inp["node_beta"] = jnp.zeros((H,), jnp.float32)
    # edge encoder
    inp["edge_W"] = jax.random.normal(ks[5], (EDGE_IN, H), jnp.float32) * s
    inp["edge_b"] = jnp.zeros((H,), jnp.float32)
    inp["edge_g"] = jnp.ones((H,), jnp.float32)
    inp["edge_beta"] = jnp.zeros((H,), jnp.float32)
    # per-layer MPNN params (stacked over L)
    inp["msg_W1"] = jax.random.normal(ks[6], (L, 3 * H, H), jnp.float32) * s
    inp["msg_b1"] = jnp.zeros((L, H), jnp.float32)
    inp["msg_g"] = jnp.ones((L, H), jnp.float32)
    inp["msg_beta"] = jnp.zeros((L, H), jnp.float32)
    inp["msg_W2"] = jax.random.normal(ks[7], (L, H, H), jnp.float32) * s
    inp["msg_b2"] = jnp.zeros((L, H), jnp.float32)
    inp["gru_Wi"] = jax.random.normal(ks[8], (L, H, 3 * H), jnp.float32) * s
    inp["gru_Wh"] = jax.random.normal(ks[9], (L, H, 3 * H), jnp.float32) * s
    inp["gru_bi"] = jnp.zeros((L, 3 * H), jnp.float32)
    inp["gru_bh"] = jnp.zeros((L, 3 * H), jnp.float32)
    inp["ln_g"] = jnp.ones((L, H), jnp.float32)
    inp["ln_beta"] = jnp.zeros((L, H), jnp.float32)
    # output projection
    inp["out_W"] = jax.random.normal(ks[10], (2 * H, 2 * H), jnp.float32) * s
    inp["out_b"] = jnp.zeros((2 * H,), jnp.float32)
    inp["out_g"] = jnp.ones((2 * H,), jnp.float32)
    inp["out_beta"] = jnp.zeros((2 * H,), jnp.float32)
    return inp


def reference(node_features, edge_index, edge_features, batch,
              node_W, node_b, node_g, node_beta,
              edge_W, edge_b, edge_g, edge_beta,
              msg_W1, msg_b1, msg_g, msg_beta, msg_W2, msg_b2,
              gru_Wi, gru_Wh, gru_bi, gru_bh, ln_g, ln_beta,
              out_W, out_b, out_g, out_beta):
    n = node_features.shape[0]
    # encoders (dropout is identity at inference)
    x = jax.nn.relu(layer_norm(node_features @ node_W + node_b, node_g, node_beta))
    ea = jax.nn.relu(layer_norm(edge_features @ edge_W + edge_b, edge_g, edge_beta))
    src = edge_index[0]
    dst = edge_index[1]
    for l in range(L):
        x_i = x[dst]  # target node feats per edge
        x_j = x[src]  # source node feats per edge
        m = jnp.concatenate([x_i, x_j, ea], axis=-1)
        m = jax.nn.relu(layer_norm(m @ msg_W1[l] + msg_b1[l], msg_g[l], msg_beta[l]))
        m = m @ msg_W2[l] + msg_b2[l]
        agg = jnp.zeros((n, H), dtype=x.dtype).at[dst].add(m)
        # GRUCell(input=agg, hidden=x)
        gi = agg @ gru_Wi[l] + gru_bi[l]
        gh = x @ gru_Wh[l] + gru_bh[l]
        ir, iz, i_n = jnp.split(gi, 3, axis=-1)
        hr, hz, h_n = jnp.split(gh, 3, axis=-1)
        r = jax.nn.sigmoid(ir + hr)
        z = jax.nn.sigmoid(iz + hz)
        ng = jnp.tanh(i_n + r * h_n)
        x_new = (1.0 - z) * ng + z * x
        x = layer_norm(x_new + x, ln_g[l], ln_beta[l])
    counts = jax.ops.segment_sum(jnp.ones((n,), x.dtype), batch, num_segments=B)
    x_mean = jax.ops.segment_sum(x, batch, num_segments=B) / jnp.maximum(counts, 1.0)[:, None]
    x_max = jax.ops.segment_max(x, batch, num_segments=B)
    xg = jnp.concatenate([x_mean, x_max], axis=-1)
    h_mol = jax.nn.relu(layer_norm(xg @ out_W + out_b, out_g, out_beta))
    return h_mol

if __name__ == "__main__":
    import jax
    _d = setup_inputs()
    print(jax.jit(kernel)(*tuple(_d.values())))

</pallas_src>

<mosaic_0001>
#map = affine_map<(d0, d1) -> (0, 0)>
#map1 = affine_map<(d0, d1) -> (0)>
module attributes {stable_mosaic.version = 14 : i64} {
  func.func @k(%arg0: i32, %arg1: i32, %arg2: memref<10000x128xf32, #tpu.memory_space<hbm>>, %arg3: memref<320000xi32, #tpu.memory_space<hbm>>, %arg4: memref<320000xi32, #tpu.memory_space<hbm>>, %arg5: memref<320000x128xf32, #tpu.memory_space<hbm>>, %arg6: memref<320000x128xf32, #tpu.memory_space<hbm>>, %arg7: memref<128xi32, #tpu.memory_space<vmem>>, %arg8: memref<128xi32, #tpu.memory_space<vmem>>, %arg9: memref<128x128xf32, #tpu.memory_space<vmem>>, %arg10: memref<128x128xf32, #tpu.memory_space<vmem>>, %arg11: memref<!tpu.dma_semaphore, #tpu.memory_space<semaphore_mem>>, %arg12: memref<!tpu.dma_semaphore, #tpu.memory_space<semaphore_mem>>) attributes {dimension_semantics = [#tpu.dimension_semantics<core_parallel>, #tpu.dimension_semantics<subcore_parallel>], iteration_bounds = array<i64: 2, 16>, scalar_prefetch = 0 : i64, scratch_operands = 6 : i64, tpu.core_type = #tpu.core_type<sc_vector_subcore>, window_params = [{transform_indices = #map}, {transform_indices = #map1}, {transform_indices = #map1}, {transform_indices = #map}, {transform_indices = #map}]} {
    %mul3A = arith.constant 2 : i32
    %mul3A_0 = arith.muli %arg1, %mul3A : i32
    %add3A = arith.addi %mul3A_0, %arg0 : i32
    %scan3A = arith.constant 0 : i32
    %scan3A_1 = arith.constant 0 : i32
    %scan3A_2 = arith.constant 79 : i32
    %scan3A_3 = arith.addi %scan3A_1, %scan3A_2 : i32
    %scan3A_4 = arith.constant 1 : i32
    scf.for %scan3A_6 = %scan3A_1 to %scan3A_3 step %scan3A_4  : i32 {
      %mul3A_7 = arith.constant 32 : i32
      %mul3A_8 = arith.muli %scan3A_6, %mul3A_7 : i32
      %add3A_9 = arith.addi %mul3A_8, %add3A : i32
      %lt3A = arith.constant 2500 : i32
      %lt3A_10 = arith.cmpi slt, %add3A_9, %lt3A : i32
      %convert_element_type3A = arith.extui %lt3A_10 : i1 to i32
      %cond3A = arith.constant 0 : i32
      %cond3A_11 = arith.cmpi ne, %convert_element_type3A, %cond3A : i32
      scf.if %cond3A_11 {
        %mul3A_12 = arith.constant 128 : i32
        %mul3A_13 = arith.muli %add3A_9, %mul3A_12 : i32
        "tpu.region"() ({
          %run_scoped3A = tpu.sem_alloc : memref<!tpu.dma_semaphore, #tpu.memory_space<semaphore_mem>>
          %dma_start3A_24 = tpu.memref_slice %arg3[%mul3A_13] : memref<320000xi32, #tpu.memory_space<hbm>> -> memref<128xi32, #tpu.memory_space<hbm>>
          %dma_start3A_25 = tpu.memref_slice %arg3[%mul3A_13] : memref<320000xi32, #tpu.memory_space<hbm>> -> memref<128xi32, #tpu.memory_space<hbm>>
          tpu.enqueue_dma source(%dma_start3A_25 : memref<128xi32, #tpu.memory_space<hbm>>) target(%arg7 : memref<128xi32, #tpu.memory_space<vmem>>) target_semaphore(%run_scoped3A : memref<!tpu.dma_semaphore, #tpu.memory_space<semaphore_mem>>)
          %dma_wait3A_26 = tpu.memref_slice %arg3[%mul3A_13] : memref<320000xi32, #tpu.memory_space<hbm>> -> memref<128xi32, #tpu.memory_space<hbm>>
          %dma_wait3A_27 = tpu.memref_slice %arg3[%mul3A_13] : memref<320000xi32, #tpu.memory_space<hbm>> -> memref<128xi32, #tpu.memory_space<hbm>>
          tpu.wait_dma2 semaphore(%run_scoped3A : memref<!tpu.dma_semaphore, #tpu.memory_space<semaphore_mem>>) src(%dma_wait3A_27 : memref<128xi32, #tpu.memory_space<hbm>>) dst(%arg7 : memref<128xi32, #tpu.memory_space<vmem>>)
          tpu.yield
        }) : () -> ()
        "tpu.region"() ({
          %run_scoped3A = tpu.sem_alloc : memref<!tpu.dma_semaphore, #tpu.memory_space<semaphore_mem>>
          %dma_start3A_24 = tpu.memref_slice %arg4[%mul3A_13] : memref<320000xi32, #tpu.memory_space<hbm>> -> memref<128xi32, #tpu.memory_space<hbm>>
          %dma_start3A_25 = tpu.memref_slice %arg4[%mul3A_13] : memref<320000xi32, #tpu.memory_space<hbm>> -> memref<128xi32, #tpu.memory_space<hbm>>
          tpu.enqueue_dma source(%dma_start3A_25 : memref<128xi32, #tpu.memory_space<hbm>>) target(%arg8 : memref<128xi32, #tpu.memory_space<vmem>>) target_semaphore(%run_scoped3A : memref<!tpu.dma_semaphore, #tpu.memory_space<semaphore_mem>>)
          %dma_wait3A_26 = tpu.memref_slice %arg4[%mul3A_13] : memref<320000xi32, #tpu.memory_space<hbm>> -> memref<128xi32, #tpu.memory_space<hbm>>
          %dma_wait3A_27 = tpu.memref_slice %arg4[%mul3A_13] : memref<320000xi32, #tpu.memory_space<hbm>> -> memref<128xi32, #tpu.memory_space<hbm>>
          tpu.wait_dma2 semaphore(%run_scoped3A : memref<!tpu.dma_semaphore, #tpu.memory_space<semaphore_mem>>) src(%dma_wait3A_27 : memref<128xi32, #tpu.memory_space<hbm>>) dst(%arg8 : memref<128xi32, #tpu.memory_space<vmem>>)
          tpu.yield
        }) : () -> ()
        %dma_start3A = arith.constant 0 : i32
        %dma_start3A_14 = arith.constant 0 : i32
        %dma_start3A_15 = tpu.memref_slice %arg2[%dma_start3A, %dma_start3A_14] : memref<10000x128xf32, #tpu.memory_space<hbm>> -> memref<10000x128xf32, #tpu.memory_space<hbm>>
        tpu.enqueue_indirect_dma source(%dma_start3A_15 : memref<10000x128xf32, #tpu.memory_space<hbm>>) target(%arg9 : memref<128x128xf32, #tpu.memory_space<vmem>>) offsets(%arg7 : memref<128xi32, #tpu.memory_space<vmem>>) semaphore(%arg11 : memref<!tpu.dma_semaphore, #tpu.memory_space<semaphore_mem>>)
        %dma_start3A_16 = arith.constant 0 : i32
        %dma_start3A_17 = arith.constant 0 : i32
        %dma_start3A_18 = tpu.memref_slice %arg2[%dma_start3A_16, %dma_start3A_17] : memref<10000x128xf32, #tpu.memory_space<hbm>> -> memref<10000x128xf32, #tpu.memory_space<hbm>>
        tpu.enqueue_indirect_dma source(%dma_start3A_18 : memref<10000x128xf32, #tpu.memory_space<hbm>>) target(%arg10 : memref<128x128xf32, #tpu.memory_space<vmem>>) offsets(%arg8 : memref<128xi32, #tpu.memory_space<vmem>>) semaphore(%arg12 : memref<!tpu.dma_semaphore, #tpu.memory_space<semaphore_mem>>)
        %dma_wait3A = arith.constant 0 : i32
        %dma_wait3A_19 = arith.constant 0 : i32
        %dma_wait3A_20 = tpu.memref_slice %arg2[%dma_wait3A, %dma_wait3A_19] : memref<10000x128xf32, #tpu.memory_space<hbm>> -> memref<10000x128xf32, #tpu.memory_space<hbm>>
        tpu.wait_indirect_dma semaphore(%arg11 : memref<!tpu.dma_semaphore, #tpu.memory_space<semaphore_mem>>) src(%dma_wait3A_20 : memref<10000x128xf32, #tpu.memory_space<hbm>>) dst(%arg9 : memref<128x128xf32, #tpu.memory_space<vmem>>)
        %dma_wait3A_21 = arith.constant 0 : i32
        %dma_wait3A_22 = arith.constant 0 : i32
        %dma_wait3A_23 = tpu.memref_slice %arg2[%dma_wait3A_21, %dma_wait3A_22] : memref<10000x128xf32, #tpu.memory_space<hbm>> -> memref<10000x128xf32, #tpu.memory_space<hbm>>
        tpu.wait_indirect_dma semaphore(%arg12 : memref<!tpu.dma_semaphore, #tpu.memory_space<semaphore_mem>>) src(%dma_wait3A_23 : memref<10000x128xf32, #tpu.memory_space<hbm>>) dst(%arg10 : memref<128x128xf32, #tpu.memory_space<vmem>>)
        "tpu.region"() ({
          %run_scoped3A = tpu.sem_alloc : memref<!tpu.dma_semaphore, #tpu.memory_space<semaphore_mem>>
          %dma_start3A_24 = arith.constant 0 : i32
          %dma_start3A_25 = tpu.memref_slice %arg5[%mul3A_13, %dma_start3A_24] : memref<320000x128xf32, #tpu.memory_space<hbm>> -> memref<128x128xf32, #tpu.memory_space<hbm>>
          %dma_start3A_26 = arith.constant 0 : i32
          %dma_start3A_27 = tpu.memref_slice %arg5[%mul3A_13, %dma_start3A_26] : memref<320000x128xf32, #tpu.memory_space<hbm>> -> memref<128x128xf32, #tpu.memory_space<hbm>>
          tpu.enqueue_dma source(%arg9 : memref<128x128xf32, #tpu.memory_space<vmem>>) target(%dma_start3A_27 : memref<128x128xf32, #tpu.memory_space<hbm>>) target_semaphore(%run_scoped3A : memref<!tpu.dma_semaphore, #tpu.memory_space<semaphore_mem>>)
          %dma_wait3A_28 = arith.constant 0 : i32
          %dma_wait3A_29 = tpu.memref_slice %arg5[%mul3A_13, %dma_wait3A_28] : memref<320000x128xf32, #tpu.memory_space<hbm>> -> memref<128x128xf32, #tpu.memory_space<hbm>>
          %dma_wait3A_30 = arith.constant 0 : i32
          %dma_wait3A_31 = tpu.memref_slice %arg5[%mul3A_13, %dma_wait3A_30] : memref<320000x128xf32, #tpu.memory_space<hbm>> -> memref<128x128xf32, #tpu.memory_space<hbm>>
          tpu.wait_dma2 semaphore(%run_scoped3A : memref<!tpu.dma_semaphore, #tpu.memory_space<semaphore_mem>>) src(%arg9 : memref<128x128xf32, #tpu.memory_space<vmem>>) dst(%dma_wait3A_31 : memref<128x128xf32, #tpu.memory_space<hbm>>)
          tpu.yield
        }) : () -> ()
        "tpu.region"() ({
          %run_scoped3A = tpu.sem_alloc : memref<!tpu.dma_semaphore, #tpu.memory_space<semaphore_mem>>
          %dma_start3A_24 = arith.constant 0 : i32
          %dma_start3A_25 = tpu.memref_slice %arg6[%mul3A_13, %dma_start3A_24] : memref<320000x128xf32, #tpu.memory_space<hbm>> -> memref<128x128xf32, #tpu.memory_space<hbm>>
          %dma_start3A_26 = arith.constant 0 : i32
          %dma_start3A_27 = tpu.memref_slice %arg6[%mul3A_13, %dma_start3A_26] : memref<320000x128xf32, #tpu.memory_space<hbm>> -> memref<128x128xf32, #tpu.memory_space<hbm>>
          tpu.enqueue_dma source(%arg10 : memref<128x128xf32, #tpu.memory_space<vmem>>) target(%dma_start3A_27 : memref<128x128xf32, #tpu.memory_space<hbm>>) target_semaphore(%run_scoped3A : memref<!tpu.dma_semaphore, #tpu.memory_space<semaphore_mem>>)
          %dma_wait3A_28 = arith.constant 0 : i32
          %dma_wait3A_29 = tpu.memref_slice %arg6[%mul3A_13, %dma_wait3A_28] : memref<320000x128xf32, #tpu.memory_space<hbm>> -> memref<128x128xf32, #tpu.memory_space<hbm>>
          %dma_wait3A_30 = arith.constant 0 : i32
          %dma_wait3A_31 = tpu.memref_slice %arg6[%mul3A_13, %dma_wait3A_30] : memref<320000x128xf32, #tpu.memory_space<hbm>> -> memref<128x128xf32, #tpu.memory_space<hbm>>
          tpu.wait_dma2 semaphore(%run_scoped3A : memref<!tpu.dma_semaphore, #tpu.memory_space<semaphore_mem>>) src(%arg10 : memref<128x128xf32, #tpu.memory_space<vmem>>) dst(%dma_wait3A_31 : memref<128x128xf32, #tpu.memory_space<hbm>>)
          tpu.yield
        }) : () -> ()
      } else {
      }
    }
    %scan3A_5 = arith.constant 79 : i32
    return
  }
}

#map = affine_map<(d0, d1) -> (0, 0)>
#map1 = affine_map<(d0, d1) -> (0)>
module attributes {stable_mosaic.version = 14 : i64} {
  func.func @k(%arg0: i32, %arg1: i32, %arg2: memref<10000x128xf32, #tpu.memory_space<hbm>>, %arg3: memref<320000xi32, #tpu.memory_space<hbm>>, %arg4: memref<320000xi32, #tpu.memory_space<hbm>>, %arg5: memref<320000x128xf32, #tpu.memory_space<hbm>>, %arg6: memref<320000x128xf32, #tpu.memory_space<hbm>>, %arg7: memref<128xi32, #tpu.memory_space<vmem>>, %arg8: memref<128xi32, #tpu.memory_space<vmem>>, %arg9: memref<128x128xf32, #tpu.memory_space<vmem>>, %arg10: memref<128x128xf32, #tpu.memory_space<vmem>>, %arg11: memref<!tpu.dma_semaphore, #tpu.memory_space<semaphore_mem>>, %arg12: memref<!tpu.dma_semaphore, #tpu.memory_space<semaphore_mem>>) attributes {dimension_semantics = [#tpu.dimension_semantics<core_parallel>, #tpu.dimension_semantics<subcore_parallel>], iteration_bounds = array<i64: 2, 16>, scalar_prefetch = 0 : i64, scratch_operands = 6 : i64, tpu.core_type = #tpu.core_type<sc_vector_subcore>, window_params = [{transform_indices = #map}, {transform_indices = #map1}, {transform_indices = #map1}, {transform_indices = #map}, {transform_indices = #map}]} {
    %mul3A = arith.constant 2 : i32
    %mul3A_0 = arith.muli %arg1, %mul3A : i32
    %add3A = arith.addi %mul3A_0, %arg0 : i32
    %scan3A = arith.constant 0 : i32
    %scan3A_1 = arith.constant 0 : i32
    %scan3A_2 = arith.constant 79 : i32
    %scan3A_3 = arith.addi %scan3A_1, %scan3A_2 : i32
    %scan3A_4 = arith.constant 1 : i32
    scf.for %scan3A_6 = %scan3A_1 to %scan3A_3 step %scan3A_4  : i32 {
      %mul3A_7 = arith.constant 32 : i32
      %mul3A_8 = arith.muli %scan3A_6, %mul3A_7 : i32
      %add3A_9 = arith.addi %mul3A_8, %add3A : i32
      %lt3A = arith.constant 2500 : i32
      %lt3A_10 = arith.cmpi slt, %add3A_9, %lt3A : i32
      %convert_element_type3A = arith.extui %lt3A_10 : i1 to i32
      %cond3A = arith.constant 0 : i32
      %cond3A_11 = arith.cmpi ne, %convert_element_type3A, %cond3A : i32
      scf.if %cond3A_11 {
        %mul3A_12 = arith.constant 128 : i32
        %mul3A_13 = arith.muli %add3A_9, %mul3A_12 : i32
        "tpu.region"() ({
          %run_scoped3A = tpu.sem_alloc : memref<!tpu.dma_semaphore, #tpu.memory_space<semaphore_mem>>
          %dma_start3A_24 = tpu.memref_slice %arg3[%mul3A_13] : memref<320000xi32, #tpu.memory_space<hbm>> -> memref<128xi32, #tpu.memory_space<hbm>>
          %dma_start3A_25 = tpu.memref_slice %arg3[%mul3A_13] : memref<320000xi32, #tpu.memory_space<hbm>> -> memref<128xi32, #tpu.memory_space<hbm>>
          tpu.enqueue_dma source(%dma_start3A_25 : memref<128xi32, #tpu.memory_space<hbm>>) target(%arg7 : memref<128xi32, #tpu.memory_space<vmem>>) target_semaphore(%run_scoped3A : memref<!tpu.dma_semaphore, #tpu.memory_space<semaphore_mem>>)
          %dma_wait3A_26 = tpu.memref_slice %arg3[%mul3A_13] : memref<320000xi32, #tpu.memory_space<hbm>> -> memref<128xi32, #tpu.memory_space<hbm>>
          %dma_wait3A_27 = tpu.memref_slice %arg3[%mul3A_13] : memref<320000xi32, #tpu.memory_space<hbm>> -> memref<128xi32, #tpu.memory_space<hbm>>
          tpu.wait_dma2 semaphore(%run_scoped3A : memref<!tpu.dma_semaphore, #tpu.memory_space<semaphore_mem>>) src(%dma_wait3A_27 : memref<128xi32, #tpu.memory_space<hbm>>) dst(%arg7 : memref<128xi32, #tpu.memory_space<vmem>>)
          tpu.yield
        }) : () -> ()
        "tpu.region"() ({
          %run_scoped3A = tpu.sem_alloc : memref<!tpu.dma_semaphore, #tpu.memory_space<semaphore_mem>>
          %dma_start3A_24 = tpu.memref_slice %arg4[%mul3A_13] : memref<320000xi32, #tpu.memory_space<hbm>> -> memref<128xi32, #tpu.memory_space<hbm>>
          %dma_start3A_25 = tpu.memref_slice %arg4[%mul3A_13] : memref<320000xi32, #tpu.memory_space<hbm>> -> memref<128xi32, #tpu.memory_space<hbm>>
          tpu.enqueue_dma source(%dma_start3A_25 : memref<128xi32, #tpu.memory_space<hbm>>) target(%arg8 : memref<128xi32, #tpu.memory_space<vmem>>) target_semaphore(%run_scoped3A : memref<!tpu.dma_semaphore, #tpu.memory_space<semaphore_mem>>)
          %dma_wait3A_26 = tpu.memref_slice %arg4[%mul3A_13] : memref<320000xi32, #tpu.memory_space<hbm>> -> memref<128xi32, #tpu.memory_space<hbm>>
          %dma_wait3A_27 = tpu.memref_slice %arg4[%mul3A_13] : memref<320000xi32, #tpu.memory_space<hbm>> -> memref<128xi32, #tpu.memory_space<hbm>>
          tpu.wait_dma2 semaphore(%run_scoped3A : memref<!tpu.dma_semaphore, #tpu.memory_space<semaphore_mem>>) src(%dma_wait3A_27 : memref<128xi32, #tpu.memory_space<hbm>>) dst(%arg8 : memref<128xi32, #tpu.memory_space<vmem>>)
          tpu.yield
        }) : () -> ()
        %dma_start3A = arith.constant 0 : i32
        %dma_start3A_14 = arith.constant 0 : i32
        %dma_start3A_15 = tpu.memref_slice %arg2[%dma_start3A, %dma_start3A_14] : memref<10000x128xf32, #tpu.memory_space<hbm>> -> memref<10000x128xf32, #tpu.memory_space<hbm>>
        tpu.enqueue_indirect_dma source(%dma_start3A_15 : memref<10000x128xf32, #tpu.memory_space<hbm>>) target(%arg9 : memref<128x128xf32, #tpu.memory_space<vmem>>) offsets(%arg7 : memref<128xi32, #tpu.memory_space<vmem>>) semaphore(%arg11 : memref<!tpu.dma_semaphore, #tpu.memory_space<semaphore_mem>>)
        %dma_start3A_16 = arith.constant 0 : i32
        %dma_start3A_17 = arith.constant 0 : i32
        %dma_start3A_18 = tpu.memref_slice %arg2[%dma_start3A_16, %dma_start3A_17] : memref<10000x128xf32, #tpu.memory_space<hbm>> -> memref<10000x128xf32, #tpu.memory_space<hbm>>
        tpu.enqueue_indirect_dma source(%dma_start3A_18 : memref<10000x128xf32, #tpu.memory_space<hbm>>) target(%arg10 : memref<128x128xf32, #tpu.memory_space<vmem>>) offsets(%arg8 : memref<128xi32, #tpu.memory_space<vmem>>) semaphore(%arg12 : memref<!tpu.dma_semaphore, #tpu.memory_space<semaphore_mem>>)
        %dma_wait3A = arith.constant 0 : i32
        %dma_wait3A_19 = arith.constant 0 : i32
        %dma_wait3A_20 = tpu.memref_slice %arg2[%dma_wait3A, %dma_wait3A_19] : memref<10000x128xf32, #tpu.memory_space<hbm>> -> memref<10000x128xf32, #tpu.memory_space<hbm>>
        tpu.wait_indirect_dma semaphore(%arg11 : memref<!tpu.dma_semaphore, #tpu.memory_space<semaphore_mem>>) src(%dma_wait3A_20 : memref<10000x128xf32, #tpu.memory_space<hbm>>) dst(%arg9 : memref<128x128xf32, #tpu.memory_space<vmem>>)
        %dma_wait3A_21 = arith.constant 0 : i32
        %dma_wait3A_22 = arith.constant 0 : i32
        %dma_wait3A_23 = tpu.memref_slice %arg2[%dma_wait3A_21, %dma_wait3A_22] : memref<10000x128xf32, #tpu.memory_space<hbm>> -> memref<10000x128xf32, #tpu.memory_space<hbm>>
        tpu.wait_indirect_dma semaphore(%arg12 : memref<!tpu.dma_semaphore, #tpu.memory_space<semaphore_mem>>) src(%dma_wait3A_23 : memref<10000x128xf32, #tpu.memory_space<hbm>>) dst(%arg10 : memref<128x128xf32, #tpu.memory_space<vmem>>)
        "tpu.region"() ({
          %run_scoped3A = tpu.sem_alloc : memref<!tpu.dma_semaphore, #tpu.memory_space<semaphore_mem>>
          %dma_start3A_24 = arith.constant 0 : i32
          %dma_start3A_25 = tpu.memref_slice %arg5[%mul3A_13, %dma_start3A_24] : memref<320000x128xf32, #tpu.memory_space<hbm>> -> memref<128x128xf32, #tpu.memory_space<hbm>>
          %dma_start3A_26 = arith.constant 0 : i32
          %dma_start3A_27 = tpu.memref_slice %arg5[%mul3A_13, %dma_start3A_26] : memref<320000x128xf32, #tpu.memory_space<hbm>> -> memref<128x128xf32, #tpu.memory_space<hbm>>
          tpu.enqueue_dma source(%arg9 : memref<128x128xf32, #tpu.memory_space<vmem>>) target(%dma_start3A_27 : memref<128x128xf32, #tpu.memory_space<hbm>>) target_semaphore(%run_scoped3A : memref<!tpu.dma_semaphore, #tpu.memory_space<semaphore_mem>>)
          %dma_wait3A_28 = arith.constant 0 : i32
          %dma_wait3A_29 = tpu.memref_slice %arg5[%mul3A_13, %dma_wait3A_28] : memref<320000x128xf32, #tpu.memory_space<hbm>> -> memref<128x128xf32, #tpu.memory_space<hbm>>
          %dma_wait3A_30 = arith.constant 0 : i32
          %dma_wait3A_31 = tpu.memref_slice %arg5[%mul3A_13, %dma_wait3A_30] : memref<320000x128xf32, #tpu.memory_space<hbm>> -> memref<128x128xf32, #tpu.memory_space<hbm>>
          tpu.wait_dma2 semaphore(%run_scoped3A : memref<!tpu.dma_semaphore, #tpu.memory_space<semaphore_mem>>) src(%arg9 : memref<128x128xf32, #tpu.memory_space<vmem>>) dst(%dma_wait3A_31 : memref<128x128xf32, #tpu.memory_space<hbm>>)
          tpu.yield
        }) : () -> ()
        "tpu.region"() ({
          %run_scoped3A = tpu.sem_alloc : memref<!tpu.dma_semaphore, #tpu.memory_space<semaphore_mem>>
          %dma_start3A_24 = arith.constant 0 : i32
          %dma_start3A_25 = tpu.memref_slice %arg6[%mul3A_13, %dma_start3A_24] : memref<320000x128xf32, #tpu.memory_space<hbm>> -> memref<128x128xf32, #tpu.memory_space<hbm>>
          %dma_start3A_26 = arith.constant 0 : i32
          %dma_start3A_27 = tpu.memref_slice %arg6[%mul3A_13, %dma_start3A_26] : memref<320000x128xf32, #tpu.memory_space<hbm>> -> memref<128x128xf32, #tpu.memory_space<hbm>>
          tpu.enqueue_dma source(%arg10 : memref<128x128xf32, #tpu.memory_space<vmem>>) target(%dma_start3A_27 : memref<128x128xf32, #tpu.memory_space<hbm>>) target_semaphore(%run_scoped3A : memref<!tpu.dma_semaphore, #tpu.memory_space<semaphore_mem>>)
          %dma_wait3A_28 = arith.constant 0 : i32
          %dma_wait3A_29 = tpu.memref_slice %arg6[%mul3A_13, %dma_wait3A_28] : memref<320000x128xf32, #tpu.memory_space<hbm>> -> memref<128x128xf32, #tpu.memory_space<hbm>>
          %dma_wait3A_30 = arith.constant 0 : i32
          %dma_wait3A_31 = tpu.memref_slice %arg6[%mul3A_13, %dma_wait3A_30] : memref<320000x128xf32, #tpu.memory_space<hbm>> -> memref<128x128xf32, #tpu.memory_space<hbm>>
          tpu.wait_dma2 semaphore(%run_scoped3A : memref<!tpu.dma_semaphore, #tpu.memory_space<semaphore_mem>>) src(%arg10 : memref<128x128xf32, #tpu.memory_space<vmem>>) dst(%dma_wait3A_31 : memref<128x128xf32, #tpu.memory_space<hbm>>)
          tpu.yield
        }) : () -> ()
      } else {
      }
    }
    %scan3A_5 = arith.constant 79 : i32
    return
  }
}

#map = affine_map<(d0, d1) -> (0, 0)>
#map1 = affine_map<(d0, d1) -> (0)>
#map2 = affine_map<(d0, d1) -> (0, 0, 0)>
module attributes {stable_mosaic.version = 14 : i64} {
  func.func @k(%arg0: i32, %arg1: i32, %arg2: memref<320000x128xf32, #tpu.memory_space<hbm>>, %arg3: memref<320000xi32, #tpu.memory_space<hbm>>, %arg4: memref<10000x128xf32, #tpu.memory_space<hbm>>, %arg5: memref<2x10000x128xf32, #tpu.memory_space<hbm>>, %arg6: memref<1x128xi32, #tpu.memory_space<vmem>>, %arg7: memref<128x128xf32, #tpu.memory_space<vmem>>, %arg8: memref<10000x128xf32, #tpu.memory_space<vmem_shared>>) attributes {dimension_semantics = [#tpu.dimension_semantics<core_parallel>, #tpu.dimension_semantics<subcore_parallel>], iteration_bounds = array<i64: 2, 16>, scalar_prefetch = 0 : i64, scratch_operands = 3 : i64, tpu.core_type = #tpu.core_type<sc_vector_subcore>, window_params = [{transform_indices = #map}, {transform_indices = #map1}, {transform_indices = #map}, {transform_indices = #map2}]} {
    %mul3A = arith.constant 2 : i32
    %mul3A_0 = arith.muli %arg1, %mul3A : i32
    %add3A = arith.addi %mul3A_0, %arg0 : i32
    %scan3A = arith.constant 0 : i32
    %scan3A_1 = arith.constant 0 : i32
    %scan3A_2 = arith.constant 8 : i32
    %scan3A_3 = arith.addi %scan3A_1, %scan3A_2 : i32
    %scan3A_4 = arith.constant 1 : i32
    scf.for %scan3A_19 = %scan3A_1 to %scan3A_3 step %scan3A_4  : i32 {
      %mul3A_20 = arith.constant 16 : i32
      %mul3A_21 = arith.muli %scan3A_19, %mul3A_20 : i32
      %add3A_22 = arith.addi %mul3A_21, %arg1 : i32
      %lt3A = arith.constant 125 : i32
      %lt3A_23 = arith.cmpi slt, %add3A_22, %lt3A : i32
      %convert_element_type3A = arith.extui %lt3A_23 : i1 to i32
      %cond3A = arith.constant 0 : i32
      %cond3A_24 = arith.cmpi ne, %convert_element_type3A, %cond3A : i32
      scf.if %cond3A_24 {
        %mul3A_25 = arith.constant 80 : i32
        %mul3A_26 = arith.muli %add3A_22, %mul3A_25 : i32
        %mul3A_27 = arith.constant 80 : i32
        %mul3A_28 = arith.muli %add3A_22, %mul3A_27 : i32
        "tpu.region"() ({
          %run_scoped3A = tpu.sem_alloc : memref<!tpu.dma_semaphore, #tpu.memory_space<semaphore_mem>>
          %dma_start3A = arith.constant 0 : i32
          %dma_start3A_29 = tpu.memref_slice %arg8[%mul3A_28, %dma_start3A] : memref<10000x128xf32, #tpu.memory_space<vmem_shared>> -> memref<80x128xf32, #tpu.memory_space<vmem_shared>>
          %dma_start3A_30 = arith.constant 0 : i32
          %dma_start3A_31 = tpu.memref_slice %arg4[%mul3A_26, %dma_start3A_30] : memref<10000x128xf32, #tpu.memory_space<hbm>> -> memref<80x128xf32, #tpu.memory_space<hbm>>
          tpu.enqueue_dma source(%dma_start3A_31 : memref<80x128xf32, #tpu.memory_space<hbm>>) target(%dma_start3A_29 : memref<80x128xf32, #tpu.memory_space<vmem_shared>>) target_semaphore(%run_scoped3A : memref<!tpu.dma_semaphore, #tpu.memory_space<semaphore_mem>>)
          %dma_wait3A = arith.constant 0 : i32
          %dma_wait3A_32 = tpu.memref_slice %arg8[%mul3A_28, %dma_wait3A] : memref<10000x128xf32, #tpu.memory_space<vmem_shared>> -> memref<80x128xf32, #tpu.memory_space<vmem_shared>>
          %dma_wait3A_33 = arith.constant 0 : i32
          %dma_wait3A_34 = tpu.memref_slice %arg4[%mul3A_26, %dma_wait3A_33] : memref<10000x128xf32, #tpu.memory_space<hbm>> -> memref<80x128xf32, #tpu.memory_space<hbm>>
          tpu.wait_dma2 semaphore(%run_scoped3A : memref<!tpu.dma_semaphore, #tpu.memory_space<semaphore_mem>>) src(%dma_wait3A_34 : memref<80x128xf32, #tpu.memory_space<hbm>>) dst(%dma_wait3A_32 : memref<80x128xf32, #tpu.memory_space<vmem_shared>>)
          tpu.yield
        }) : () -> ()
      } else {
      }
    }
    %scan3A_5 = arith.constant 8 : i32
    %barrier3A = arith.constant 0 : index
    tpu.barrier barrier_id(%barrier3A)
    %scan3A_6 = arith.constant 0 : i32
    %scan3A_7 = arith.constant 0 : i32
    %scan3A_8 = arith.constant 79 : i32
    %scan3A_9 = arith.addi %scan3A_7, %scan3A_8 : i32
    %scan3A_10 = arith.constant 1 : i32
    scf.for %scan3A_19 = %scan3A_7 to %scan3A_9 step %scan3A_10  : i32 {
      %mul3A_20 = arith.constant 32 : i32
      %mul3A_21 = arith.muli %scan3A_19, %mul3A_20 : i32
      %add3A_22 = arith.addi %mul3A_21, %add3A : i32
      %lt3A = arith.constant 2500 : i32
      %lt3A_23 = arith.cmpi slt, %add3A_22, %lt3A : i32
      %convert_element_type3A = arith.extui %lt3A_23 : i1 to i32
      %cond3A = arith.constant 0 : i32
      %cond3A_24 = arith.cmpi ne, %convert_element_type3A, %cond3A : i32
      scf.if %cond3A_24 {
        %mul3A_25 = arith.constant 128 : i32
        %mul3A_26 = arith.muli %add3A_22, %mul3A_25 : i32
        %run_scoped3A = arith.constant 0 : i32
        "tpu.region"() ({
          %run_scoped3A_28 = tpu.sem_alloc : memref<!tpu.dma_semaphore, #tpu.memory_space<semaphore_mem>>
          %dma_start3A = arith.constant 0 : i32
          %dma_start3A_29 = tpu.memref_slice %arg6[%run_scoped3A, %dma_start3A] : memref<1x128xi32, #tpu.memory_space<vmem>> -> memref<1x128xi32, #tpu.memory_space<vmem>>
          %dma_start3A_30 = tpu.memref_squeeze %dma_start3A_29 : memref<1x128xi32, #tpu.memory_space<vmem>> -> memref<128xi32, #tpu.memory_space<vmem>>
          %dma_start3A_31 = tpu.memref_slice %arg3[%mul3A_26] : memref<320000xi32, #tpu.memory_space<hbm>> -> memref<128xi32, #tpu.memory_space<hbm>>
          %dma_start3A_32 = arith.constant 0 : i32
          %dma_start3A_33 = tpu.memref_slice %arg6[%run_scoped3A, %dma_start3A_32] : memref<1x128xi32, #tpu.memory_space<vmem>> -> memref<1x128xi32, #tpu.memory_space<vmem>>
          %dma_start3A_34 = tpu.memref_squeeze %dma_start3A_33 : memref<1x128xi32, #tpu.memory_space<vmem>> -> memref<128xi32, #tpu.memory_space<vmem>>
          %dma_start3A_35 = tpu.memref_slice %arg3[%mul3A_26] : memref<320000xi32, #tpu.memory_space<hbm>> -> memref<128xi32, #tpu.memory_space<hbm>>
          tpu.enqueue_dma source(%dma_start3A_35 : memref<128xi32, #tpu.memory_space<hbm>>) target(%dma_start3A_34 : memref<128xi32, #tpu.memory_space<vmem>>) target_semaphore(%run_scoped3A_28 : memref<!tpu.dma_semaphore, #tpu.memory_space<semaphore_mem>>)
          %dma_wait3A = arith.constant 0 : i32
          %dma_wait3A_36 = tpu.memref_slice %arg6[%run_scoped3A, %dma_wait3A] : memref<1x128xi32, #tpu.memory_space<vmem>> -> memref<1x128xi32, #tpu.memory_space<vmem>>
          %dma_wait3A_37 = tpu.memref_squeeze %dma_wait3A_36 : memref<1x128xi32, #tpu.memory_space<vmem>> -> memref<128xi32, #tpu.memory_space<vmem>>
          %dma_wait3A_38 = tpu.memref_slice %arg3[%mul3A_26] : memref<320000xi32, #tpu.memory_space<hbm>> -> memref<128xi32, #tpu.memory_space<hbm>>
          %dma_wait3A_39 = arith.constant 0 : i32
          %dma_wait3A_40 = tpu.memref_slice %arg6[%run_scoped3A, %dma_wait3A_39] : memref<1x128xi32, #tpu.memory_space<vmem>> -> memref<1x128xi32, #tpu.memory_space<vmem>>
          %dma_wait3A_41 = tpu.memref_squeeze %dma_wait3A_40 : memref<1x128xi32, #tpu.memory_space<vmem>> -> memref<128xi32, #tpu.memory_space<vmem>>
          %dma_wait3A_42 = tpu.memref_slice %arg3[%mul3A_26] : memref<320000xi32, #tpu.memory_space<hbm>> -> memref<128xi32, #tpu.memory_space<hbm>>
          tpu.wait_dma2 semaphore(%run_scoped3A_28 : memref<!tpu.dma_semaphore, #tpu.memory_space<semaphore_mem>>) src(%dma_wait3A_42 : memref<128xi32, #tpu.memory_space<hbm>>) dst(%dma_wait3A_41 : memref<128xi32, #tpu.memory_space<vmem>>)
          tpu.yield
        }) : () -> ()
        "tpu.region"() ({
          %run_scoped3A_28 = tpu.sem_alloc : memref<!tpu.dma_semaphore, #tpu.memory_space<semaphore_mem>>
          %dma_start3A = arith.constant 0 : i32
          %dma_start3A_29 = tpu.memref_slice %arg2[%mul3A_26, %dma_start3A] : memref<320000x128xf32, #tpu.memory_space<hbm>> -> memref<128x128xf32, #tpu.memory_space<hbm>>
          %dma_start3A_30 = arith.constant 0 : i32
          %dma_start3A_31 = tpu.memref_slice %arg2[%mul3A_26, %dma_start3A_30] : memref<320000x128xf32, #tpu.memory_space<hbm>> -> memref<128x128xf32, #tpu.memory_space<hbm>>
          tpu.enqueue_dma source(%dma_start3A_31 : memref<128x128xf32, #tpu.memory_space<hbm>>) target(%arg7 : memref<128x128xf32, #tpu.memory_space<vmem>>) target_semaphore(%run_scoped3A_28 : memref<!tpu.dma_semaphore, #tpu.memory_space<semaphore_mem>>)
          %dma_wait3A = arith.constant 0 : i32
          %dma_wait3A_32 = tpu.memref_slice %arg2[%mul3A_26, %dma_wait3A] : memref<320000x128xf32, #tpu.memory_space<hbm>> -> memref<128x128xf32, #tpu.memory_space<hbm>>
          %dma_wait3A_33 = arith.constant 0 : i32
          %dma_wait3A_34 = tpu.memref_slice %arg2[%mul3A_26, %dma_wait3A_33] : memref<320000x128xf32, #tpu.memory_space<hbm>> -> memref<128x128xf32, #tpu.memory_space<hbm>>
          tpu.wait_dma2 semaphore(%run_scoped3A_28 : memref<!tpu.dma_semaphore, #tpu.memory_space<semaphore_mem>>) src(%dma_wait3A_34 : memref<128x128xf32, #tpu.memory_space<hbm>>) dst(%arg7 : memref<128x128xf32, #tpu.memory_space<vmem>>)
          tpu.yield
        }) : () -> ()
        %run_scoped3A_27 = arith.constant 0 : i32
        "tpu.region"() ({
          %run_scoped3A_28 = tpu.sem_alloc : memref<!tpu.dma_semaphore, #tpu.memory_space<semaphore_mem>>
          %dma_start3A = arith.constant 0 : i32
          %dma_start3A_29 = tpu.memref_slice %arg6[%run_scoped3A_27, %dma_start3A] : memref<1x128xi32, #tpu.memory_space<vmem>> -> memref<1x128xi32, #tpu.memory_space<vmem>>
          %dma_start3A_30 = tpu.memref_squeeze %dma_start3A_29 : memref<1x128xi32, #tpu.memory_space<vmem>> -> memref<128xi32, #tpu.memory_space<vmem>>
          %dma_start3A_31 = arith.constant 0 : i32
          %dma_start3A_32 = arith.constant 0 : i32
          %dma_start3A_33 = tpu.memref_slice %arg8[%dma_start3A_31, %dma_start3A_32] : memref<10000x128xf32, #tpu.memory_space<vmem_shared>> -> memref<10000x128xf32, #tpu.memory_space<vmem_shared>>
          tpu.enqueue_indirect_dma source(%arg7 : memref<128x128xf32, #tpu.memory_space<vmem>>) target(%dma_start3A_33 : memref<10000x128xf32, #tpu.memory_space<vmem_shared>>) offsets(%dma_start3A_30 : memref<128xi32, #tpu.memory_space<vmem>>) semaphore(%run_scoped3A_28 : memref<!tpu.dma_semaphore, #tpu.memory_space<semaphore_mem>>) {add = true}
          %dma_wait3A = arith.constant 0 : i32
          %dma_wait3A_34 = tpu.memref_slice %arg6[%run_scoped3A_27, %dma_wait3A] : memref<1x128xi32, #tpu.memory_space<vmem>> -> memref<1x128xi32, #tpu.memory_space<vmem>>
          %dma_wait3A_35 = tpu.memref_squeeze %dma_wait3A_34 : memref<1x128xi32, #tpu.memory_space<vmem>> -> memref<128xi32, #tpu.memory_space<vmem>>
          %dma_wait3A_36 = arith.constant 0 : i32
          %dma_wait3A_37 = arith.constant 0 : i32
          %dma_wait3A_38 = tpu.memref_slice %arg8[%dma_wait3A_36, %dma_wait3A_37] : memref<10000x128xf32, #tpu.memory_space<vmem_shared>> -> memref<10000x128xf32, #tpu.memory_space<vmem_shared>>
          tpu.wait_indirect_dma semaphore(%run_scoped3A_28 : memref<!tpu.dma_semaphore, #tpu.memory_space<semaphore_mem>>) src(%arg7 : memref<128x128xf32, #tpu.memory_space<vmem>>) dst(%dma_wait3A_38 : memref<10000x128xf32, #tpu.memory_space<vmem_shared>>)
          tpu.yield
        }) : () -> ()
      } else {
      }
    }
    %scan3A_11 = arith.constant 79 : i32
    %barrier3A_12 = arith.constant 0 : index
    tpu.barrier barrier_id(%barrier3A_12)
    %scan3A_13 = arith.constant 0 : i32
    %scan3A_14 = arith.constant 0 : i32
    %scan3A_15 = arith.constant 8 : i32
    %scan3A_16 = arith.addi %scan3A_14, %scan3A_15 : i32
    %scan3A_17 = arith.constant 1 : i32
    scf.for %scan3A_19 = %scan3A_14 to %scan3A_16 step %scan3A_17  : i32 {
      %mul3A_20 = arith.constant 16 : i32
      %mul3A_21 = arith.muli %scan3A_19, %mul3A_20 : i32
      %add3A_22 = arith.addi %mul3A_21, %arg1 : i32
      %lt3A = arith.constant 125 : i32
      %lt3A_23 = arith.cmpi slt, %add3A_22, %lt3A : i32
      %convert_element_type3A = arith.extui %lt3A_23 : i1 to i32
      %cond3A = arith.constant 0 : i32
      %cond3A_24 = arith.cmpi ne, %convert_element_type3A, %cond3A : i32
      scf.if %cond3A_24 {
        %mul3A_25 = arith.constant 80 : i32
        %mul3A_26 = arith.muli %add3A_22, %mul3A_25 : i32
        %mul3A_27 = arith.constant 80 : i32
        %mul3A_28 = arith.muli %add3A_22, %mul3A_27 : i32
        "tpu.region"() ({
          %run_scoped3A = tpu.sem_alloc : memref<!tpu.dma_semaphore, #tpu.memory_space<semaphore_mem>>
          %dma_start3A = arith.constant 0 : i32
          %dma_start3A_29 = tpu.memref_slice %arg5[%arg0, %mul3A_28, %dma_start3A] : memref<2x10000x128xf32, #tpu.memory_space<hbm>> -> memref<1x80x128xf32, #tpu.memory_space<hbm>>
          %dma_start3A_30 = tpu.memref_squeeze %dma_start3A_29 : memref<1x80x128xf32, #tpu.memory_space<hbm>> -> memref<80x128xf32, #tpu.memory_space<hbm>>
          %dma_start3A_31 = arith.constant 0 : i32
          %dma_start3A_32 = tpu.memref_slice %arg8[%mul3A_26, %dma_start3A_31] : memref<10000x128xf32, #tpu.memory_space<vmem_shared>> -> memref<80x128xf32, #tpu.memory_space<vmem_shared>>
          tpu.enqueue_dma source(%dma_start3A_32 : memref<80x128xf32, #tpu.memory_space<vmem_shared>>) target(%dma_start3A_30 : memref<80x128xf32, #tpu.memory_space<hbm>>) target_semaphore(%run_scoped3A : memref<!tpu.dma_semaphore, #tpu.memory_space<semaphore_mem>>)
          %dma_wait3A = arith.constant 0 : i32
          %dma_wait3A_33 = tpu.memref_slice %arg5[%arg0, %mul3A_28, %dma_wait3A] : memref<2x10000x128xf32, #tpu.memory_space<hbm>> -> memref<1x80x128xf32, #tpu.memory_space<hbm>>
          %dma_wait3A_34 = tpu.memref_squeeze %dma_wait3A_33 : memref<1x80x128xf32, #tpu.memory_space<hbm>> -> memref<80x128xf32, #tpu.memory_space<hbm>>
          %dma_wait3A_35 = arith.constant 0 : i32
          %dma_wait3A_36 = tpu.memref_slice %arg8[%mul3A_26, %dma_wait3A_35] : memref<10000x128xf32, #tpu.memory_space<vmem_shared>> -> memref<80x128xf32, #tpu.memory_space<vmem_shared>>
          tpu.wait_dma2 semaphore(%run_scoped3A : memref<!tpu.dma_semaphore, #tpu.memory_space<semaphore_mem>>) src(%dma_wait3A_36 : memref<80x128xf32, #tpu.memory_space<vmem_shared>>) dst(%dma_wait3A_34 : memref<80x128xf32, #tpu.memory_space<hbm>>)
          tpu.yield
        }) : () -> ()
      } else {
      }
    }
    %scan3A_18 = arith.constant 8 : i32
    return
  }
}

#map = affine_map<(d0, d1) -> (0, 0)>
#map1 = affine_map<(d0, d1) -> (0)>
#map2 = affine_map<(d0, d1) -> (0, 0, 0)>
module attributes {stable_mosaic.version = 14 : i64} {
  func.func @k(%arg0: i32, %arg1: i32, %arg2: memref<320000x128xf32, #tpu.memory_space<hbm>>, %arg3: memref<320000xi32, #tpu.memory_space<hbm>>, %arg4: memref<10000x128xf32, #tpu.memory_space<hbm>>, %arg5: memref<2x10000x128xf32, #tpu.memory_space<hbm>>, %arg6: memref<1x128xi32, #tpu.memory_space<vmem>>, %arg7: memref<128x128xf32, #tpu.memory_space<vmem>>, %arg8: memref<10000x128xf32, #tpu.memory_space<vmem_shared>>) attributes {dimension_semantics = [#tpu.dimension_semantics<core_parallel>, #tpu.dimension_semantics<subcore_parallel>], iteration_bounds = array<i64: 2, 16>, scalar_prefetch = 0 : i64, scratch_operands = 3 : i64, tpu.core_type = #tpu.core_type<sc_vector_subcore>, window_params = [{transform_indices = #map}, {transform_indices = #map1}, {transform_indices = #map}, {transform_indices = #map2}]} {
    %mul3A = arith.constant 2 : i32
    %mul3A_0 = arith.muli %arg1, %mul3A : i32
    %add3A = arith.addi %mul3A_0, %arg0 : i32
    %scan3A = arith.constant 0 : i32
    %scan3A_1 = arith.constant 0 : i32
    %scan3A_2 = arith.constant 8 : i32
    %scan3A_3 = arith.addi %scan3A_1, %scan3A_2 : i32
    %scan3A_4 = arith.constant 1 : i32
    scf.for %scan3A_19 = %scan3A_1 to %scan3A_3 step %scan3A_4  : i32 {
      %mul3A_20 = arith.constant 16 : i32
      %mul3A_21 = arith.muli %scan3A_19, %mul3A_20 : i32
      %add3A_22 = arith.addi %mul3A_21, %arg1 : i32
      %lt3A = arith.constant 125 : i32
      %lt3A_23 = arith.cmpi slt, %add3A_22, %lt3A : i32
      %convert_element_type3A = arith.extui %lt3A_23 : i1 to i32
      %cond3A = arith.constant 0 : i32
      %cond3A_24 = arith.cmpi ne, %convert_element_type3A, %cond3A : i32
      scf.if %cond3A_24 {
        %mul3A_25 = arith.constant 80 : i32
        %mul3A_26 = arith.muli %add3A_22, %mul3A_25 : i32
        %mul3A_27 = arith.constant 80 : i32
        %mul3A_28 = arith.muli %add3A_22, %mul3A_27 : i32
        "tpu.region"() ({
          %run_scoped3A = tpu.sem_alloc : memref<!tpu.dma_semaphore, #tpu.memory_space<semaphore_mem>>
          %dma_start3A = arith.constant 0 : i32
          %dma_start3A_29 = tpu.memref_slice %arg8[%mul3A_28, %dma_start3A] : memref<10000x128xf32, #tpu.memory_space<vmem_shared>> -> memref<80x128xf32, #tpu.memory_space<vmem_shared>>
          %dma_start3A_30 = arith.constant 0 : i32
          %dma_start3A_31 = tpu.memref_slice %arg4[%mul3A_26, %dma_start3A_30] : memref<10000x128xf32, #tpu.memory_space<hbm>> -> memref<80x128xf32, #tpu.memory_space<hbm>>
          tpu.enqueue_dma source(%dma_start3A_31 : memref<80x128xf32, #tpu.memory_space<hbm>>) target(%dma_start3A_29 : memref<80x128xf32, #tpu.memory_space<vmem_shared>>) target_semaphore(%run_scoped3A : memref<!tpu.dma_semaphore, #tpu.memory_space<semaphore_mem>>)
          %dma_wait3A = arith.constant 0 : i32
          %dma_wait3A_32 = tpu.memref_slice %arg8[%mul3A_28, %dma_wait3A] : memref<10000x128xf32, #tpu.memory_space<vmem_shared>> -> memref<80x128xf32, #tpu.memory_space<vmem_shared>>
          %dma_wait3A_33 = arith.constant 0 : i32
          %dma_wait3A_34 = tpu.memref_slice %arg4[%mul3A_26, %dma_wait3A_33] : memref<10000x128xf32, #tpu.memory_space<hbm>> -> memref<80x128xf32, #tpu.memory_space<hbm>>
          tpu.wait_dma2 semaphore(%run_scoped3A : memref<!tpu.dma_semaphore, #tpu.memory_space<semaphore_mem>>) src(%dma_wait3A_34 : memref<80x128xf32, #tpu.memory_space<hbm>>) dst(%dma_wait3A_32 : memref<80x128xf32, #tpu.memory_space<vmem_shared>>)
          tpu.yield
        }) : () -> ()
      } else {
      }
    }
    %scan3A_5 = arith.constant 8 : i32
    %barrier3A = arith.constant 0 : index
    tpu.barrier barrier_id(%barrier3A)
    %scan3A_6 = arith.constant 0 : i32
    %scan3A_7 = arith.constant 0 : i32
    %scan3A_8 = arith.constant 79 : i32
    %scan3A_9 = arith.addi %scan3A_7, %scan3A_8 : i32
    %scan3A_10 = arith.constant 1 : i32
    scf.for %scan3A_19 = %scan3A_7 to %scan3A_9 step %scan3A_10  : i32 {
      %mul3A_20 = arith.constant 32 : i32
      %mul3A_21 = arith.muli %scan3A_19, %mul3A_20 : i32
      %add3A_22 = arith.addi %mul3A_21, %add3A : i32
      %lt3A = arith.constant 2500 : i32
      %lt3A_23 = arith.cmpi slt, %add3A_22, %lt3A : i32
      %convert_element_type3A = arith.extui %lt3A_23 : i1 to i32
      %cond3A = arith.constant 0 : i32
      %cond3A_24 = arith.cmpi ne, %convert_element_type3A, %cond3A : i32
      scf.if %cond3A_24 {
        %mul3A_25 = arith.constant 128 : i32
        %mul3A_26 = arith.muli %add3A_22, %mul3A_25 : i32
        %run_scoped3A = arith.constant 0 : i32
        "tpu.region"() ({
          %run_scoped3A_28 = tpu.sem_alloc : memref<!tpu.dma_semaphore, #tpu.memory_space<semaphore_mem>>
          %dma_start3A = arith.constant 0 : i32
          %dma_start3A_29 = tpu.memref_slice %arg6[%run_scoped3A, %dma_start3A] : memref<1x128xi32, #tpu.memory_space<vmem>> -> memref<1x128xi32, #tpu.memory_space<vmem>>
          %dma_start3A_30 = tpu.memref_squeeze %dma_start3A_29 : memref<1x128xi32, #tpu.memory_space<vmem>> -> memref<128xi32, #tpu.memory_space<vmem>>
          %dma_start3A_31 = tpu.memref_slice %arg3[%mul3A_26] : memref<320000xi32, #tpu.memory_space<hbm>> -> memref<128xi32, #tpu.memory_space<hbm>>
          %dma_start3A_32 = arith.constant 0 : i32
          %dma_start3A_33 = tpu.memref_slice %arg6[%run_scoped3A, %dma_start3A_32] : memref<1x128xi32, #tpu.memory_space<vmem>> -> memref<1x128xi32, #tpu.memory_space<vmem>>
          %dma_start3A_34 = tpu.memref_squeeze %dma_start3A_33 : memref<1x128xi32, #tpu.memory_space<vmem>> -> memref<128xi32, #tpu.memory_space<vmem>>
          %dma_start3A_35 = tpu.memref_slice %arg3[%mul3A_26] : memref<320000xi32, #tpu.memory_space<hbm>> -> memref<128xi32, #tpu.memory_space<hbm>>
          tpu.enqueue_dma source(%dma_start3A_35 : memref<128xi32, #tpu.memory_space<hbm>>) target(%dma_start3A_34 : memref<128xi32, #tpu.memory_space<vmem>>) target_semaphore(%run_scoped3A_28 : memref<!tpu.dma_semaphore, #tpu.memory_space<semaphore_mem>>)
          %dma_wait3A = arith.constant 0 : i32
          %dma_wait3A_36 = tpu.memref_slice %arg6[%run_scoped3A, %dma_wait3A] : memref<1x128xi32, #tpu.memory_space<vmem>> -> memref<1x128xi32, #tpu.memory_space<vmem>>
          %dma_wait3A_37 = tpu.memref_squeeze %dma_wait3A_36 : memref<1x128xi32, #tpu.memory_space<vmem>> -> memref<128xi32, #tpu.memory_space<vmem>>
          %dma_wait3A_38 = tpu.memref_slice %arg3[%mul3A_26] : memref<320000xi32, #tpu.memory_space<hbm>> -> memref<128xi32, #tpu.memory_space<hbm>>
          %dma_wait3A_39 = arith.constant 0 : i32
          %dma_wait3A_40 = tpu.memref_slice %arg6[%run_scoped3A, %dma_wait3A_39] : memref<1x128xi32, #tpu.memory_space<vmem>> -> memref<1x128xi32, #tpu.memory_space<vmem>>
          %dma_wait3A_41 = tpu.memref_squeeze %dma_wait3A_40 : memref<1x128xi32, #tpu.memory_space<vmem>> -> memref<128xi32, #tpu.memory_space<vmem>>
          %dma_wait3A_42 = tpu.memref_slice %arg3[%mul3A_26] : memref<320000xi32, #tpu.memory_space<hbm>> -> memref<128xi32, #tpu.memory_space<hbm>>
          tpu.wait_dma2 semaphore(%run_scoped3A_28 : memref<!tpu.dma_semaphore, #tpu.memory_space<semaphore_mem>>) src(%dma_wait3A_42 : memref<128xi32, #tpu.memory_space<hbm>>) dst(%dma_wait3A_41 : memref<128xi32, #tpu.memory_space<vmem>>)
          tpu.yield
        }) : () -> ()
        "tpu.region"() ({
          %run_scoped3A_28 = tpu.sem_alloc : memref<!tpu.dma_semaphore, #tpu.memory_space<semaphore_mem>>
          %dma_start3A = arith.constant 0 : i32
          %dma_start3A_29 = tpu.memref_slice %arg2[%mul3A_26, %dma_start3A] : memref<320000x128xf32, #tpu.memory_space<hbm>> -> memref<128x128xf32, #tpu.memory_space<hbm>>
          %dma_start3A_30 = arith.constant 0 : i32
          %dma_start3A_31 = tpu.memref_slice %arg2[%mul3A_26, %dma_start3A_30] : memref<320000x128xf32, #tpu.memory_space<hbm>> -> memref<128x128xf32, #tpu.memory_space<hbm>>
          tpu.enqueue_dma source(%dma_start3A_31 : memref<128x128xf32, #tpu.memory_space<hbm>>) target(%arg7 : memref<128x128xf32, #tpu.memory_space<vmem>>) target_semaphore(%run_scoped3A_28 : memref<!tpu.dma_semaphore, #tpu.memory_space<semaphore_mem>>)
          %dma_wait3A = arith.constant 0 : i32
          %dma_wait3A_32 = tpu.memref_slice %arg2[%mul3A_26, %dma_wait3A] : memref<320000x128xf32, #tpu.memory_space<hbm>> -> memref<128x128xf32, #tpu.memory_space<hbm>>
          %dma_wait3A_33 = arith.constant 0 : i32
          %dma_wait3A_34 = tpu.memref_slice %arg2[%mul3A_26, %dma_wait3A_33] : memref<320000x128xf32, #tpu.memory_space<hbm>> -> memref<128x128xf32, #tpu.memory_space<hbm>>
          tpu.wait_dma2 semaphore(%run_scoped3A_28 : memref<!tpu.dma_semaphore, #tpu.memory_space<semaphore_mem>>) src(%dma_wait3A_34 : memref<128x128xf32, #tpu.memory_space<hbm>>) dst(%arg7 : memref<128x128xf32, #tpu.memory_space<vmem>>)
          tpu.yield
        }) : () -> ()
        %run_scoped3A_27 = arith.constant 0 : i32
        "tpu.region"() ({
          %run_scoped3A_28 = tpu.sem_alloc : memref<!tpu.dma_semaphore, #tpu.memory_space<semaphore_mem>>
          %dma_start3A = arith.constant 0 : i32
          %dma_start3A_29 = tpu.memref_slice %arg6[%run_scoped3A_27, %dma_start3A] : memref<1x128xi32, #tpu.memory_space<vmem>> -> memref<1x128xi32, #tpu.memory_space<vmem>>
          %dma_start3A_30 = tpu.memref_squeeze %dma_start3A_29 : memref<1x128xi32, #tpu.memory_space<vmem>> -> memref<128xi32, #tpu.memory_space<vmem>>
          %dma_start3A_31 = arith.constant 0 : i32
          %dma_start3A_32 = arith.constant 0 : i32
          %dma_start3A_33 = tpu.memref_slice %arg8[%dma_start3A_31, %dma_start3A_32] : memref<10000x128xf32, #tpu.memory_space<vmem_shared>> -> memref<10000x128xf32, #tpu.memory_space<vmem_shared>>
          tpu.enqueue_indirect_dma source(%arg7 : memref<128x128xf32, #tpu.memory_space<vmem>>) target(%dma_start3A_33 : memref<10000x128xf32, #tpu.memory_space<vmem_shared>>) offsets(%dma_start3A_30 : memref<128xi32, #tpu.memory_space<vmem>>) semaphore(%run_scoped3A_28 : memref<!tpu.dma_semaphore, #tpu.memory_space<semaphore_mem>>) {add = true}
          %dma_wait3A = arith.constant 0 : i32
          %dma_wait3A_34 = tpu.memref_slice %arg6[%run_scoped3A_27, %dma_wait3A] : memref<1x128xi32, #tpu.memory_space<vmem>> -> memref<1x128xi32, #tpu.memory_space<vmem>>
          %dma_wait3A_35 = tpu.memref_squeeze %dma_wait3A_34 : memref<1x128xi32, #tpu.memory_space<vmem>> -> memref<128xi32, #tpu.memory_space<vmem>>
          %dma_wait3A_36 = arith.constant 0 : i32
          %dma_wait3A_37 = arith.constant 0 : i32
          %dma_wait3A_38 = tpu.memref_slice %arg8[%dma_wait3A_36, %dma_wait3A_37] : memref<10000x128xf32, #tpu.memory_space<vmem_shared>> -> memref<10000x128xf32, #tpu.memory_space<vmem_shared>>
          tpu.wait_indirect_dma semaphore(%run_scoped3A_28 : memref<!tpu.dma_semaphore, #tpu.memory_space<semaphore_mem>>) src(%arg7 : memref<128x128xf32, #tpu.memory_space<vmem>>) dst(%dma_wait3A_38 : memref<10000x128xf32, #tpu.memory_space<vmem_shared>>)
          tpu.yield
        }) : () -> ()
      } else {
      }
    }
    %scan3A_11 = arith.constant 79 : i32
    %barrier3A_12 = arith.constant 0 : index
    tpu.barrier barrier_id(%barrier3A_12)
    %scan3A_13 = arith.constant 0 : i32
    %scan3A_14 = arith.constant 0 : i32
    %scan3A_15 = arith.constant 8 : i32
    %scan3A_16 = arith.addi %scan3A_14, %scan3A_15 : i32
    %scan3A_17 = arith.constant 1 : i32
    scf.for %scan3A_19 = %scan3A_14 to %scan3A_16 step %scan3A_17  : i32 {
      %mul3A_20 = arith.constant 16 : i32
      %mul3A_21 = arith.muli %scan3A_19, %mul3A_20 : i32
      %add3A_22 = arith.addi %mul3A_21, %arg1 : i32
      %lt3A = arith.constant 125 : i32
      %lt3A_23 = arith.cmpi slt, %add3A_22, %lt3A : i32
      %convert_element_type3A = arith.extui %lt3A_23 : i1 to i32
      %cond3A = arith.constant 0 : i32
      %cond3A_24 = arith.cmpi ne, %convert_element_type3A, %cond3A : i32
      scf.if %cond3A_24 {
        %mul3A_25 = arith.constant 80 : i32
        %mul3A_26 = arith.muli %add3A_22, %mul3A_25 : i32
        %mul3A_27 = arith.constant 80 : i32
        %mul3A_28 = arith.muli %add3A_22, %mul3A_27 : i32
        "tpu.region"() ({
          %run_scoped3A = tpu.sem_alloc : memref<!tpu.dma_semaphore, #tpu.memory_space<semaphore_mem>>
          %dma_start3A = arith.constant 0 : i32
          %dma_start3A_29 = tpu.memref_slice %arg5[%arg0, %mul3A_28, %dma_start3A] : memref<2x10000x128xf32, #tpu.memory_space<hbm>> -> memref<1x80x128xf32, #tpu.memory_space<hbm>>
          %dma_start3A_30 = tpu.memref_squeeze %dma_start3A_29 : memref<1x80x128xf32, #tpu.memory_space<hbm>> -> memref<80x128xf32, #tpu.memory_space<hbm>>
          %dma_start3A_31 = arith.constant 0 : i32
          %dma_start3A_32 = tpu.memref_slice %arg8[%mul3A_26, %dma_start3A_31] : memref<10000x128xf32, #tpu.memory_space<vmem_shared>> -> memref<80x128xf32, #tpu.memory_space<vmem_shared>>
          tpu.enqueue_dma source(%dma_start3A_32 : memref<80x128xf32, #tpu.memory_space<vmem_shared>>) target(%dma_start3A_30 : memref<80x128xf32, #tpu.memory_space<hbm>>) target_semaphore(%run_scoped3A : memref<!tpu.dma_semaphore, #tpu.memory_space<semaphore_mem>>)
          %dma_wait3A = arith.constant 0 : i32
          %dma_wait3A_33 = tpu.memref_slice %arg5[%arg0, %mul3A_28, %dma_wait3A] : memref<2x10000x128xf32, #tpu.memory_space<hbm>> -> memref<1x80x128xf32, #tpu.memory_space<hbm>>
          %dma_wait3A_34 = tpu.memref_squeeze %dma_wait3A_33 : memref<1x80x128xf32, #tpu.memory_space<hbm>> -> memref<80x128xf32, #tpu.memory_space<hbm>>
          %dma_wait3A_35 = arith.constant 0 : i32
          %dma_wait3A_36 = tpu.memref_slice %arg8[%mul3A_26, %dma_wait3A_35] : memref<10000x128xf32, #tpu.memory_space<vmem_shared>> -> memref<80x128xf32, #tpu.memory_space<vmem_shared>>
          tpu.wait_dma2 semaphore(%run_scoped3A : memref<!tpu.dma_semaphore, #tpu.memory_space<semaphore_mem>>) src(%dma_wait3A_36 : memref<80x128xf32, #tpu.memory_space<vmem_shared>>) dst(%dma_wait3A_34 : memref<80x128xf32, #tpu.memory_space<hbm>>)
          tpu.yield
        }) : () -> ()
      } else {
      }
    }
    %scan3A_18 = arith.constant 8 : i32
    return
  }
}

#map = affine_map<(d0, d1) -> (0, 0)>
#map1 = affine_map<(d0, d1) -> (0)>
module attributes {stable_mosaic.version = 14 : i64} {
  func.func @k(%arg0: i32, %arg1: i32, %arg2: memref<10000x128xf32, #tpu.memory_space<hbm>>, %arg3: memref<320000xi32, #tpu.memory_space<hbm>>, %arg4: memref<320000xi32, #tpu.memory_space<hbm>>, %arg5: memref<320000x128xf32, #tpu.memory_space<hbm>>, %arg6: memref<320000x128xf32, #tpu.memory_space<hbm>>, %arg7: memref<128xi32, #tpu.memory_space<vmem>>, %arg8: memref<128xi32, #tpu.memory_space<vmem>>, %arg9: memref<128x128xf32, #tpu.memory_space<vmem>>, %arg10: memref<128x128xf32, #tpu.memory_space<vmem>>, %arg11: memref<!tpu.dma_semaphore, #tpu.memory_space<semaphore_mem>>, %arg12: memref<!tpu.dma_semaphore, #tpu.memory_space<semaphore_mem>>) attributes {dimension_semantics = [#tpu.dimension_semantics<core_parallel>, #tpu.dimension_semantics<subcore_parallel>], iteration_bounds = array<i64: 2, 16>, scalar_prefetch = 0 : i64, scratch_operands = 6 : i64, tpu.core_type = #tpu.core_type<sc_vector_subcore>, window_params = [{transform_indices = #map}, {transform_indices = #map1}, {transform_indices = #map1}, {transform_indices = #map}, {transform_indices = #map}]} {
    %mul3A = arith.constant 2 : i32
    %mul3A_0 = arith.muli %arg1, %mul3A : i32
    %add3A = arith.addi %mul3A_0, %arg0 : i32
    %scan3A = arith.constant 0 : i32
    %scan3A_1 = arith.constant 0 : i32
    %scan3A_2 = arith.constant 79 : i32
    %scan3A_3 = arith.addi %scan3A_1, %scan3A_2 : i32
    %scan3A_4 = arith.constant 1 : i32
    scf.for %scan3A_6 = %scan3A_1 to %scan3A_3 step %scan3A_4  : i32 {
      %mul3A_7 = arith.constant 32 : i32
      %mul3A_8 = arith.muli %scan3A_6, %mul3A_7 : i32
      %add3A_9 = arith.addi %mul3A_8, %add3A : i32
      %lt3A = arith.constant 2500 : i32
      %lt3A_10 = arith.cmpi slt, %add3A_9, %lt3A : i32
      %convert_element_type3A = arith.extui %lt3A_10 : i1 to i32
      %cond3A = arith.constant 0 : i32
      %cond3A_11 = arith.cmpi ne, %convert_element_type3A, %cond3A : i32
      scf.if %cond3A_11 {
        %mul3A_12 = arith.constant 128 : i32
        %mul3A_13 = arith.muli %add3A_9, %mul3A_12 : i32
        "tpu.region"() ({
          %run_scoped3A = tpu.sem_alloc : memref<!tpu.dma_semaphore, #tpu.memory_space<semaphore_mem>>
          %dma_start3A_24 = tpu.memref_slice %arg3[%mul3A_13] : memref<320000xi32, #tpu.memory_space<hbm>> -> memref<128xi32, #tpu.memory_space<hbm>>
          %dma_start3A_25 = tpu.memref_slice %arg3[%mul3A_13] : memref<320000xi32, #tpu.memory_space<hbm>> -> memref<128xi32, #tpu.memory_space<hbm>>
          tpu.enqueue_dma source(%dma_start3A_25 : memref<128xi32, #tpu.memory_space<hbm>>) target(%arg7 : memref<128xi32, #tpu.memory_space<vmem>>) target_semaphore(%run_scoped3A : memref<!tpu.dma_semaphore, #tpu.memory_space<semaphore_mem>>)
          %dma_wait3A_26 = tpu.memref_slice %arg3[%mul3A_13] : memref<320000xi32, #tpu.memory_space<hbm>> -> memref<128xi32, #tpu.memory_space<hbm>>
          %dma_wait3A_27 = tpu.memref_slice %arg3[%mul3A_13] : memref<320000xi32, #tpu.memory_space<hbm>> -> memref<128xi32, #tpu.memory_space<hbm>>
          tpu.wait_dma2 semaphore(%run_scoped3A : memref<!tpu.dma_semaphore, #tpu.memory_space<semaphore_mem>>) src(%dma_wait3A_27 : memref<128xi32, #tpu.memory_space<hbm>>) dst(%arg7 : memref<128xi32, #tpu.memory_space<vmem>>)
          tpu.yield
        }) : () -> ()
        "tpu.region"() ({
          %run_scoped3A = tpu.sem_alloc : memref<!tpu.dma_semaphore, #tpu.memory_space<semaphore_mem>>
          %dma_start3A_24 = tpu.memref_slice %arg4[%mul3A_13] : memref<320000xi32, #tpu.memory_space<hbm>> -> memref<128xi32, #tpu.memory_space<hbm>>
          %dma_start3A_25 = tpu.memref_slice %arg4[%mul3A_13] : memref<320000xi32, #tpu.memory_space<hbm>> -> memref<128xi32, #tpu.memory_space<hbm>>
          tpu.enqueue_dma source(%dma_start3A_25 : memref<128xi32, #tpu.memory_space<hbm>>) target(%arg8 : memref<128xi32, #tpu.memory_space<vmem>>) target_semaphore(%run_scoped3A : memref<!tpu.dma_semaphore, #tpu.memory_space<semaphore_mem>>)
          %dma_wait3A_26 = tpu.memref_slice %arg4[%mul3A_13] : memref<320000xi32, #tpu.memory_space<hbm>> -> memref<128xi32, #tpu.memory_space<hbm>>
          %dma_wait3A_27 = tpu.memref_slice %arg4[%mul3A_13] : memref<320000xi32, #tpu.memory_space<hbm>> -> memref<128xi32, #tpu.memory_space<hbm>>
          tpu.wait_dma2 semaphore(%run_scoped3A : memref<!tpu.dma_semaphore, #tpu.memory_space<semaphore_mem>>) src(%dma_wait3A_27 : memref<128xi32, #tpu.memory_space<hbm>>) dst(%arg8 : memref<128xi32, #tpu.memory_space<vmem>>)
          tpu.yield
        }) : () -> ()
        %dma_start3A = arith.constant 0 : i32
        %dma_start3A_14 = arith.constant 0 : i32
        %dma_start3A_15 = tpu.memref_slice %arg2[%dma_start3A, %dma_start3A_14] : memref<10000x128xf32, #tpu.memory_space<hbm>> -> memref<10000x128xf32, #tpu.memory_space<hbm>>
        tpu.enqueue_indirect_dma source(%dma_start3A_15 : memref<10000x128xf32, #tpu.memory_space<hbm>>) target(%arg9 : memref<128x128xf32, #tpu.memory_space<vmem>>) offsets(%arg7 : memref<128xi32, #tpu.memory_space<vmem>>) semaphore(%arg11 : memref<!tpu.dma_semaphore, #tpu.memory_space<semaphore_mem>>)
        %dma_start3A_16 = arith.constant 0 : i32
        %dma_start3A_17 = arith.constant 0 : i32
        %dma_start3A_18 = tpu.memref_slice %arg2[%dma_start3A_16, %dma_start3A_17] : memref<10000x128xf32, #tpu.memory_space<hbm>> -> memref<10000x128xf32, #tpu.memory_space<hbm>>
        tpu.enqueue_indirect_dma source(%dma_start3A_18 : memref<10000x128xf32, #tpu.memory_space<hbm>>) target(%arg10 : memref<128x128xf32, #tpu.memory_space<vmem>>) offsets(%arg8 : memref<128xi32, #tpu.memory_space<vmem>>) semaphore(%arg12 : memref<!tpu.dma_semaphore, #tpu.memory_space<semaphore_mem>>)
        %dma_wait3A = arith.constant 0 : i32
        %dma_wait3A_19 = arith.constant 0 : i32
        %dma_wait3A_20 = tpu.memref_slice %arg2[%dma_wait3A, %dma_wait3A_19] : memref<10000x128xf32, #tpu.memory_space<hbm>> -> memref<10000x128xf32, #tpu.memory_space<hbm>>
        tpu.wait_indirect_dma semaphore(%arg11 : memref<!tpu.dma_semaphore, #tpu.memory_space<semaphore_mem>>) src(%dma_wait3A_20 : memref<10000x128xf32, #tpu.memory_space<hbm>>) dst(%arg9 : memref<128x128xf32, #tpu.memory_space<vmem>>)
        %dma_wait3A_21 = arith.constant 0 : i32
        %dma_wait3A_22 = arith.constant 0 : i32
        %dma_wait3A_23 = tpu.memref_slice %arg2[%dma_wait3A_21, %dma_wait3A_22] : memref<10000x128xf32, #tpu.memory_space<hbm>> -> memref<10000x128xf32, #tpu.memory_space<hbm>>
        tpu.wait_indirect_dma semaphore(%arg12 : memref<!tpu.dma_semaphore, #tpu.memory_space<semaphore_mem>>) src(%dma_wait3A_23 : memref<10000x128xf32, #tpu.memory_space<hbm>>) dst(%arg10 : memref<128x128xf32, #tpu.memory_space<vmem>>)
        "tpu.region"() ({
          %run_scoped3A = tpu.sem_alloc : memref<!tpu.dma_semaphore, #tpu.memory_space<semaphore_mem>>
          %dma_start3A_24 = arith.constant 0 : i32
          %dma_start3A_25 = tpu.memref_slice %arg5[%mul3A_13, %dma_start3A_24] : memref<320000x128xf32, #tpu.memory_space<hbm>> -> memref<128x128xf32, #tpu.memory_space<hbm>>
          %dma_start3A_26 = arith.constant 0 : i32
          %dma_start3A_27 = tpu.memref_slice %arg5[%mul3A_13, %dma_start3A_26] : memref<320000x128xf32, #tpu.memory_space<hbm>> -> memref<128x128xf32, #tpu.memory_space<hbm>>
          tpu.enqueue_dma source(%arg9 : memref<128x128xf32, #tpu.memory_space<vmem>>) target(%dma_start3A_27 : memref<128x128xf32, #tpu.memory_space<hbm>>) target_semaphore(%run_scoped3A : memref<!tpu.dma_semaphore, #tpu.memory_space<semaphore_mem>>)
          %dma_wait3A_28 = arith.constant 0 : i32
          %dma_wait3A_29 = tpu.memref_slice %arg5[%mul3A_13, %dma_wait3A_28] : memref<320000x128xf32, #tpu.memory_space<hbm>> -> memref<128x128xf32, #tpu.memory_space<hbm>>
          %dma_wait3A_30 = arith.constant 0 : i32
          %dma_wait3A_31 = tpu.memref_slice %arg5[%mul3A_13, %dma_wait3A_30] : memref<320000x128xf32, #tpu.memory_space<hbm>> -> memref<128x128xf32, #tpu.memory_space<hbm>>
          tpu.wait_dma2 semaphore(%run_scoped3A : memref<!tpu.dma_semaphore, #tpu.memory_space<semaphore_mem>>) src(%arg9 : memref<128x128xf32, #tpu.memory_space<vmem>>) dst(%dma_wait3A_31 : memref<128x128xf32, #tpu.memory_space<hbm>>)
          tpu.yield
        }) : () -> ()
        "tpu.region"() ({
          %run_scoped3A = tpu.sem_alloc : memref<!tpu.dma_semaphore, #tpu.memory_space<semaphore_mem>>
          %dma_start3A_24 = arith.constant 0 : i32
          %dma_start3A_25 = tpu.memref_slice %arg6[%mul3A_13, %dma_start3A_24] : memref<320000x128xf32, #tpu.memory_space<hbm>> -> memref<128x128xf32, #tpu.memory_space<hbm>>
          %dma_start3A_26 = arith.constant 0 : i32
          %dma_start3A_27 = tpu.memref_slice %arg6[%mul3A_13, %dma_start3A_26] : memref<320000x128xf32, #tpu.memory_space<hbm>> -> memref<128x128xf32, #tpu.memory_space<hbm>>
          tpu.enqueue_dma source(%arg10 : memref<128x128xf32, #tpu.memory_space<vmem>>) target(%dma_start3A_27 : memref<128x128xf32, #tpu.memory_space<hbm>>) target_semaphore(%run_scoped3A : memref<!tpu.dma_semaphore, #tpu.memory_space<semaphore_mem>>)
          %dma_wait3A_28 = arith.constant 0 : i32
          %dma_wait3A_29 = tpu.memref_slice %arg6[%mul3A_13, %dma_wait3A_28] : memref<320000x128xf32, #tpu.memory_space<hbm>> -> memref<128x128xf32, #tpu.memory_space<hbm>>
          %dma_wait3A_30 = arith.constant 0 : i32
          %dma_wait3A_31 = tpu.memref_slice %arg6[%mul3A_13, %dma_wait3A_30] : memref<320000x128xf32, #tpu.memory_space<hbm>> -> memref<128x128xf32, #tpu.memory_space<hbm>>
          tpu.wait_dma2 semaphore(%run_scoped3A : memref<!tpu.dma_semaphore, #tpu.memory_space<semaphore_mem>>) src(%arg10 : memref<128x128xf32, #tpu.memory_space<vmem>>) dst(%dma_wait3A_31 : memref<128x128xf32, #tpu.memory_space<hbm>>)
          tpu.yield
        }) : () -> ()
      } else {
      }
    }
    %scan3A_5 = arith.constant 79 : i32
    return
  }
}

#map = affine_map<(d0, d1) -> (0, 0)>
#map1 = affine_map<(d0, d1) -> (0)>
#map2 = affine_map<(d0, d1) -> (0, 0, 0)>
module attributes {stable_mosaic.version = 14 : i64} {
  func.func @k(%arg0: i32, %arg1: i32, %arg2: memref<320000x128xf32, #tpu.memory_space<hbm>>, %arg3: memref<320000xi32, #tpu.memory_space<hbm>>, %arg4: memref<10000x128xf32, #tpu.memory_space<hbm>>, %arg5: memref<2x10000x128xf32, #tpu.memory_space<hbm>>, %arg6: memref<1x128xi32, #tpu.memory_space<vmem>>, %arg7: memref<128x128xf32, #tpu.memory_space<vmem>>, %arg8: memref<10000x128xf32, #tpu.memory_space<vmem_shared>>) attributes {dimension_semantics = [#tpu.dimension_semantics<core_parallel>, #tpu.dimension_semantics<subcore_parallel>], iteration_bounds = array<i64: 2, 16>, scalar_prefetch = 0 : i64, scratch_operands = 3 : i64, tpu.core_type = #tpu.core_type<sc_vector_subcore>, window_params = [{transform_indices = #map}, {transform_indices = #map1}, {transform_indices = #map}, {transform_indices = #map2}]} {
    %mul3A = arith.constant 2 : i32
    %mul3A_0 = arith.muli %arg1, %mul3A : i32
    %add3A = arith.addi %mul3A_0, %arg0 : i32
    %scan3A = arith.constant 0 : i32
    %scan3A_1 = arith.constant 0 : i32
    %scan3A_2 = arith.constant 8 : i32
    %scan3A_3 = arith.addi %scan3A_1, %scan3A_2 : i32
    %scan3A_4 = arith.constant 1 : i32
    scf.for %scan3A_19 = %scan3A_1 to %scan3A_3 step %scan3A_4  : i32 {
      %mul3A_20 = arith.constant 16 : i32
      %mul3A_21 = arith.muli %scan3A_19, %mul3A_20 : i32
      %add3A_22 = arith.addi %mul3A_21, %arg1 : i32
      %lt3A = arith.constant 125 : i32
      %lt3A_23 = arith.cmpi slt, %add3A_22, %lt3A : i32
      %convert_element_type3A = arith.extui %lt3A_23 : i1 to i32
      %cond3A = arith.constant 0 : i32
      %cond3A_24 = arith.cmpi ne, %convert_element_type3A, %cond3A : i32
      scf.if %cond3A_24 {
        %mul3A_25 = arith.constant 80 : i32
        %mul3A_26 = arith.muli %add3A_22, %mul3A_25 : i32
        %mul3A_27 = arith.constant 80 : i32
        %mul3A_28 = arith.muli %add3A_22, %mul3A_27 : i32
        "tpu.region"() ({
          %run_scoped3A = tpu.sem_alloc : memref<!tpu.dma_semaphore, #tpu.memory_space<semaphore_mem>>
          %dma_start3A = arith.constant 0 : i32
          %dma_start3A_29 = tpu.memref_slice %arg8[%mul3A_28, %dma_start3A] : memref<10000x128xf32, #tpu.memory_space<vmem_shared>> -> memref<80x128xf32, #tpu.memory_space<vmem_shared>>
          %dma_start3A_30 = arith.constant 0 : i32
          %dma_start3A_31 = tpu.memref_slice %arg4[%mul3A_26, %dma_start3A_30] : memref<10000x128xf32, #tpu.memory_space<hbm>> -> memref<80x128xf32, #tpu.memory_space<hbm>>
          tpu.enqueue_dma source(%dma_start3A_31 : memref<80x128xf32, #tpu.memory_space<hbm>>) target(%dma_start3A_29 : memref<80x128xf32, #tpu.memory_space<vmem_shared>>) target_semaphore(%run_scoped3A : memref<!tpu.dma_semaphore, #tpu.memory_space<semaphore_mem>>)
          %dma_wait3A = arith.constant 0 : i32
          %dma_wait3A_32 = tpu.memref_slice %arg8[%mul3A_28, %dma_wait3A] : memref<10000x128xf32, #tpu.memory_space<vmem_shared>> -> memref<80x128xf32, #tpu.memory_space<vmem_shared>>
          %dma_wait3A_33 = arith.constant 0 : i32
          %dma_wait3A_34 = tpu.memref_slice %arg4[%mul3A_26, %dma_wait3A_33] : memref<10000x128xf32, #tpu.memory_space<hbm>> -> memref<80x128xf32, #tpu.memory_space<hbm>>
          tpu.wait_dma2 semaphore(%run_scoped3A : memref<!tpu.dma_semaphore, #tpu.memory_space<semaphore_mem>>) src(%dma_wait3A_34 : memref<80x128xf32, #tpu.memory_space<hbm>>) dst(%dma_wait3A_32 : memref<80x128xf32, #tpu.memory_space<vmem_shared>>)
          tpu.yield
        }) : () -> ()
      } else {
      }
    }
    %scan3A_5 = arith.constant 8 : i32
    %barrier3A = arith.constant 0 : index
    tpu.barrier barrier_id(%barrier3A)
    %scan3A_6 = arith.constant 0 : i32
    %scan3A_7 = arith.constant 0 : i32
    %scan3A_8 = arith.constant 79 : i32
    %scan3A_9 = arith.addi %scan3A_7, %scan3A_8 : i32
    %scan3A_10 = arith.constant 1 : i32
    scf.for %scan3A_19 = %scan3A_7 to %scan3A_9 step %scan3A_10  : i32 {
      %mul3A_20 = arith.constant 32 : i32
      %mul3A_21 = arith.muli %scan3A_19, %mul3A_20 : i32
      %add3A_22 = arith.addi %mul3A_21, %add3A : i32
      %lt3A = arith.constant 2500 : i32
      %lt3A_23 = arith.cmpi slt, %add3A_22, %lt3A : i32
      %convert_element_type3A = arith.extui %lt3A_23 : i1 to i32
      %cond3A = arith.constant 0 : i32
      %cond3A_24 = arith.cmpi ne, %convert_element_type3A, %cond3A : i32
      scf.if %cond3A_24 {
        %mul3A_25 = arith.constant 128 : i32
        %mul3A_26 = arith.muli %add3A_22, %mul3A_25 : i32
        %run_scoped3A = arith.constant 0 : i32
        "tpu.region"() ({
          %run_scoped3A_28 = tpu.sem_alloc : memref<!tpu.dma_semaphore, #tpu.memory_space<semaphore_mem>>
          %dma_start3A = arith.constant 0 : i32
          %dma_start3A_29 = tpu.memref_slice %arg6[%run_scoped3A, %dma_start3A] : memref<1x128xi32, #tpu.memory_space<vmem>> -> memref<1x128xi32, #tpu.memory_space<vmem>>
          %dma_start3A_30 = tpu.memref_squeeze %dma_start3A_29 : memref<1x128xi32, #tpu.memory_space<vmem>> -> memref<128xi32, #tpu.memory_space<vmem>>
          %dma_start3A_31 = tpu.memref_slice %arg3[%mul3A_26] : memref<320000xi32, #tpu.memory_space<hbm>> -> memref<128xi32, #tpu.memory_space<hbm>>
          %dma_start3A_32 = arith.constant 0 : i32
          %dma_start3A_33 = tpu.memref_slice %arg6[%run_scoped3A, %dma_start3A_32] : memref<1x128xi32, #tpu.memory_space<vmem>> -> memref<1x128xi32, #tpu.memory_space<vmem>>
          %dma_start3A_34 = tpu.memref_squeeze %dma_start3A_33 : memref<1x128xi32, #tpu.memory_space<vmem>> -> memref<128xi32, #tpu.memory_space<vmem>>
          %dma_start3A_35 = tpu.memref_slice %arg3[%mul3A_26] : memref<320000xi32, #tpu.memory_space<hbm>> -> memref<128xi32, #tpu.memory_space<hbm>>
          tpu.enqueue_dma source(%dma_start3A_35 : memref<128xi32, #tpu.memory_space<hbm>>) target(%dma_start3A_34 : memref<128xi32, #tpu.memory_space<vmem>>) target_semaphore(%run_scoped3A_28 : memref<!tpu.dma_semaphore, #tpu.memory_space<semaphore_mem>>)
          %dma_wait3A = arith.constant 0 : i32
          %dma_wait3A_36 = tpu.memref_slice %arg6[%run_scoped3A, %dma_wait3A] : memref<1x128xi32, #tpu.memory_space<vmem>> -> memref<1x128xi32, #tpu.memory_space<vmem>>
          %dma_wait3A_37 = tpu.memref_squeeze %dma_wait3A_36 : memref<1x128xi32, #tpu.memory_space<vmem>> -> memref<128xi32, #tpu.memory_space<vmem>>
          %dma_wait3A_38 = tpu.memref_slice %arg3[%mul3A_26] : memref<320000xi32, #tpu.memory_space<hbm>> -> memref<128xi32, #tpu.memory_space<hbm>>
          %dma_wait3A_39 = arith.constant 0 : i32
          %dma_wait3A_40 = tpu.memref_slice %arg6[%run_scoped3A, %dma_wait3A_39] : memref<1x128xi32, #tpu.memory_space<vmem>> -> memref<1x128xi32, #tpu.memory_space<vmem>>
          %dma_wait3A_41 = tpu.memref_squeeze %dma_wait3A_40 : memref<1x128xi32, #tpu.memory_space<vmem>> -> memref<128xi32, #tpu.memory_space<vmem>>
          %dma_wait3A_42 = tpu.memref_slice %arg3[%mul3A_26] : memref<320000xi32, #tpu.memory_space<hbm>> -> memref<128xi32, #tpu.memory_space<hbm>>
          tpu.wait_dma2 semaphore(%run_scoped3A_28 : memref<!tpu.dma_semaphore, #tpu.memory_space<semaphore_mem>>) src(%dma_wait3A_42 : memref<128xi32, #tpu.memory_space<hbm>>) dst(%dma_wait3A_41 : memref<128xi32, #tpu.memory_space<vmem>>)
          tpu.yield
        }) : () -> ()
        "tpu.region"() ({
          %run_scoped3A_28 = tpu.sem_alloc : memref<!tpu.dma_semaphore, #tpu.memory_space<semaphore_mem>>
          %dma_start3A = arith.constant 0 : i32
          %dma_start3A_29 = tpu.memref_slice %arg2[%mul3A_26, %dma_start3A] : memref<320000x128xf32, #tpu.memory_space<hbm>> -> memref<128x128xf32, #tpu.memory_space<hbm>>
          %dma_start3A_30 = arith.constant 0 : i32
          %dma_start3A_31 = tpu.memref_slice %arg2[%mul3A_26, %dma_start3A_30] : memref<320000x128xf32, #tpu.memory_space<hbm>> -> memref<128x128xf32, #tpu.memory_space<hbm>>
          tpu.enqueue_dma source(%dma_start3A_31 : memref<128x128xf32, #tpu.memory_space<hbm>>) target(%arg7 : memref<128x128xf32, #tpu.memory_space<vmem>>) target_semaphore(%run_scoped3A_28 : memref<!tpu.dma_semaphore, #tpu.memory_space<semaphore_mem>>)
          %dma_wait3A = arith.constant 0 : i32
          %dma_wait3A_32 = tpu.memref_slice %arg2[%mul3A_26, %dma_wait3A] : memref<320000x128xf32, #tpu.memory_space<hbm>> -> memref<128x128xf32, #tpu.memory_space<hbm>>
          %dma_wait3A_33 = arith.constant 0 : i32
          %dma_wait3A_34 = tpu.memref_slice %arg2[%mul3A_26, %dma_wait3A_33] : memref<320000x128xf32, #tpu.memory_space<hbm>> -> memref<128x128xf32, #tpu.memory_space<hbm>>
          tpu.wait_dma2 semaphore(%run_scoped3A_28 : memref<!tpu.dma_semaphore, #tpu.memory_space<semaphore_mem>>) src(%dma_wait3A_34 : memref<128x128xf32, #tpu.memory_space<hbm>>) dst(%arg7 : memref<128x128xf32, #tpu.memory_space<vmem>>)
          tpu.yield
        }) : () -> ()
        %run_scoped3A_27 = arith.constant 0 : i32
        "tpu.region"() ({
          %run_scoped3A_28 = tpu.sem_alloc : memref<!tpu.dma_semaphore, #tpu.memory_space<semaphore_mem>>
          %dma_start3A = arith.constant 0 : i32
          %dma_start3A_29 = tpu.memref_slice %arg6[%run_scoped3A_27, %dma_start3A] : memref<1x128xi32, #tpu.memory_space<vmem>> -> memref<1x128xi32, #tpu.memory_space<vmem>>
          %dma_start3A_30 = tpu.memref_squeeze %dma_start3A_29 : memref<1x128xi32, #tpu.memory_space<vmem>> -> memref<128xi32, #tpu.memory_space<vmem>>
          %dma_start3A_31 = arith.constant 0 : i32
          %dma_start3A_32 = arith.constant 0 : i32
          %dma_start3A_33 = tpu.memref_slice %arg8[%dma_start3A_31, %dma_start3A_32] : memref<10000x128xf32, #tpu.memory_space<vmem_shared>> -> memref<10000x128xf32, #tpu.memory_space<vmem_shared>>
          tpu.enqueue_indirect_dma source(%arg7 : memref<128x128xf32, #tpu.memory_space<vmem>>) target(%dma_start3A_33 : memref<10000x128xf32, #tpu.memory_space<vmem_shared>>) offsets(%dma_start3A_30 : memref<128xi32, #tpu.memory_space<vmem>>) semaphore(%run_scoped3A_28 : memref<!tpu.dma_semaphore, #tpu.memory_space<semaphore_mem>>) {add = true}
          %dma_wait3A = arith.constant 0 : i32
          %dma_wait3A_34 = tpu.memref_slice %arg6[%run_scoped3A_27, %dma_wait3A] : memref<1x128xi32, #tpu.memory_space<vmem>> -> memref<1x128xi32, #tpu.memory_space<vmem>>
          %dma_wait3A_35 = tpu.memref_squeeze %dma_wait3A_34 : memref<1x128xi32, #tpu.memory_space<vmem>> -> memref<128xi32, #tpu.memory_space<vmem>>
          %dma_wait3A_36 = arith.constant 0 : i32
          %dma_wait3A_37 = arith.constant 0 : i32
          %dma_wait3A_38 = tpu.memref_slice %arg8[%dma_wait3A_36, %dma_wait3A_37] : memref<10000x128xf32, #tpu.memory_space<vmem_shared>> -> memref<10000x128xf32, #tpu.memory_space<vmem_shared>>
          tpu.wait_indirect_dma semaphore(%run_scoped3A_28 : memref<!tpu.dma_semaphore, #tpu.memory_space<semaphore_mem>>) src(%arg7 : memref<128x128xf32, #tpu.memory_space<vmem>>) dst(%dma_wait3A_38 : memref<10000x128xf32, #tpu.memory_space<vmem_shared>>)
          tpu.yield
        }) : () -> ()
      } else {
      }
    }
    %scan3A_11 = arith.constant 79 : i32
    %barrier3A_12 = arith.constant 0 : index
    tpu.barrier barrier_id(%barrier3A_12)
    %scan3A_13 = arith.constant 0 : i32
    %scan3A_14 = arith.constant 0 : i32
    %scan3A_15 = arith.constant 8 : i32
    %scan3A_16 = arith.addi %scan3A_14, %scan3A_15 : i32
    %scan3A_17 = arith.constant 1 : i32
    scf.for %scan3A_19 = %scan3A_14 to %scan3A_16 step %scan3A_17  : i32 {
      %mul3A_20 = arith.constant 16 : i32
      %mul3A_21 = arith.muli %scan3A_19, %mul3A_20 : i32
      %add3A_22 = arith.addi %mul3A_21, %arg1 : i32
      %lt3A = arith.constant 125 : i32
      %lt3A_23 = arith.cmpi slt, %add3A_22, %lt3A : i32
      %convert_element_type3A = arith.extui %lt3A_23 : i1 to i32
      %cond3A = arith.constant 0 : i32
      %cond3A_24 = arith.cmpi ne, %convert_element_type3A, %cond3A : i32
      scf.if %cond3A_24 {
        %mul3A_25 = arith.constant 80 : i32
        %mul3A_26 = arith.muli %add3A_22, %mul3A_25 : i32
        %mul3A_27 = arith.constant 80 : i32
        %mul3A_28 = arith.muli %add3A_22, %mul3A_27 : i32
        "tpu.region"() ({
          %run_scoped3A = tpu.sem_alloc : memref<!tpu.dma_semaphore, #tpu.memory_space<semaphore_mem>>
          %dma_start3A = arith.constant 0 : i32
          %dma_start3A_29 = tpu.memref_slice %arg5[%arg0, %mul3A_28, %dma_start3A] : memref<2x10000x128xf32, #tpu.memory_space<hbm>> -> memref<1x80x128xf32, #tpu.memory_space<hbm>>
          %dma_start3A_30 = tpu.memref_squeeze %dma_start3A_29 : memref<1x80x128xf32, #tpu.memory_space<hbm>> -> memref<80x128xf32, #tpu.memory_space<hbm>>
          %dma_start3A_31 = arith.constant 0 : i32
          %dma_start3A_32 = tpu.memref_slice %arg8[%mul3A_26, %dma_start3A_31] : memref<10000x128xf32, #tpu.memory_space<vmem_shared>> -> memref<80x128xf32, #tpu.memory_space<vmem_shared>>
          tpu.enqueue_dma source(%dma_start3A_32 : memref<80x128xf32, #tpu.memory_space<vmem_shared>>) target(%dma_start3A_30 : memref<80x128xf32, #tpu.memory_space<hbm>>) target_semaphore(%run_scoped3A : memref<!tpu.dma_semaphore, #tpu.memory_space<semaphore_mem>>)
          %dma_wait3A = arith.constant 0 : i32
          %dma_wait3A_33 = tpu.memref_slice %arg5[%arg0, %mul3A_28, %dma_wait3A] : memref<2x10000x128xf32, #tpu.memory_space<hbm>> -> memref<1x80x128xf32, #tpu.memory_space<hbm>>
          %dma_wait3A_34 = tpu.memref_squeeze %dma_wait3A_33 : memref<1x80x128xf32, #tpu.memory_space<hbm>> -> memref<80x128xf32, #tpu.memory_space<hbm>>
          %dma_wait3A_35 = arith.constant 0 : i32
          %dma_wait3A_36 = tpu.memref_slice %arg8[%mul3A_26, %dma_wait3A_35] : memref<10000x128xf32, #tpu.memory_space<vmem_shared>> -> memref<80x128xf32, #tpu.memory_space<vmem_shared>>
          tpu.wait_dma2 semaphore(%run_scoped3A : memref<!tpu.dma_semaphore, #tpu.memory_space<semaphore_mem>>) src(%dma_wait3A_36 : memref<80x128xf32, #tpu.memory_space<vmem_shared>>) dst(%dma_wait3A_34 : memref<80x128xf32, #tpu.memory_space<hbm>>)
          tpu.yield
        }) : () -> ()
      } else {
      }
    }
    %scan3A_18 = arith.constant 8 : i32
    return
  }
}

#map = affine_map<(d0, d1) -> (0, 0)>
#map1 = affine_map<(d0, d1) -> (0)>
module attributes {stable_mosaic.version = 14 : i64} {
  func.func @k(%arg0: i32, %arg1: i32, %arg2: memref<10000x128xf32, #tpu.memory_space<hbm>>, %arg3: memref<320000xi32, #tpu.memory_space<hbm>>, %arg4: memref<320000xi32, #tpu.memory_space<hbm>>, %arg5: memref<320000x128xf32, #tpu.memory_space<hbm>>, %arg6: memref<320000x128xf32, #tpu.memory_space<hbm>>, %arg7: memref<128xi32, #tpu.memory_space<vmem>>, %arg8: memref<128xi32, #tpu.memory_space<vmem>>, %arg9: memref<128x128xf32, #tpu.memory_space<vmem>>, %arg10: memref<128x128xf32, #tpu.memory_space<vmem>>, %arg11: memref<!tpu.dma_semaphore, #tpu.memory_space<semaphore_mem>>, %arg12: memref<!tpu.dma_semaphore, #tpu.memory_space<semaphore_mem>>) attributes {dimension_semantics = [#tpu.dimension_semantics<core_parallel>, #tpu.dimension_semantics<subcore_parallel>], iteration_bounds = array<i64: 2, 16>, scalar_prefetch = 0 : i64, scratch_operands = 6 : i64, tpu.core_type = #tpu.core_type<sc_vector_subcore>, window_params = [{transform_indices = #map}, {transform_indices = #map1}, {transform_indices = #map1}, {transform_indices = #map}, {transform_indices = #map}]} {
    %mul3A = arith.constant 2 : i32
    %mul3A_0 = arith.muli %arg1, %mul3A : i32
    %add3A = arith.addi %mul3A_0, %arg0 : i32
    %scan3A = arith.constant 0 : i32
    %scan3A_1 = arith.constant 0 : i32
    %scan3A_2 = arith.constant 79 : i32
    %scan3A_3 = arith.addi %scan3A_1, %scan3A_2 : i32
    %scan3A_4 = arith.constant 1 : i32
    scf.for %scan3A_6 = %scan3A_1 to %scan3A_3 step %scan3A_4  : i32 {
      %mul3A_7 = arith.constant 32 : i32
      %mul3A_8 = arith.muli %scan3A_6, %mul3A_7 : i32
      %add3A_9 = arith.addi %mul3A_8, %add3A : i32
      %lt3A = arith.constant 2500 : i32
      %lt3A_10 = arith.cmpi slt, %add3A_9, %lt3A : i32
      %convert_element_type3A = arith.extui %lt3A_10 : i1 to i32
      %cond3A = arith.constant 0 : i32
      %cond3A_11 = arith.cmpi ne, %convert_element_type3A, %cond3A : i32
      scf.if %cond3A_11 {
        %mul3A_12 = arith.constant 128 : i32
        %mul3A_13 = arith.muli %add3A_9, %mul3A_12 : i32
        "tpu.region"() ({
          %run_scoped3A = tpu.sem_alloc : memref<!tpu.dma_semaphore, #tpu.memory_space<semaphore_mem>>
          %dma_start3A_24 = tpu.memref_slice %arg3[%mul3A_13] : memref<320000xi32, #tpu.memory_space<hbm>> -> memref<128xi32, #tpu.memory_space<hbm>>
          %dma_start3A_25 = tpu.memref_slice %arg3[%mul3A_13] : memref<320000xi32, #tpu.memory_space<hbm>> -> memref<128xi32, #tpu.memory_space<hbm>>
          tpu.enqueue_dma source(%dma_start3A_25 : memref<128xi32, #tpu.memory_space<hbm>>) target(%arg7 : memref<128xi32, #tpu.memory_space<vmem>>) target_semaphore(%run_scoped3A : memref<!tpu.dma_semaphore, #tpu.memory_space<semaphore_mem>>)
          %dma_wait3A_26 = tpu.memref_slice %arg3[%mul3A_13] : memref<320000xi32, #tpu.memory_space<hbm>> -> memref<128xi32, #tpu.memory_space<hbm>>
          %dma_wait3A_27 = tpu.memref_slice %arg3[%mul3A_13] : memref<320000xi32, #tpu.memory_space<hbm>> -> memref<128xi32, #tpu.memory_space<hbm>>
          tpu.wait_dma2 semaphore(%run_scoped3A : memref<!tpu.dma_semaphore, #tpu.memory_space<semaphore_mem>>) src(%dma_wait3A_27 : memref<128xi32, #tpu.memory_space<hbm>>) dst(%arg7 : memref<128xi32, #tpu.memory_space<vmem>>)
          tpu.yield
        }) : () -> ()
        "tpu.region"() ({
          %run_scoped3A = tpu.sem_alloc : memref<!tpu.dma_semaphore, #tpu.memory_space<semaphore_mem>>
          %dma_start3A_24 = tpu.memref_slice %arg4[%mul3A_13] : memref<320000xi32, #tpu.memory_space<hbm>> -> memref<128xi32, #tpu.memory_space<hbm>>
          %dma_start3A_25 = tpu.memref_slice %arg4[%mul3A_13] : memref<320000xi32, #tpu.memory_space<hbm>> -> memref<128xi32, #tpu.memory_space<hbm>>
          tpu.enqueue_dma source(%dma_start3A_25 : memref<128xi32, #tpu.memory_space<hbm>>) target(%arg8 : memref<128xi32, #tpu.memory_space<vmem>>) target_semaphore(%run_scoped3A : memref<!tpu.dma_semaphore, #tpu.memory_space<semaphore_mem>>)
          %dma_wait3A_26 = tpu.memref_slice %arg4[%mul3A_13] : memref<320000xi32, #tpu.memory_space<hbm>> -> memref<128xi32, #tpu.memory_space<hbm>>
          %dma_wait3A_27 = tpu.memref_slice %arg4[%mul3A_13] : memref<320000xi32, #tpu.memory_space<hbm>> -> memref<128xi32, #tpu.memory_space<hbm>>
          tpu.wait_dma2 semaphore(%run_scoped3A : memref<!tpu.dma_semaphore, #tpu.memory_space<semaphore_mem>>) src(%dma_wait3A_27 : memref<128xi32, #tpu.memory_space<hbm>>) dst(%arg8 : memref<128xi32, #tpu.memory_space<vmem>>)
          tpu.yield
        }) : () -> ()
        %dma_start3A = arith.constant 0 : i32
        %dma_start3A_14 = arith.constant 0 : i32
        %dma_start3A_15 = tpu.memref_slice %arg2[%dma_start3A, %dma_start3A_14] : memref<10000x128xf32, #tpu.memory_space<hbm>> -> memref<10000x128xf32, #tpu.memory_space<hbm>>
        tpu.enqueue_indirect_dma source(%dma_start3A_15 : memref<10000x128xf32, #tpu.memory_space<hbm>>) target(%arg9 : memref<128x128xf32, #tpu.memory_space<vmem>>) offsets(%arg7 : memref<128xi32, #tpu.memory_space<vmem>>) semaphore(%arg11 : memref<!tpu.dma_semaphore, #tpu.memory_space<semaphore_mem>>)
        %dma_start3A_16 = arith.constant 0 : i32
        %dma_start3A_17 = arith.constant 0 : i32
        %dma_start3A_18 = tpu.memref_slice %arg2[%dma_start3A_16, %dma_start3A_17] : memref<10000x128xf32, #tpu.memory_space<hbm>> -> memref<10000x128xf32, #tpu.memory_space<hbm>>
        tpu.enqueue_indirect_dma source(%dma_start3A_18 : memref<10000x128xf32, #tpu.memory_space<hbm>>) target(%arg10 : memref<128x128xf32, #tpu.memory_space<vmem>>) offsets(%arg8 : memref<128xi32, #tpu.memory_space<vmem>>) semaphore(%arg12 : memref<!tpu.dma_semaphore, #tpu.memory_space<semaphore_mem>>)
        %dma_wait3A = arith.constant 0 : i32
        %dma_wait3A_19 = arith.constant 0 : i32
        %dma_wait3A_20 = tpu.memref_slice %arg2[%dma_wait3A, %dma_wait3A_19] : memref<10000x128xf32, #tpu.memory_space<hbm>> -> memref<10000x128xf32, #tpu.memory_space<hbm>>
        tpu.wait_indirect_dma semaphore(%arg11 : memref<!tpu.dma_semaphore, #tpu.memory_space<semaphore_mem>>) src(%dma_wait3A_20 : memref<10000x128xf32, #tpu.memory_space<hbm>>) dst(%arg9 : memref<128x128xf32, #tpu.memory_space<vmem>>)
        %dma_wait3A_21 = arith.constant 0 : i32
        %dma_wait3A_22 = arith.constant 0 : i32
        %dma_wait3A_23 = tpu.memref_slice %arg2[%dma_wait3A_21, %dma_wait3A_22] : memref<10000x128xf32, #tpu.memory_space<hbm>> -> memref<10000x128xf32, #tpu.memory_space<hbm>>
        tpu.wait_indirect_dma semaphore(%arg12 : memref<!tpu.dma_semaphore, #tpu.memory_space<semaphore_mem>>) src(%dma_wait3A_23 : memref<10000x128xf32, #tpu.memory_space<hbm>>) dst(%arg10 : memref<128x128xf32, #tpu.memory_space<vmem>>)
        "tpu.region"() ({
          %run_scoped3A = tpu.sem_alloc : memref<!tpu.dma_semaphore, #tpu.memory_space<semaphore_mem>>
          %dma_start3A_24 = arith.constant 0 : i32
          %dma_start3A_25 = tpu.memref_slice %arg5[%mul3A_13, %dma_start3A_24] : memref<320000x128xf32, #tpu.memory_space<hbm>> -> memref<128x128xf32, #tpu.memory_space<hbm>>
          %dma_start3A_26 = arith.constant 0 : i32
          %dma_start3A_27 = tpu.memref_slice %arg5[%mul3A_13, %dma_start3A_26] : memref<320000x128xf32, #tpu.memory_space<hbm>> -> memref<128x128xf32, #tpu.memory_space<hbm>>
          tpu.enqueue_dma source(%arg9 : memref<128x128xf32, #tpu.memory_space<vmem>>) target(%dma_start3A_27 : memref<128x128xf32, #tpu.memory_space<hbm>>) target_semaphore(%run_scoped3A : memref<!tpu.dma_semaphore, #tpu.memory_space<semaphore_mem>>)
          %dma_wait3A_28 = arith.constant 0 : i32
          %dma_wait3A_29 = tpu.memref_slice %arg5[%mul3A_13, %dma_wait3A_28] : memref<320000x128xf32, #tpu.memory_space<hbm>> -> memref<128x128xf32, #tpu.memory_space<hbm>>
          %dma_wait3A_30 = arith.constant 0 : i32
          %dma_wait3A_31 = tpu.memref_slice %arg5[%mul3A_13, %dma_wait3A_30] : memref<320000x128xf32, #tpu.memory_space<hbm>> -> memref<128x128xf32, #tpu.memory_space<hbm>>
          tpu.wait_dma2 semaphore(%run_scoped3A : memref<!tpu.dma_semaphore, #tpu.memory_space<semaphore_mem>>) src(%arg9 : memref<128x128xf32, #tpu.memory_space<vmem>>) dst(%dma_wait3A_31 : memref<128x128xf32, #tpu.memory_space<hbm>>)
          tpu.yield
        }) : () -> ()
        "tpu.region"() ({
          %run_scoped3A = tpu.sem_alloc : memref<!tpu.dma_semaphore, #tpu.memory_space<semaphore_mem>>
          %dma_start3A_24 = arith.constant 0 : i32
          %dma_start3A_25 = tpu.memref_slice %arg6[%mul3A_13, %dma_start3A_24] : memref<320000x128xf32, #tpu.memory_space<hbm>> -> memref<128x128xf32, #tpu.memory_space<hbm>>
          %dma_start3A_26 = arith.constant 0 : i32
          %dma_start3A_27 = tpu.memref_slice %arg6[%mul3A_13, %dma_start3A_26] : memref<320000x128xf32, #tpu.memory_space<hbm>> -> memref<128x128xf32, #tpu.memory_space<hbm>>
          tpu.enqueue_dma source(%arg10 : memref<128x128xf32, #tpu.memory_space<vmem>>) target(%dma_start3A_27 : memref<128x128xf32, #tpu.memory_space<hbm>>) target_semaphore(%run_scoped3A : memref<!tpu.dma_semaphore, #tpu.memory_space<semaphore_mem>>)
          %dma_wait3A_28 = arith.constant 0 : i32
          %dma_wait3A_29 = tpu.memref_slice %arg6[%mul3A_13, %dma_wait3A_28] : memref<320000x128xf32, #tpu.memory_space<hbm>> -> memref<128x128xf32, #tpu.memory_space<hbm>>
          %dma_wait3A_30 = arith.constant 0 : i32
          %dma_wait3A_31 = tpu.memref_slice %arg6[%mul3A_13, %dma_wait3A_30] : memref<320000x128xf32, #tpu.memory_space<hbm>> -> memref<128x128xf32, #tpu.memory_space<hbm>>
          tpu.wait_dma2 semaphore(%run_scoped3A : memref<!tpu.dma_semaphore, #tpu.memory_space<semaphore_mem>>) src(%arg10 : memref<128x128xf32, #tpu.memory_space<vmem>>) dst(%dma_wait3A_31 : memref<128x128xf32, #tpu.memory_space<hbm>>)
          tpu.yield
        }) : () -> ()
      } else {
      }
    }
    %scan3A_5 = arith.constant 79 : i32
    return
  }
}

#map = affine_map<(d0, d1) -> (0, 0)>
#map1 = affine_map<(d0, d1) -> (0)>
#map2 = affine_map<(d0, d1) -> (0, 0, 0)>
module attributes {stable_mosaic.version = 14 : i64} {
  func.func @k(%arg0: i32, %arg1: i32, %arg2: memref<320000x128xf32, #tpu.memory_space<hbm>>, %arg3: memref<320000xi32, #tpu.memory_space<hbm>>, %arg4: memref<10000x128xf32, #tpu.memory_space<hbm>>, %arg5: memref<2x10000x128xf32, #tpu.memory_space<hbm>>, %arg6: memref<1x128xi32, #tpu.memory_space<vmem>>, %arg7: memref<128x128xf32, #tpu.memory_space<vmem>>, %arg8: memref<10000x128xf32, #tpu.memory_space<vmem_shared>>) attributes {dimension_semantics = [#tpu.dimension_semantics<core_parallel>, #tpu.dimension_semantics<subcore_parallel>], iteration_bounds = array<i64: 2, 16>, scalar_prefetch = 0 : i64, scratch_operands = 3 : i64, tpu.core_type = #tpu.core_type<sc_vector_subcore>, window_params = [{transform_indices = #map}, {transform_indices = #map1}, {transform_indices = #map}, {transform_indices = #map2}]} {
    %mul3A = arith.constant 2 : i32
    %mul3A_0 = arith.muli %arg1, %mul3A : i32
    %add3A = arith.addi %mul3A_0, %arg0 : i32
    %scan3A = arith.constant 0 : i32
    %scan3A_1 = arith.constant 0 : i32
    %scan3A_2 = arith.constant 8 : i32
    %scan3A_3 = arith.addi %scan3A_1, %scan3A_2 : i32
    %scan3A_4 = arith.constant 1 : i32
    scf.for %scan3A_19 = %scan3A_1 to %scan3A_3 step %scan3A_4  : i32 {
      %mul3A_20 = arith.constant 16 : i32
      %mul3A_21 = arith.muli %scan3A_19, %mul3A_20 : i32
      %add3A_22 = arith.addi %mul3A_21, %arg1 : i32
      %lt3A = arith.constant 125 : i32
      %lt3A_23 = arith.cmpi slt, %add3A_22, %lt3A : i32
      %convert_element_type3A = arith.extui %lt3A_23 : i1 to i32
      %cond3A = arith.constant 0 : i32
      %cond3A_24 = arith.cmpi ne, %convert_element_type3A, %cond3A : i32
      scf.if %cond3A_24 {
        %mul3A_25 = arith.constant 80 : i32
        %mul3A_26 = arith.muli %add3A_22, %mul3A_25 : i32
        %mul3A_27 = arith.constant 80 : i32
        %mul3A_28 = arith.muli %add3A_22, %mul3A_27 : i32
        "tpu.region"() ({
          %run_scoped3A = tpu.sem_alloc : memref<!tpu.dma_semaphore, #tpu.memory_space<semaphore_mem>>
          %dma_start3A = arith.constant 0 : i32
          %dma_start3A_29 = tpu.memref_slice %arg8[%mul3A_28, %dma_start3A] : memref<10000x128xf32, #tpu.memory_space<vmem_shared>> -> memref<80x128xf32, #tpu.memory_space<vmem_shared>>
          %dma_start3A_30 = arith.constant 0 : i32
          %dma_start3A_31 = tpu.memref_slice %arg4[%mul3A_26, %dma_start3A_30] : memref<10000x128xf32, #tpu.memory_space<hbm>> -> memref<80x128xf32, #tpu.memory_space<hbm>>
          tpu.enqueue_dma source(%dma_start3A_31 : memref<80x128xf32, #tpu.memory_space<hbm>>) target(%dma_start3A_29 : memref<80x128xf32, #tpu.memory_space<vmem_shared>>) target_semaphore(%run_scoped3A : memref<!tpu.dma_semaphore, #tpu.memory_space<semaphore_mem>>)
          %dma_wait3A = arith.constant 0 : i32
          %dma_wait3A_32 = tpu.memref_slice %arg8[%mul3A_28, %dma_wait3A] : memref<10000x128xf32, #tpu.memory_space<vmem_shared>> -> memref<80x128xf32, #tpu.memory_space<vmem_shared>>
          %dma_wait3A_33 = arith.constant 0 : i32
          %dma_wait3A_34 = tpu.memref_slice %arg4[%mul3A_26, %dma_wait3A_33] : memref<10000x128xf32, #tpu.memory_space<hbm>> -> memref<80x128xf32, #tpu.memory_space<hbm>>
          tpu.wait_dma2 semaphore(%run_scoped3A : memref<!tpu.dma_semaphore, #tpu.memory_space<semaphore_mem>>) src(%dma_wait3A_34 : memref<80x128xf32, #tpu.memory_space<hbm>>) dst(%dma_wait3A_32 : memref<80x128xf32, #tpu.memory_space<vmem_shared>>)
          tpu.yield
        }) : () -> ()
      } else {
      }
    }
    %scan3A_5 = arith.constant 8 : i32
    %barrier3A = arith.constant 0 : index
    tpu.barrier barrier_id(%barrier3A)
    %scan3A_6 = arith.constant 0 : i32
    %scan3A_7 = arith.constant 0 : i32
    %scan3A_8 = arith.constant 79 : i32
    %scan3A_9 = arith.addi %scan3A_7, %scan3A_8 : i32
    %scan3A_10 = arith.constant 1 : i32
    scf.for %scan3A_19 = %scan3A_7 to %scan3A_9 step %scan3A_10  : i32 {
      %mul3A_20 = arith.constant 32 : i32
      %mul3A_21 = arith.muli %scan3A_19, %mul3A_20 : i32
      %add3A_22 = arith.addi %mul3A_21, %add3A : i32
      %lt3A = arith.constant 2500 : i32
      %lt3A_23 = arith.cmpi slt, %add3A_22, %lt3A : i32
      %convert_element_type3A = arith.extui %lt3A_23 : i1 to i32
      %cond3A = arith.constant 0 : i32
      %cond3A_24 = arith.cmpi ne, %convert_element_type3A, %cond3A : i32
      scf.if %cond3A_24 {
        %mul3A_25 = arith.constant 128 : i32
        %mul3A_26 = arith.muli %add3A_22, %mul3A_25 : i32
        %run_scoped3A = arith.constant 0 : i32
        "tpu.region"() ({
          %run_scoped3A_28 = tpu.sem_alloc : memref<!tpu.dma_semaphore, #tpu.memory_space<semaphore_mem>>
          %dma_start3A = arith.constant 0 : i32
          %dma_start3A_29 = tpu.memref_slice %arg6[%run_scoped3A, %dma_start3A] : memref<1x128xi32, #tpu.memory_space<vmem>> -> memref<1x128xi32, #tpu.memory_space<vmem>>
          %dma_start3A_30 = tpu.memref_squeeze %dma_start3A_29 : memref<1x128xi32, #tpu.memory_space<vmem>> -> memref<128xi32, #tpu.memory_space<vmem>>
          %dma_start3A_31 = tpu.memref_slice %arg3[%mul3A_26] : memref<320000xi32, #tpu.memory_space<hbm>> -> memref<128xi32, #tpu.memory_space<hbm>>
          %dma_start3A_32 = arith.constant 0 : i32
          %dma_start3A_33 = tpu.memref_slice %arg6[%run_scoped3A, %dma_start3A_32] : memref<1x128xi32, #tpu.memory_space<vmem>> -> memref<1x128xi32, #tpu.memory_space<vmem>>
          %dma_start3A_34 = tpu.memref_squeeze %dma_start3A_33 : memref<1x128xi32, #tpu.memory_space<vmem>> -> memref<128xi32, #tpu.memory_space<vmem>>
          %dma_start3A_35 = tpu.memref_slice %arg3[%mul3A_26] : memref<320000xi32, #tpu.memory_space<hbm>> -> memref<128xi32, #tpu.memory_space<hbm>>
          tpu.enqueue_dma source(%dma_start3A_35 : memref<128xi32, #tpu.memory_space<hbm>>) target(%dma_start3A_34 : memref<128xi32, #tpu.memory_space<vmem>>) target_semaphore(%run_scoped3A_28 : memref<!tpu.dma_semaphore, #tpu.memory_space<semaphore_mem>>)
          %dma_wait3A = arith.constant 0 : i32
          %dma_wait3A_36 = tpu.memref_slice %arg6[%run_scoped3A, %dma_wait3A] : memref<1x128xi32, #tpu.memory_space<vmem>> -> memref<1x128xi32, #tpu.memory_space<vmem>>
          %dma_wait3A_37 = tpu.memref_squeeze %dma_wait3A_36 : memref<1x128xi32, #tpu.memory_space<vmem>> -> memref<128xi32, #tpu.memory_space<vmem>>
          %dma_wait3A_38 = tpu.memref_slice %arg3[%mul3A_26] : memref<320000xi32, #tpu.memory_space<hbm>> -> memref<128xi32, #tpu.memory_space<hbm>>
          %dma_wait3A_39 = arith.constant 0 : i32
          %dma_wait3A_40 = tpu.memref_slice %arg6[%run_scoped3A, %dma_wait3A_39] : memref<1x128xi32, #tpu.memory_space<vmem>> -> memref<1x128xi32, #tpu.memory_space<vmem>>
          %dma_wait3A_41 = tpu.memref_squeeze %dma_wait3A_40 : memref<1x128xi32, #tpu.memory_space<vmem>> -> memref<128xi32, #tpu.memory_space<vmem>>
          %dma_wait3A_42 = tpu.memref_slice %arg3[%mul3A_26] : memref<320000xi32, #tpu.memory_space<hbm>> -> memref<128xi32, #tpu.memory_space<hbm>>
          tpu.wait_dma2 semaphore(%run_scoped3A_28 : memref<!tpu.dma_semaphore, #tpu.memory_space<semaphore_mem>>) src(%dma_wait3A_42 : memref<128xi32, #tpu.memory_space<hbm>>) dst(%dma_wait3A_41 : memref<128xi32, #tpu.memory_space<vmem>>)
          tpu.yield
        }) : () -> ()
        "tpu.region"() ({
          %run_scoped3A_28 = tpu.sem_alloc : memref<!tpu.dma_semaphore, #tpu.memory_space<semaphore_mem>>
          %dma_start3A = arith.constant 0 : i32
          %dma_start3A_29 = tpu.memref_slice %arg2[%mul3A_26, %dma_start3A] : memref<320000x128xf32, #tpu.memory_space<hbm>> -> memref<128x128xf32, #tpu.memory_space<hbm>>
          %dma_start3A_30 = arith.constant 0 : i32
          %dma_start3A_31 = tpu.memref_slice %arg2[%mul3A_26, %dma_start3A_30] : memref<320000x128xf32, #tpu.memory_space<hbm>> -> memref<128x128xf32, #tpu.memory_space<hbm>>
          tpu.enqueue_dma source(%dma_start3A_31 : memref<128x128xf32, #tpu.memory_space<hbm>>) target(%arg7 : memref<128x128xf32, #tpu.memory_space<vmem>>) target_semaphore(%run_scoped3A_28 : memref<!tpu.dma_semaphore, #tpu.memory_space<semaphore_mem>>)
          %dma_wait3A = arith.constant 0 : i32
          %dma_wait3A_32 = tpu.memref_slice %arg2[%mul3A_26, %dma_wait3A] : memref<320000x128xf32, #tpu.memory_space<hbm>> -> memref<128x128xf32, #tpu.memory_space<hbm>>
          %dma_wait3A_33 = arith.constant 0 : i32
          %dma_wait3A_34 = tpu.memref_slice %arg2[%mul3A_26, %dma_wait3A_33] : memref<320000x128xf32, #tpu.memory_space<hbm>> -> memref<128x128xf32, #tpu.memory_space<hbm>>
          tpu.wait_dma2 semaphore(%run_scoped3A_28 : memref<!tpu.dma_semaphore, #tpu.memory_space<semaphore_mem>>) src(%dma_wait3A_34 : memref<128x128xf32, #tpu.memory_space<hbm>>) dst(%arg7 : memref<128x128xf32, #tpu.memory_space<vmem>>)
          tpu.yield
        }) : () -> ()
        %run_scoped3A_27 = arith.constant 0 : i32
        "tpu.region"() ({
          %run_scoped3A_28 = tpu.sem_alloc : memref<!tpu.dma_semaphore, #tpu.memory_space<semaphore_mem>>
          %dma_start3A = arith.constant 0 : i32
          %dma_start3A_29 = tpu.memref_slice %arg6[%run_scoped3A_27, %dma_start3A] : memref<1x128xi32, #tpu.memory_space<vmem>> -> memref<1x128xi32, #tpu.memory_space<vmem>>
          %dma_start3A_30 = tpu.memref_squeeze %dma_start3A_29 : memref<1x128xi32, #tpu.memory_space<vmem>> -> memref<128xi32, #tpu.memory_space<vmem>>
          %dma_start3A_31 = arith.constant 0 : i32
          %dma_start3A_32 = arith.constant 0 : i32
          %dma_start3A_33 = tpu.memref_slice %arg8[%dma_start3A_31, %dma_start3A_32] : memref<10000x128xf32, #tpu.memory_space<vmem_shared>> -> memref<10000x128xf32, #tpu.memory_space<vmem_shared>>
          tpu.enqueue_indirect_dma source(%arg7 : memref<128x128xf32, #tpu.memory_space<vmem>>) target(%dma_start3A_33 : memref<10000x128xf32, #tpu.memory_space<vmem_shared>>) offsets(%dma_start3A_30 : memref<128xi32, #tpu.memory_space<vmem>>) semaphore(%run_scoped3A_28 : memref<!tpu.dma_semaphore, #tpu.memory_space<semaphore_mem>>) {add = true}
          %dma_wait3A = arith.constant 0 : i32
          %dma_wait3A_34 = tpu.memref_slice %arg6[%run_scoped3A_27, %dma_wait3A] : memref<1x128xi32, #tpu.memory_space<vmem>> -> memref<1x128xi32, #tpu.memory_space<vmem>>
          %dma_wait3A_35 = tpu.memref_squeeze %dma_wait3A_34 : memref<1x128xi32, #tpu.memory_space<vmem>> -> memref<128xi32, #tpu.memory_space<vmem>>
          %dma_wait3A_36 = arith.constant 0 : i32
          %dma_wait3A_37 = arith.constant 0 : i32
          %dma_wait3A_38 = tpu.memref_slice %arg8[%dma_wait3A_36, %dma_wait3A_37] : memref<10000x128xf32, #tpu.memory_space<vmem_shared>> -> memref<10000x128xf32, #tpu.memory_space<vmem_shared>>
          tpu.wait_indirect_dma semaphore(%run_scoped3A_28 : memref<!tpu.dma_semaphore, #tpu.memory_space<semaphore_mem>>) src(%arg7 : memref<128x128xf32, #tpu.memory_space<vmem>>) dst(%dma_wait3A_38 : memref<10000x128xf32, #tpu.memory_space<vmem_shared>>)
          tpu.yield
        }) : () -> ()
      } else {
      }
    }
    %scan3A_11 = arith.constant 79 : i32
    %barrier3A_12 = arith.constant 0 : index
    tpu.barrier barrier_id(%barrier3A_12)
    %scan3A_13 = arith.constant 0 : i32
    %scan3A_14 = arith.constant 0 : i32
    %scan3A_15 = arith.constant 8 : i32
    %scan3A_16 = arith.addi %scan3A_14, %scan3A_15 : i32
    %scan3A_17 = arith.constant 1 : i32
    scf.for %scan3A_19 = %scan3A_14 to %scan3A_16 step %scan3A_17  : i32 {
      %mul3A_20 = arith.constant 16 : i32
      %mul3A_21 = arith.muli %scan3A_19, %mul3A_20 : i32
      %add3A_22 = arith.addi %mul3A_21, %arg1 : i32
      %lt3A = arith.constant 125 : i32
      %lt3A_23 = arith.cmpi slt, %add3A_22, %lt3A : i32
      %convert_element_type3A = arith.extui %lt3A_23 : i1 to i32
      %cond3A = arith.constant 0 : i32
      %cond3A_24 = arith.cmpi ne, %convert_element_type3A, %cond3A : i32
      scf.if %cond3A_24 {
        %mul3A_25 = arith.constant 80 : i32
        %mul3A_26 = arith.muli %add3A_22, %mul3A_25 : i32
        %mul3A_27 = arith.constant 80 : i32
        %mul3A_28 = arith.muli %add3A_22, %mul3A_27 : i32
        "tpu.region"() ({
          %run_scoped3A = tpu.sem_alloc : memref<!tpu.dma_semaphore, #tpu.memory_space<semaphore_mem>>
          %dma_start3A = arith.constant 0 : i32
          %dma_start3A_29 = tpu.memref_slice %arg5[%arg0, %mul3A_28, %dma_start3A] : memref<2x10000x128xf32, #tpu.memory_space<hbm>> -> memref<1x80x128xf32, #tpu.memory_space<hbm>>
          %dma_start3A_30 = tpu.memref_squeeze %dma_start3A_29 : memref<1x80x128xf32, #tpu.memory_space<hbm>> -> memref<80x128xf32, #tpu.memory_space<hbm>>
          %dma_start3A_31 = arith.constant 0 : i32
          %dma_start3A_32 = tpu.memref_slice %arg8[%mul3A_26, %dma_start3A_31] : memref<10000x128xf32, #tpu.memory_space<vmem_shared>> -> memref<80x128xf32, #tpu.memory_space<vmem_shared>>
          tpu.enqueue_dma source(%dma_start3A_32 : memref<80x128xf32, #tpu.memory_space<vmem_shared>>) target(%dma_start3A_30 : memref<80x128xf32, #tpu.memory_space<hbm>>) target_semaphore(%run_scoped3A : memref<!tpu.dma_semaphore, #tpu.memory_space<semaphore_mem>>)
          %dma_wait3A = arith.constant 0 : i32
          %dma_wait3A_33 = tpu.memref_slice %arg5[%arg0, %mul3A_28, %dma_wait3A] : memref<2x10000x128xf32, #tpu.memory_space<hbm>> -> memref<1x80x128xf32, #tpu.memory_space<hbm>>
          %dma_wait3A_34 = tpu.memref_squeeze %dma_wait3A_33 : memref<1x80x128xf32, #tpu.memory_space<hbm>> -> memref<80x128xf32, #tpu.memory_space<hbm>>
          %dma_wait3A_35 = arith.constant 0 : i32
          %dma_wait3A_36 = tpu.memref_slice %arg8[%mul3A_26, %dma_wait3A_35] : memref<10000x128xf32, #tpu.memory_space<vmem_shared>> -> memref<80x128xf32, #tpu.memory_space<vmem_shared>>
          tpu.wait_dma2 semaphore(%run_scoped3A : memref<!tpu.dma_semaphore, #tpu.memory_space<semaphore_mem>>) src(%dma_wait3A_36 : memref<80x128xf32, #tpu.memory_space<vmem_shared>>) dst(%dma_wait3A_34 : memref<80x128xf32, #tpu.memory_space<hbm>>)
          tpu.yield
        }) : () -> ()
      } else {
      }
    }
    %scan3A_18 = arith.constant 8 : i32
    return
  }
}

#map = affine_map<(d0, d1) -> (0, 0)>
#map1 = affine_map<(d0, d1) -> (0)>
module attributes {stable_mosaic.version = 14 : i64} {
  func.func @k(%arg0: i32, %arg1: i32, %arg2: memref<10000x128xf32, #tpu.memory_space<hbm>>, %arg3: memref<320000xi32, #tpu.memory_space<hbm>>, %arg4: memref<320000xi32, #tpu.memory_space<hbm>>, %arg5: memref<320000x128xf32, #tpu.memory_space<hbm>>, %arg6: memref<320000x128xf32, #tpu.memory_space<hbm>>, %arg7: memref<128xi32, #tpu.memory_space<vmem>>, %arg8: memref<128xi32, #tpu.memory_space<vmem>>, %arg9: memref<128x128xf32, #tpu.memory_space<vmem>>, %arg10: memref<128x128xf32, #tpu.memory_space<vmem>>, %arg11: memref<!tpu.dma_semaphore, #tpu.memory_space<semaphore_mem>>, %arg12: memref<!tpu.dma_semaphore, #tpu.memory_space<semaphore_mem>>) attributes {dimension_semantics = [#tpu.dimension_semantics<core_parallel>, #tpu.dimension_semantics<subcore_parallel>], iteration_bounds = array<i64: 2, 16>, scalar_prefetch = 0 : i64, scratch_operands = 6 : i64, tpu.core_type = #tpu.core_type<sc_vector_subcore>, window_params = [{transform_indices = #map}, {transform_indices = #map1}, {transform_indices = #map1}, {transform_indices = #map}, {transform_indices = #map}]} {
    %mul3A = arith.constant 2 : i32
    %mul3A_0 = arith.muli %arg1, %mul3A : i32
    %add3A = arith.addi %mul3A_0, %arg0 : i32
    %scan3A = arith.constant 0 : i32
    %scan3A_1 = arith.constant 0 : i32
    %scan3A_2 = arith.constant 79 : i32
    %scan3A_3 = arith.addi %scan3A_1, %scan3A_2 : i32
    %scan3A_4 = arith.constant 1 : i32
    scf.for %scan3A_6 = %scan3A_1 to %scan3A_3 step %scan3A_4  : i32 {
      %mul3A_7 = arith.constant 32 : i32
      %mul3A_8 = arith.muli %scan3A_6, %mul3A_7 : i32
      %add3A_9 = arith.addi %mul3A_8, %add3A : i32
      %lt3A = arith.constant 2500 : i32
      %lt3A_10 = arith.cmpi slt, %add3A_9, %lt3A : i32
      %convert_element_type3A = arith.extui %lt3A_10 : i1 to i32
      %cond3A = arith.constant 0 : i32
      %cond3A_11 = arith.cmpi ne, %convert_element_type3A, %cond3A : i32
      scf.if %cond3A_11 {
        %mul3A_12 = arith.constant 128 : i32
        %mul3A_13 = arith.muli %add3A_9, %mul3A_12 : i32
        "tpu.region"() ({
          %run_scoped3A = tpu.sem_alloc : memref<!tpu.dma_semaphore, #tpu.memory_space<semaphore_mem>>
          %dma_start3A_24 = tpu.memref_slice %arg3[%mul3A_13] : memref<320000xi32, #tpu.memory_space<hbm>> -> memref<128xi32, #tpu.memory_space<hbm>>
          %dma_start3A_25 = tpu.memref_slice %arg3[%mul3A_13] : memref<320000xi32, #tpu.memory_space<hbm>> -> memref<128xi32, #tpu.memory_space<hbm>>
          tpu.enqueue_dma source(%dma_start3A_25 : memref<128xi32, #tpu.memory_space<hbm>>) target(%arg7 : memref<128xi32, #tpu.memory_space<vmem>>) target_semaphore(%run_scoped3A : memref<!tpu.dma_semaphore, #tpu.memory_space<semaphore_mem>>)
          %dma_wait3A_26 = tpu.memref_slice %arg3[%mul3A_13] : memref<320000xi32, #tpu.memory_space<hbm>> -> memref<128xi32, #tpu.memory_space<hbm>>
          %dma_wait3A_27 = tpu.memref_slice %arg3[%mul3A_13] : memref<320000xi32, #tpu.memory_space<hbm>> -> memref<128xi32, #tpu.memory_space<hbm>>
          tpu.wait_dma2 semaphore(%run_scoped3A : memref<!tpu.dma_semaphore, #tpu.memory_space<semaphore_mem>>) src(%dma_wait3A_27 : memref<128xi32, #tpu.memory_space<hbm>>) dst(%arg7 : memref<128xi32, #tpu.memory_space<vmem>>)
          tpu.yield
        }) : () -> ()
        "tpu.region"() ({
          %run_scoped3A = tpu.sem_alloc : memref<!tpu.dma_semaphore, #tpu.memory_space<semaphore_mem>>
          %dma_start3A_24 = tpu.memref_slice %arg4[%mul3A_13] : memref<320000xi32, #tpu.memory_space<hbm>> -> memref<128xi32, #tpu.memory_space<hbm>>
          %dma_start3A_25 = tpu.memref_slice %arg4[%mul3A_13] : memref<320000xi32, #tpu.memory_space<hbm>> -> memref<128xi32, #tpu.memory_space<hbm>>
          tpu.enqueue_dma source(%dma_start3A_25 : memref<128xi32, #tpu.memory_space<hbm>>) target(%arg8 : memref<128xi32, #tpu.memory_space<vmem>>) target_semaphore(%run_scoped3A : memref<!tpu.dma_semaphore, #tpu.memory_space<semaphore_mem>>)
          %dma_wait3A_26 = tpu.memref_slice %arg4[%mul3A_13] : memref<320000xi32, #tpu.memory_space<hbm>> -> memref<128xi32, #tpu.memory_space<hbm>>
          %dma_wait3A_27 = tpu.memref_slice %arg4[%mul3A_13] : memref<320000xi32, #tpu.memory_space<hbm>> -> memref<128xi32, #tpu.memory_space<hbm>>
          tpu.wait_dma2 semaphore(%run_scoped3A : memref<!tpu.dma_semaphore, #tpu.memory_space<semaphore_mem>>) src(%dma_wait3A_27 : memref<128xi32, #tpu.memory_space<hbm>>) dst(%arg8 : memref<128xi32, #tpu.memory_space<vmem>>)
          tpu.yield
        }) : () -> ()
        %dma_start3A = arith.constant 0 : i32
        %dma_start3A_14 = arith.constant 0 : i32
        %dma_start3A_15 = tpu.memref_slice %arg2[%dma_start3A, %dma_start3A_14] : memref<10000x128xf32, #tpu.memory_space<hbm>> -> memref<10000x128xf32, #tpu.memory_space<hbm>>
        tpu.enqueue_indirect_dma source(%dma_start3A_15 : memref<10000x128xf32, #tpu.memory_space<hbm>>) target(%arg9 : memref<128x128xf32, #tpu.memory_space<vmem>>) offsets(%arg7 : memref<128xi32, #tpu.memory_space<vmem>>) semaphore(%arg11 : memref<!tpu.dma_semaphore, #tpu.memory_space<semaphore_mem>>)
        %dma_start3A_16 = arith.constant 0 : i32
        %dma_start3A_17 = arith.constant 0 : i32
        %dma_start3A_18 = tpu.memref_slice %arg2[%dma_start3A_16, %dma_start3A_17] : memref<10000x128xf32, #tpu.memory_space<hbm>> -> memref<10000x128xf32, #tpu.memory_space<hbm>>
        tpu.enqueue_indirect_dma source(%dma_start3A_18 : memref<10000x128xf32, #tpu.memory_space<hbm>>) target(%arg10 : memref<128x128xf32, #tpu.memory_space<vmem>>) offsets(%arg8 : memref<128xi32, #tpu.memory_space<vmem>>) semaphore(%arg12 : memref<!tpu.dma_semaphore, #tpu.memory_space<semaphore_mem>>)
        %dma_wait3A = arith.constant 0 : i32
        %dma_wait3A_19 = arith.constant 0 : i32
        %dma_wait3A_20 = tpu.memref_slice %arg2[%dma_wait3A, %dma_wait3A_19] : memref<10000x128xf32, #tpu.memory_space<hbm>> -> memref<10000x128xf32, #tpu.memory_space<hbm>>
        tpu.wait_indirect_dma semaphore(%arg11 : memref<!tpu.dma_semaphore, #tpu.memory_space<semaphore_mem>>) src(%dma_wait3A_20 : memref<10000x128xf32, #tpu.memory_space<hbm>>) dst(%arg9 : memref<128x128xf32, #tpu.memory_space<vmem>>)
        %dma_wait3A_21 = arith.constant 0 : i32
        %dma_wait3A_22 = arith.constant 0 : i32
        %dma_wait3A_23 = tpu.memref_slice %arg2[%dma_wait3A_21, %dma_wait3A_22] : memref<10000x128xf32, #tpu.memory_space<hbm>> -> memref<10000x128xf32, #tpu.memory_space<hbm>>
        tpu.wait_indirect_dma semaphore(%arg12 : memref<!tpu.dma_semaphore, #tpu.memory_space<semaphore_mem>>) src(%dma_wait3A_23 : memref<10000x128xf32, #tpu.memory_space<hbm>>) dst(%arg10 : memref<128x128xf32, #tpu.memory_space<vmem>>)
        "tpu.region"() ({
          %run_scoped3A = tpu.sem_alloc : memref<!tpu.dma_semaphore, #tpu.memory_space<semaphore_mem>>
          %dma_start3A_24 = arith.constant 0 : i32
          %dma_start3A_25 = tpu.memref_slice %arg5[%mul3A_13, %dma_start3A_24] : memref<320000x128xf32, #tpu.memory_space<hbm>> -> memref<128x128xf32, #tpu.memory_space<hbm>>
          %dma_start3A_26 = arith.constant 0 : i32
          %dma_start3A_27 = tpu.memref_slice %arg5[%mul3A_13, %dma_start3A_26] : memref<320000x128xf32, #tpu.memory_space<hbm>> -> memref<128x128xf32, #tpu.memory_space<hbm>>
          tpu.enqueue_dma source(%arg9 : memref<128x128xf32, #tpu.memory_space<vmem>>) target(%dma_start3A_27 : memref<128x128xf32, #tpu.memory_space<hbm>>) target_semaphore(%run_scoped3A : memref<!tpu.dma_semaphore, #tpu.memory_space<semaphore_mem>>)
          %dma_wait3A_28 = arith.constant 0 : i32
          %dma_wait3A_29 = tpu.memref_slice %arg5[%mul3A_13, %dma_wait3A_28] : memref<320000x128xf32, #tpu.memory_space<hbm>> -> memref<128x128xf32, #tpu.memory_space<hbm>>
          %dma_wait3A_30 = arith.constant 0 : i32
          %dma_wait3A_31 = tpu.memref_slice %arg5[%mul3A_13, %dma_wait3A_30] : memref<320000x128xf32, #tpu.memory_space<hbm>> -> memref<128x128xf32, #tpu.memory_space<hbm>>
          tpu.wait_dma2 semaphore(%run_scoped3A : memref<!tpu.dma_semaphore, #tpu.memory_space<semaphore_mem>>) src(%arg9 : memref<128x128xf32, #tpu.memory_space<vmem>>) dst(%dma_wait3A_31 : memref<128x128xf32, #tpu.memory_space<hbm>>)
          tpu.yield
        }) : () -> ()
        "tpu.region"() ({
          %run_scoped3A = tpu.sem_alloc : memref<!tpu.dma_semaphore, #tpu.memory_space<semaphore_mem>>
          %dma_start3A_24 = arith.constant 0 : i32
          %dma_start3A_25 = tpu.memref_slice %arg6[%mul3A_13, %dma_start3A_24] : memref<320000x128xf32, #tpu.memory_space<hbm>> -> memref<128x128xf32, #tpu.memory_space<hbm>>
          %dma_start3A_26 = arith.constant 0 : i32
          %dma_start3A_27 = tpu.memref_slice %arg6[%mul3A_13, %dma_start3A_26] : memref<320000x128xf32, #tpu.memory_space<hbm>> -> memref<128x128xf32, #tpu.memory_space<hbm>>
          tpu.enqueue_dma source(%arg10 : memref<128x128xf32, #tpu.memory_space<vmem>>) target(%dma_start3A_27 : memref<128x128xf32, #tpu.memory_space<hbm>>) target_semaphore(%run_scoped3A : memref<!tpu.dma_semaphore, #tpu.memory_space<semaphore_mem>>)
          %dma_wait3A_28 = arith.constant 0 : i32
          %dma_wait3A_29 = tpu.memref_slice %arg6[%mul3A_13, %dma_wait3A_28] : memref<320000x128xf32, #tpu.memory_space<hbm>> -> memref<128x128xf32, #tpu.memory_space<hbm>>
          %dma_wait3A_30 = arith.constant 0 : i32
          %dma_wait3A_31 = tpu.memref_slice %arg6[%mul3A_13, %dma_wait3A_30] : memref<320000x128xf32, #tpu.memory_space<hbm>> -> memref<128x128xf32, #tpu.memory_space<hbm>>
          tpu.wait_dma2 semaphore(%run_scoped3A : memref<!tpu.dma_semaphore, #tpu.memory_space<semaphore_mem>>) src(%arg10 : memref<128x128xf32, #tpu.memory_space<vmem>>) dst(%dma_wait3A_31 : memref<128x128xf32, #tpu.memory_space<hbm>>)
          tpu.yield
        }) : () -> ()
      } else {
      }
    }
    %scan3A_5 = arith.constant 79 : i32
    return
  }
}

#map = affine_map<(d0, d1) -> (0, 0)>
#map1 = affine_map<(d0, d1) -> (0)>
#map2 = affine_map<(d0, d1) -> (0, 0, 0)>
module attributes {stable_mosaic.version = 14 : i64} {
  func.func @k(%arg0: i32, %arg1: i32, %arg2: memref<320000x128xf32, #tpu.memory_space<hbm>>, %arg3: memref<320000xi32, #tpu.memory_space<hbm>>, %arg4: memref<10000x128xf32, #tpu.memory_space<hbm>>, %arg5: memref<2x10000x128xf32, #tpu.memory_space<hbm>>, %arg6: memref<1x128xi32, #tpu.memory_space<vmem>>, %arg7: memref<128x128xf32, #tpu.memory_space<vmem>>, %arg8: memref<10000x128xf32, #tpu.memory_space<vmem_shared>>) attributes {dimension_semantics = [#tpu.dimension_semantics<core_parallel>, #tpu.dimension_semantics<subcore_parallel>], iteration_bounds = array<i64: 2, 16>, scalar_prefetch = 0 : i64, scratch_operands = 3 : i64, tpu.core_type = #tpu.core_type<sc_vector_subcore>, window_params = [{transform_indices = #map}, {transform_indices = #map1}, {transform_indices = #map}, {transform_indices = #map2}]} {
    %mul3A = arith.constant 2 : i32
    %mul3A_0 = arith.muli %arg1, %mul3A : i32
    %add3A = arith.addi %mul3A_0, %arg0 : i32
    %scan3A = arith.constant 0 : i32
    %scan3A_1 = arith.constant 0 : i32
    %scan3A_2 = arith.constant 8 : i32
    %scan3A_3 = arith.addi %scan3A_1, %scan3A_2 : i32
    %scan3A_4 = arith.constant 1 : i32
    scf.for %scan3A_19 = %scan3A_1 to %scan3A_3 step %scan3A_4  : i32 {
      %mul3A_20 = arith.constant 16 : i32
      %mul3A_21 = arith.muli %scan3A_19, %mul3A_20 : i32
      %add3A_22 = arith.addi %mul3A_21, %arg1 : i32
      %lt3A = arith.constant 125 : i32
      %lt3A_23 = arith.cmpi slt, %add3A_22, %lt3A : i32
      %convert_element_type3A = arith.extui %lt3A_23 : i1 to i32
      %cond3A = arith.constant 0 : i32
      %cond3A_24 = arith.cmpi ne, %convert_element_type3A, %cond3A : i32
      scf.if %cond3A_24 {
        %mul3A_25 = arith.constant 80 : i32
        %mul3A_26 = arith.muli %add3A_22, %mul3A_25 : i32
        %mul3A_27 = arith.constant 80 : i32
        %mul3A_28 = arith.muli %add3A_22, %mul3A_27 : i32
        "tpu.region"() ({
          %run_scoped3A = tpu.sem_alloc : memref<!tpu.dma_semaphore, #tpu.memory_space<semaphore_mem>>
          %dma_start3A = arith.constant 0 : i32
          %dma_start3A_29 = tpu.memref_slice %arg8[%mul3A_28, %dma_start3A] : memref<10000x128xf32, #tpu.memory_space<vmem_shared>> -> memref<80x128xf32, #tpu.memory_space<vmem_shared>>
          %dma_start3A_30 = arith.constant 0 : i32
          %dma_start3A_31 = tpu.memref_slice %arg4[%mul3A_26, %dma_start3A_30] : memref<10000x128xf32, #tpu.memory_space<hbm>> -> memref<80x128xf32, #tpu.memory_space<hbm>>
          tpu.enqueue_dma source(%dma_start3A_31 : memref<80x128xf32, #tpu.memory_space<hbm>>) target(%dma_start3A_29 : memref<80x128xf32, #tpu.memory_space<vmem_shared>>) target_semaphore(%run_scoped3A : memref<!tpu.dma_semaphore, #tpu.memory_space<semaphore_mem>>)
          %dma_wait3A = arith.constant 0 : i32
          %dma_wait3A_32 = tpu.memref_slice %arg8[%mul3A_28, %dma_wait3A] : memref<10000x128xf32, #tpu.memory_space<vmem_shared>> -> memref<80x128xf32, #tpu.memory_space<vmem_shared>>
          %dma_wait3A_33 = arith.constant 0 : i32
          %dma_wait3A_34 = tpu.memref_slice %arg4[%mul3A_26, %dma_wait3A_33] : memref<10000x128xf32, #tpu.memory_space<hbm>> -> memref<80x128xf32, #tpu.memory_space<hbm>>
          tpu.wait_dma2 semaphore(%run_scoped3A : memref<!tpu.dma_semaphore, #tpu.memory_space<semaphore_mem>>) src(%dma_wait3A_34 : memref<80x128xf32, #tpu.memory_space<hbm>>) dst(%dma_wait3A_32 : memref<80x128xf32, #tpu.memory_space<vmem_shared>>)
          tpu.yield
        }) : () -> ()
      } else {
      }
    }
    %scan3A_5 = arith.constant 8 : i32
    %barrier3A = arith.constant 0 : index
    tpu.barrier barrier_id(%barrier3A)
    %scan3A_6 = arith.constant 0 : i32
    %scan3A_7 = arith.constant 0 : i32
    %scan3A_8 = arith.constant 79 : i32
    %scan3A_9 = arith.addi %scan3A_7, %scan3A_8 : i32
    %scan3A_10 = arith.constant 1 : i32
    scf.for %scan3A_19 = %scan3A_7 to %scan3A_9 step %scan3A_10  : i32 {
      %mul3A_20 = arith.constant 32 : i32
      %mul3A_21 = arith.muli %scan3A_19, %mul3A_20 : i32
      %add3A_22 = arith.addi %mul3A_21, %add3A : i32
      %lt3A = arith.constant 2500 : i32
      %lt3A_23 = arith.cmpi slt, %add3A_22, %lt3A : i32
      %convert_element_type3A = arith.extui %lt3A_23 : i1 to i32
      %cond3A = arith.constant 0 : i32
      %cond3A_24 = arith.cmpi ne, %convert_element_type3A, %cond3A : i32
      scf.if %cond3A_24 {
        %mul3A_25 = arith.constant 128 : i32
        %mul3A_26 = arith.muli %add3A_22, %mul3A_25 : i32
        %run_scoped3A = arith.constant 0 : i32
        "tpu.region"() ({
          %run_scoped3A_28 = tpu.sem_alloc : memref<!tpu.dma_semaphore, #tpu.memory_space<semaphore_mem>>
          %dma_start3A = arith.constant 0 : i32
          %dma_start3A_29 = tpu.memref_slice %arg6[%run_scoped3A, %dma_start3A] : memref<1x128xi32, #tpu.memory_space<vmem>> -> memref<1x128xi32, #tpu.memory_space<vmem>>
          %dma_start3A_30 = tpu.memref_squeeze %dma_start3A_29 : memref<1x128xi32, #tpu.memory_space<vmem>> -> memref<128xi32, #tpu.memory_space<vmem>>
          %dma_start3A_31 = tpu.memref_slice %arg3[%mul3A_26] : memref<320000xi32, #tpu.memory_space<hbm>> -> memref<128xi32, #tpu.memory_space<hbm>>
          %dma_start3A_32 = arith.constant 0 : i32
          %dma_start3A_33 = tpu.memref_slice %arg6[%run_scoped3A, %dma_start3A_32] : memref<1x128xi32, #tpu.memory_space<vmem>> -> memref<1x128xi32, #tpu.memory_space<vmem>>
          %dma_start3A_34 = tpu.memref_squeeze %dma_start3A_33 : memref<1x128xi32, #tpu.memory_space<vmem>> -> memref<128xi32, #tpu.memory_space<vmem>>
          %dma_start3A_35 = tpu.memref_slice %arg3[%mul3A_26] : memref<320000xi32, #tpu.memory_space<hbm>> -> memref<128xi32, #tpu.memory_space<hbm>>
          tpu.enqueue_dma source(%dma_start3A_35 : memref<128xi32, #tpu.memory_space<hbm>>) target(%dma_start3A_34 : memref<128xi32, #tpu.memory_space<vmem>>) target_semaphore(%run_scoped3A_28 : memref<!tpu.dma_semaphore, #tpu.memory_space<semaphore_mem>>)
          %dma_wait3A = arith.constant 0 : i32
          %dma_wait3A_36 = tpu.memref_slice %arg6[%run_scoped3A, %dma_wait3A] : memref<1x128xi32, #tpu.memory_space<vmem>> -> memref<1x128xi32, #tpu.memory_space<vmem>>
          %dma_wait3A_37 = tpu.memref_squeeze %dma_wait3A_36 : memref<1x128xi32, #tpu.memory_space<vmem>> -> memref<128xi32, #tpu.memory_space<vmem>>
          %dma_wait3A_38 = tpu.memref_slice %arg3[%mul3A_26] : memref<320000xi32, #tpu.memory_space<hbm>> -> memref<128xi32, #tpu.memory_space<hbm>>
          %dma_wait3A_39 = arith.constant 0 : i32
          %dma_wait3A_40 = tpu.memref_slice %arg6[%run_scoped3A, %dma_wait3A_39] : memref<1x128xi32, #tpu.memory_space<vmem>> -> memref<1x128xi32, #tpu.memory_space<vmem>>
          %dma_wait3A_41 = tpu.memref_squeeze %dma_wait3A_40 : memref<1x128xi32, #tpu.memory_space<vmem>> -> memref<128xi32, #tpu.memory_space<vmem>>
          %dma_wait3A_42 = tpu.memref_slice %arg3[%mul3A_26] : memref<320000xi32, #tpu.memory_space<hbm>> -> memref<128xi32, #tpu.memory_space<hbm>>
          tpu.wait_dma2 semaphore(%run_scoped3A_28 : memref<!tpu.dma_semaphore, #tpu.memory_space<semaphore_mem>>) src(%dma_wait3A_42 : memref<128xi32, #tpu.memory_space<hbm>>) dst(%dma_wait3A_41 : memref<128xi32, #tpu.memory_space<vmem>>)
          tpu.yield
        }) : () -> ()
        "tpu.region"() ({
          %run_scoped3A_28 = tpu.sem_alloc : memref<!tpu.dma_semaphore, #tpu.memory_space<semaphore_mem>>
          %dma_start3A = arith.constant 0 : i32
          %dma_start3A_29 = tpu.memref_slice %arg2[%mul3A_26, %dma_start3A] : memref<320000x128xf32, #tpu.memory_space<hbm>> -> memref<128x128xf32, #tpu.memory_space<hbm>>
          %dma_start3A_30 = arith.constant 0 : i32
          %dma_start3A_31 = tpu.memref_slice %arg2[%mul3A_26, %dma_start3A_30] : memref<320000x128xf32, #tpu.memory_space<hbm>> -> memref<128x128xf32, #tpu.memory_space<hbm>>
          tpu.enqueue_dma source(%dma_start3A_31 : memref<128x128xf32, #tpu.memory_space<hbm>>) target(%arg7 : memref<128x128xf32, #tpu.memory_space<vmem>>) target_semaphore(%run_scoped3A_28 : memref<!tpu.dma_semaphore, #tpu.memory_space<semaphore_mem>>)
          %dma_wait3A = arith.constant 0 : i32
          %dma_wait3A_32 = tpu.memref_slice %arg2[%mul3A_26, %dma_wait3A] : memref<320000x128xf32, #tpu.memory_space<hbm>> -> memref<128x128xf32, #tpu.memory_space<hbm>>
          %dma_wait3A_33 = arith.constant 0 : i32
          %dma_wait3A_34 = tpu.memref_slice %arg2[%mul3A_26, %dma_wait3A_33] : memref<320000x128xf32, #tpu.memory_space<hbm>> -> memref<128x128xf32, #tpu.memory_space<hbm>>
          tpu.wait_dma2 semaphore(%run_scoped3A_28 : memref<!tpu.dma_semaphore, #tpu.memory_space<semaphore_mem>>) src(%dma_wait3A_34 : memref<128x128xf32, #tpu.memory_space<hbm>>) dst(%arg7 : memref<128x128xf32, #tpu.memory_space<vmem>>)
          tpu.yield
        }) : () -> ()
        %run_scoped3A_27 = arith.constant 0 : i32
        "tpu.region"() ({
          %run_scoped3A_28 = tpu.sem_alloc : memref<!tpu.dma_semaphore, #tpu.memory_space<semaphore_mem>>
          %dma_start3A = arith.constant 0 : i32
          %dma_start3A_29 = tpu.memref_slice %arg6[%run_scoped3A_27, %dma_start3A] : memref<1x128xi32, #tpu.memory_space<vmem>> -> memref<1x128xi32, #tpu.memory_space<vmem>>
          %dma_start3A_30 = tpu.memref_squeeze %dma_start3A_29 : memref<1x128xi32, #tpu.memory_space<vmem>> -> memref<128xi32, #tpu.memory_space<vmem>>
          %dma_start3A_31 = arith.constant 0 : i32
          %dma_start3A_32 = arith.constant 0 : i32
          %dma_start3A_33 = tpu.memref_slice %arg8[%dma_start3A_31, %dma_start3A_32] : memref<10000x128xf32, #tpu.memory_space<vmem_shared>> -> memref<10000x128xf32, #tpu.memory_space<vmem_shared>>
          tpu.enqueue_indirect_dma source(%arg7 : memref<128x128xf32, #tpu.memory_space<vmem>>) target(%dma_start3A_33 : memref<10000x128xf32, #tpu.memory_space<vmem_shared>>) offsets(%dma_start3A_30 : memref<128xi32, #tpu.memory_space<vmem>>) semaphore(%run_scoped3A_28 : memref<!tpu.dma_semaphore, #tpu.memory_space<semaphore_mem>>) {add = true}
          %dma_wait3A = arith.constant 0 : i32
          %dma_wait3A_34 = tpu.memref_slice %arg6[%run_scoped3A_27, %dma_wait3A] : memref<1x128xi32, #tpu.memory_space<vmem>> -> memref<1x128xi32, #tpu.memory_space<vmem>>
          %dma_wait3A_35 = tpu.memref_squeeze %dma_wait3A_34 : memref<1x128xi32, #tpu.memory_space<vmem>> -> memref<128xi32, #tpu.memory_space<vmem>>
          %dma_wait3A_36 = arith.constant 0 : i32
          %dma_wait3A_37 = arith.constant 0 : i32
          %dma_wait3A_38 = tpu.memref_slice %arg8[%dma_wait3A_36, %dma_wait3A_37] : memref<10000x128xf32, #tpu.memory_space<vmem_shared>> -> memref<10000x128xf32, #tpu.memory_space<vmem_shared>>
          tpu.wait_indirect_dma semaphore(%run_scoped3A_28 : memref<!tpu.dma_semaphore, #tpu.memory_space<semaphore_mem>>) src(%arg7 : memref<128x128xf32, #tpu.memory_space<vmem>>) dst(%dma_wait3A_38 : memref<10000x128xf32, #tpu.memory_space<vmem_shared>>)
          tpu.yield
        }) : () -> ()
      } else {
      }
    }
    %scan3A_11 = arith.constant 79 : i32
    %barrier3A_12 = arith.constant 0 : index
    tpu.barrier barrier_id(%barrier3A_12)
    %scan3A_13 = arith.constant 0 : i32
    %scan3A_14 = arith.constant 0 : i32
    %scan3A_15 = arith.constant 8 : i32
    %scan3A_16 = arith.addi %scan3A_14, %scan3A_15 : i32
    %scan3A_17 = arith.constant 1 : i32
    scf.for %scan3A_19 = %scan3A_14 to %scan3A_16 step %scan3A_17  : i32 {
      %mul3A_20 = arith.constant 16 : i32
      %mul3A_21 = arith.muli %scan3A_19, %mul3A_20 : i32
      %add3A_22 = arith.addi %mul3A_21, %arg1 : i32
      %lt3A = arith.constant 125 : i32
      %lt3A_23 = arith.cmpi slt, %add3A_22, %lt3A : i32
      %convert_element_type3A = arith.extui %lt3A_23 : i1 to i32
      %cond3A = arith.constant 0 : i32
      %cond3A_24 = arith.cmpi ne, %convert_element_type3A, %cond3A : i32
      scf.if %cond3A_24 {
        %mul3A_25 = arith.constant 80 : i32
        %mul3A_26 = arith.muli %add3A_22, %mul3A_25 : i32
        %mul3A_27 = arith.constant 80 : i32
        %mul3A_28 = arith.muli %add3A_22, %mul3A_27 : i32
        "tpu.region"() ({
          %run_scoped3A = tpu.sem_alloc : memref<!tpu.dma_semaphore, #tpu.memory_space<semaphore_mem>>
          %dma_start3A = arith.constant 0 : i32
          %dma_start3A_29 = tpu.memref_slice %arg5[%arg0, %mul3A_28, %dma_start3A] : memref<2x10000x128xf32, #tpu.memory_space<hbm>> -> memref<1x80x128xf32, #tpu.memory_space<hbm>>
          %dma_start3A_30 = tpu.memref_squeeze %dma_start3A_29 : memref<1x80x128xf32, #tpu.memory_space<hbm>> -> memref<80x128xf32, #tpu.memory_space<hbm>>
          %dma_start3A_31 = arith.constant 0 : i32
          %dma_start3A_32 = tpu.memref_slice %arg8[%mul3A_26, %dma_start3A_31] : memref<10000x128xf32, #tpu.memory_space<vmem_shared>> -> memref<80x128xf32, #tpu.memory_space<vmem_shared>>
          tpu.enqueue_dma source(%dma_start3A_32 : memref<80x128xf32, #tpu.memory_space<vmem_shared>>) target(%dma_start3A_30 : memref<80x128xf32, #tpu.memory_space<hbm>>) target_semaphore(%run_scoped3A : memref<!tpu.dma_semaphore, #tpu.memory_space<semaphore_mem>>)
          %dma_wait3A = arith.constant 0 : i32
          %dma_wait3A_33 = tpu.memref_slice %arg5[%arg0, %mul3A_28, %dma_wait3A] : memref<2x10000x128xf32, #tpu.memory_space<hbm>> -> memref<1x80x128xf32, #tpu.memory_space<hbm>>
          %dma_wait3A_34 = tpu.memref_squeeze %dma_wait3A_33 : memref<1x80x128xf32, #tpu.memory_space<hbm>> -> memref<80x128xf32, #tpu.memory_space<hbm>>
          %dma_wait3A_35 = arith.constant 0 : i32
          %dma_wait3A_36 = tpu.memref_slice %arg8[%mul3A_26, %dma_wait3A_35] : memref<10000x128xf32, #tpu.memory_space<vmem_shared>> -> memref<80x128xf32, #tpu.memory_space<vmem_shared>>
          tpu.wait_dma2 semaphore(%run_scoped3A : memref<!tpu.dma_semaphore, #tpu.memory_space<semaphore_mem>>) src(%dma_wait3A_36 : memref<80x128xf32, #tpu.memory_space<vmem_shared>>) dst(%dma_wait3A_34 : memref<80x128xf32, #tpu.memory_space<hbm>>)
          tpu.yield
        }) : () -> ()
      } else {
      }
    }
    %scan3A_18 = arith.constant 8 : i32
    return
  }
}

#map = affine_map<(d0, d1) -> (0, 0)>
#map1 = affine_map<(d0, d1) -> (0)>
module attributes {stable_mosaic.version = 14 : i64} {
  func.func @k(%arg0: i32, %arg1: i32, %arg2: memref<10000x128xf32, #tpu.memory_space<hbm>>, %arg3: memref<320000xi32, #tpu.memory_space<hbm>>, %arg4: memref<320000xi32, #tpu.memory_space<hbm>>, %arg5: memref<320000x128xf32, #tpu.memory_space<hbm>>, %arg6: memref<320000x128xf32, #tpu.memory_space<hbm>>, %arg7: memref<128xi32, #tpu.memory_space<vmem>>, %arg8: memref<128xi32, #tpu.memory_space<vmem>>, %arg9: memref<128x128xf32, #tpu.memory_space<vmem>>, %arg10: memref<128x128xf32, #tpu.memory_space<vmem>>, %arg11: memref<!tpu.dma_semaphore, #tpu.memory_space<semaphore_mem>>, %arg12: memref<!tpu.dma_semaphore, #tpu.memory_space<semaphore_mem>>) attributes {dimension_semantics = [#tpu.dimension_semantics<core_parallel>, #tpu.dimension_semantics<subcore_parallel>], iteration_bounds = array<i64: 2, 16>, scalar_prefetch = 0 : i64, scratch_operands = 6 : i64, tpu.core_type = #tpu.core_type<sc_vector_subcore>, window_params = [{transform_indices = #map}, {transform_indices = #map1}, {transform_indices = #map1}, {transform_indices = #map}, {transform_indices = #map}]} {
    %mul3A = arith.constant 2 : i32
    %mul3A_0 = arith.muli %arg1, %mul3A : i32
    %add3A = arith.addi %mul3A_0, %arg0 : i32
    %scan3A = arith.constant 0 : i32
    %scan3A_1 = arith.constant 0 : i32
    %scan3A_2 = arith.constant 79 : i32
    %scan3A_3 = arith.addi %scan3A_1, %scan3A_2 : i32
    %scan3A_4 = arith.constant 1 : i32
    scf.for %scan3A_6 = %scan3A_1 to %scan3A_3 step %scan3A_4  : i32 {
      %mul3A_7 = arith.constant 32 : i32
      %mul3A_8 = arith.muli %scan3A_6, %mul3A_7 : i32
      %add3A_9 = arith.addi %mul3A_8, %add3A : i32
      %lt3A = arith.constant 2500 : i32
      %lt3A_10 = arith.cmpi slt, %add3A_9, %lt3A : i32
      %convert_element_type3A = arith.extui %lt3A_10 : i1 to i32
      %cond3A = arith.constant 0 : i32
      %cond3A_11 = arith.cmpi ne, %convert_element_type3A, %cond3A : i32
      scf.if %cond3A_11 {
        %mul3A_12 = arith.constant 128 : i32
        %mul3A_13 = arith.muli %add3A_9, %mul3A_12 : i32
        "tpu.region"() ({
          %run_scoped3A = tpu.sem_alloc : memref<!tpu.dma_semaphore, #tpu.memory_space<semaphore_mem>>
          %dma_start3A_24 = tpu.memref_slice %arg3[%mul3A_13] : memref<320000xi32, #tpu.memory_space<hbm>> -> memref<128xi32, #tpu.memory_space<hbm>>
          %dma_start3A_25 = tpu.memref_slice %arg3[%mul3A_13] : memref<320000xi32, #tpu.memory_space<hbm>> -> memref<128xi32, #tpu.memory_space<hbm>>
          tpu.enqueue_dma source(%dma_start3A_25 : memref<128xi32, #tpu.memory_space<hbm>>) target(%arg7 : memref<128xi32, #tpu.memory_space<vmem>>) target_semaphore(%run_scoped3A : memref<!tpu.dma_semaphore, #tpu.memory_space<semaphore_mem>>)
          %dma_wait3A_26 = tpu.memref_slice %arg3[%mul3A_13] : memref<320000xi32, #tpu.memory_space<hbm>> -> memref<128xi32, #tpu.memory_space<hbm>>
          %dma_wait3A_27 = tpu.memref_slice %arg3[%mul3A_13] : memref<320000xi32, #tpu.memory_space<hbm>> -> memref<128xi32, #tpu.memory_space<hbm>>
          tpu.wait_dma2 semaphore(%run_scoped3A : memref<!tpu.dma_semaphore, #tpu.memory_space<semaphore_mem>>) src(%dma_wait3A_27 : memref<128xi32, #tpu.memory_space<hbm>>) dst(%arg7 : memref<128xi32, #tpu.memory_space<vmem>>)
          tpu.yield
        }) : () -> ()
        "tpu.region"() ({
          %run_scoped3A = tpu.sem_alloc : memref<!tpu.dma_semaphore, #tpu.memory_space<semaphore_mem>>
          %dma_start3A_24 = tpu.memref_slice %arg4[%mul3A_13] : memref<320000xi32, #tpu.memory_space<hbm>> -> memref<128xi32, #tpu.memory_space<hbm>>
          %dma_start3A_25 = tpu.memref_slice %arg4[%mul3A_13] : memref<320000xi32, #tpu.memory_space<hbm>> -> memref<128xi32, #tpu.memory_space<hbm>>
          tpu.enqueue_dma source(%dma_start3A_25 : memref<128xi32, #tpu.memory_space<hbm>>) target(%arg8 : memref<128xi32, #tpu.memory_space<vmem>>) target_semaphore(%run_scoped3A : memref<!tpu.dma_semaphore, #tpu.memory_space<semaphore_mem>>)
          %dma_wait3A_26 = tpu.memref_slice %arg4[%mul3A_13] : memref<320000xi32, #tpu.memory_space<hbm>> -> memref<128xi32, #tpu.memory_space<hbm>>
          %dma_wait3A_27 = tpu.memref_slice %arg4[%mul3A_13] : memref<320000xi32, #tpu.memory_space<hbm>> -> memref<128xi32, #tpu.memory_space<hbm>>
          tpu.wait_dma2 semaphore(%run_scoped3A : memref<!tpu.dma_semaphore, #tpu.memory_space<semaphore_mem>>) src(%dma_wait3A_27 : memref<128xi32, #tpu.memory_space<hbm>>) dst(%arg8 : memref<128xi32, #tpu.memory_space<vmem>>)
          tpu.yield
        }) : () -> ()
        %dma_start3A = arith.constant 0 : i32
        %dma_start3A_14 = arith.constant 0 : i32
        %dma_start3A_15 = tpu.memref_slice %arg2[%dma_start3A, %dma_start3A_14] : memref<10000x128xf32, #tpu.memory_space<hbm>> -> memref<10000x128xf32, #tpu.memory_space<hbm>>
        tpu.enqueue_indirect_dma source(%dma_start3A_15 : memref<10000x128xf32, #tpu.memory_space<hbm>>) target(%arg9 : memref<128x128xf32, #tpu.memory_space<vmem>>) offsets(%arg7 : memref<128xi32, #tpu.memory_space<vmem>>) semaphore(%arg11 : memref<!tpu.dma_semaphore, #tpu.memory_space<semaphore_mem>>)
        %dma_start3A_16 = arith.constant 0 : i32
        %dma_start3A_17 = arith.constant 0 : i32
        %dma_start3A_18 = tpu.memref_slice %arg2[%dma_start3A_16, %dma_start3A_17] : memref<10000x128xf32, #tpu.memory_space<hbm>> -> memref<10000x128xf32, #tpu.memory_space<hbm>>
        tpu.enqueue_indirect_dma source(%dma_start3A_18 : memref<10000x128xf32, #tpu.memory_space<hbm>>) target(%arg10 : memref<128x128xf32, #tpu.memory_space<vmem>>) offsets(%arg8 : memref<128xi32, #tpu.memory_space<vmem>>) semaphore(%arg12 : memref<!tpu.dma_semaphore, #tpu.memory_space<semaphore_mem>>)
        %dma_wait3A = arith.constant 0 : i32
        %dma_wait3A_19 = arith.constant 0 : i32
        %dma_wait3A_20 = tpu.memref_slice %arg2[%dma_wait3A, %dma_wait3A_19] : memref<10000x128xf32, #tpu.memory_space<hbm>> -> memref<10000x128xf32, #tpu.memory_space<hbm>>
        tpu.wait_indirect_dma semaphore(%arg11 : memref<!tpu.dma_semaphore, #tpu.memory_space<semaphore_mem>>) src(%dma_wait3A_20 : memref<10000x128xf32, #tpu.memory_space<hbm>>) dst(%arg9 : memref<128x128xf32, #tpu.memory_space<vmem>>)
        %dma_wait3A_21 = arith.constant 0 : i32
        %dma_wait3A_22 = arith.constant 0 : i32
        %dma_wait3A_23 = tpu.memref_slice %arg2[%dma_wait3A_21, %dma_wait3A_22] : memref<10000x128xf32, #tpu.memory_space<hbm>> -> memref<10000x128xf32, #tpu.memory_space<hbm>>
        tpu.wait_indirect_dma semaphore(%arg12 : memref<!tpu.dma_semaphore, #tpu.memory_space<semaphore_mem>>) src(%dma_wait3A_23 : memref<10000x128xf32, #tpu.memory_space<hbm>>) dst(%arg10 : memref<128x128xf32, #tpu.memory_space<vmem>>)
        "tpu.region"() ({
          %run_scoped3A = tpu.sem_alloc : memref<!tpu.dma_semaphore, #tpu.memory_space<semaphore_mem>>
          %dma_start3A_24 = arith.constant 0 : i32
          %dma_start3A_25 = tpu.memref_slice %arg5[%mul3A_13, %dma_start3A_24] : memref<320000x128xf32, #tpu.memory_space<hbm>> -> memref<128x128xf32, #tpu.memory_space<hbm>>
          %dma_start3A_26 = arith.constant 0 : i32
          %dma_start3A_27 = tpu.memref_slice %arg5[%mul3A_13, %dma_start3A_26] : memref<320000x128xf32, #tpu.memory_space<hbm>> -> memref<128x128xf32, #tpu.memory_space<hbm>>
          tpu.enqueue_dma source(%arg9 : memref<128x128xf32, #tpu.memory_space<vmem>>) target(%dma_start3A_27 : memref<128x128xf32, #tpu.memory_space<hbm>>) target_semaphore(%run_scoped3A : memref<!tpu.dma_semaphore, #tpu.memory_space<semaphore_mem>>)
          %dma_wait3A_28 = arith.constant 0 : i32
          %dma_wait3A_29 = tpu.memref_slice %arg5[%mul3A_13, %dma_wait3A_28] : memref<320000x128xf32, #tpu.memory_space<hbm>> -> memref<128x128xf32, #tpu.memory_space<hbm>>
          %dma_wait3A_30 = arith.constant 0 : i32
          %dma_wait3A_31 = tpu.memref_slice %arg5[%mul3A_13, %dma_wait3A_30] : memref<320000x128xf32, #tpu.memory_space<hbm>> -> memref<128x128xf32, #tpu.memory_space<hbm>>
          tpu.wait_dma2 semaphore(%run_scoped3A : memref<!tpu.dma_semaphore, #tpu.memory_space<semaphore_mem>>) src(%arg9 : memref<128x128xf32, #tpu.memory_space<vmem>>) dst(%dma_wait3A_31 : memref<128x128xf32, #tpu.memory_space<hbm>>)
          tpu.yield
        }) : () -> ()
        "tpu.region"() ({
          %run_scoped3A = tpu.sem_alloc : memref<!tpu.dma_semaphore, #tpu.memory_space<semaphore_mem>>
          %dma_start3A_24 = arith.constant 0 : i32
          %dma_start3A_25 = tpu.memref_slice %arg6[%mul3A_13, %dma_start3A_24] : memref<320000x128xf32, #tpu.memory_space<hbm>> -> memref<128x128xf32, #tpu.memory_space<hbm>>
          %dma_start3A_26 = arith.constant 0 : i32
          %dma_start3A_27 = tpu.memref_slice %arg6[%mul3A_13, %dma_start3A_26] : memref<320000x128xf32, #tpu.memory_space<hbm>> -> memref<128x128xf32, #tpu.memory_space<hbm>>
          tpu.enqueue_dma source(%arg10 : memref<128x128xf32, #tpu.memory_space<vmem>>) target(%dma_start3A_27 : memref<128x128xf32, #tpu.memory_space<hbm>>) target_semaphore(%run_scoped3A : memref<!tpu.dma_semaphore, #tpu.memory_space<semaphore_mem>>)
          %dma_wait3A_28 = arith.constant 0 : i32
          %dma_wait3A_29 = tpu.memref_slice %arg6[%mul3A_13, %dma_wait3A_28] : memref<320000x128xf32, #tpu.memory_space<hbm>> -> memref<128x128xf32, #tpu.memory_space<hbm>>
          %dma_wait3A_30 = arith.constant 0 : i32
          %dma_wait3A_31 = tpu.memref_slice %arg6[%mul3A_13, %dma_wait3A_30] : memref<320000x128xf32, #tpu.memory_space<hbm>> -> memref<128x128xf32, #tpu.memory_space<hbm>>
          tpu.wait_dma2 semaphore(%run_scoped3A : memref<!tpu.dma_semaphore, #tpu.memory_space<semaphore_mem>>) src(%arg10 : memref<128x128xf32, #tpu.memory_space<vmem>>) dst(%dma_wait3A_31 : memref<128x128xf32, #tpu.memory_space<hbm>>)
          tpu.yield
        }) : () -> ()
      } else {
      }
    }
    %scan3A_5 = arith.constant 79 : i32
    return
  }
}

#map = affine_map<(d0, d1) -> (0, 0)>
#map1 = affine_map<(d0, d1) -> (0)>
#map2 = affine_map<(d0, d1) -> (0, 0, 0)>
module attributes {stable_mosaic.version = 14 : i64} {
  func.func @k(%arg0: i32, %arg1: i32, %arg2: memref<320000x128xf32, #tpu.memory_space<hbm>>, %arg3: memref<320000xi32, #tpu.memory_space<hbm>>, %arg4: memref<10000x128xf32, #tpu.memory_space<hbm>>, %arg5: memref<2x10000x128xf32, #tpu.memory_space<hbm>>, %arg6: memref<1x128xi32, #tpu.memory_space<vmem>>, %arg7: memref<128x128xf32, #tpu.memory_space<vmem>>, %arg8: memref<10000x128xf32, #tpu.memory_space<vmem_shared>>) attributes {dimension_semantics = [#tpu.dimension_semantics<core_parallel>, #tpu.dimension_semantics<subcore_parallel>], iteration_bounds = array<i64: 2, 16>, scalar_prefetch = 0 : i64, scratch_operands = 3 : i64, tpu.core_type = #tpu.core_type<sc_vector_subcore>, window_params = [{transform_indices = #map}, {transform_indices = #map1}, {transform_indices = #map}, {transform_indices = #map2}]} {
    %mul3A = arith.constant 2 : i32
    %mul3A_0 = arith.muli %arg1, %mul3A : i32
    %add3A = arith.addi %mul3A_0, %arg0 : i32
    %scan3A = arith.constant 0 : i32
    %scan3A_1 = arith.constant 0 : i32
    %scan3A_2 = arith.constant 8 : i32
    %scan3A_3 = arith.addi %scan3A_1, %scan3A_2 : i32
    %scan3A_4 = arith.constant 1 : i32
    scf.for %scan3A_19 = %scan3A_1 to %scan3A_3 step %scan3A_4  : i32 {
      %mul3A_20 = arith.constant 16 : i32
      %mul3A_21 = arith.muli %scan3A_19, %mul3A_20 : i32
      %add3A_22 = arith.addi %mul3A_21, %arg1 : i32
      %lt3A = arith.constant 125 : i32
      %lt3A_23 = arith.cmpi slt, %add3A_22, %lt3A : i32
      %convert_element_type3A = arith.extui %lt3A_23 : i1 to i32
      %cond3A = arith.constant 0 : i32
      %cond3A_24 = arith.cmpi ne, %convert_element_type3A, %cond3A : i32
      scf.if %cond3A_24 {
        %mul3A_25 = arith.constant 80 : i32
        %mul3A_26 = arith.muli %add3A_22, %mul3A_25 : i32
        %mul3A_27 = arith.constant 80 : i32
        %mul3A_28 = arith.muli %add3A_22, %mul3A_27 : i32
        "tpu.region"() ({
          %run_scoped3A = tpu.sem_alloc : memref<!tpu.dma_semaphore, #tpu.memory_space<semaphore_mem>>
          %dma_start3A = arith.constant 0 : i32
          %dma_start3A_29 = tpu.memref_slice %arg8[%mul3A_28, %dma_start3A] : memref<10000x128xf32, #tpu.memory_space<vmem_shared>> -> memref<80x128xf32, #tpu.memory_space<vmem_shared>>
          %dma_start3A_30 = arith.constant 0 : i32
          %dma_start3A_31 = tpu.memref_slice %arg4[%mul3A_26, %dma_start3A_30] : memref<10000x128xf32, #tpu.memory_space<hbm>> -> memref<80x128xf32, #tpu.memory_space<hbm>>
          tpu.enqueue_dma source(%dma_start3A_31 : memref<80x128xf32, #tpu.memory_space<hbm>>) target(%dma_start3A_29 : memref<80x128xf32, #tpu.memory_space<vmem_shared>>) target_semaphore(%run_scoped3A : memref<!tpu.dma_semaphore, #tpu.memory_space<semaphore_mem>>)
          %dma_wait3A = arith.constant 0 : i32
          %dma_wait3A_32 = tpu.memref_slice %arg8[%mul3A_28, %dma_wait3A] : memref<10000x128xf32, #tpu.memory_space<vmem_shared>> -> memref<80x128xf32, #tpu.memory_space<vmem_shared>>
          %dma_wait3A_33 = arith.constant 0 : i32
          %dma_wait3A_34 = tpu.memref_slice %arg4[%mul3A_26, %dma_wait3A_33] : memref<10000x128xf32, #tpu.memory_space<hbm>> -> memref<80x128xf32, #tpu.memory_space<hbm>>
          tpu.wait_dma2 semaphore(%run_scoped3A : memref<!tpu.dma_semaphore, #tpu.memory_space<semaphore_mem>>) src(%dma_wait3A_34 : memref<80x128xf32, #tpu.memory_space<hbm>>) dst(%dma_wait3A_32 : memref<80x128xf32, #tpu.memory_space<vmem_shared>>)
          tpu.yield
        }) : () -> ()
      } else {
      }
    }
    %scan3A_5 = arith.constant 8 : i32
    %barrier3A = arith.constant 0 : index
    tpu.barrier barrier_id(%barrier3A)
    %scan3A_6 = arith.constant 0 : i32
    %scan3A_7 = arith.constant 0 : i32
    %scan3A_8 = arith.constant 79 : i32
    %scan3A_9 = arith.addi %scan3A_7, %scan3A_8 : i32
    %scan3A_10 = arith.constant 1 : i32
    scf.for %scan3A_19 = %scan3A_7 to %scan3A_9 step %scan3A_10  : i32 {
      %mul3A_20 = arith.constant 32 : i32
      %mul3A_21 = arith.muli %scan3A_19, %mul3A_20 : i32
      %add3A_22 = arith.addi %mul3A_21, %add3A : i32
      %lt3A = arith.constant 2500 : i32
      %lt3A_23 = arith.cmpi slt, %add3A_22, %lt3A : i32
      %convert_element_type3A = arith.extui %lt3A_23 : i1 to i32
      %cond3A = arith.constant 0 : i32
      %cond3A_24 = arith.cmpi ne, %convert_element_type3A, %cond3A : i32
      scf.if %cond3A_24 {
        %mul3A_25 = arith.constant 128 : i32
        %mul3A_26 = arith.muli %add3A_22, %mul3A_25 : i32
        %run_scoped3A = arith.constant 0 : i32
        "tpu.region"() ({
          %run_scoped3A_28 = tpu.sem_alloc : memref<!tpu.dma_semaphore, #tpu.memory_space<semaphore_mem>>
          %dma_start3A = arith.constant 0 : i32
          %dma_start3A_29 = tpu.memref_slice %arg6[%run_scoped3A, %dma_start3A] : memref<1x128xi32, #tpu.memory_space<vmem>> -> memref<1x128xi32, #tpu.memory_space<vmem>>
          %dma_start3A_30 = tpu.memref_squeeze %dma_start3A_29 : memref<1x128xi32, #tpu.memory_space<vmem>> -> memref<128xi32, #tpu.memory_space<vmem>>
          %dma_start3A_31 = tpu.memref_slice %arg3[%mul3A_26] : memref<320000xi32, #tpu.memory_space<hbm>> -> memref<128xi32, #tpu.memory_space<hbm>>
          %dma_start3A_32 = arith.constant 0 : i32
          %dma_start3A_33 = tpu.memref_slice %arg6[%run_scoped3A, %dma_start3A_32] : memref<1x128xi32, #tpu.memory_space<vmem>> -> memref<1x128xi32, #tpu.memory_space<vmem>>
          %dma_start3A_34 = tpu.memref_squeeze %dma_start3A_33 : memref<1x128xi32, #tpu.memory_space<vmem>> -> memref<128xi32, #tpu.memory_space<vmem>>
          %dma_start3A_35 = tpu.memref_slice %arg3[%mul3A_26] : memref<320000xi32, #tpu.memory_space<hbm>> -> memref<128xi32, #tpu.memory_space<hbm>>
          tpu.enqueue_dma source(%dma_start3A_35 : memref<128xi32, #tpu.memory_space<hbm>>) target(%dma_start3A_34 : memref<128xi32, #tpu.memory_space<vmem>>) target_semaphore(%run_scoped3A_28 : memref<!tpu.dma_semaphore, #tpu.memory_space<semaphore_mem>>)
          %dma_wait3A = arith.constant 0 : i32
          %dma_wait3A_36 = tpu.memref_slice %arg6[%run_scoped3A, %dma_wait3A] : memref<1x128xi32, #tpu.memory_space<vmem>> -> memref<1x128xi32, #tpu.memory_space<vmem>>
          %dma_wait3A_37 = tpu.memref_squeeze %dma_wait3A_36 : memref<1x128xi32, #tpu.memory_space<vmem>> -> memref<128xi32, #tpu.memory_space<vmem>>
          %dma_wait3A_38 = tpu.memref_slice %arg3[%mul3A_26] : memref<320000xi32, #tpu.memory_space<hbm>> -> memref<128xi32, #tpu.memory_space<hbm>>
          %dma_wait3A_39 = arith.constant 0 : i32
          %dma_wait3A_40 = tpu.memref_slice %arg6[%run_scoped3A, %dma_wait3A_39] : memref<1x128xi32, #tpu.memory_space<vmem>> -> memref<1x128xi32, #tpu.memory_space<vmem>>
          %dma_wait3A_41 = tpu.memref_squeeze %dma_wait3A_40 : memref<1x128xi32, #tpu.memory_space<vmem>> -> memref<128xi32, #tpu.memory_space<vmem>>
          %dma_wait3A_42 = tpu.memref_slice %arg3[%mul3A_26] : memref<320000xi32, #tpu.memory_space<hbm>> -> memref<128xi32, #tpu.memory_space<hbm>>
          tpu.wait_dma2 semaphore(%run_scoped3A_28 : memref<!tpu.dma_semaphore, #tpu.memory_space<semaphore_mem>>) src(%dma_wait3A_42 : memref<128xi32, #tpu.memory_space<hbm>>) dst(%dma_wait3A_41 : memref<128xi32, #tpu.memory_space<vmem>>)
          tpu.yield
        }) : () -> ()
        "tpu.region"() ({
          %run_scoped3A_28 = tpu.sem_alloc : memref<!tpu.dma_semaphore, #tpu.memory_space<semaphore_mem>>
          %dma_start3A = arith.constant 0 : i32
          %dma_start3A_29 = tpu.memref_slice %arg2[%mul3A_26, %dma_start3A] : memref<320000x128xf32, #tpu.memory_space<hbm>> -> memref<128x128xf32, #tpu.memory_space<hbm>>
          %dma_start3A_30 = arith.constant 0 : i32
          %dma_start3A_31 = tpu.memref_slice %arg2[%mul3A_26, %dma_start3A_30] : memref<320000x128xf32, #tpu.memory_space<hbm>> -> memref<128x128xf32, #tpu.memory_space<hbm>>
          tpu.enqueue_dma source(%dma_start3A_31 : memref<128x128xf32, #tpu.memory_space<hbm>>) target(%arg7 : memref<128x128xf32, #tpu.memory_space<vmem>>) target_semaphore(%run_scoped3A_28 : memref<!tpu.dma_semaphore, #tpu.memory_space<semaphore_mem>>)
          %dma_wait3A = arith.constant 0 : i32
          %dma_wait3A_32 = tpu.memref_slice %arg2[%mul3A_26, %dma_wait3A] : memref<320000x128xf32, #tpu.memory_space<hbm>> -> memref<128x128xf32, #tpu.memory_space<hbm>>
          %dma_wait3A_33 = arith.constant 0 : i32
          %dma_wait3A_34 = tpu.memref_slice %arg2[%mul3A_26, %dma_wait3A_33] : memref<320000x128xf32, #tpu.memory_space<hbm>> -> memref<128x128xf32, #tpu.memory_space<hbm>>
          tpu.wait_dma2 semaphore(%run_scoped3A_28 : memref<!tpu.dma_semaphore, #tpu.memory_space<semaphore_mem>>) src(%dma_wait3A_34 : memref<128x128xf32, #tpu.memory_space<hbm>>) dst(%arg7 : memref<128x128xf32, #tpu.memory_space<vmem>>)
          tpu.yield
        }) : () -> ()
        %run_scoped3A_27 = arith.constant 0 : i32
        "tpu.region"() ({
          %run_scoped3A_28 = tpu.sem_alloc : memref<!tpu.dma_semaphore, #tpu.memory_space<semaphore_mem>>
          %dma_start3A = arith.constant 0 : i32
          %dma_start3A_29 = tpu.memref_slice %arg6[%run_scoped3A_27, %dma_start3A] : memref<1x128xi32, #tpu.memory_space<vmem>> -> memref<1x128xi32, #tpu.memory_space<vmem>>
          %dma_start3A_30 = tpu.memref_squeeze %dma_start3A_29 : memref<1x128xi32, #tpu.memory_space<vmem>> -> memref<128xi32, #tpu.memory_space<vmem>>
          %dma_start3A_31 = arith.constant 0 : i32
          %dma_start3A_32 = arith.constant 0 : i32
          %dma_start3A_33 = tpu.memref_slice %arg8[%dma_start3A_31, %dma_start3A_32] : memref<10000x128xf32, #tpu.memory_space<vmem_shared>> -> memref<10000x128xf32, #tpu.memory_space<vmem_shared>>
          tpu.enqueue_indirect_dma source(%arg7 : memref<128x128xf32, #tpu.memory_space<vmem>>) target(%dma_start3A_33 : memref<10000x128xf32, #tpu.memory_space<vmem_shared>>) offsets(%dma_start3A_30 : memref<128xi32, #tpu.memory_space<vmem>>) semaphore(%run_scoped3A_28 : memref<!tpu.dma_semaphore, #tpu.memory_space<semaphore_mem>>) {add = true}
          %dma_wait3A = arith.constant 0 : i32
          %dma_wait3A_34 = tpu.memref_slice %arg6[%run_scoped3A_27, %dma_wait3A] : memref<1x128xi32, #tpu.memory_space<vmem>> -> memref<1x128xi32, #tpu.memory_space<vmem>>
          %dma_wait3A_35 = tpu.memref_squeeze %dma_wait3A_34 : memref<1x128xi32, #tpu.memory_space<vmem>> -> memref<128xi32, #tpu.memory_space<vmem>>
          %dma_wait3A_36 = arith.constant 0 : i32
          %dma_wait3A_37 = arith.constant 0 : i32
          %dma_wait3A_38 = tpu.memref_slice %arg8[%dma_wait3A_36, %dma_wait3A_37] : memref<10000x128xf32, #tpu.memory_space<vmem_shared>> -> memref<10000x128xf32, #tpu.memory_space<vmem_shared>>
          tpu.wait_indirect_dma semaphore(%run_scoped3A_28 : memref<!tpu.dma_semaphore, #tpu.memory_space<semaphore_mem>>) src(%arg7 : memref<128x128xf32, #tpu.memory_space<vmem>>) dst(%dma_wait3A_38 : memref<10000x128xf32, #tpu.memory_space<vmem_shared>>)
          tpu.yield
        }) : () -> ()
      } else {
      }
    }
    %scan3A_11 = arith.constant 79 : i32
    %barrier3A_12 = arith.constant 0 : index
    tpu.barrier barrier_id(%barrier3A_12)
    %scan3A_13 = arith.constant 0 : i32
    %scan3A_14 = arith.constant 0 : i32
    %scan3A_15 = arith.constant 8 : i32
    %scan3A_16 = arith.addi %scan3A_14, %scan3A_15 : i32
    %scan3A_17 = arith.constant 1 : i32
    scf.for %scan3A_19 = %scan3A_14 to %scan3A_16 step %scan3A_17  : i32 {
      %mul3A_20 = arith.constant 16 : i32
      %mul3A_21 = arith.muli %scan3A_19, %mul3A_20 : i32
      %add3A_22 = arith.addi %mul3A_21, %arg1 : i32
      %lt3A = arith.constant 125 : i32
      %lt3A_23 = arith.cmpi slt, %add3A_22, %lt3A : i32
      %convert_element_type3A = arith.extui %lt3A_23 : i1 to i32
      %cond3A = arith.constant 0 : i32
      %cond3A_24 = arith.cmpi ne, %convert_element_type3A, %cond3A : i32
      scf.if %cond3A_24 {
        %mul3A_25 = arith.constant 80 : i32
        %mul3A_26 = arith.muli %add3A_22, %mul3A_25 : i32
        %mul3A_27 = arith.constant 80 : i32
        %mul3A_28 = arith.muli %add3A_22, %mul3A_27 : i32
        "tpu.region"() ({
          %run_scoped3A = tpu.sem_alloc : memref<!tpu.dma_semaphore, #tpu.memory_space<semaphore_mem>>
          %dma_start3A = arith.constant 0 : i32
          %dma_start3A_29 = tpu.memref_slice %arg5[%arg0, %mul3A_28, %dma_start3A] : memref<2x10000x128xf32, #tpu.memory_space<hbm>> -> memref<1x80x128xf32, #tpu.memory_space<hbm>>
          %dma_start3A_30 = tpu.memref_squeeze %dma_start3A_29 : memref<1x80x128xf32, #tpu.memory_space<hbm>> -> memref<80x128xf32, #tpu.memory_space<hbm>>
          %dma_start3A_31 = arith.constant 0 : i32
          %dma_start3A_32 = tpu.memref_slice %arg8[%mul3A_26, %dma_start3A_31] : memref<10000x128xf32, #tpu.memory_space<vmem_shared>> -> memref<80x128xf32, #tpu.memory_space<vmem_shared>>
          tpu.enqueue_dma source(%dma_start3A_32 : memref<80x128xf32, #tpu.memory_space<vmem_shared>>) target(%dma_start3A_30 : memref<80x128xf32, #tpu.memory_space<hbm>>) target_semaphore(%run_scoped3A : memref<!tpu.dma_semaphore, #tpu.memory_space<semaphore_mem>>)
          %dma_wait3A = arith.constant 0 : i32
          %dma_wait3A_33 = tpu.memref_slice %arg5[%arg0, %mul3A_28, %dma_wait3A] : memref<2x10000x128xf32, #tpu.memory_space<hbm>> -> memref<1x80x128xf32, #tpu.memory_space<hbm>>
          %dma_wait3A_34 = tpu.memref_squeeze %dma_wait3A_33 : memref<1x80x128xf32, #tpu.memory_space<hbm>> -> memref<80x128xf32, #tpu.memory_space<hbm>>
          %dma_wait3A_35 = arith.constant 0 : i32
          %dma_wait3A_36 = tpu.memref_slice %arg8[%mul3A_26, %dma_wait3A_35] : memref<10000x128xf32, #tpu.memory_space<vmem_shared>> -> memref<80x128xf32, #tpu.memory_space<vmem_shared>>
          tpu.wait_dma2 semaphore(%run_scoped3A : memref<!tpu.dma_semaphore, #tpu.memory_space<semaphore_mem>>) src(%dma_wait3A_36 : memref<80x128xf32, #tpu.memory_space<vmem_shared>>) dst(%dma_wait3A_34 : memref<80x128xf32, #tpu.memory_space<hbm>>)
          tpu.yield
        }) : () -> ()
      } else {
      }
    }
    %scan3A_18 = arith.constant 8 : i32
    return
  }
}

module attributes {stable_mosaic.version = 14 : i64} {
  func.func @_enc_body(%arg0: i32, %arg1: memref<2000x70xf32, #tpu.memory_space<vmem>>, %arg2: memref<70x128xf32, #tpu.memory_space<vmem>>, %arg3: memref<1x128xf32, #tpu.memory_space<vmem>>, %arg4: memref<1x128xf32, #tpu.memory_space<vmem>>, %arg5: memref<1x128xf32, #tpu.memory_space<vmem>>, %arg6: memref<2000x128xf32, #tpu.memory_space<vmem>>) attributes {dimension_semantics = [#tpu.dimension_semantics<arbitrary>], iteration_bounds = array<i64: 5>, scalar_prefetch = 0 : i64, scratch_operands = 0 : i64, tpu.core_type = #tpu.core_type<tc>, window_params = [{transform_indices = @transform_0, window_bounds = array<i64: 2000, 70>}, {pipeline_mode = #tpu.pipeline_mode<synchronous>, transform_indices = @transform_1, window_bounds = array<i64: 70, 128>}, {pipeline_mode = #tpu.pipeline_mode<synchronous>, transform_indices = @transform_2, window_bounds = array<i64: 1, 128>}, {pipeline_mode = #tpu.pipeline_mode<synchronous>, transform_indices = @transform_3, window_bounds = array<i64: 1, 128>}, {pipeline_mode = #tpu.pipeline_mode<synchronous>, transform_indices = @transform_4, window_bounds = array<i64: 1, 128>}, {transform_indices = @transform_5, window_bounds = array<i64: 2000, 128>}]} {
    %get3A = arith.constant 0 : index
    %get3A_0 = arith.constant 0 : index
    %get3A_1 = vector.load %arg1[%get3A, %get3A_0] : memref<2000x70xf32, #tpu.memory_space<vmem>>, vector<2000x70xf32>
    %get3A_2 = arith.constant 0 : index
    %get3A_3 = arith.constant 0 : index
    %get3A_4 = vector.load %arg2[%get3A_2, %get3A_3] : memref<70x128xf32, #tpu.memory_space<vmem>>, vector<70x128xf32>
    %dot_general3A = arith.constant dense<0.000000e+00> : vector<2000x128xf32>
    %dot_general3A_5 = tpu.matmul %get3A_1, %get3A_4, %dot_general3A {dimension_numbers = #tpu.dot_dimension_numbers<[1], [0], [0], [1], [0, 0, 1, 1], [], []>, transpose_lhs_hint = false} : vector<2000x70xf32>, vector<70x128xf32>, vector<2000x128xf32> -> vector<2000x128xf32>
    %get3A_6 = arith.constant 0 : index
    %get3A_7 = arith.constant 0 : index
    %get3A_8 = vector.load %arg3[%get3A_6, %get3A_7] : memref<1x128xf32, #tpu.memory_space<vmem>>, vector<1x128xf32>
    %add3A = vector.broadcast %get3A_8 : vector<1x128xf32> to vector<2000x128xf32>
    %add3A_9 = arith.addf %dot_general3A_5, %add3A : vector<2000x128xf32>
    %get3A_10 = arith.constant 0 : index
    %get3A_11 = arith.constant 0 : index
    %get3A_12 = vector.load %arg4[%get3A_10, %get3A_11] : memref<1x128xf32, #tpu.memory_space<vmem>>, vector<1x128xf32>
    %get3A_13 = arith.constant 0 : index
    %get3A_14 = arith.constant 0 : index
    %get3A_15 = vector.load %arg5[%get3A_13, %get3A_14] : memref<1x128xf32, #tpu.memory_space<vmem>>, vector<1x128xf32>
    %reduce_sum3A = arith.constant dense<0.000000e+00> : vector<2000xf32>
    %reduce_sum3A_16 = vector.multi_reduction <add>, %add3A_9, %reduce_sum3A [1] : vector<2000x128xf32> to vector<2000xf32>
    %broadcast_in_dim3A = vector.shape_cast %reduce_sum3A_16 : vector<2000xf32> to vector<2000x1xf32>
    %div3A = arith.constant 1.280000e+02 : f32
    %div3A_17 = vector.broadcast %div3A : f32 to vector<2000x1xf32>
    %div3A_18 = arith.divf %broadcast_in_dim3A, %div3A_17 : vector<2000x1xf32>
    %sub3A = vector.broadcast %div3A_18 : vector<2000x1xf32> to vector<2000x128xf32>
    %sub3A_19 = arith.subf %add3A_9, %sub3A : vector<2000x128xf32>
    %integer_pow3A = arith.mulf %sub3A_19, %sub3A_19 : vector<2000x128xf32>
    %reduce_sum3A_20 = arith.constant dense<0.000000e+00> : vector<2000xf32>
    %reduce_sum3A_21 = vector.multi_reduction <add>, %integer_pow3A, %reduce_sum3A_20 [1] : vector<2000x128xf32> to vector<2000xf32>
    %broadcast_in_dim3A_22 = vector.shape_cast %reduce_sum3A_21 : vector<2000xf32> to vector<2000x1xf32>
    %div3A_23 = arith.constant 1.280000e+02 : f32
    %div3A_24 = vector.broadcast %div3A_23 : f32 to vector<2000x1xf32>
    %div3A_25 = arith.divf %broadcast_in_dim3A_22, %div3A_24 : vector<2000x1xf32>
    %sub3A_26 = vector.broadcast %div3A_18 : vector<2000x1xf32> to vector<2000x128xf32>
    %sub3A_27 = arith.subf %add3A_9, %sub3A_26 : vector<2000x128xf32>
    %add3A_28 = arith.constant 9.99999974E-6 : f32
    %add3A_29 = vector.broadcast %add3A_28 : f32 to vector<2000x1xf32>
    %add3A_30 = arith.addf %div3A_25, %add3A_29 : vector<2000x1xf32>
    %rsqrt3A = math.rsqrt %add3A_30 : vector<2000x1xf32>
    %mul3A = vector.broadcast %rsqrt3A : vector<2000x1xf32> to vector<2000x128xf32>
    %mul3A_31 = arith.mulf %sub3A_27, %mul3A : vector<2000x128xf32>
    %mul3A_32 = vector.broadcast %get3A_12 : vector<1x128xf32> to vector<2000x128xf32>
    %mul3A_33 = arith.mulf %mul3A_31, %mul3A_32 : vector<2000x128xf32>
    %add3A_34 = vector.broadcast %get3A_15 : vector<1x128xf32> to vector<2000x128xf32>
    %add3A_35 = arith.addf %mul3A_33, %add3A_34 : vector<2000x128xf32>
    %max3A = arith.constant 0.000000e+00 : f32
    %max3A_36 = vector.broadcast %max3A : f32 to vector<2000x128xf32>
    %max3A_37 = arith.maximumf %add3A_35, %max3A_36 : vector<2000x128xf32>
    %swap3A = arith.constant 0 : index
    %swap3A_38 = arith.constant 0 : index
    %swap3A_39 = vector.load %arg6[%swap3A, %swap3A_38] : memref<2000x128xf32, #tpu.memory_space<vmem>>, vector<2000x128xf32>
    tpu.vector_store %arg6[%swap3A, %swap3A_38], %max3A_37 {strides = array<i32>} : memref<2000x128xf32, #tpu.memory_space<vmem>>, vector<2000x128xf32>,
    return
  }
  func.func @transform_0(%arg0: i32) -> (i32, i32) {
    %c0_i32 = arith.constant 0 : i32
    %c0_i32_0 = arith.constant 0 : i32
    return %arg0, %c0_i32 : i32, i32
  }
  func.func @transform_1(%arg0: i32) -> (i32, i32) {
    %c0_i32 = arith.constant 0 : i32
    %c0_i32_0 = arith.constant 0 : i32
    %c0_i32_1 = arith.constant 0 : i32
    return %c0_i32, %c0_i32_0 : i32, i32
  }
  func.func @transform_2(%arg0: i32) -> (i32, i32) {
    %c0_i32 = arith.constant 0 : i32
    %c0_i32_0 = arith.constant 0 : i32
    %c0_i32_1 = arith.constant 0 : i32
    return %c0_i32, %c0_i32_0 : i32, i32
  }
  func.func @transform_3(%arg0: i32) -> (i32, i32) {
    %c0_i32 = arith.constant 0 : i32
    %c0_i32_0 = arith.constant 0 : i32
    %c0_i32_1 = arith.constant 0 : i32
    return %c0_i32, %c0_i32_0 : i32, i32
  }
  func.func @transform_4(%arg0: i32) -> (i32, i32) {
    %c0_i32 = arith.constant 0 : i32
    %c0_i32_0 = arith.constant 0 : i32
    %c0_i32_1 = arith.constant 0 : i32
    return %c0_i32, %c0_i32_0 : i32, i32
  }
  func.func @transform_5(%arg0: i32) -> (i32, i32) {
    %c0_i32 = arith.constant 0 : i32
    %c0_i32_0 = arith.constant 0 : i32
    return %arg0, %c0_i32 : i32, i32
  }
}

module attributes {stable_mosaic.version = 14 : i64} {
  func.func @_enc_body(%arg0: i32, %arg1: memref<4000x16xf32, #tpu.memory_space<vmem>>, %arg2: memref<16x128xf32, #tpu.memory_space<vmem>>, %arg3: memref<1x128xf32, #tpu.memory_space<vmem>>, %arg4: memref<1x128xf32, #tpu.memory_space<vmem>>, %arg5: memref<1x128xf32, #tpu.memory_space<vmem>>, %arg6: memref<4000x128xf32, #tpu.memory_space<vmem>>) attributes {dimension_semantics = [#tpu.dimension_semantics<arbitrary>], iteration_bounds = array<i64: 80>, scalar_prefetch = 0 : i64, scratch_operands = 0 : i64, tpu.core_type = #tpu.core_type<tc>, window_params = [{transform_indices = @transform_0, window_bounds = array<i64: 4000, 16>}, {pipeline_mode = #tpu.pipeline_mode<synchronous>, transform_indices = @transform_1, window_bounds = array<i64: 16, 128>}, {pipeline_mode = #tpu.pipeline_mode<synchronous>, transform_indices = @transform_2, window_bounds = array<i64: 1, 128>}, {pipeline_mode = #tpu.pipeline_mode<synchronous>, transform_indices = @transform_3, window_bounds = array<i64: 1, 128>}, {pipeline_mode = #tpu.pipeline_mode<synchronous>, transform_indices = @transform_4, window_bounds = array<i64: 1, 128>}, {transform_indices = @transform_5, window_bounds = array<i64: 4000, 128>}]} {
    %get3A = arith.constant 0 : index
    %get3A_0 = arith.constant 0 : index
    %get3A_1 = vector.load %arg1[%get3A, %get3A_0] : memref<4000x16xf32, #tpu.memory_space<vmem>>, vector<4000x16xf32>
    %get3A_2 = arith.constant 0 : index
    %get3A_3 = arith.constant 0 : index
    %get3A_4 = vector.load %arg2[%get3A_2, %get3A_3] : memref<16x128xf32, #tpu.memory_space<vmem>>, vector<16x128xf32>
    %dot_general3A = arith.constant dense<0.000000e+00> : vector<4000x128xf32>
    %dot_general3A_5 = tpu.matmul %get3A_1, %get3A_4, %dot_general3A {dimension_numbers = #tpu.dot_dimension_numbers<[1], [0], [0], [1], [0, 0, 1, 1], [], []>, transpose_lhs_hint = false} : vector<4000x16xf32>, vector<16x128xf32>, vector<4000x128xf32> -> vector<4000x128xf32>
    %get3A_6 = arith.constant 0 : index
    %get3A_7 = arith.constant 0 : index
    %get3A_8 = vector.load %arg3[%get3A_6, %get3A_7] : memref<1x128xf32, #tpu.memory_space<vmem>>, vector<1x128xf32>
    %add3A = vector.broadcast %get3A_8 : vector<1x128xf32> to vector<4000x128xf32>
    %add3A_9 = arith.addf %dot_general3A_5, %add3A : vector<4000x128xf32>
    %get3A_10 = arith.constant 0 : index
    %get3A_11 = arith.constant 0 : index
    %get3A_12 = vector.load %arg4[%get3A_10, %get3A_11] : memref<1x128xf32, #tpu.memory_space<vmem>>, vector<1x128xf32>
    %get3A_13 = arith.constant 0 : index
    %get3A_14 = arith.constant 0 : index
    %get3A_15 = vector.load %arg5[%get3A_13, %get3A_14] : memref<1x128xf32, #tpu.memory_space<vmem>>, vector<1x128xf32>
    %reduce_sum3A = arith.constant dense<0.000000e+00> : vector<4000xf32>
    %reduce_sum3A_16 = vector.multi_reduction <add>, %add3A_9, %reduce_sum3A [1] : vector<4000x128xf32> to vector<4000xf32>
    %broadcast_in_dim3A = vector.shape_cast %reduce_sum3A_16 : vector<4000xf32> to vector<4000x1xf32>
    %div3A = arith.constant 1.280000e+02 : f32
    %div3A_17 = vector.broadcast %div3A : f32 to vector<4000x1xf32>
    %div3A_18 = arith.divf %broadcast_in_dim3A, %div3A_17 : vector<4000x1xf32>
    %sub3A = vector.broadcast %div3A_18 : vector<4000x1xf32> to vector<4000x128xf32>
    %sub3A_19 = arith.subf %add3A_9, %sub3A : vector<4000x128xf32>
    %integer_pow3A = arith.mulf %sub3A_19, %sub3A_19 : vector<4000x128xf32>
    %reduce_sum3A_20 = arith.constant dense<0.000000e+00> : vector<4000xf32>
    %reduce_sum3A_21 = vector.multi_reduction <add>, %integer_pow3A, %reduce_sum3A_20 [1] : vector<4000x128xf32> to vector<4000xf32>
    %broadcast_in_dim3A_22 = vector.shape_cast %reduce_sum3A_21 : vector<4000xf32> to vector<4000x1xf32>
    %div3A_23 = arith.constant 1.280000e+02 : f32
    %div3A_24 = vector.broadcast %div3A_23 : f32 to vector<4000x1xf32>
    %div3A_25 = arith.divf %broadcast_in_dim3A_22, %div3A_24 : vector<4000x1xf32>
    %sub3A_26 = vector.broadcast %div3A_18 : vector<4000x1xf32> to vector<4000x128xf32>
    %sub3A_27 = arith.subf %add3A_9, %sub3A_26 : vector<4000x128xf32>
    %add3A_28 = arith.constant 9.99999974E-6 : f32
    %add3A_29 = vector.broadcast %add3A_28 : f32 to vector<4000x1xf32>
    %add3A_30 = arith.addf %div3A_25, %add3A_29 : vector<4000x1xf32>
    %rsqrt3A = math.rsqrt %add3A_30 : vector<4000x1xf32>
    %mul3A = vector.broadcast %rsqrt3A : vector<4000x1xf32> to vector<4000x128xf32>
    %mul3A_31 = arith.mulf %sub3A_27, %mul3A : vector<4000x128xf32>
    %mul3A_32 = vector.broadcast %get3A_12 : vector<1x128xf32> to vector<4000x128xf32>
    %mul3A_33 = arith.mulf %mul3A_31, %mul3A_32 : vector<4000x128xf32>
    %add3A_34 = vector.broadcast %get3A_15 : vector<1x128xf32> to vector<4000x128xf32>
    %add3A_35 = arith.addf %mul3A_33, %add3A_34 : vector<4000x128xf32>
    %max3A = arith.constant 0.000000e+00 : f32
    %max3A_36 = vector.broadcast %max3A : f32 to vector<4000x128xf32>
    %max3A_37 = arith.maximumf %add3A_35, %max3A_36 : vector<4000x128xf32>
    %swap3A = arith.constant 0 : index
    %swap3A_38 = arith.constant 0 : index
    %swap3A_39 = vector.load %arg6[%swap3A, %swap3A_38] : memref<4000x128xf32, #tpu.memory_space<vmem>>, vector<4000x128xf32>
    tpu.vector_store %arg6[%swap3A, %swap3A_38], %max3A_37 {strides = array<i32>} : memref<4000x128xf32, #tpu.memory_space<vmem>>, vector<4000x128xf32>,
    return
  }
  func.func @transform_0(%arg0: i32) -> (i32, i32) {
    %c0_i32 = arith.constant 0 : i32
    %c0_i32_0 = arith.constant 0 : i32
    return %arg0, %c0_i32 : i32, i32
  }
  func.func @transform_1(%arg0: i32) -> (i32, i32) {
    %c0_i32 = arith.constant 0 : i32
    %c0_i32_0 = arith.constant 0 : i32
    %c0_i32_1 = arith.constant 0 : i32
    return %c0_i32, %c0_i32_0 : i32, i32
  }
  func.func @transform_2(%arg0: i32) -> (i32, i32) {
    %c0_i32 = arith.constant 0 : i32
    %c0_i32_0 = arith.constant 0 : i32
    %c0_i32_1 = arith.constant 0 : i32
    return %c0_i32, %c0_i32_0 : i32, i32
  }
  func.func @transform_3(%arg0: i32) -> (i32, i32) {
    %c0_i32 = arith.constant 0 : i32
    %c0_i32_0 = arith.constant 0 : i32
    %c0_i32_1 = arith.constant 0 : i32
    return %c0_i32, %c0_i32_0 : i32, i32
  }
  func.func @transform_4(%arg0: i32) -> (i32, i32) {
    %c0_i32 = arith.constant 0 : i32
    %c0_i32_0 = arith.constant 0 : i32
    %c0_i32_1 = arith.constant 0 : i32
    return %c0_i32, %c0_i32_0 : i32, i32
  }
  func.func @transform_5(%arg0: i32) -> (i32, i32) {
    %c0_i32 = arith.constant 0 : i32
    %c0_i32_0 = arith.constant 0 : i32
    return %arg0, %c0_i32 : i32, i32
  }
}

module attributes {stable_mosaic.version = 14 : i64} {
  func.func @_mlp_body(%arg0: i32, %arg1: memref<4000x128xf32, #tpu.memory_space<vmem>>, %arg2: memref<4000x128xf32, #tpu.memory_space<vmem>>, %arg3: memref<4000x128xf32, #tpu.memory_space<vmem>>, %arg4: memref<128x128xf32, #tpu.memory_space<vmem>>, %arg5: memref<128x128xf32, #tpu.memory_space<vmem>>, %arg6: memref<128x128xf32, #tpu.memory_space<vmem>>, %arg7: memref<1x128xf32, #tpu.memory_space<vmem>>, %arg8: memref<1x128xf32, #tpu.memory_space<vmem>>, %arg9: memref<1x128xf32, #tpu.memory_space<vmem>>, %arg10: memref<128x128xf32, #tpu.memory_space<vmem>>, %arg11: memref<1x128xf32, #tpu.memory_space<vmem>>, %arg12: memref<4000x128xf32, #tpu.memory_space<vmem>>) attributes {dimension_semantics = [#tpu.dimension_semantics<arbitrary>], iteration_bounds = array<i64: 80>, scalar_prefetch = 0 : i64, scratch_operands = 0 : i64, tpu.core_type = #tpu.core_type<tc>, window_params = [{transform_indices = @transform_0, window_bounds = array<i64: 4000, 128>}, {transform_indices = @transform_1, window_bounds = array<i64: 4000, 128>}, {transform_indices = @transform_2, window_bounds = array<i64: 4000, 128>}, {pipeline_mode = #tpu.pipeline_mode<synchronous>, transform_indices = @transform_3, window_bounds = array<i64: 128, 128>}, {pipeline_mode = #tpu.pipeline_mode<synchronous>, transform_indices = @transform_4, window_bounds = array<i64: 128, 128>}, {pipeline_mode = #tpu.pipeline_mode<synchronous>, transform_indices = @transform_5, window_bounds = array<i64: 128, 128>}, {pipeline_mode = #tpu.pipeline_mode<synchronous>, transform_indices = @transform_6, window_bounds = array<i64: 1, 128>}, {pipeline_mode = #tpu.pipeline_mode<synchronous>, transform_indices = @transform_7, window_bounds = array<i64: 1, 128>}, {pipeline_mode = #tpu.pipeline_mode<synchronous>, transform_indices = @transform_8, window_bounds = array<i64: 1, 128>}, {pipeline_mode = #tpu.pipeline_mode<synchronous>, transform_indices = @transform_9, window_bounds = array<i64: 128, 128>}, {pipeline_mode = #tpu.pipeline_mode<synchronous>, transform_indices = @transform_10, window_bounds = array<i64: 1, 128>}, {transform_indices = @transform_11, window_bounds = array<i64: 4000, 128>}]} {
    %get3A = arith.constant 0 : index
    %get3A_0 = arith.constant 0 : index
    %get3A_1 = vector.load %arg1[%get3A, %get3A_0] : memref<4000x128xf32, #tpu.memory_space<vmem>>, vector<4000x128xf32>
    %get3A_2 = arith.constant 0 : index
    %get3A_3 = arith.constant 0 : index
    %get3A_4 = vector.load %arg4[%get3A_2, %get3A_3] : memref<128x128xf32, #tpu.memory_space<vmem>>, vector<128x128xf32>
    %dot_general3A = arith.constant dense<0.000000e+00> : vector<4000x128xf32>
    %dot_general3A_5 = tpu.matmul %get3A_1, %get3A_4, %dot_general3A {dimension_numbers = #tpu.dot_dimension_numbers<[1], [0], [0], [1], [0, 0, 1, 1], [], []>, transpose_lhs_hint = false} : vector<4000x128xf32>, vector<128x128xf32>, vector<4000x128xf32> -> vector<4000x128xf32>
    %get3A_6 = arith.constant 0 : index
    %get3A_7 = arith.constant 0 : index
    %get3A_8 = vector.load %arg2[%get3A_6, %get3A_7] : memref<4000x128xf32, #tpu.memory_space<vmem>>, vector<4000x128xf32>
    %get3A_9 = arith.constant 0 : index
    %get3A_10 = arith.constant 0 : index
    %get3A_11 = vector.load %arg5[%get3A_9, %get3A_10] : memref<128x128xf32, #tpu.memory_space<vmem>>, vector<128x128xf32>
    %dot_general3A_12 = arith.constant dense<0.000000e+00> : vector<4000x128xf32>
    %dot_general3A_13 = tpu.matmul %get3A_8, %get3A_11, %dot_general3A_12 {dimension_numbers = #tpu.dot_dimension_numbers<[1], [0], [0], [1], [0, 0, 1, 1], [], []>, transpose_lhs_hint = false} : vector<4000x128xf32>, vector<128x128xf32>, vector<4000x128xf32> -> vector<4000x128xf32>
    %add3A = arith.addf %dot_general3A_5, %dot_general3A_13 : vector<4000x128xf32>
    %get3A_14 = arith.constant 0 : index
    %get3A_15 = arith.constant 0 : index
    %get3A_16 = vector.load %arg3[%get3A_14, %get3A_15] : memref<4000x128xf32, #tpu.memory_space<vmem>>, vector<4000x128xf32>
    %get3A_17 = arith.constant 0 : index
    %get3A_18 = arith.constant 0 : index
    %get3A_19 = vector.load %arg6[%get3A_17, %get3A_18] : memref<128x128xf32, #tpu.memory_space<vmem>>, vector<128x128xf32>
    %dot_general3A_20 = arith.constant dense<0.000000e+00> : vector<4000x128xf32>
    %dot_general3A_21 = tpu.matmul %get3A_16, %get3A_19, %dot_general3A_20 {dimension_numbers = #tpu.dot_dimension_numbers<[1], [0], [0], [1], [0, 0, 1, 1], [], []>, transpose_lhs_hint = false} : vector<4000x128xf32>, vector<128x128xf32>, vector<4000x128xf32> -> vector<4000x128xf32>
    %add3A_22 = arith.addf %add3A, %dot_general3A_21 : vector<4000x128xf32>
    %get3A_23 = arith.constant 0 : index
    %get3A_24 = arith.constant 0 : index
    %get3A_25 = vector.load %arg7[%get3A_23, %get3A_24] : memref<1x128xf32, #tpu.memory_space<vmem>>, vector<1x128xf32>
    %add3A_26 = vector.broadcast %get3A_25 : vector<1x128xf32> to vector<4000x128xf32>
    %add3A_27 = arith.addf %add3A_22, %add3A_26 : vector<4000x128xf32>
    %get3A_28 = arith.constant 0 : index
    %get3A_29 = arith.constant 0 : index
    %get3A_30 = vector.load %arg8[%get3A_28, %get3A_29] : memref<1x128xf32, #tpu.memory_space<vmem>>, vector<1x128xf32>
    %get3A_31 = arith.constant 0 : index
    %get3A_32 = arith.constant 0 : index
    %get3A_33 = vector.load %arg9[%get3A_31, %get3A_32] : memref<1x128xf32, #tpu.memory_space<vmem>>, vector<1x128xf32>
    %reduce_sum3A = arith.constant dense<0.000000e+00> : vector<4000xf32>
    %reduce_sum3A_34 = vector.multi_reduction <add>, %add3A_27, %reduce_sum3A [1] : vector<4000x128xf32> to vector<4000xf32>
    %broadcast_in_dim3A = vector.shape_cast %reduce_sum3A_34 : vector<4000xf32> to vector<4000x1xf32>
    %div3A = arith.constant 1.280000e+02 : f32
    %div3A_35 = vector.broadcast %div3A : f32 to vector<4000x1xf32>
    %div3A_36 = arith.divf %broadcast_in_dim3A, %div3A_35 : vector<4000x1xf32>
    %sub3A = vector.broadcast %div3A_36 : vector<4000x1xf32> to vector<4000x128xf32>
    %sub3A_37 = arith.subf %add3A_27, %sub3A : vector<4000x128xf32>
    %integer_pow3A = arith.mulf %sub3A_37, %sub3A_37 : vector<4000x128xf32>
    %reduce_sum3A_38 = arith.constant dense<0.000000e+00> : vector<4000xf32>
    %reduce_sum3A_39 = vector.multi_reduction <add>, %integer_pow3A, %reduce_sum3A_38 [1] : vector<4000x128xf32> to vector<4000xf32>
    %broadcast_in_dim3A_40 = vector.shape_cast %reduce_sum3A_39 : vector<4000xf32> to vector<4000x1xf32>
    %div3A_41 = arith.constant 1.280000e+02 : f32
    %div3A_42 = vector.broadcast %div3A_41 : f32 to vector<4000x1xf32>
    %div3A_43 = arith.divf %broadcast_in_dim3A_40, %div3A_42 : vector<4000x1xf32>
    %sub3A_44 = vector.broadcast %div3A_36 : vector<4000x1xf32> to vector<4000x128xf32>
    %sub3A_45 = arith.subf %add3A_27, %sub3A_44 : vector<4000x128xf32>
    %add3A_46 = arith.constant 9.99999974E-6 : f32
    %add3A_47 = vector.broadcast %add3A_46 : f32 to vector<4000x1xf32>
    %add3A_48 = arith.addf %div3A_43, %add3A_47 : vector<4000x1xf32>
    %rsqrt3A = math.rsqrt %add3A_48 : vector<4000x1xf32>
    %mul3A = vector.broadcast %rsqrt3A : vector<4000x1xf32> to vector<4000x128xf32>
    %mul3A_49 = arith.mulf %sub3A_45, %mul3A : vector<4000x128xf32>
    %mul3A_50 = vector.broadcast %get3A_30 : vector<1x128xf32> to vector<4000x128xf32>
    %mul3A_51 = arith.mulf %mul3A_49, %mul3A_50 : vector<4000x128xf32>
    %add3A_52 = vector.broadcast %get3A_33 : vector<1x128xf32> to vector<4000x128xf32>
    %add3A_53 = arith.addf %mul3A_51, %add3A_52 : vector<4000x128xf32>
    %max3A = arith.constant 0.000000e+00 : f32
    %max3A_54 = vector.broadcast %max3A : f32 to vector<4000x128xf32>
    %max3A_55 = arith.maximumf %add3A_53, %max3A_54 : vector<4000x128xf32>
    %get3A_56 = arith.constant 0 : index
    %get3A_57 = arith.constant 0 : index
    %get3A_58 = vector.load %arg10[%get3A_56, %get3A_57] : memref<128x128xf32, #tpu.memory_space<vmem>>, vector<128x128xf32>
    %dot_general3A_59 = arith.constant dense<0.000000e+00> : vector<4000x128xf32>
    %dot_general3A_60 = tpu.matmul %max3A_55, %get3A_58, %dot_general3A_59 {dimension_numbers = #tpu.dot_dimension_numbers<[1], [0], [0], [1], [0, 0, 1, 1], [], []>, transpose_lhs_hint = false} : vector<4000x128xf32>, vector<128x128xf32>, vector<4000x128xf32> -> vector<4000x128xf32>
    %get3A_61 = arith.constant 0 : index
    %get3A_62 = arith.constant 0 : index
    %get3A_63 = vector.load %arg11[%get3A_61, %get3A_62] : memref<1x128xf32, #tpu.memory_space<vmem>>, vector<1x128xf32>
    %add3A_64 = vector.broadcast %get3A_63 : vector<1x128xf32> to vector<4000x128xf32>
    %add3A_65 = arith.addf %dot_general3A_60, %add3A_64 : vector<4000x128xf32>
    %swap3A = arith.constant 0 : index
    %swap3A_66 = arith.constant 0 : index
    %swap3A_67 = vector.load %arg12[%swap3A, %swap3A_66] : memref<4000x128xf32, #tpu.memory_space<vmem>>, vector<4000x128xf32>
    tpu.vector_store %arg12[%swap3A, %swap3A_66], %add3A_65 {strides = array<i32>} : memref<4000x128xf32, #tpu.memory_space<vmem>>, vector<4000x128xf32>,
    return
  }
  func.func @transform_0(%arg0: i32) -> (i32, i32) {
    %c0_i32 = arith.constant 0 : i32
    %c0_i32_0 = arith.constant 0 : i32
    return %arg0, %c0_i32 : i32, i32
  }
  func.func @transform_1(%arg0: i32) -> (i32, i32) {
    %c0_i32 = arith.constant 0 : i32
    %c0_i32_0 = arith.constant 0 : i32
    return %arg0, %c0_i32 : i32, i32
  }
  func.func @transform_2(%arg0: i32) -> (i32, i32) {
    %c0_i32 = arith.constant 0 : i32
    %c0_i32_0 = arith.constant 0 : i32
    return %arg0, %c0_i32 : i32, i32
  }
  func.func @transform_3(%arg0: i32) -> (i32, i32) {
    %c0_i32 = arith.constant 0 : i32
    %c0_i32_0 = arith.constant 0 : i32
    %c0_i32_1 = arith.constant 0 : i32
    return %c0_i32, %c0_i32_0 : i32, i32
  }
  func.func @transform_4(%arg0: i32) -> (i32, i32) {
    %c0_i32 = arith.constant 0 : i32
    %c0_i32_0 = arith.constant 0 : i32
    %c0_i32_1 = arith.constant 0 : i32
    return %c0_i32, %c0_i32_0 : i32, i32
  }
  func.func @transform_5(%arg0: i32) -> (i32, i32) {
    %c0_i32 = arith.constant 0 : i32
    %c0_i32_0 = arith.constant 0 : i32
    %c0_i32_1 = arith.constant 0 : i32
    return %c0_i32, %c0_i32_0 : i32, i32
  }
  func.func @transform_6(%arg0: i32) -> (i32, i32) {
    %c0_i32 = arith.constant 0 : i32
    %c0_i32_0 = arith.constant 0 : i32
    %c0_i32_1 = arith.constant 0 : i32
    return %c0_i32, %c0_i32_0 : i32, i32
  }
  func.func @transform_7(%arg0: i32) -> (i32, i32) {
    %c0_i32 = arith.constant 0 : i32
    %c0_i32_0 = arith.constant 0 : i32
    %c0_i32_1 = arith.constant 0 : i32
    return %c0_i32, %c0_i32_0 : i32, i32
  }
  func.func @transform_8(%arg0: i32) -> (i32, i32) {
    %c0_i32 = arith.constant 0 : i32
    %c0_i32_0 = arith.constant 0 : i32
    %c0_i32_1 = arith.constant 0 : i32
    return %c0_i32, %c0_i32_0 : i32, i32
  }
  func.func @transform_9(%arg0: i32) -> (i32, i32) {
    %c0_i32 = arith.constant 0 : i32
    %c0_i32_0 = arith.constant 0 : i32
    %c0_i32_1 = arith.constant 0 : i32
    return %c0_i32, %c0_i32_0 : i32, i32
  }
  func.func @transform_10(%arg0: i32) -> (i32, i32) {
    %c0_i32 = arith.constant 0 : i32
    %c0_i32_0 = arith.constant 0 : i32
    %c0_i32_1 = arith.constant 0 : i32
    return %c0_i32, %c0_i32_0 : i32, i32
  }
  func.func @transform_11(%arg0: i32) -> (i32, i32) {
    %c0_i32 = arith.constant 0 : i32
    %c0_i32_0 = arith.constant 0 : i32
    return %arg0, %c0_i32 : i32, i32
  }
}

module attributes {stable_mosaic.version = 14 : i64} {
  func.func @_gru_body(%arg0: i32, %arg1: memref<2000x128xf32, #tpu.memory_space<vmem>>, %arg2: memref<2000x128xf32, #tpu.memory_space<vmem>>, %arg3: memref<2000x128xf32, #tpu.memory_space<vmem>>, %arg4: memref<128x384xf32, #tpu.memory_space<vmem>>, %arg5: memref<128x384xf32, #tpu.memory_space<vmem>>, %arg6: memref<1x384xf32, #tpu.memory_space<vmem>>, %arg7: memref<1x384xf32, #tpu.memory_space<vmem>>, %arg8: memref<1x128xf32, #tpu.memory_space<vmem>>, %arg9: memref<1x128xf32, #tpu.memory_space<vmem>>, %arg10: memref<2000x128xf32, #tpu.memory_space<vmem>>) attributes {dimension_semantics = [#tpu.dimension_semantics<arbitrary>], iteration_bounds = array<i64: 5>, scalar_prefetch = 0 : i64, scratch_operands = 0 : i64, tpu.core_type = #tpu.core_type<tc>, window_params = [{transform_indices = @transform_0, window_bounds = array<i64: 2000, 128>}, {transform_indices = @transform_1, window_bounds = array<i64: 2000, 128>}, {transform_indices = @transform_2, window_bounds = array<i64: 2000, 128>}, {pipeline_mode = #tpu.pipeline_mode<synchronous>, transform_indices = @transform_3, window_bounds = array<i64: 128, 384>}, {pipeline_mode = #tpu.pipeline_mode<synchronous>, transform_indices = @transform_4, window_bounds = array<i64: 128, 384>}, {pipeline_mode = #tpu.pipeline_mode<synchronous>, transform_indices = @transform_5, window_bounds = array<i64: 1, 384>}, {pipeline_mode = #tpu.pipeline_mode<synchronous>, transform_indices = @transform_6, window_bounds = array<i64: 1, 384>}, {pipeline_mode = #tpu.pipeline_mode<synchronous>, transform_indices = @transform_7, window_bounds = array<i64: 1, 128>}, {pipeline_mode = #tpu.pipeline_mode<synchronous>, transform_indices = @transform_8, window_bounds = array<i64: 1, 128>}, {transform_indices = @transform_9, window_bounds = array<i64: 2000, 128>}]} {
    %get3A = arith.constant 0 : index
    %get3A_0 = arith.constant 0 : index
    %get3A_1 = vector.load %arg3[%get3A, %get3A_0] : memref<2000x128xf32, #tpu.memory_space<vmem>>, vector<2000x128xf32>
    %get3A_2 = arith.constant 0 : index
    %get3A_3 = arith.constant 0 : index
    %get3A_4 = vector.load %arg1[%get3A_2, %get3A_3] : memref<2000x128xf32, #tpu.memory_space<vmem>>, vector<2000x128xf32>
    %get3A_5 = arith.constant 0 : index
    %get3A_6 = arith.constant 0 : index
    %get3A_7 = vector.load %arg2[%get3A_5, %get3A_6] : memref<2000x128xf32, #tpu.memory_space<vmem>>, vector<2000x128xf32>
    %add3A = arith.addf %get3A_4, %get3A_7 : vector<2000x128xf32>
    %get3A_8 = arith.constant 0 : index
    %get3A_9 = arith.constant 0 : index
    %get3A_10 = vector.load %arg4[%get3A_8, %get3A_9] : memref<128x384xf32, #tpu.memory_space<vmem>>, vector<128x384xf32>
    %dot_general3A = arith.constant dense<0.000000e+00> : vector<2000x384xf32>
    %dot_general3A_11 = tpu.matmul %add3A, %get3A_10, %dot_general3A {dimension_numbers = #tpu.dot_dimension_numbers<[1], [0], [0], [1], [0, 0, 1, 1], [], []>, transpose_lhs_hint = false} : vector<2000x128xf32>, vector<128x384xf32>, vector<2000x384xf32> -> vector<2000x384xf32>
    %get3A_12 = arith.constant 0 : index
    %get3A_13 = arith.constant 0 : index
    %get3A_14 = vector.load %arg6[%get3A_12, %get3A_13] : memref<1x384xf32, #tpu.memory_space<vmem>>, vector<1x384xf32>
    %add3A_15 = vector.broadcast %get3A_14 : vector<1x384xf32> to vector<2000x384xf32>
    %add3A_16 = arith.addf %dot_general3A_11, %add3A_15 : vector<2000x384xf32>
    %get3A_17 = arith.constant 0 : index
    %get3A_18 = arith.constant 0 : index
    %get3A_19 = vector.load %arg5[%get3A_17, %get3A_18] : memref<128x384xf32, #tpu.memory_space<vmem>>, vector<128x384xf32>
    %dot_general3A_20 = arith.constant dense<0.000000e+00> : vector<2000x384xf32>
    %dot_general3A_21 = tpu.matmul %get3A_1, %get3A_19, %dot_general3A_20 {dimension_numbers = #tpu.dot_dimension_numbers<[1], [0], [0], [1], [0, 0, 1, 1], [], []>, transpose_lhs_hint = false} : vector<2000x128xf32>, vector<128x384xf32>, vector<2000x384xf32> -> vector<2000x384xf32>
    %get3A_22 = arith.constant 0 : index
    %get3A_23 = arith.constant 0 : index
    %get3A_24 = vector.load %arg7[%get3A_22, %get3A_23] : memref<1x384xf32, #tpu.memory_space<vmem>>, vector<1x384xf32>
    %add3A_25 = vector.broadcast %get3A_24 : vector<1x384xf32> to vector<2000x384xf32>
    %add3A_26 = arith.addf %dot_general3A_21, %add3A_25 : vector<2000x384xf32>
    %slice3A = vector.extract_strided_slice %add3A_16 {offsets = [0, 0], sizes = [2000, 128], strides = [1, 1]} : vector<2000x384xf32> to vector<2000x128xf32>
    %slice3A_27 = vector.extract_strided_slice %add3A_26 {offsets = [0, 0], sizes = [2000, 128], strides = [1, 1]} : vector<2000x384xf32> to vector<2000x128xf32>
    %add3A_28 = arith.addf %slice3A, %slice3A_27 : vector<2000x128xf32>
    %logistic3A = arith.negf %add3A_28 : vector<2000x128xf32>
    %logistic3A_29 = math.exp %logistic3A : vector<2000x128xf32>
    %logistic3A_30 = arith.constant 1.000000e+00 : f32
    %logistic3A_31 = vector.broadcast %logistic3A_30 : f32 to vector<2000x128xf32>
    %logistic3A_32 = arith.addf %logistic3A_31, %logistic3A_29 : vector<2000x128xf32>
    %logistic3A_33 = arith.divf %logistic3A_31, %logistic3A_32 : vector<2000x128xf32>
    %slice3A_34 = vector.extract_strided_slice %add3A_16 {offsets = [0, 128], sizes = [2000, 128], strides = [1, 1]} : vector<2000x384xf32> to vector<2000x128xf32>
    %slice3A_35 = vector.extract_strided_slice %add3A_26 {offsets = [0, 128], sizes = [2000, 128], strides = [1, 1]} : vector<2000x384xf32> to vector<2000x128xf32>
    %add3A_36 = arith.addf %slice3A_34, %slice3A_35 : vector<2000x128xf32>
    %logistic3A_37 = arith.negf %add3A_36 : vector<2000x128xf32>
    %logistic3A_38 = math.exp %logistic3A_37 : vector<2000x128xf32>
    %logistic3A_39 = arith.constant 1.000000e+00 : f32
    %logistic3A_40 = vector.broadcast %logistic3A_39 : f32 to vector<2000x128xf32>
    %logistic3A_41 = arith.addf %logistic3A_40, %logistic3A_38 : vector<2000x128xf32>
    %logistic3A_42 = arith.divf %logistic3A_40, %logistic3A_41 : vector<2000x128xf32>
    %slice3A_43 = vector.extract_strided_slice %add3A_16 {offsets = [0, 256], sizes = [2000, 128], strides = [1, 1]} : vector<2000x384xf32> to vector<2000x128xf32>
    %slice3A_44 = vector.extract_strided_slice %add3A_26 {offsets = [0, 256], sizes = [2000, 128], strides = [1, 1]} : vector<2000x384xf32> to vector<2000x128xf32>
    %mul3A = arith.mulf %logistic3A_33, %slice3A_44 : vector<2000x128xf32>
    %add3A_45 = arith.addf %slice3A_43, %mul3A : vector<2000x128xf32>
    %tanh3A = math.tanh %add3A_45 : vector<2000x128xf32>
    %sub3A = arith.constant 1.000000e+00 : f32
    %sub3A_46 = vector.broadcast %sub3A : f32 to vector<2000x128xf32>
    %sub3A_47 = arith.subf %sub3A_46, %logistic3A_42 : vector<2000x128xf32>
    %mul3A_48 = arith.mulf %sub3A_47, %tanh3A : vector<2000x128xf32>
    %mul3A_49 = arith.mulf %logistic3A_42, %get3A_1 : vector<2000x128xf32>
    %add3A_50 = arith.addf %mul3A_48, %mul3A_49 : vector<2000x128xf32>
    %add3A_51 = arith.addf %add3A_50, %get3A_1 : vector<2000x128xf32>
    %get3A_52 = arith.constant 0 : index
    %get3A_53 = arith.constant 0 : index
    %get3A_54 = vector.load %arg8[%get3A_52, %get3A_53] : memref<1x128xf32, #tpu.memory_space<vmem>>, vector<1x128xf32>
    %get3A_55 = arith.constant 0 : index
    %get3A_56 = arith.constant 0 : index
    %get3A_57 = vector.load %arg9[%get3A_55, %get3A_56] : memref<1x128xf32, #tpu.memory_space<vmem>>, vector<1x128xf32>
    %reduce_sum3A = arith.constant dense<0.000000e+00> : vector<2000xf32>
    %reduce_sum3A_58 = vector.multi_reduction <add>, %add3A_51, %reduce_sum3A [1] : vector<2000x128xf32> to vector<2000xf32>
    %broadcast_in_dim3A = vector.shape_cast %reduce_sum3A_58 : vector<2000xf32> to vector<2000x1xf32>
    %div3A = arith.constant 1.280000e+02 : f32
    %div3A_59 = vector.broadcast %div3A : f32 to vector<2000x1xf32>
    %div3A_60 = arith.divf %broadcast_in_dim3A, %div3A_59 : vector<2000x1xf32>
    %sub3A_61 = vector.broadcast %div3A_60 : vector<2000x1xf32> to vector<2000x128xf32>
    %sub3A_62 = arith.subf %add3A_51, %sub3A_61 : vector<2000x128xf32>
    %integer_pow3A = arith.mulf %sub3A_62, %sub3A_62 : vector<2000x128xf32>
    %reduce_sum3A_63 = arith.constant dense<0.000000e+00> : vector<2000xf32>
    %reduce_sum3A_64 = vector.multi_reduction <add>, %integer_pow3A, %reduce_sum3A_63 [1] : vector<2000x128xf32> to vector<2000xf32>
    %broadcast_in_dim3A_65 = vector.shape_cast %reduce_sum3A_64 : vector<2000xf32> to vector<2000x1xf32>
    %div3A_66 = arith.constant 1.280000e+02 : f32
    %div3A_67 = vector.broadcast %div3A_66 : f32 to vector<2000x1xf32>
    %div3A_68 = arith.divf %broadcast_in_dim3A_65, %div3A_67 : vector<2000x1xf32>
    %sub3A_69 = vector.broadcast %div3A_60 : vector<2000x1xf32> to vector<2000x128xf32>
    %sub3A_70 = arith.subf %add3A_51, %sub3A_69 : vector<2000x128xf32>
    %add3A_71 = arith.constant 9.99999974E-6 : f32
    %add3A_72 = vector.broadcast %add3A_71 : f32 to vector<2000x1xf32>
    %add3A_73 = arith.addf %div3A_68, %add3A_72 : vector<2000x1xf32>
    %rsqrt3A = math.rsqrt %add3A_73 : vector<2000x1xf32>
    %mul3A_74 = vector.broadcast %rsqrt3A : vector<2000x1xf32> to vector<2000x128xf32>
    %mul3A_75 = arith.mulf %sub3A_70, %mul3A_74 : vector<2000x128xf32>
    %mul3A_76 = vector.broadcast %get3A_54 : vector<1x128xf32> to vector<2000x128xf32>
    %mul3A_77 = arith.mulf %mul3A_75, %mul3A_76 : vector<2000x128xf32>
    %add3A_78 = vector.broadcast %get3A_57 : vector<1x128xf32> to vector<2000x128xf32>
    %add3A_79 = arith.addf %mul3A_77, %add3A_78 : vector<2000x128xf32>
    %swap3A = arith.constant 0 : index
    %swap3A_80 = arith.constant 0 : index
    %swap3A_81 = vector.load %arg10[%swap3A, %swap3A_80] : memref<2000x128xf32, #tpu.memory_space<vmem>>, vector<2000x128xf32>
    tpu.vector_store %arg10[%swap3A, %swap3A_80], %add3A_79 {strides = array<i32>} : memref<2000x128xf32, #tpu.memory_space<vmem>>, vector<2000x128xf32>,
    return
  }
  func.func @transform_0(%arg0: i32) -> (i32, i32) {
    %c0_i32 = arith.constant 0 : i32
    %c0_i32_0 = arith.constant 0 : i32
    return %arg0, %c0_i32 : i32, i32
  }
  func.func @transform_1(%arg0: i32) -> (i32, i32) {
    %c0_i32 = arith.constant 0 : i32
    %c0_i32_0 = arith.constant 0 : i32
    return %arg0, %c0_i32 : i32, i32
  }
  func.func @transform_2(%arg0: i32) -> (i32, i32) {
    %c0_i32 = arith.constant 0 : i32
    %c0_i32_0 = arith.constant 0 : i32
    return %arg0, %c0_i32 : i32, i32
  }
  func.func @transform_3(%arg0: i32) -> (i32, i32) {
    %c0_i32 = arith.constant 0 : i32
    %c0_i32_0 = arith.constant 0 : i32
    %c0_i32_1 = arith.constant 0 : i32
    return %c0_i32, %c0_i32_0 : i32, i32
  }
  func.func @transform_4(%arg0: i32) -> (i32, i32) {
    %c0_i32 = arith.constant 0 : i32
    %c0_i32_0 = arith.constant 0 : i32
    %c0_i32_1 = arith.constant 0 : i32
    return %c0_i32, %c0_i32_0 : i32, i32
  }
  func.func @transform_5(%arg0: i32) -> (i32, i32) {
    %c0_i32 = arith.constant 0 : i32
    %c0_i32_0 = arith.constant 0 : i32
    %c0_i32_1 = arith.constant 0 : i32
    return %c0_i32, %c0_i32_0 : i32, i32
  }
  func.func @transform_6(%arg0: i32) -> (i32, i32) {
    %c0_i32 = arith.constant 0 : i32
    %c0_i32_0 = arith.constant 0 : i32
    %c0_i32_1 = arith.constant 0 : i32
    return %c0_i32, %c0_i32_0 : i32, i32
  }
  func.func @transform_7(%arg0: i32) -> (i32, i32) {
    %c0_i32 = arith.constant 0 : i32
    %c0_i32_0 = arith.constant 0 : i32
    %c0_i32_1 = arith.constant 0 : i32
    return %c0_i32, %c0_i32_0 : i32, i32
  }
  func.func @transform_8(%arg0: i32) -> (i32, i32) {
    %c0_i32 = arith.constant 0 : i32
    %c0_i32_0 = arith.constant 0 : i32
    %c0_i32_1 = arith.constant 0 : i32
    return %c0_i32, %c0_i32_0 : i32, i32
  }
  func.func @transform_9(%arg0: i32) -> (i32, i32) {
    %c0_i32 = arith.constant 0 : i32
    %c0_i32_0 = arith.constant 0 : i32
    return %arg0, %c0_i32 : i32, i32
  }
}

module attributes {stable_mosaic.version = 14 : i64} {
  func.func @_seg_body(%arg0: i32, %arg1: memref<1000x128xf32, #tpu.memory_space<vmem>>, %arg2: memref<1000x1xi32, #tpu.memory_space<vmem>>, %arg3: memref<64x128xf32, #tpu.memory_space<vmem>>, %arg4: memref<64x128xf32, #tpu.memory_space<vmem>>, %arg5: memref<64x128xf32, #tpu.memory_space<vmem>>) attributes {dimension_semantics = [#tpu.dimension_semantics<arbitrary>], iteration_bounds = array<i64: 10>, scalar_prefetch = 0 : i64, scratch_operands = 0 : i64, tpu.core_type = #tpu.core_type<tc>, window_params = [{transform_indices = @transform_0, window_bounds = array<i64: 1000, 128>}, {transform_indices = @transform_1, window_bounds = array<i64: 1000, 1>}, {pipeline_mode = #tpu.pipeline_mode<synchronous>, transform_indices = @transform_2, window_bounds = array<i64: 64, 128>}, {pipeline_mode = #tpu.pipeline_mode<synchronous>, transform_indices = @transform_3, window_bounds = array<i64: 64, 128>}, {pipeline_mode = #tpu.pipeline_mode<synchronous>, transform_indices = @transform_4, window_bounds = array<i64: 64, 128>}]} {
    %eq3A = arith.constant 0 : i32
    %eq3A_0 = arith.cmpi eq, %arg0, %eq3A : i32
    %convert_element_type3A = arith.extui %eq3A_0 : i1 to i32
    %cond3A = arith.constant 0 : i32
    %cond3A_1 = arith.cmpi ne, %convert_element_type3A, %cond3A : i32
    scf.if %cond3A_1 {
      %broadcast_in_dim3A_39 = arith.constant 0.000000e+00 : f32
      %broadcast_in_dim3A_40 = vector.broadcast %broadcast_in_dim3A_39 : f32 to vector<64x128xf32>
      %swap3A_41 = arith.constant 0 : index
      %swap3A_42 = arith.constant 0 : index
      %swap3A_43 = vector.load %arg3[%swap3A_41, %swap3A_42] : memref<64x128xf32, #tpu.memory_space<vmem>>, vector<64x128xf32>
      tpu.vector_store %arg3[%swap3A_41, %swap3A_42], %broadcast_in_dim3A_40 {strides = array<i32>} : memref<64x128xf32, #tpu.memory_space<vmem>>, vector<64x128xf32>,
      %broadcast_in_dim3A_44 = arith.constant 0.000000e+00 : f32
      %broadcast_in_dim3A_45 = vector.broadcast %broadcast_in_dim3A_44 : f32 to vector<64x128xf32>
      %swap3A_46 = arith.constant 0 : index
      %swap3A_47 = arith.constant 0 : index
      %swap3A_48 = vector.load %arg5[%swap3A_46, %swap3A_47] : memref<64x128xf32, #tpu.memory_space<vmem>>, vector<64x128xf32>
      tpu.vector_store %arg5[%swap3A_46, %swap3A_47], %broadcast_in_dim3A_45 {strides = array<i32>} : memref<64x128xf32, #tpu.memory_space<vmem>>, vector<64x128xf32>,
      %broadcast_in_dim3A_49 = arith.constant 0xFF800000 : f32
      %broadcast_in_dim3A_50 = vector.broadcast %broadcast_in_dim3A_49 : f32 to vector<64x128xf32>
      %swap3A_51 = arith.constant 0 : index
      %swap3A_52 = arith.constant 0 : index
      %swap3A_53 = vector.load %arg4[%swap3A_51, %swap3A_52] : memref<64x128xf32, #tpu.memory_space<vmem>>, vector<64x128xf32>
      tpu.vector_store %arg4[%swap3A_51, %swap3A_52], %broadcast_in_dim3A_50 {strides = array<i32>} : memref<64x128xf32, #tpu.memory_space<vmem>>, vector<64x128xf32>,
    } else {
    }
    %get3A = arith.constant 0 : index
    %get3A_2 = arith.constant 0 : index
    %get3A_3 = vector.load %arg1[%get3A, %get3A_2] : memref<1000x128xf32, #tpu.memory_space<vmem>>, vector<1000x128xf32>
    %get3A_4 = arith.constant 0 : index
    %get3A_5 = arith.constant 0 : index
    %get3A_6 = vector.load %arg2[%get3A_4, %get3A_5] : memref<1000x1xi32, #tpu.memory_space<vmem>>, vector<1000x1xi32>
    %iota3A = tpu.iota {dimensions = array<i32: 1>} : vector<1x64xi32>
    %eq3A_7 = vector.broadcast %get3A_6 : vector<1000x1xi32> to vector<1000x64xi32>
    %eq3A_8 = vector.broadcast %iota3A : vector<1x64xi32> to vector<1000x64xi32>
    %eq3A_9 = arith.cmpi eq, %eq3A_7, %eq3A_8 : vector<1000x64xi32>
    %convert_element_type3A_10 = arith.extui %eq3A_9 : vector<1000x64xi1> to vector<1000x64xi32>
    %convert_element_type3A_11 = arith.sitofp %convert_element_type3A_10 : vector<1000x64xi32> to vector<1000x64xf32>
    %get3A_12 = arith.constant 0 : index
    %get3A_13 = arith.constant 0 : index
    %get3A_14 = vector.load %arg3[%get3A_12, %get3A_13] : memref<64x128xf32, #tpu.memory_space<vmem>>, vector<64x128xf32>
    %dot_general3A = arith.constant dense<0.000000e+00> : vector<64x128xf32>
    %dot_general3A_15 = tpu.matmul %convert_element_type3A_11, %get3A_3, %dot_general3A {dimension_numbers = #tpu.dot_dimension_numbers<[0], [0], [1], [1], [0, 1, 1, 1], [], []>, transpose_lhs_hint = false} : vector<1000x64xf32>, vector<1000x128xf32>, vector<64x128xf32> -> vector<64x128xf32>
    %add3A = arith.addf %get3A_14, %dot_general3A_15 : vector<64x128xf32>
    %swap3A = arith.constant 0 : index
    %swap3A_16 = arith.constant 0 : index
    %swap3A_17 = vector.load %arg3[%swap3A, %swap3A_16] : memref<64x128xf32, #tpu.memory_space<vmem>>, vector<64x128xf32>
    tpu.vector_store %arg3[%swap3A, %swap3A_16], %add3A {strides = array<i32>} : memref<64x128xf32, #tpu.memory_space<vmem>>, vector<64x128xf32>,
    %get3A_18 = arith.constant 0 : index
    %get3A_19 = arith.constant 0 : index
    %get3A_20 = vector.load %arg5[%get3A_18, %get3A_19] : memref<64x128xf32, #tpu.memory_space<vmem>>, vector<64x128xf32>
    %reduce_sum3A = arith.constant dense<0.000000e+00> : vector<64xf32>
    %reduce_sum3A_21 = vector.multi_reduction <add>, %convert_element_type3A_11, %reduce_sum3A [0] : vector<1000x64xf32> to vector<64xf32>
    %broadcast_in_dim3A = vector.shape_cast %reduce_sum3A_21 : vector<64xf32> to vector<64x1xf32>
    %add3A_22 = vector.broadcast %broadcast_in_dim3A : vector<64x1xf32> to vector<64x128xf32>
    %add3A_23 = arith.addf %get3A_20, %add3A_22 : vector<64x128xf32>
    %swap3A_24 = arith.constant 0 : index
    %swap3A_25 = arith.constant 0 : index
    %swap3A_26 = vector.load %arg5[%swap3A_24, %swap3A_25] : memref<64x128xf32, #tpu.memory_space<vmem>>, vector<64x128xf32>
    tpu.vector_store %arg5[%swap3A_24, %swap3A_25], %add3A_23 {strides = array<i32>} : memref<64x128xf32, #tpu.memory_space<vmem>>, vector<64x128xf32>,
    %slice3A = vector.extract_strided_slice %get3A_6 {offsets = [0, 0], sizes = [1, 1], strides = [1, 1]} : vector<1000x1xi32> to vector<1x1xi32>
    %squeeze3A = vector.extract %slice3A[0, 0] : i32 from vector<1x1xi32>
    %slice3A_27 = vector.extract_strided_slice %get3A_6 {offsets = [999, 0], sizes = [1, 1], strides = [1, 1]} : vector<1000x1xi32> to vector<1x1xi32>
    %squeeze3A_28 = vector.extract %slice3A_27[0, 0] : i32 from vector<1x1xi32>
    %add3A_29 = arith.constant 1 : i32
    %add3A_30 = arith.addi %squeeze3A_28, %add3A_29 : i32
    %while3A = arith.constant 0 : i32
    %while3A_31 = arith.subi %add3A_30, %squeeze3A : i32
    %while3A_32 = arith.addi %squeeze3A, %while3A_31 : i32
    %while3A_33 = arith.constant 1 : i32
    %while3A_34 = arith.divsi %while3A_31, %while3A_33 : i32
    %while3A_35 = arith.muli %while3A_34, %while3A_33 : i32
    %while3A_36 = arith.addi %squeeze3A, %while3A_35 : i32
    %while3A_37 = arith.constant 1 : i32
    scf.for %while3A_39 = %squeeze3A to %while3A_36 step %while3A_37  : i32 {
      %eq3A_40 = vector.broadcast %while3A_39 : i32 to vector<1000x1xi32>
      %eq3A_41 = arith.cmpi eq, %get3A_6, %eq3A_40 : vector<1000x1xi32>
      %jit3A = arith.constant 0xFF800000 : f32
      %broadcast_in_dim3A_42 = vector.shape_cast %eq3A_41 : vector<1000x1xi1> to vector<1000x1xi1>
      %broadcast_in_dim3A_43 = vector.broadcast %broadcast_in_dim3A_42 : vector<1000x1xi1> to vector<1000x128xi1>
      %broadcast_in_dim3A_44 = vector.broadcast %jit3A : f32 to vector<1000x128xf32>
      %select_n3A = arith.select %broadcast_in_dim3A_43, %get3A_3, %broadcast_in_dim3A_44 : vector<1000x128xi1>, vector<1000x128xf32>
      %reduce_max3A = arith.constant dense<0xFF800000> : vector<128xf32>
      %reduce_max3A_45 = vector.multi_reduction <maximumf>, %select_n3A, %reduce_max3A [0] : vector<1000x128xf32> to vector<128xf32>
      %broadcast_in_dim3A_46 = vector.shape_cast %reduce_max3A_45 : vector<128xf32> to vector<1x128xf32>
      %get3A_47 = arith.index_cast %while3A_39 : i32 to index
      %get3A_48 = arith.constant 0 : index
      %get3A_49 = vector.load %arg4[%get3A_47, %get3A_48] : memref<64x128xf32, #tpu.memory_space<vmem>>, vector<1x128xf32>
      %max3A = arith.maximumf %get3A_49, %broadcast_in_dim3A_46 : vector<1x128xf32>
      %swap3A_50 = arith.index_cast %while3A_39 : i32 to index
      %swap3A_51 = arith.constant 0 : index
      %swap3A_52 = vector.load %arg4[%swap3A_50, %swap3A_51] : memref<64x128xf32, #tpu.memory_space<vmem>>, vector<1x128xf32>
      tpu.vector_store %arg4[%swap3A_50, %swap3A_51], %max3A {strides = array<i32>} : memref<64x128xf32, #tpu.memory_space<vmem>>, vector<1x128xf32>,
    }
    %while3A_38 = arith.constant 1 : i32
    scf.for %while3A_39 = %while3A_36 to %while3A_32 step %while3A_38  : i32 {
      %eq3A_40 = vector.broadcast %while3A_39 : i32 to vector<1000x1xi32>
      %eq3A_41 = arith.cmpi eq, %get3A_6, %eq3A_40 : vector<1000x1xi32>
      %jit3A = arith.constant 0xFF800000 : f32
      %broadcast_in_dim3A_42 = vector.shape_cast %eq3A_41 : vector<1000x1xi1> to vector<1000x1xi1>
      %broadcast_in_dim3A_43 = vector.broadcast %broadcast_in_dim3A_42 : vector<1000x1xi1> to vector<1000x128xi1>
      %broadcast_in_dim3A_44 = vector.broadcast %jit3A : f32 to vector<1000x128xf32>
      %select_n3A = arith.select %broadcast_in_dim3A_43, %get3A_3, %broadcast_in_dim3A_44 : vector<1000x128xi1>, vector<1000x128xf32>
      %reduce_max3A = arith.constant dense<0xFF800000> : vector<128xf32>
      %reduce_max3A_45 = vector.multi_reduction <maximumf>, %select_n3A, %reduce_max3A [0] : vector<1000x128xf32> to vector<128xf32>
      %broadcast_in_dim3A_46 = vector.shape_cast %reduce_max3A_45 : vector<128xf32> to vector<1x128xf32>
      %get3A_47 = arith.index_cast %while3A_39 : i32 to index
      %get3A_48 = arith.constant 0 : index
      %get3A_49 = vector.load %arg4[%get3A_47, %get3A_48] : memref<64x128xf32, #tpu.memory_space<vmem>>, vector<1x128xf32>
      %max3A = arith.maximumf %get3A_49, %broadcast_in_dim3A_46 : vector<1x128xf32>
      %swap3A_50 = arith.index_cast %while3A_39 : i32 to index
      %swap3A_51 = arith.constant 0 : index
      %swap3A_52 = vector.load %arg4[%swap3A_50, %swap3A_51] : memref<64x128xf32, #tpu.memory_space<vmem>>, vector<1x128xf32>
      tpu.vector_store %arg4[%swap3A_50, %swap3A_51], %max3A {strides = array<i32>} : memref<64x128xf32, #tpu.memory_space<vmem>>, vector<1x128xf32>,
    }
    return
  }
  func.func @transform_0(%arg0: i32) -> (i32, i32) {
    %c0_i32 = arith.constant 0 : i32
    %c0_i32_0 = arith.constant 0 : i32
    return %arg0, %c0_i32 : i32, i32
  }
  func.func @transform_1(%arg0: i32) -> (i32, i32) {
    %c0_i32 = arith.constant 0 : i32
    %c0_i32_0 = arith.constant 0 : i32
    return %arg0, %c0_i32 : i32, i32
  }
  func.func @transform_2(%arg0: i32) -> (i32, i32) {
    %c0_i32 = arith.constant 0 : i32
    %c0_i32_0 = arith.constant 0 : i32
    %c0_i32_1 = arith.constant 0 : i32
    return %c0_i32, %c0_i32_0 : i32, i32
  }
  func.func @transform_3(%arg0: i32) -> (i32, i32) {
    %c0_i32 = arith.constant 0 : i32
    %c0_i32_0 = arith.constant 0 : i32
    %c0_i32_1 = arith.constant 0 : i32
    return %c0_i32, %c0_i32_0 : i32, i32
  }
  func.func @transform_4(%arg0: i32) -> (i32, i32) {
    %c0_i32 = arith.constant 0 : i32
    %c0_i32_0 = arith.constant 0 : i32
    %c0_i32_1 = arith.constant 0 : i32
    return %c0_i32, %c0_i32_0 : i32, i32
  }
}

module attributes {stable_mosaic.version = 14 : i64} {
  func.func @_proj_body(%arg0: memref<64x128xf32, #tpu.memory_space<vmem>>, %arg1: memref<64x128xf32, #tpu.memory_space<vmem>>, %arg2: memref<64x128xf32, #tpu.memory_space<vmem>>, %arg3: memref<128x256xf32, #tpu.memory_space<vmem>>, %arg4: memref<128x256xf32, #tpu.memory_space<vmem>>, %arg5: memref<1x256xf32, #tpu.memory_space<vmem>>, %arg6: memref<1x256xf32, #tpu.memory_space<vmem>>, %arg7: memref<1x256xf32, #tpu.memory_space<vmem>>, %arg8: memref<64x256xf32, #tpu.memory_space<vmem>>) attributes {dimension_semantics = [], scalar_prefetch = 0 : i64, scratch_operands = 0 : i64, tpu.core_type = #tpu.core_type<tc>} {
    %get3A = arith.constant 0 : index
    %get3A_0 = arith.constant 0 : index
    %get3A_1 = vector.load %arg0[%get3A, %get3A_0] : memref<64x128xf32, #tpu.memory_space<vmem>>, vector<64x128xf32>
    %get3A_2 = arith.constant 0 : index
    %get3A_3 = arith.constant 0 : index
    %get3A_4 = vector.load %arg2[%get3A_2, %get3A_3] : memref<64x128xf32, #tpu.memory_space<vmem>>, vector<64x128xf32>
    %max3A = arith.constant 1.000000e+00 : f32
    %max3A_5 = vector.broadcast %max3A : f32 to vector<64x128xf32>
    %max3A_6 = arith.maximumf %get3A_4, %max3A_5 : vector<64x128xf32>
    %div3A = arith.divf %get3A_1, %max3A_6 : vector<64x128xf32>
    %get3A_7 = arith.constant 0 : index
    %get3A_8 = arith.constant 0 : index
    %get3A_9 = vector.load %arg3[%get3A_7, %get3A_8] : memref<128x256xf32, #tpu.memory_space<vmem>>, vector<128x256xf32>
    %dot_general3A = arith.constant dense<0.000000e+00> : vector<64x256xf32>
    %dot_general3A_10 = tpu.matmul %div3A, %get3A_9, %dot_general3A {dimension_numbers = #tpu.dot_dimension_numbers<[1], [0], [0], [1], [0, 0, 1, 1], [], []>, transpose_lhs_hint = false} : vector<64x128xf32>, vector<128x256xf32>, vector<64x256xf32> -> vector<64x256xf32>
    %get3A_11 = arith.constant 0 : index
    %get3A_12 = arith.constant 0 : index
    %get3A_13 = vector.load %arg1[%get3A_11, %get3A_12] : memref<64x128xf32, #tpu.memory_space<vmem>>, vector<64x128xf32>
    %get3A_14 = arith.constant 0 : index
    %get3A_15 = arith.constant 0 : index
    %get3A_16 = vector.load %arg4[%get3A_14, %get3A_15] : memref<128x256xf32, #tpu.memory_space<vmem>>, vector<128x256xf32>
    %dot_general3A_17 = arith.constant dense<0.000000e+00> : vector<64x256xf32>
    %dot_general3A_18 = tpu.matmul %get3A_13, %get3A_16, %dot_general3A_17 {dimension_numbers = #tpu.dot_dimension_numbers<[1], [0], [0], [1], [0, 0, 1, 1], [], []>, transpose_lhs_hint = false} : vector<64x128xf32>, vector<128x256xf32>, vector<64x256xf32> -> vector<64x256xf32>
    %add3A = arith.addf %dot_general3A_10, %dot_general3A_18 : vector<64x256xf32>
    %get3A_19 = arith.constant 0 : index
    %get3A_20 = arith.constant 0 : index
    %get3A_21 = vector.load %arg5[%get3A_19, %get3A_20] : memref<1x256xf32, #tpu.memory_space<vmem>>, vector<1x256xf32>
    %add3A_22 = vector.broadcast %get3A_21 : vector<1x256xf32> to vector<64x256xf32>
    %add3A_23 = arith.addf %add3A, %add3A_22 : vector<64x256xf32>
    %get3A_24 = arith.constant 0 : index
    %get3A_25 = arith.constant 0 : index
    %get3A_26 = vector.load %arg6[%get3A_24, %get3A_25] : memref<1x256xf32, #tpu.memory_space<vmem>>, vector<1x256xf32>
    %get3A_27 = arith.constant 0 : index
    %get3A_28 = arith.constant 0 : index
    %get3A_29 = vector.load %arg7[%get3A_27, %get3A_28] : memref<1x256xf32, #tpu.memory_space<vmem>>, vector<1x256xf32>
    %reduce_sum3A = arith.constant dense<0.000000e+00> : vector<64xf32>
    %reduce_sum3A_30 = vector.multi_reduction <add>, %add3A_23, %reduce_sum3A [1] : vector<64x256xf32> to vector<64xf32>
    %broadcast_in_dim3A = vector.shape_cast %reduce_sum3A_30 : vector<64xf32> to vector<64x1xf32>
    %div3A_31 = arith.constant 2.560000e+02 : f32
    %div3A_32 = vector.broadcast %div3A_31 : f32 to vector<64x1xf32>
    %div3A_33 = arith.divf %broadcast_in_dim3A, %div3A_32 : vector<64x1xf32>
    %sub3A = vector.broadcast %div3A_33 : vector<64x1xf32> to vector<64x256xf32>
    %sub3A_34 = arith.subf %add3A_23, %sub3A : vector<64x256xf32>
    %integer_pow3A = arith.mulf %sub3A_34, %sub3A_34 : vector<64x256xf32>
    %reduce_sum3A_35 = arith.constant dense<0.000000e+00> : vector<64xf32>
    %reduce_sum3A_36 = vector.multi_reduction <add>, %integer_pow3A, %reduce_sum3A_35 [1] : vector<64x256xf32> to vector<64xf32>
    %broadcast_in_dim3A_37 = vector.shape_cast %reduce_sum3A_36 : vector<64xf32> to vector<64x1xf32>
    %div3A_38 = arith.constant 2.560000e+02 : f32
    %div3A_39 = vector.broadcast %div3A_38 : f32 to vector<64x1xf32>
    %div3A_40 = arith.divf %broadcast_in_dim3A_37, %div3A_39 : vector<64x1xf32>
    %sub3A_41 = vector.broadcast %div3A_33 : vector<64x1xf32> to vector<64x256xf32>
    %sub3A_42 = arith.subf %add3A_23, %sub3A_41 : vector<64x256xf32>
    %add3A_43 = arith.constant 9.99999974E-6 : f32
    %add3A_44 = vector.broadcast %add3A_43 : f32 to vector<64x1xf32>
    %add3A_45 = arith.addf %div3A_40, %add3A_44 : vector<64x1xf32>
    %rsqrt3A = math.rsqrt %add3A_45 : vector<64x1xf32>
    %mul3A = vector.broadcast %rsqrt3A : vector<64x1xf32> to vector<64x256xf32>
    %mul3A_46 = arith.mulf %sub3A_42, %mul3A : vector<64x256xf32>
    %mul3A_47 = vector.broadcast %get3A_26 : vector<1x256xf32> to vector<64x256xf32>
    %mul3A_48 = arith.mulf %mul3A_46, %mul3A_47 : vector<64x256xf32>
    %add3A_49 = vector.broadcast %get3A_29 : vector<1x256xf32> to vector<64x256xf32>
    %add3A_50 = arith.addf %mul3A_48, %add3A_49 : vector<64x256xf32>
    %max3A_51 = arith.constant 0.000000e+00 : f32
    %max3A_52 = vector.broadcast %max3A_51 : f32 to vector<64x256xf32>
    %max3A_53 = arith.maximumf %add3A_50, %max3A_52 : vector<64x256xf32>
    %swap3A = arith.constant 0 : index
    %swap3A_54 = arith.constant 0 : index
    %swap3A_55 = vector.load %arg8[%swap3A, %swap3A_54] : memref<64x256xf32, #tpu.memory_space<vmem>>, vector<64x256xf32>
    tpu.vector_store %arg8[%swap3A, %swap3A_54], %max3A_53 {strides = array<i32>} : memref<64x256xf32, #tpu.memory_space<vmem>>, vector<64x256xf32>,
    return
  }
}

</mosaic_0001>

<sc_bundles>
// kernel: kernel.30.cloned.1.call-start
scs
__scs_entry_jumppad:
0x0: {  	(pc) =	sbr.rel $0x88, $3  }
0x1: {  	(tag) =	ssettag $0x0;
	lr =	simm.s32 $0x1  }
0x2: {  	[smem:$0x3F85] =	sst lr;
	_ =	strace $0xD0000000  }
0x3: {  	_ = 	snop  }
0x4: {  	_ = 	snop  }
0x5: {  	_ = 	snop  }
0x6: {  	_ = 	snop  }
0x7: {  	_ = 	snop  }
__scs_overlays_trampoline_lowered:
0x8: {  	[smem:$0x3F94] =	sst s0  }
0x9: {  	[smem:$0x3F95] =	sst s1  }
0xa: {  	[smem:$0x3F96] =	sst s2  }
0xb: {  	[smem:$0x3F97] =	sst s3  }
0xc: {  	[smem:$0x3F98] =	sst s4  }
0xd: {  	[smem:$0x3F99] =	sst s5  }
0xe: {  	[smem:$0x3F9A] =	sst s6  }
0xf: {  	[smem:$0x3F9B] =	sst s7  }
0x10: {  	[smem:$0x3F9C] =	sst s8  }
0x11: {  	[smem:$0x3F9D] =	sst s9;
	s0 =	simm.s32 @!p0 $0x0  }
0x12: {  	s1 =	sld [smem:$0x3F83];
	s0 =	simm.s32 @p0 $0x1  }
0x13: {  	[smem:$0x3F9E] =	sst s0;
	s0 =	simm.s32 @!p1 $0x0  }
0x14: {  	s2 =	sld [smem:$0x3F82];
	s0 =	simm.s32 @p1 $0x1  }
0x15: {  	[smem:$0x3F9F] =	sst s0;
	s0 =	simm.s32 @!p2 $0x0  }
0x16: {  	s3 =	sld [smem:$0x3FDB];
	s0 =	simm.s32 @p2 $0x1  }
0x17: {  	s4 =	simm.s32 $0x1BF5;
	[smem:$0x3FA1] =	sst s0  }
0x18: {  	s0 =	sld [smem:$0x3F84];
	_ =	swait.ge [sflag:s4], $0x0  }
0x19: {  	s7 =	sld [smem:$0x3F85]  }
0x1a: {  	s8 =	sadd.s32 $0xFFFFE003, lr  }
0x1b: {  	s9 =	sadd.s32 $0xFFFFFEF7, lr;
	s5 =	simm.s32 $0xFFFFFFFF;
	p2 =	slt.u32 s8, $0xFFFFF086  }
0x1c: {  	p1 =	slt.u32 s9, $0xF7A;
	s5 =	simm.s32 @!p2 $0x0  }
0x1d: {  	s5 =	simm.s32 @p1 $0x1;
	p0 =	seq.s32 s7, s2  }
0x1e: {  	s7 =	smul.u32 @!p0 $0xF7A, s2;
	p2 =	seq.s32 @!p0 s5, $0x0  }
0x1f: {  	s9 =	smul.u32 $0xF7A, s1;
	s8 =	simm.s32 @!p0 $0x1BF5;
	p2 =	por !p2, p0  }
0x20: {  	[sflag:s8] =	ssyncset.s32 @!p0 $0xFFFFF086;
	s6 =	sadd.s32 @!p0 s3, s7;
	s7 =	simm.s32 @!p0 $0x108  }
0x21: {  	s3 =	sadd.s32 s3, s9;
	s6 =	sadd.s32 @!p0 $0x88, s6;
	s7 =	simm.s32 @p2 $0x1082  }
0x22: {  	[simem:s7], [sflag:s8] =	dma.local @!p0 [hbm:s6], $0xF7A  }
0x23: {  	s9 =	sor.u32 $0xD0000000, s2;
	s6 =	simm.s32 $0x108;
	_ =	swait.ge @!p0 [sflag:s8], $0x0  }
0x24: {  	s3 =	sadd.s32 $0x88, s3;
	s6 =	simm.s32 @!p1 $0x1082;
	[sflag:s4] =	ssyncset.s32 $0xFFFFF086  }
0x25: {  	[simem:s6], [sflag:s4] =	dma.local [hbm:s3], $0xF7A  }
0x26: {  	[smem:$0x3F85] =	sst s1;
	(tag) =	ssettag s2;
	_ =	strace s9  }
0x27: {  	s1 =	sld [smem:$0x3F95]  }
0x28: {  	s2 =	sld [smem:$0x3F96]  }
0x29: {  	s4 =	sld [smem:$0x3F98]  }
0x2a: {  	p0 =	seq.s32 s5, $0x0;
	s5 =	sld [smem:$0x3F99]  }
0x2b: {  	s6 =	sld [smem:$0x3F9A]  }
0x2c: {  	s7 =	sld [smem:$0x3F9B]  }
0x2d: {  	s3 =	simm.s32 $0x108;
	s8 =	sld [smem:$0x3F9C]  }
0x2e: {  	s3 =	simm.s32 @!p0 $0x1082;
	s9 =	sld [smem:$0x3F9D]  }
0x2f: {  	lr =	sadd.s32 s0, s3;
	s0 =	sld [smem:$0x3F94]  }
0x30: {  	s3 =	sld [smem:$0x3F97]  }
0x31: {  	[smem:$0x3FA0] =	sst s10  }
0x32: {  	s10 =	sld [smem:$0x3F9E];
	_ =	sdelay $0x3  }
0x33: {  	p0 =	seq.s32 s10, $0x1;
	s10 =	sld [smem:$0x3FA0];
	_ =	sdelay $0x3  }
0x34: {  	[smem:$0x3FA0] =	sst s10  }
0x35: {  	s10 =	sld [smem:$0x3F9F];
	_ =	sdelay $0x3  }
0x36: {  	p1 =	seq.s32 s10, $0x1;
	s10 =	sld [smem:$0x3FA0];
	_ =	sdelay $0x3  }
0x37: {  	[smem:$0x3FA0] =	sst s10  }
0x38: {  	s10 =	sld [smem:$0x3FA1]  }
0x39: {  	_ = 	snop;
	(pc) =	sbr.ind lr, $3  }
0x3a: {  	_ = 	snop  }
0x3b: {  	_ = 	snop  }
0x3c: {  	p2 =	seq.s32 s10, $0x1;
	s10 =	sld [smem:$0x3FA0]  }
0x3d: {  	_ =	shalt  }
0x3e: {  	_ =	shalt  }
0x3f: {  	_ =	shalt  }
0x40: {  	_ =	shalt  }
0x41: {  	_ =	shalt  }
0x42: {  	_ =	shalt  }
0x43: {  	_ =	shalt  }
0x44: {  	_ =	shalt  }
0x45: {  	_ =	shalt  }
0x46: {  	_ =	shalt  }
0x47: {  	_ =	shalt  }
0x48: {  	_ =	shalt  }
0x49: {  	_ =	shalt  }
0x4a: {  	_ =	shalt  }
0x4b: {  	_ =	shalt  }
0x4c: {  	_ =	shalt  }
0x4d: {  	_ =	shalt  }
0x4e: {  	_ =	shalt  }
0x4f: {  	_ =	shalt  }
0x50: {  	_ =	shalt  }
0x51: {  	_ =	shalt  }
0x52: {  	_ =	shalt  }
0x53: {  	_ =	shalt  }
0x54: {  	_ =	shalt  }
0x55: {  	_ =	shalt  }
0x56: {  	_ =	shalt  }
0x57: {  	_ =	shalt  }
0x58: {  	_ =	shalt  }
0x59: {  	_ =	shalt  }
0x5a: {  	_ =	shalt  }
0x5b: {  	_ =	shalt  }
0x5c: {  	_ =	shalt  }
0x5d: {  	_ =	shalt  }
0x5e: {  	_ =	shalt  }
0x5f: {  	_ =	shalt  }
0x60: {  	_ =	shalt  }
0x61: {  	_ =	shalt  }
0x62: {  	_ =	shalt  }
0x63: {  	_ =	shalt  }
0x64: {  	_ =	shalt  }
0x65: {  	_ =	shalt  }
0x66: {  	_ =	shalt  }
0x67: {  	_ =	shalt  }
0x68: {  	_ =	shalt  }
0x69: {  	_ =	shalt  }
0x6a: {  	_ =	shalt  }
0x6b: {  	_ =	shalt  }
0x6c: {  	_ =	shalt  }
0x6d: {  	_ =	shalt  }
0x6e: {  	_ =	shalt  }
0x6f: {  	_ =	shalt  }
0x70: {  	_ =	shalt  }
0x71: {  	_ =	shalt  }
0x72: {  	_ =	shalt  }
0x73: {  	_ =	shalt  }
0x74: {  	_ =	shalt  }
0x75: {  	_ =	shalt  }
0x76: {  	_ =	shalt  }
0x77: {  	_ =	shalt  }
0x78: {  	_ =	shalt  }
0x79: {  	_ =	shalt  }
0x7a: {  	_ =	shalt  }
0x7b: {  	_ =	shalt  }
0x7c: {  	_ =	shalt  }
0x7d: {  	_ =	shalt  }
0x7e: {  	_ =	shalt  }
0x7f: {  	_ =	shalt  }
0x80: {  	_ =	shalt  }
0x81: {  	_ =	shalt  }
0x82: {  	_ =	shalt  }
0x83: {  	_ =	shalt  }
0x84: {  	_ =	shalt  }
0x85: {  	_ =	shalt  }
0x86: {  	_ =	shalt  }
0x87: {  	_ =	shalt  }
.Lfunc_end0:
.L_simem_size_0:
called_computation_lowered:
.L_overlay_start_0:
0x88: {  	s2 =	sld [smem:$0x3FD9]  }
0x89: {  	s3 =	sld [smem:$0x3FFE];
	_ =	sdelay $0x1  }
0x8a: {  	s1 =	srdreg.scid  }
0x8b: {  	s0 =	sand.u32 $0x1, s1  }
0x8c: {  	s16 =	sshll.u32 s0, $0xA;
	s2 =	sadd.s32 s3, s2  }
0x8d: {  	s2 =	sadd.s32 s2, s16  }
0x8e: {  	[smem:$0x3FAC] =	sst s2  }
0x8f: {  	_ = 	snop  }
0x90: {  	(tm) =	ssettm $0x1  }
0x91: {  	s17 =	sld [smem:$0x3FFB];
	_ =	sdelay $0x3  }
0x92: {  	_ =	strace s17  }
0x93: {  	s2 =	sld [smem:$0x3FFC];
	_ =	sdelay $0x3  }
0x94: {  	_ =	strace s2  }
0x95: {  	s2 =	sld [smem:$0x3FFD];
	_ =	sdelay $0x3  }
0x96: {  	_ =	strace s2  }
0x97: {  	_ =	strace $0x8FFFFFFF  }
0x98: {  	s18 =	sld [smem:$0x3FDB];
	_ =	sdelay $0x1  }
0x99: {  	s19 =	simm.s32 $_scs_section_size  }
0x9a: {  	s4 =	simm.s32 $_size__tile_overlayer_lowered;
	s5 =	simm.s32 $_tile_overlayer_lowered  }
0x9b: {  	s22 =	simm.s32 $0x1BFF;
	s21 =	sshll.u32 s5, $0x1;
	s2 =	sadd.s32 s19, s18  }
0x9c: {  	s6 =	simm.s32 $0x0;
	s20 =	sshll.u32 s4, $0x1;
	s4 =	sadd.s32 s21, s2  }
0x9d: {  	[timem:s6], [sflag:s22] =	dma.local [hbm:s4], s20  }
0x9e: {  	_ =	swait.ge [sflag:s22], s20  }
0x9f: {  	s3 =	ssub.s32 $0x0, s20;
	[sflag:s22] =	ssyncset.done $0x0  }
0xa0: {  	[sflag:s22] =	ssyncadd.s32 s3;
	_ =	sdelay $0x1  }
0xa1: {  	s23 =	simm.s32 $0x1B8B  }
0xa2: {  	_ =	swait.ge [sflag:s23], $0x1  }
0xa3: {  	[sflag:s23] =	ssyncset.done $0x0  }
0xa4: {  	s25 =	simm.s32 $0x1B8E;
	s24 =	sld [smem:$0x3FFE];
	[sflag:s23] =	ssyncadd.s32 $0xFFFFFFFF  }
0xa5: {  	s26 =	simm.s32 $execute0_lowered;
	[smem:$0x3FD2] =	sst s25  }
0xa6: {  	s4 =	sshll.u32 s26, $0x1;
	_ =	strace $0x80000046;
	[dreg:$0x1] =	wrdreg $0xFFFFFFFF  }
0xa7: {  	s28 =	simm.s32 $_size_execute0_lowered;
	s2 =	sadd.s32 s2, s4;
	[dreg:$0x0] =	wrdreg $0x0  }
0xa8: {  	s4 =	sshll.u32 s28, $0x1;
	[dreg:$0x2] =	wrdreg s2  }
0xa9: {  	[dreg:$0x3] =	wrdreg s4  }
0xaa: {  	[dreg:$0x4] =	wrdreg $0xC0  }
0xab: {  	_ =	task [dreg:s6], $0x5FFFF  }
0xac: {  	[dreg:$0x1] =	wrdreg $0xFFFFFFFF  }
0xad: {  	[dreg:$0x0] =	wrdreg $0x60  }
0xae: {  	[dreg:$0x2] =	wrdreg s24  }
0xaf: {  	[dreg:$0x3] =	wrdreg $0x9  }
0xb0: {  	_ =	task.clear_ibuf [dreg:s6], $0x4FFFF;
	_ =	strace $0x90000046  }
0xb1: {  	s29 =	simm.s32 $0x9;
	_ =	strace $0x80000048  }
0xb2: {  	_ =	swait.ge [sflag:s29], $0x1  }
0xb3: {  	[sflag:s29] =	ssyncadd.s32 $0xFFFFFFFF  }
0xb4: {  	_ =	strace $0x90000048  }
0xb5: {  	_ =	sfence  }
0xb6: {  	s30 =	sld [smem:$0x0];
	_ =	sdelay $0x2  }
0xb7: {  	s31 =	sshll.u32 s1, $0xD;
	s1 =	sshrl.u32 s1, $0x2  }
0xb8: {  	s3 =	sand.u32 $0x4000, s31;
	s1 =	sadd.s32 s1, s30  }
0xb9: {  	s0 =	sor.u32 s3, s0;
	s1 =	sshll.u32 s1, $0x11  }
0xba: {  	s0 =	sor.u32 s1, s0  }
0xbb: {  	s0 =	sadd.s32 $0x8F2B, s0  }
0xbc: {  	[sflag:s0] =	ssyncadd.remote.s32 $0x1  }
0xbd: {  	_ =	sfence.sel $0xFFFF  }
0xbe: {  	[dreg:$0x0] =	wrdreg $0xFFFFFFFF;
	(pc) =	sbr.abs _section_cstart, $3  }
0xbf: {  	[dreg:$0x1] =	wrdreg $0xFFFFFFFF  }
0xc0: {  	_ =	task.clear_ibuf [dreg:s6], $0x2FFFF;
	_ =	strace $0x9FFFFFFF  }
0xc1: {  	(tm) =	ssettm $0x7FFFFFFF  }
tec
execute0_lowered:
.L_overlay_start_1:
0x0: {  	(tag) =	ssettag $0x1  }
0x1: {  	s4 =	rddreg [dreg:$0x0]  }
0x2: {  	s0 =	rddreg [dreg:$0x1]  }
0x3: {  	s2 =	simm.s32 $0x0;
	s3 =	srdreg.scid;
	s1 =	stileid.u32  }
0x4: {  	[smem:$0x7FF] =	sst s2;
	s5 =	sand.u32 $0x1, s3;
	s3 =	sadd.s32 $0x2B000, s4  }
0x5: {  	s6 =	sshll.u32 s1, $0x5;
	s8 =	sshll.u32 s1, $0xC;
	_ =	strace $0x80000047  }
0x6: {  	s7 =	ssub.s32 $0x2, s5;
	s6 =	sadd.s32 s6, s4;
	s8 =	sadd.s32 s8, s4  }
0x7: {  	s31 =	sshll.u32 s5, $0x4;
	s10 =	sshll.u32 s5, $0xB;
	s9 =	sshrl.u32 s7, $0x1  }
0x8: {  	s4 =	sshll.u32 s1, $0x1;
	s10 =	sadd.s32 s10, s8;
	s7 =	ssub.s32 s7, s9  }
0x9: {  	s9 =	sadd.s32 s31, s6;
	s8 =	sadd.s32 $0x534200, s10;
	s5 =	smax.u32 s7, $0x1  }
0xa: {  	s6 =	sadd.s32 $0x21200, s9;
	s7 =	sadd.s32 $0x17400, s9;
	s9 =	sadd.s32 $0x52200, s10  }
.LBB2_1:
0xb: {  	p0 =	sgt.u32 s4, $0x9C3  }
0xc: {  	s10 =	sadd.s32 @!p0 $0x0, s7;
	s11 =	simm.s32 @!p0 $0x0;
	s14 =	simm.s32 @!p0 $0x4  }
0xd: {  	[tilespmem:s11], [sflag:$0x4] =	stream.linear.gather @!p0 [hbm4b:s10+s11], $0x80, $0x38;
	[tilespmem:$0x8100] =	vst v63  }
0xe: {  	_ =	swait.ge @!p0 [sflag:s14], $0x80;
	p0 =	por p0, p0  }
0xf: {  	[sflag:s14] =	ssyncset.done @!p0 $0x0  }
0x10: {  	s10 =	sadd.s32 @!p0 $0x0, s6;
	s12 =	simm.s32 @!p0 $0x80;
	[sflag:s14] =	ssyncadd.s32 @!p0 $0xFFFFFF80  }
0x11: {  	[tilespmem:s12], [sflag:$0x4] =	stream.linear.gather @!p0 [hbm4b:s10+s11], $0x80, $0x38;
	[tilespmem:$0x8100] =	vst v63  }
0x12: {  	_ =	swait.ge @!p0 [sflag:s14], $0x80  }
0x13: {  	[sflag:s14] =	ssyncset.done @!p0 $0x0  }
0x14: {  	s10 =	simm.s32 @!p0 $0x100;
	[sflag:s14] =	ssyncadd.s32 @!p0 $0xFFFFFF80  }
0x15: {  	[tilespmem:s10], [sflag:$0x1] =	stream.indirect.gather @!p0 [hbm4b:s3+s12], $0x80, s11, s12, $0xb8;
	[tilespmem:$0x8100] =	vst v63  }
0x16: {  	s15 =	simm.s32 @!p0 $0x4100;
	s13 =	simm.s32 @!p0 $0x1  }
0x17: {  	[tilespmem:s15], [sflag:$0x2] =	stream.indirect.gather @!p0 [hbm4b:s3+s12], $0x80, s12, s12, $0xb8;
	[tilespmem:$0x8100] =	vst v63  }
0x18: {  	_ =	swait.ge @!p0 [sflag:s13], $0x4000  }
0x19: {  	[sflag:s13] =	ssyncset.done @!p0 $0x0  }
0x1a: {  	s12 =	simm.s32 @!p0 $0x2;
	[sflag:s13] =	ssyncadd.s32 @!p0 $0xFFFFC000  }
0x1b: {  	_ =	swait.ge @!p0 [sflag:s12], $0x4000  }
0x1c: {  	[sflag:s12] =	ssyncset.done @!p0 $0x0  }
0x1d: {  	[sflag:s12] =	ssyncadd.s32 @!p0 $0xFFFFC000  }
0x1e: {  	[hbm4b:s9+s11] =	stream.linear.scatter @!p0 [tilespmem:s10], [sflag:$0x4], $0x4000, $0x38;
	[tilespmem:$0x8100] =	vst v63  }
0x1f: {  	_ =	swait.ge @!p0 [sflag:s14], $0x4000  }
0x20: {  	[sflag:s14] =	ssyncset.done @!p0 $0x0  }
0x21: {  	s13 =	simm.s32 $0x400;
	s12 =	simm.s32 $0x200;
	[sflag:s14] =	ssyncadd.s32 @!p0 $0xFFFFC000  }
0x22: {  	[hbm4b:s8+s11] =	stream.linear.scatter @!p0 [tilespmem:s15], [sflag:$0x3], $0x4000, $0x38;
	[tilespmem:$0x8100] =	vst v63  }
0x23: {  	s10 =	sadd.s32 $0x10000, s9;
	s14 =	sadd.s32 $0x20, s4;
	s15 =	simm.s32 @!p0 $0x3  }
0x24: {  	p2 =	sgt.u32 s14, $0x9C3;
	s11 =	sadd.s32 $0x10000, s8;
	_ =	swait.ge @!p0 [sflag:s15], $0x4000  }
.LBB2_2:
0x25: {  	s16 =	sadd.s32 @!p2 s12, s7  }
0x26: {  	s17 =	simm.s32 @!p2 $0x0;
	[sflag:s15] =	ssyncset.done @!p0 $0x0;
	s18 =	smov.u32 s13  }
0x27: {  	s13 =	sadd.s32 $0x200, s13;
	s19 =	simm.s32 @!p2 $0x4;
	[sflag:s15] =	ssyncadd.s32 @!p0 $0xFFFFC000  }
0x28: {  	[tilespmem:s17], [sflag:$0x4] =	stream.linear.gather @!p2 [hbm4b:s16+s17], $0x80, $0x38;
	[tilespmem:$0x8100] =	vst v63  }
0x29: {  	p1 =	sne.s32 s13, $0x9E00;
	p0 =	por p2, p2;
	_ =	swait.ge @!p2 [sflag:s19], $0x80  }
0x2a: {  	[sflag:s19] =	ssyncset.done @!p0 $0x0  }
0x2b: {  	s12 =	sadd.s32 @!p0 s12, s6;
	s15 =	simm.s32 @!p0 $0x80;
	[sflag:s19] =	ssyncadd.s32 @!p0 $0xFFFFFF80  }
0x2c: {  	[tilespmem:s15], [sflag:$0x4] =	stream.linear.gather @!p0 [hbm4b:s12+s17], $0x80, $0x38;
	[tilespmem:$0x8100] =	vst v63  }
0x2d: {  	s12 =	smov.u32 s18;
	_ =	swait.ge @!p0 [sflag:s19], $0x80  }
0x2e: {  	[sflag:s19] =	ssyncset.done @!p0 $0x0  }
0x2f: {  	s16 =	simm.s32 @!p0 $0x100;
	[sflag:s19] =	ssyncadd.s32 @!p0 $0xFFFFFF80  }
0x30: {  	[tilespmem:s16], [sflag:$0x1] =	stream.indirect.gather @!p0 [hbm4b:s3+s15], $0x80, s17, s15, $0xb8;
	[tilespmem:$0x8100] =	vst v63  }
0x31: {  	s20 =	simm.s32 @!p0 $0x1;
	s18 =	simm.s32 @!p0 $0x4100  }
0x32: {  	[tilespmem:s18], [sflag:$0x2] =	stream.indirect.gather @!p0 [hbm4b:s3+s15], $0x80, s15, s15, $0xb8;
	[tilespmem:$0x8100] =	vst v63  }
0x33: {  	_ =	swait.ge @!p0 [sflag:s20], $0x4000  }
0x34: {  	[sflag:s20] =	ssyncset.done @!p0 $0x0  }
0x35: {  	s15 =	simm.s32 @!p0 $0x2;
	[sflag:s20] =	ssyncadd.s32 @!p0 $0xFFFFC000  }
0x36: {  	_ =	swait.ge @!p0 [sflag:s15], $0x4000  }
0x37: {  	[sflag:s15] =	ssyncset.done @!p0 $0x0  }
0x38: {  	[sflag:s15] =	ssyncadd.s32 @!p0 $0xFFFFC000  }
0x39: {  	[hbm4b:s10+s17] =	stream.linear.scatter @!p0 [tilespmem:s16], [sflag:$0x4], $0x4000, $0x38;
	[tilespmem:$0x8100] =	vst v63  }
.Ltmp0:
0x3a: {  	_ =	swait.ge @!p0 [sflag:s19], $0x4000;
	(pc) =	sbr.rel @p1 .LBB2_2-.Ltmp0, $4  }
0x3b: {  	s10 =	sadd.s32 $0x10000, s10;
	[sflag:s19] =	ssyncset.done @!p0 $0x0  }
0x3c: {  	s14 =	sadd.s32 $0x20, s14;
	s15 =	simm.s32 @!p0 $0x3;
	[sflag:s19] =	ssyncadd.s32 @!p0 $0xFFFFC000  }
0x3d: {  	[hbm4b:s11+s17] =	stream.linear.scatter @!p0 [tilespmem:s18], [sflag:$0x3], $0x4000, $0x38;
	[tilespmem:$0x8100] =	vst v63  }
0x3e: {  	p2 =	sgt.u32 s14, $0x9C3;
	s11 =	sadd.s32 $0x10000, s11;
	_ =	swait.ge @!p0 [sflag:s15], $0x4000  }
0x3f: {  	s13 =	sadd.s32 @!p2 s12, s7;
	[sflag:s15] =	ssyncset.done @!p0 $0x0  }
0x40: {  	s14 =	simm.s32 @!p2 $0x0;
	s16 =	simm.s32 @!p2 $0x4;
	[sflag:s15] =	ssyncadd.s32 @!p0 $0xFFFFC000  }
0x41: {  	[tilespmem:s14], [sflag:$0x4] =	stream.linear.gather @!p2 [hbm4b:s13+s14], $0x80, $0x38;
	[tilespmem:$0x8100] =	vst v63  }
0x42: {  	p0 =	por p2, p2;
	_ =	swait.ge @!p2 [sflag:s16], $0x80  }
0x43: {  	[sflag:s16] =	ssyncset.done @!p0 $0x0  }
0x44: {  	s12 =	sadd.s32 @!p0 s12, s6;
	s13 =	simm.s32 @!p0 $0x80;
	[sflag:s16] =	ssyncadd.s32 @!p0 $0xFFFFFF80  }
0x45: {  	[tilespmem:s13], [sflag:$0x4] =	stream.linear.gather @!p0 [hbm4b:s12+s14], $0x80, $0x38;
	[tilespmem:$0x8100] =	vst v63  }
0x46: {  	_ =	swait.ge @!p0 [sflag:s16], $0x80  }
0x47: {  	[sflag:s16] =	ssyncset.done @!p0 $0x0  }
0x48: {  	s12 =	simm.s32 @!p0 $0x100;
	[sflag:s16] =	ssyncadd.s32 @!p0 $0xFFFFFF80  }
0x49: {  	[tilespmem:s12], [sflag:$0x1] =	stream.indirect.gather @!p0 [hbm4b:s3+s13], $0x80, s14, s13, $0xb8;
	[tilespmem:$0x8100] =	vst v63  }
0x4a: {  	s15 =	simm.s32 @!p0 $0x4100;
	s17 =	simm.s32 @!p0 $0x1  }
0x4b: {  	[tilespmem:s15], [sflag:$0x2] =	stream.indirect.gather @!p0 [hbm4b:s3+s13], $0x80, s13, s13, $0xb8;
	[tilespmem:$0x8100] =	vst v63  }
0x4c: {  	_ =	swait.ge @!p0 [sflag:s17], $0x4000  }
0x4d: {  	[sflag:s17] =	ssyncset.done @!p0 $0x0  }
0x4e: {  	s13 =	simm.s32 @!p0 $0x2;
	[sflag:s17] =	ssyncadd.s32 @!p0 $0xFFFFC000  }
0x4f: {  	_ =	swait.ge @!p0 [sflag:s13], $0x4000  }
0x50: {  	[sflag:s13] =	ssyncset.done @!p0 $0x0  }
0x51: {  	[sflag:s13] =	ssyncadd.s32 @!p0 $0xFFFFC000  }
0x52: {  	[hbm4b:s10+s14] =	stream.linear.scatter @!p0 [tilespmem:s12], [sflag:$0x4], $0x4000, $0x38;
	[tilespmem:$0x8100] =	vst v63  }
0x53: {  	s2 =	sadd.s32 $0x1, s2;
	_ =	swait.ge @!p0 [sflag:s16], $0x4000  }
0x54: {  	p1 =	sne.s32 s2, s5;
	[sflag:s16] =	ssyncset.done @!p0 $0x0  }
.Ltmp1:
0x55: {  	s10 =	simm.s32 @!p0 $0x3;
	[sflag:s16] =	ssyncadd.s32 @!p0 $0xFFFFC000;
	(pc) =	sbr.rel @p1 .LBB2_1-.Ltmp1, $4  }
0x56: {  	[hbm4b:s11+s14] =	stream.linear.scatter @!p0 [tilespmem:s15], [sflag:$0x3], $0x4000, $0x38;
	[tilespmem:$0x8100] =	vst v63  }
0x57: {  	_ =	swait.ge @!p0 [sflag:s10], $0x4000  }
0x58: {  	[sflag:s10] =	ssyncset.done @!p0 $0x0  }
0x59: {  	[sflag:s10] =	ssyncadd.s32 @!p0 $0xFFFFC000  }
0x5a: {  	_ =	sfence.sel $0x180000  }
0x5b: {  	[bflag:$0x0] =	sbarrier.arrive $0xFFFF  }
0x5c: {  	p0 =	sne.s32 s1, $0x0;
	_ =	strace $0x90000047  }
0x5d: {  	s0 =	sadd.s32 @!p0 $0x100000, s0;
	[bflag:$0x2] =	sbarrier.arrive $0xFFFF  }
0x5e: {  	[sflag:s0] =	ssyncadd.tile.s32 @!p0 $0x1;
	_ =	shalt  }
.Lfunc_end2:
_tile_overlayer_lowered:
.L_overlay_start_2:
0x5f: {  	(tag) =	ssettag $0x2  }
0x60: {  	s0 =	rddreg [dreg:$0x0];
	s2 =	stileid.u32  }
0x61: {  	s1 =	rddreg [dreg:$0x1];
	p0 =	sne.s32 s2, $0x0  }
0x62: {  	s3 =	rddreg [dreg:$0x2];
	[bflag:$0x3] =	sbarrier.arrive $0xFFFF;
	s2 =	simm.s32 @!p0 $0x1C03  }
0x63: {  	[timem:s3], [sflag:s2] =	dma.local @!p0 [hbm:s0], s1  }
0x64: {  	s0 =	simm.s32 @!p0 $0x3  }
0x65: {  	_ =	swait.ge @!p0 [sflag:s0], s1  }
0x66: {  	s1 =	ssub.s32 @!p0 $0x0, s1;
	[sflag:s0] =	ssyncset.done @!p0 $0x0  }
0x67: {  	[sflag:s0] =	ssyncadd.s32 @!p0 s1  }
0x68: {  	[bflag:$0x3] =	sbarrier.arrive $0xFFFF  }
0x69: {  	_ =	shalt  }

// kernel: kernel.33.cloned.1.call-start
scs
__scs_entry_jumppad:
0x0: {  	(pc) =	sbr.rel $0x88, $3  }
0x1: {  	(tag) =	ssettag $0x0;
	lr =	simm.s32 $0x1  }
0x2: {  	[smem:$0x3F85] =	sst lr;
	_ =	strace $0xD0000000  }
0x3: {  	_ = 	snop  }
0x4: {  	_ = 	snop  }
0x5: {  	_ = 	snop  }
0x6: {  	_ = 	snop  }
0x7: {  	_ = 	snop  }
__scs_overlays_trampoline_lowered:
0x8: {  	[smem:$0x3F94] =	sst s0  }
0x9: {  	[smem:$0x3F95] =	sst s1  }
0xa: {  	[smem:$0x3F96] =	sst s2  }
0xb: {  	[smem:$0x3F97] =	sst s3  }
0xc: {  	[smem:$0x3F98] =	sst s4  }
0xd: {  	[smem:$0x3F99] =	sst s5  }
0xe: {  	[smem:$0x3F9A] =	sst s6  }
0xf: {  	[smem:$0x3F9B] =	sst s7  }
0x10: {  	[smem:$0x3F9C] =	sst s8  }
0x11: {  	[smem:$0x3F9D] =	sst s9;
	s0 =	simm.s32 @!p0 $0x0  }
0x12: {  	s1 =	sld [smem:$0x3F83];
	s0 =	simm.s32 @p0 $0x1  }
0x13: {  	[smem:$0x3F9E] =	sst s0;
	s0 =	simm.s32 @!p1 $0x0  }
0x14: {  	s2 =	sld [smem:$0x3F82];
	s0 =	simm.s32 @p1 $0x1  }
0x15: {  	[smem:$0x3F9F] =	sst s0;
	s0 =	simm.s32 @!p2 $0x0  }
0x16: {  	s3 =	sld [smem:$0x3FDB];
	s0 =	simm.s32 @p2 $0x1  }
0x17: {  	s4 =	simm.s32 $0x1BF5;
	[smem:$0x3FA1] =	sst s0  }
0x18: {  	s0 =	sld [smem:$0x3F84];
	_ =	swait.ge [sflag:s4], $0x0  }
0x19: {  	s7 =	sld [smem:$0x3F85]  }
0x1a: {  	s8 =	sadd.s32 $0xFFFFE003, lr  }
0x1b: {  	s9 =	sadd.s32 $0xFFFFFEF7, lr;
	s5 =	simm.s32 $0xFFFFFFFF;
	p2 =	slt.u32 s8, $0xFFFFF086  }
0x1c: {  	p1 =	slt.u32 s9, $0xF7A;
	s5 =	simm.s32 @!p2 $0x0  }
0x1d: {  	s5 =	simm.s32 @p1 $0x1;
	p0 =	seq.s32 s7, s2  }
0x1e: {  	s7 =	smul.u32 @!p0 $0xF7A, s2;
	p2 =	seq.s32 @!p0 s5, $0x0  }
0x1f: {  	s9 =	smul.u32 $0xF7A, s1;
	s8 =	simm.s32 @!p0 $0x1BF5;
	p2 =	por !p2, p0  }
0x20: {  	[sflag:s8] =	ssyncset.s32 @!p0 $0xFFFFF086;
	s6 =	sadd.s32 @!p0 s3, s7;
	s7 =	simm.s32 @!p0 $0x108  }
0x21: {  	s3 =	sadd.s32 s3, s9;
	s6 =	sadd.s32 @!p0 $0x88, s6;
	s7 =	simm.s32 @p2 $0x1082  }
0x22: {  	[simem:s7], [sflag:s8] =	dma.local @!p0 [hbm:s6], $0xF7A  }
0x23: {  	s9 =	sor.u32 $0xD0000000, s2;
	s6 =	simm.s32 $0x108;
	_ =	swait.ge @!p0 [sflag:s8], $0x0  }
0x24: {  	s3 =	sadd.s32 $0x88, s3;
	s6 =	simm.s32 @!p1 $0x1082;
	[sflag:s4] =	ssyncset.s32 $0xFFFFF086  }
0x25: {  	[simem:s6], [sflag:s4] =	dma.local [hbm:s3], $0xF7A  }
0x26: {  	[smem:$0x3F85] =	sst s1;
	(tag) =	ssettag s2;
	_ =	strace s9  }
0x27: {  	s1 =	sld [smem:$0x3F95]  }
0x28: {  	s2 =	sld [smem:$0x3F96]  }
0x29: {  	s4 =	sld [smem:$0x3F98]  }
0x2a: {  	p0 =	seq.s32 s5, $0x0;
	s5 =	sld [smem:$0x3F99]  }
0x2b: {  	s6 =	sld [smem:$0x3F9A]  }
0x2c: {  	s7 =	sld [smem:$0x3F9B]  }
0x2d: {  	s3 =	simm.s32 $0x108;
	s8 =	sld [smem:$0x3F9C]  }
0x2e: {  	s3 =	simm.s32 @!p0 $0x1082;
	s9 =	sld [smem:$0x3F9D]  }
0x2f: {  	lr =	sadd.s32 s0, s3;
	s0 =	sld [smem:$0x3F94]  }
0x30: {  	s3 =	sld [smem:$0x3F97]  }
0x31: {  	[smem:$0x3FA0] =	sst s10  }
0x32: {  	s10 =	sld [smem:$0x3F9E];
	_ =	sdelay $0x3  }
0x33: {  	p0 =	seq.s32 s10, $0x1;
	s10 =	sld [smem:$0x3FA0];
	_ =	sdelay $0x3  }
0x34: {  	[smem:$0x3FA0] =	sst s10  }
0x35: {  	s10 =	sld [smem:$0x3F9F];
	_ =	sdelay $0x3  }
0x36: {  	p1 =	seq.s32 s10, $0x1;
	s10 =	sld [smem:$0x3FA0];
	_ =	sdelay $0x3  }
0x37: {  	[smem:$0x3FA0] =	sst s10  }
0x38: {  	s10 =	sld [smem:$0x3FA1]  }
0x39: {  	_ = 	snop;
	(pc) =	sbr.ind lr, $3  }
0x3a: {  	_ = 	snop  }
0x3b: {  	_ = 	snop  }
0x3c: {  	p2 =	seq.s32 s10, $0x1;
	s10 =	sld [smem:$0x3FA0]  }
0x3d: {  	_ =	shalt  }
0x3e: {  	_ =	shalt  }
0x3f: {  	_ =	shalt  }
0x40: {  	_ =	shalt  }
0x41: {  	_ =	shalt  }
0x42: {  	_ =	shalt  }
0x43: {  	_ =	shalt  }
0x44: {  	_ =	shalt  }
0x45: {  	_ =	shalt  }
0x46: {  	_ =	shalt  }
0x47: {  	_ =	shalt  }
0x48: {  	_ =	shalt  }
0x49: {  	_ =	shalt  }
0x4a: {  	_ =	shalt  }
0x4b: {  	_ =	shalt  }
0x4c: {  	_ =	shalt  }
0x4d: {  	_ =	shalt  }
0x4e: {  	_ =	shalt  }
0x4f: {  	_ =	shalt  }
0x50: {  	_ =	shalt  }
0x51: {  	_ =	shalt  }
0x52: {  	_ =	shalt  }
0x53: {  	_ =	shalt  }
0x54: {  	_ =	shalt  }
0x55: {  	_ =	shalt  }
0x56: {  	_ =	shalt  }
0x57: {  	_ =	shalt  }
0x58: {  	_ =	shalt  }
0x59: {  	_ =	shalt  }
0x5a: {  	_ =	shalt  }
0x5b: {  	_ =	shalt  }
0x5c: {  	_ =	shalt  }
0x5d: {  	_ =	shalt  }
0x5e: {  	_ =	shalt  }
0x5f: {  	_ =	shalt  }
0x60: {  	_ =	shalt  }
0x61: {  	_ =	shalt  }
0x62: {  	_ =	shalt  }
0x63: {  	_ =	shalt  }
0x64: {  	_ =	shalt  }
0x65: {  	_ =	shalt  }
0x66: {  	_ =	shalt  }
0x67: {  	_ =	shalt  }
0x68: {  	_ =	shalt  }
0x69: {  	_ =	shalt  }
0x6a: {  	_ =	shalt  }
0x6b: {  	_ =	shalt  }
0x6c: {  	_ =	shalt  }
0x6d: {  	_ =	shalt  }
0x6e: {  	_ =	shalt  }
0x6f: {  	_ =	shalt  }
0x70: {  	_ =	shalt  }
0x71: {  	_ =	shalt  }
0x72: {  	_ =	shalt  }
0x73: {  	_ =	shalt  }
0x74: {  	_ =	shalt  }
0x75: {  	_ =	shalt  }
0x76: {  	_ =	shalt  }
0x77: {  	_ =	shalt  }
0x78: {  	_ =	shalt  }
0x79: {  	_ =	shalt  }
0x7a: {  	_ =	shalt  }
0x7b: {  	_ =	shalt  }
0x7c: {  	_ =	shalt  }
0x7d: {  	_ =	shalt  }
0x7e: {  	_ =	shalt  }
0x7f: {  	_ =	shalt  }
0x80: {  	_ =	shalt  }
0x81: {  	_ =	shalt  }
0x82: {  	_ =	shalt  }
0x83: {  	_ =	shalt  }
0x84: {  	_ =	shalt  }
0x85: {  	_ =	shalt  }
0x86: {  	_ =	shalt  }
0x87: {  	_ =	shalt  }
.Lfunc_end0:
.L_simem_size_0:
called_computation.1_lowered:
.L_overlay_start_0:
0x88: {  	s2 =	sld [smem:$0x3FD9]  }
0x89: {  	s3 =	sld [smem:$0x3FFE];
	_ =	sdelay $0x1  }
0x8a: {  	s1 =	srdreg.scid  }
0x8b: {  	s0 =	sand.u32 $0x1, s1  }
0x8c: {  	s16 =	sshll.u32 s0, $0xA;
	s2 =	sadd.s32 s3, s2  }
0x8d: {  	s2 =	sadd.s32 s2, s16  }
0x8e: {  	[smem:$0x3FAC] =	sst s2  }
0x8f: {  	_ = 	snop  }
0x90: {  	(tm) =	ssettm $0x1  }
0x91: {  	s17 =	sld [smem:$0x3FFB];
	_ =	sdelay $0x3  }
0x92: {  	_ =	strace s17  }
0x93: {  	s2 =	sld [smem:$0x3FFC];
	_ =	sdelay $0x3  }
0x94: {  	_ =	strace s2  }
0x95: {  	s2 =	sld [smem:$0x3FFD];
	_ =	sdelay $0x3  }
0x96: {  	_ =	strace s2  }
0x97: {  	_ =	strace $0x8FFFFFFF  }
0x98: {  	s18 =	sld [smem:$0x3FDB];
	_ =	sdelay $0x1  }
0x99: {  	s19 =	simm.s32 $_scs_section_size  }
0x9a: {  	s4 =	simm.s32 $_size__tile_overlayer_lowered;
	s5 =	simm.s32 $_tile_overlayer_lowered  }
0x9b: {  	s22 =	simm.s32 $0x1BFF;
	s21 =	sshll.u32 s5, $0x1;
	s2 =	sadd.s32 s19, s18  }
0x9c: {  	s6 =	simm.s32 $0x0;
	s20 =	sshll.u32 s4, $0x1;
	s4 =	sadd.s32 s21, s2  }
0x9d: {  	[timem:s6], [sflag:s22] =	dma.local [hbm:s4], s20  }
0x9e: {  	_ =	swait.ge [sflag:s22], s20  }
0x9f: {  	s3 =	ssub.s32 $0x0, s20;
	[sflag:s22] =	ssyncset.done $0x0  }
0xa0: {  	[sflag:s22] =	ssyncadd.s32 s3;
	_ =	sdelay $0x1  }
0xa1: {  	s23 =	simm.s32 $0x1B8B  }
0xa2: {  	_ =	swait.ge [sflag:s23], $0x1  }
0xa3: {  	[sflag:s23] =	ssyncset.done $0x0  }
0xa4: {  	s25 =	simm.s32 $0x1B8E;
	s24 =	sld [smem:$0x3FFE];
	[sflag:s23] =	ssyncadd.s32 $0xFFFFFFFF  }
0xa5: {  	s26 =	simm.s32 $execute0_lowered;
	[smem:$0x3FD2] =	sst s25  }
0xa6: {  	s4 =	sshll.u32 s26, $0x1;
	_ =	strace $0x80000049;
	[dreg:$0x1] =	wrdreg $0xFFFFFFFF  }
0xa7: {  	s28 =	simm.s32 $_size_execute0_lowered;
	s2 =	sadd.s32 s2, s4;
	[dreg:$0x0] =	wrdreg $0x0  }
0xa8: {  	s4 =	sshll.u32 s28, $0x1;
	[dreg:$0x2] =	wrdreg s2  }
0xa9: {  	[dreg:$0x3] =	wrdreg s4  }
0xaa: {  	[dreg:$0x4] =	wrdreg $0xC0  }
0xab: {  	_ =	task [dreg:s6], $0x5FFFF  }
0xac: {  	[dreg:$0x1] =	wrdreg $0xFFFFFFFF  }
0xad: {  	[dreg:$0x0] =	wrdreg $0x60  }
0xae: {  	[dreg:$0x2] =	wrdreg s24  }
0xaf: {  	[dreg:$0x3] =	wrdreg $0x40800  }
0xb0: {  	[dreg:$0x4] =	wrdreg $0x9  }
0xb1: {  	_ =	task.clear_ibuf [dreg:s6], $0x5FFFF;
	_ =	strace $0x90000049  }
0xb2: {  	s29 =	simm.s32 $0x9;
	_ =	strace $0x8000004B  }
0xb3: {  	_ =	swait.ge [sflag:s29], $0x1  }
0xb4: {  	[sflag:s29] =	ssyncadd.s32 $0xFFFFFFFF  }
0xb5: {  	_ =	strace $0x9000004B  }
0xb6: {  	_ =	sfence  }
0xb7: {  	s30 =	sld [smem:$0x0];
	_ =	sdelay $0x2  }
0xb8: {  	s31 =	sshll.u32 s1, $0xD;
	s1 =	sshrl.u32 s1, $0x2  }
0xb9: {  	s3 =	sand.u32 $0x4000, s31;
	s1 =	sadd.s32 s1, s30  }
0xba: {  	s0 =	sor.u32 s3, s0;
	s1 =	sshll.u32 s1, $0x11  }
0xbb: {  	s0 =	sor.u32 s1, s0  }
0xbc: {  	s0 =	sadd.s32 $0x8F2B, s0  }
0xbd: {  	[sflag:s0] =	ssyncadd.remote.s32 $0x1  }
0xbe: {  	_ =	sfence.sel $0xFFFF  }
0xbf: {  	[dreg:$0x0] =	wrdreg $0xFFFFFFFF;
	(pc) =	sbr.abs _section_cstart, $3  }
0xc0: {  	[dreg:$0x1] =	wrdreg $0xFFFFFFFF  }
0xc1: {  	_ =	task.clear_ibuf [dreg:s6], $0x2FFFF;
	_ =	strace $0x9FFFFFFF  }
0xc2: {  	(tm) =	ssettm $0x7FFFFFFF  }
0xc3: {  	_ =	shalt  }
tec
execute0_lowered:
.L_overlay_start_1:
0x0: {  	(tag) =	ssettag $0x1  }
0x1: {  	s20 =	stileid.u32  }
0x2: {  	s0 =	srdreg.scid;
	s9 =	smul.u32 $0x500, s20  }
0x3: {  	s7 =	sand.u32 $0x1, s0;
	s23 =	smul.u32 $0x2800, s20  }
0x4: {  	s6 =	sor.u32 $0x10, s20;
	s8 =	smul.u32 $0x138800, s7  }
0x5: {  	s4 =	sor.u32 $0x20, s20;
	s10 =	smul.u32 $0x500, s6  }
0x6: {  	s5 =	sor.u32 $0x30, s20;
	s11 =	smul.u32 $0x500, s4  }
0x7: {  	s3 =	sor.u32 $0x40, s20;
	s12 =	smul.u32 $0x500, s5  }
0x8: {  	s2 =	sor.u32 $0x50, s20;
	s13 =	smul.u32 $0x500, s3  }
0x9: {  	s1 =	sor.u32 $0x60, s20;
	s14 =	smul.u32 $0x500, s2  }
0xa: {  	s0 =	sor.u32 $0x70, s20;
	s15 =	smul.u32 $0x500, s1  }
0xb: {  	s18 =	rddreg [dreg:$0x0];
	s17 =	smul.u32 $0x500, s0  }
0xc: {  	s21 =	sadd.s32 $0xA24200, s18;
	s24 =	smul.u32 $0x2800, s6  }
0xd: {  	s16 =	ssub.s32 $0x2, s7;
	s6 =	smul.u32 $0xA000, s6;
	s9 =	sadd.s32 s21, s9  }
0xe: {  	s19 =	sshrl.u32 s16, $0x1;
	[dreg:$0x3] =	wrdreg s9;
	s9 =	smul.u32 $0x2800, s4  }
0xf: {  	s22 =	ssub.s32 s16, s19;
	s19 =	smul.u32 $0x2800, s3  }
0x10: {  	s16 =	sadd.s32 s8, s24;
	s24 =	smul.u32 $0x2800, s1  }
0x11: {  	p0 =	sgt.u32 s0, $0x7C;
	s10 =	sadd.s32 s21, s10;
	s4 =	smul.u32 $0xA000, s4  }
0x12: {  	s11 =	sadd.s32 s21, s11;
	s3 =	smul.u32 $0xA000, s3;
	[dreg:$0x4] =	wrdreg s10  }
0x13: {  	s12 =	sadd.s32 s21, s12;
	s1 =	smul.u32 $0xA000, s1;
	[dreg:$0x5] =	wrdreg s11  }
0x14: {  	s13 =	sadd.s32 s21, s13;
	[dreg:$0x6] =	wrdreg s12;
	s10 =	smul.u32 $0x2800, s5  }
0x15: {  	s26 =	sadd.s32 s21, s17;
	[dreg:$0x7] =	wrdreg s13;
	s13 =	smul.u32 $0x2800, s2  }
0x16: {  	s14 =	sadd.s32 s21, s14;
	[dreg:$0xa] =	wrdreg s26;
	s26 =	smul.u32 $0x2800, s0  }
0x17: {  	s25 =	sadd.s32 s21, s15;
	[dreg:$0x8] =	wrdreg s14;
	s5 =	smul.u32 $0xA000, s5  }
0x18: {  	s6 =	sshrl.u32 s6, $0x2;
	[dreg:$0x9] =	wrdreg s25;
	s2 =	smul.u32 $0xA000, s2  }
0x19: {  	s14 =	sadd.s32 s8, s23;
	s23 =	sshll.u32 s20, $0x5;
	s0 =	smul.u32 $0xA000, s0  }
0x1a: {  	s25 =	sadd.s32 s8, s9;
	s11 =	sadd.s32 s8, s19;
	s17 =	sadd.s32 s8, s24  }
0x1b: {  	s9 =	simm.s32 $0x0;
	s19 =	sshll.u32 s20, $0xC;
	s15 =	sadd.s32 s23, s18  }
0x1c: {  	s24 =	sshrl.u32 s16, $0x3;
	s23 =	smul.u32 $0xA000, s20;
	s4 =	sshrl.u32 s4, $0x2  }
0x1d: {  	s3 =	sshrl.u32 s3, $0x2;
	s1 =	sshrl.u32 s1, $0x2;
	s10 =	sadd.s32 s8, s10  }
0x1e: {  	s12 =	sadd.s32 s8, s13;
	s8 =	sadd.s32 s8, s26;
	[smem:$0x7FF] =	sst s9  }
0x1f: {  	s21 =	sadd.s32 s19, s18;
	s18 =	sadd.s32 $0xA4B400, s18;
	s13 =	sshrl.u32 s14, $0x3  }
0x20: {  	s25 =	sshrl.u32 s25, $0x3;
	s11 =	sshrl.u32 s11, $0x3;
	s16 =	sshrl.u32 s17, $0x3  }
0x21: {  	s17 =	sshll.u32 s7, $0xB;
	s19 =	rddreg [dreg:$0x1];
	s7 =	sshll.u32 s7, $0x4  }
0x22: {  	s2 =	sshrl.u32 s2, $0x2;
	s0 =	sshrl.u32 s0, $0x2;
	s13 =	sadd.s32 s18, s13  }
0x23: {  	s26 =	sadd.s32 s18, s25;
	s10 =	sshrl.u32 s10, $0x3;
	s8 =	sshrl.u32 s8, $0x3  }
0x24: {  	s7 =	sadd.s32 s7, s15;
	s25 =	sshll.u32 s20, $0x6;
	s28 =	sadd.s32 s2, s19  }
0x25: {  	s29 =	sadd.s32 s1, s19;
	s30 =	sadd.s32 s0, s19;
	s0 =	sshll.u32 s20, $0x1  }
0x26: {  	s1 =	simm.s32 $0x1;
	[dreg:$0xb] =	wrdreg s13;
	s13 =	sadd.s32 s18, s24  }
0x27: {  	[dreg:$0xd] =	wrdreg s26;
	s10 =	sadd.s32 s18, s10;
	s8 =	sadd.s32 s18, s8  }
0x28: {  	s24 =	smax.u32 s22, $0x1;
	s22 =	sor.u32 $0x1C01, s25;
	[dreg:$0xc] =	wrdreg s13  }
0x29: {  	s26 =	sshrl.u32 s5, $0x2;
	[dreg:$0xe] =	wrdreg s10;
	s13 =	sshrl.u32 s12, $0x3  }
0x2a: {  	s10 =	sadd.s32 s18, s11;
	[dreg:$0x12] =	wrdreg s8;
	s25 =	sadd.s32 s26, s19  }
0x2b: {  	s26 =	sadd.s32 s3, s19;
	[dreg:$0xf] =	wrdreg s10;
	s14 =	sadd.s32 s18, s13  }
0x2c: {  	s10 =	sadd.s32 s18, s16;
	s18 =	sadd.s32 s17, s21;
	[dreg:$0x10] =	wrdreg s14  }
0x2d: {  	s17 =	sadd.s32 $0x21200, s7;
	[dreg:$0x11] =	wrdreg s10;
	s10 =	sshrl.u32 s23, $0x2  }
0x2e: {  	s23 =	sadd.s32 s6, s19;
	s31 =	sadd.s32 $0x13DA200, s18;
	_ =	strace $0x8000004A  }
0x2f: {  	[dreg:$0x13] =	wrdreg s24;
	s21 =	sadd.s32 s10, s19;
	s24 =	sadd.s32 s4, s19  }
.LBB2_1:
0x30: {  	s2 =	sshrl.u32 s21, $0x3;
	s3 =	rddreg [dreg:$0x3]  }
0x31: {  	[spmem:s2], [sflag:s22] =	dma.local [hbm:s3], $0x500  }
0x32: {  	_ =	swait.ge [sflag:s1], $0x500  }
0x33: {  	[sflag:s1] =	ssyncset.done $0x0  }
0x34: {  	s3 =	sshrl.u32 s23, $0x3;
	s4 =	rddreg [dreg:$0x4];
	[sflag:s1] =	ssyncadd.s32 $0xFFFFFB00  }
0x35: {  	[spmem:s3], [sflag:s22] =	dma.local [hbm:s4], $0x500  }
0x36: {  	_ =	swait.ge [sflag:s1], $0x500  }
0x37: {  	[sflag:s1] =	ssyncset.done $0x0  }
0x38: {  	s4 =	sshrl.u32 s24, $0x3;
	s5 =	rddreg [dreg:$0x5];
	[sflag:s1] =	ssyncadd.s32 $0xFFFFFB00  }
0x39: {  	[spmem:s4], [sflag:s22] =	dma.local [hbm:s5], $0x500  }
0x3a: {  	_ =	swait.ge [sflag:s1], $0x500  }
0x3b: {  	[sflag:s1] =	ssyncset.done $0x0  }
0x3c: {  	s5 =	sshrl.u32 s25, $0x3;
	s6 =	rddreg [dreg:$0x6];
	[sflag:s1] =	ssyncadd.s32 $0xFFFFFB00  }
0x3d: {  	[spmem:s5], [sflag:s22] =	dma.local [hbm:s6], $0x500  }
0x3e: {  	_ =	swait.ge [sflag:s1], $0x500  }
0x3f: {  	[sflag:s1] =	ssyncset.done $0x0  }
0x40: {  	s6 =	sshrl.u32 s26, $0x3;
	s7 =	rddreg [dreg:$0x7];
	[sflag:s1] =	ssyncadd.s32 $0xFFFFFB00  }
0x41: {  	[spmem:s6], [sflag:s22] =	dma.local [hbm:s7], $0x500  }
0x42: {  	_ =	swait.ge [sflag:s1], $0x500  }
0x43: {  	[sflag:s1] =	ssyncset.done $0x0  }
0x44: {  	s7 =	sshrl.u32 s28, $0x3;
	s8 =	rddreg [dreg:$0x8];
	[sflag:s1] =	ssyncadd.s32 $0xFFFFFB00  }
0x45: {  	[spmem:s7], [sflag:s22] =	dma.local [hbm:s8], $0x500  }
0x46: {  	_ =	swait.ge [sflag:s1], $0x500  }
0x47: {  	[sflag:s1] =	ssyncset.done $0x0  }
0x48: {  	s8 =	sshrl.u32 s29, $0x3;
	s10 =	rddreg [dreg:$0x9];
	[sflag:s1] =	ssyncadd.s32 $0xFFFFFB00  }
0x49: {  	[spmem:s8], [sflag:s22] =	dma.local [hbm:s10], $0x500  }
0x4a: {  	_ =	swait.ge [sflag:s1], $0x500  }
0x4b: {  	[sflag:s1] =	ssyncset.done $0x0  }
0x4c: {  	s10 =	sshrl.u32 @!p0 s30, $0x3;
	s11 =	rddreg [dreg:$0xa];
	[sflag:s1] =	ssyncadd.s32 $0xFFFFFB00  }
0x4d: {  	[spmem:s10], [sflag:s22] =	dma.local @!p0 [hbm:s11], $0x500  }
0x4e: {  	s11 =	simm.s32 @!p0 $0x1  }
0x4f: {  	_ =	swait.ge @!p0 [sflag:s11], $0x500  }
0x50: {  	s12 =	sadd.s32 $0x0, s0;
	[sflag:s11] =	ssyncset.done @!p0 $0x0  }
0x51: {  	p1 =	sgt.u32 s12, $0x9C3;
	[sflag:s11] =	ssyncadd.s32 @!p0 $0xFFFFFB00  }
0x52: {  	s13 =	simm.s32 @!p1 $0x2;
	s11 =	simm.s32 @!p1 $0x0;
	[bflag:$0x0] =	sbarrier.arrive $0xFFFF  }
0x53: {  	[tilespmem:s11], [sflag:$0x2] =	stream.linear.gather @!p1 [hbm4b:s17+s11], $0x80, $0x38;
	[tilespmem:$0x17900] =	vst v63  }
0x54: {  	_ =	swait.ge @!p1 [sflag:s13], $0x80  }
0x55: {  	[sflag:s13] =	ssyncset.done @!p1 $0x0;
	p1 =	por p1, p1  }
0x56: {  	[sflag:s13] =	ssyncadd.s32 @!p1 $0xFFFFFF80;
	s15 =	simm.s32 @!p1 $0x80  }
0x57: {  	[tilespmem:s15], [sflag:$0x2] =	stream.linear.gather @!p1 [hbm4b:s31+s11], $0x4000, $0x38;
	[tilespmem:$0x17900] =	vst v63  }
0x58: {  	_ =	swait.ge @!p1 [sflag:s13], $0x4000  }
0x59: {  	[sflag:s13] =	ssyncset.done @!p1 $0x0  }
0x5a: {  	s20 =	sadd.s32 $0x20, s0;
	s14 =	simm.s32 @!p1 $0x1;
	[sflag:s13] =	ssyncadd.s32 @!p1 $0xFFFFC000  }
0x5b: {  	[spmem:s19] =	stream.indirect.scatter.add.f32 @!p1 [tilespmem:s15], [sflag:$0x1], $0x80, s11, s15, $0xb8;
	[tilespmem:$0x17900] =	vst v63  }
0x5c: {  	s12 =	simm.s32 $0x40;
	p2 =	sgt.u32 s20, $0x9C3;
	_ =	swait.ge @!p1 [sflag:s14], $0x4000  }
0x5d: {  	s13 =	sadd.s32 $0x200, s17;
	s11 =	sadd.s32 $0x10000, s31;
	[sflag:s14] =	ssyncset.done @!p1 $0x0  }
.LBB2_2:
0x5e: {  	s15 =	simm.s32 @!p2 $0x0;
	s16 =	simm.s32 @!p2 $0x2;
	[sflag:s14] =	ssyncadd.s32 @!p1 $0xFFFFC000  }
0x5f: {  	[tilespmem:s15], [sflag:$0x2] =	stream.linear.gather @!p2 [hbm4b:s13+s15], $0x80, $0x38;
	[tilespmem:$0x17900] =	vst v63  }
0x60: {  	s18 =	smov.u32 s12;
	s12 =	sadd.s32 $0x20, s12;
	_ =	swait.ge @!p2 [sflag:s16], $0x80  }
0x61: {  	p1 =	por p2, p2;
	p3 =	sne.s32 s12, $0x9E0;
	[sflag:s16] =	ssyncset.done @!p2 $0x0  }
0x62: {  	s20 =	simm.s32 @!p1 $0x80;
	[sflag:s16] =	ssyncadd.s32 @!p1 $0xFFFFFF80  }
0x63: {  	[tilespmem:s20], [sflag:$0x2] =	stream.linear.gather @!p1 [hbm4b:s11+s15], $0x4000, $0x38;
	[tilespmem:$0x17900] =	vst v63  }
0x64: {  	_ =	swait.ge @!p1 [sflag:s16], $0x4000  }
.Ltmp0:
0x65: {  	[sflag:s16] =	ssyncset.done @!p1 $0x0;
	(pc) =	sbr.rel @p3 .LBB2_2-.Ltmp0, $4  }
0x66: {  	s14 =	simm.s32 @!p1 $0x1;
	[sflag:s16] =	ssyncadd.s32 @!p1 $0xFFFFC000  }
0x67: {  	[spmem:s19] =	stream.indirect.scatter.add.f32 @!p1 [tilespmem:s20], [sflag:$0x1], $0x80, s15, s20, $0xb8;
	[tilespmem:$0x17900] =	vst v63  }
0x68: {  	s13 =	sadd.s32 $0x200, s13;
	s15 =	sadd.s32 s18, s0;
	_ =	swait.ge @!p1 [sflag:s14], $0x4000  }
0x69: {  	s11 =	sadd.s32 $0x10000, s11;
	p2 =	sgt.u32 s15, $0x9C3;
	[sflag:s14] =	ssyncset.done @!p1 $0x0  }
0x6a: {  	s12 =	simm.s32 @!p2 $0x0;
	s15 =	simm.s32 @!p2 $0x2;
	[sflag:s14] =	ssyncadd.s32 @!p1 $0xFFFFC000  }
0x6b: {  	[tilespmem:s12], [sflag:$0x2] =	stream.linear.gather @!p2 [hbm4b:s13+s12], $0x80, $0x38;
	[tilespmem:$0x17900] =	vst v63  }
0x6c: {  	_ =	swait.ge @!p2 [sflag:s15], $0x80  }
0x6d: {  	p1 =	por p2, p2;
	[sflag:s15] =	ssyncset.done @!p2 $0x0  }
0x6e: {  	s13 =	simm.s32 @!p1 $0x80;
	[sflag:s15] =	ssyncadd.s32 @!p1 $0xFFFFFF80  }
0x6f: {  	[tilespmem:s13], [sflag:$0x2] =	stream.linear.gather @!p1 [hbm4b:s11+s12], $0x4000, $0x38;
	[tilespmem:$0x17900] =	vst v63  }
0x70: {  	_ =	swait.ge @!p1 [sflag:s15], $0x4000  }
0x71: {  	[sflag:s15] =	ssyncset.done @!p1 $0x0  }
0x72: {  	s11 =	simm.s32 @!p1 $0x1;
	[sflag:s15] =	ssyncadd.s32 @!p1 $0xFFFFC000  }
0x73: {  	[spmem:s19] =	stream.indirect.scatter.add.f32 @!p1 [tilespmem:s13], [sflag:$0x1], $0x80, s12, s13, $0xb8;
	[tilespmem:$0x17900] =	vst v63  }
0x74: {  	_ =	swait.ge @!p1 [sflag:s11], $0x4000  }
0x75: {  	[sflag:s11] =	ssyncset.done @!p1 $0x0  }
0x76: {  	[sflag:s11] =	ssyncadd.s32 @!p1 $0xFFFFC000  }
0x77: {  	[bflag:$0x0] =	sbarrier.arrive $0xFFFF  }
0x78: {  	s20 =	rddreg [dreg:$0xb]  }
0x79: {  	[hbm:s20], [sflag:s22] =	dma.local [spmem:s2], $0x500  }
0x7a: {  	_ =	swait.ge [sflag:s1], $0x500  }
0x7b: {  	[sflag:s1] =	ssyncset.done $0x0  }
0x7c: {  	s12 =	rddreg [dreg:$0xc];
	[sflag:s1] =	ssyncadd.s32 $0xFFFFFB00  }
0x7d: {  	[hbm:s12], [sflag:s22] =	dma.local [spmem:s3], $0x500  }
0x7e: {  	_ =	swait.ge [sflag:s1], $0x500  }
0x7f: {  	[sflag:s1] =	ssyncset.done $0x0  }
0x80: {  	s13 =	rddreg [dreg:$0xd];
	[sflag:s1] =	ssyncadd.s32 $0xFFFFFB00  }
0x81: {  	[hbm:s13], [sflag:s22] =	dma.local [spmem:s4], $0x500  }
0x82: {  	_ =	swait.ge [sflag:s1], $0x500  }
0x83: {  	[sflag:s1] =	ssyncset.done $0x0  }
0x84: {  	s14 =	rddreg [dreg:$0xe];
	[sflag:s1] =	ssyncadd.s32 $0xFFFFFB00  }
0x85: {  	[hbm:s14], [sflag:s22] =	dma.local [spmem:s5], $0x500  }
0x86: {  	_ =	swait.ge [sflag:s1], $0x500  }
0x87: {  	[sflag:s1] =	ssyncset.done $0x0  }
0x88: {  	s15 =	rddreg [dreg:$0xf];
	[sflag:s1] =	ssyncadd.s32 $0xFFFFFB00  }
0x89: {  	[hbm:s15], [sflag:s22] =	dma.local [spmem:s6], $0x500  }
0x8a: {  	_ =	swait.ge [sflag:s1], $0x500  }
0x8b: {  	[sflag:s1] =	ssyncset.done $0x0  }
0x8c: {  	s16 =	rddreg [dreg:$0x10];
	[sflag:s1] =	ssyncadd.s32 $0xFFFFFB00  }
0x8d: {  	[hbm:s16], [sflag:s22] =	dma.local [spmem:s7], $0x500  }
0x8e: {  	_ =	swait.ge [sflag:s1], $0x500  }
0x8f: {  	[sflag:s1] =	ssyncset.done $0x0  }
0x90: {  	s18 =	rddreg [dreg:$0x11];
	[sflag:s1] =	ssyncadd.s32 $0xFFFFFB00  }
0x91: {  	[hbm:s18], [sflag:s22] =	dma.local [spmem:s8], $0x500  }
0x92: {  	_ =	swait.ge [sflag:s1], $0x500  }
0x93: {  	[sflag:s1] =	ssyncset.done $0x0  }
0x94: {  	s2 =	rddreg [dreg:$0x12];
	[sflag:s1] =	ssyncadd.s32 $0xFFFFFB00  }
0x95: {  	[hbm:s2], [sflag:s22] =	dma.local @!p0 [spmem:s10], $0x500  }
0x96: {  	s2 =	simm.s32 @!p0 $0x1  }
0x97: {  	_ =	swait.ge @!p0 [sflag:s2], $0x500  }
0x98: {  	s9 =	sadd.s32 $0x1, s9;
	s20 =	rddreg [dreg:$0x13]  }
0x99: {  	p1 =	sne.s32 s9, s20  }
.Ltmp1:
0x9a: {  	_ = 	snop;
	(pc) =	sbr.rel @p1 .LBB2_1-.Ltmp1, $3  }
0x9b: {  	_ =	sdelay $0x1  }
0x9c: {  	[sflag:s2] =	ssyncset.done @!p0 $0x0  }
0x9d: {  	[sflag:s2] =	ssyncadd.s32 @!p0 $0xFFFFFB00  }
0x9e: {  	_ =	sfence.sel $0x180000  }
0x9f: {  	[bflag:$0x0] =	sbarrier.arrive $0xFFFF  }
0xa0: {  	_ =	strace $0x9000004A  }
0xa1: {  	s0 =	stileid.u32;
	[bflag:$0x2] =	sbarrier.arrive $0xFFFF  }
0xa2: {  	p0 =	sne.s32 s0, $0x0;
	s0 =	rddreg [dreg:$0x2]  }
0xa3: {  	s0 =	sadd.s32 @!p0 $0x100000, s0  }
0xa4: {  	[sflag:s0] =	ssyncadd.tile.s32 @!p0 $0x1;
	_ =	shalt  }
.Lfunc_end2:
_tile_overlayer_lowered:
.L_overlay_start_2:
0xa5: {  	(tag) =	ssettag $0x2  }
0xa6: {  	s0 =	rddreg [dreg:$0x0];
	s2 =	stileid.u32  }
0xa7: {  	s1 =	rddreg [dreg:$0x1];
	p0 =	sne.s32 s2, $0x0  }
0xa8: {  	s3 =	rddreg [dreg:$0x2];
	[bflag:$0x3] =	sbarrier.arrive $0xFFFF;
	s2 =	simm.s32 @!p0 $0x1C01  }
0xa9: {  	[timem:s3], [sflag:s2] =	dma.local @!p0 [hbm:s0], s1  }
0xaa: {  	s0 =	simm.s32 @!p0 $0x1  }
0xab: {  	_ =	swait.ge @!p0 [sflag:s0], s1  }
0xac: {  	s1 =	ssub.s32 @!p0 $0x0, s1;
	[sflag:s0] =	ssyncset.done @!p0 $0x0  }
0xad: {  	[sflag:s0] =	ssyncadd.s32 @!p0 s1  }
0xae: {  	[bflag:$0x3] =	sbarrier.arrive $0xFFFF  }
0xaf: {  	_ =	shalt  }

// kernel: kernel.36.cloned.1.call-start
scs
__scs_entry_jumppad:
0x0: {  	(pc) =	sbr.rel $0x88, $3  }
0x1: {  	(tag) =	ssettag $0x0;
	lr =	simm.s32 $0x1  }
0x2: {  	[smem:$0x3F85] =	sst lr;
	_ =	strace $0xD0000000  }
0x3: {  	_ = 	snop  }
0x4: {  	_ = 	snop  }
0x5: {  	_ = 	snop  }
0x6: {  	_ = 	snop  }
0x7: {  	_ = 	snop  }
__scs_overlays_trampoline_lowered:
0x8: {  	[smem:$0x3F94] =	sst s0  }
0x9: {  	[smem:$0x3F95] =	sst s1  }
0xa: {  	[smem:$0x3F96] =	sst s2  }
0xb: {  	[smem:$0x3F97] =	sst s3  }
0xc: {  	[smem:$0x3F98] =	sst s4  }
0xd: {  	[smem:$0x3F99] =	sst s5  }
0xe: {  	[smem:$0x3F9A] =	sst s6  }
0xf: {  	[smem:$0x3F9B] =	sst s7  }
0x10: {  	[smem:$0x3F9C] =	sst s8  }
0x11: {  	[smem:$0x3F9D] =	sst s9;
	s0 =	simm.s32 @!p0 $0x0  }
0x12: {  	s1 =	sld [smem:$0x3F83];
	s0 =	simm.s32 @p0 $0x1  }
0x13: {  	[smem:$0x3F9E] =	sst s0;
	s0 =	simm.s32 @!p1 $0x0  }
0x14: {  	s2 =	sld [smem:$0x3F82];
	s0 =	simm.s32 @p1 $0x1  }
0x15: {  	[smem:$0x3F9F] =	sst s0;
	s0 =	simm.s32 @!p2 $0x0  }
0x16: {  	s3 =	sld [smem:$0x3FDB];
	s0 =	simm.s32 @p2 $0x1  }
0x17: {  	s4 =	simm.s32 $0x1BF5;
	[smem:$0x3FA1] =	sst s0  }
0x18: {  	s0 =	sld [smem:$0x3F84];
	_ =	swait.ge [sflag:s4], $0x0  }
0x19: {  	s7 =	sld [smem:$0x3F85]  }
0x1a: {  	s8 =	sadd.s32 $0xFFFFE003, lr  }
0x1b: {  	s9 =	sadd.s32 $0xFFFFFEF7, lr;
	s5 =	simm.s32 $0xFFFFFFFF;
	p2 =	slt.u32 s8, $0xFFFFF086  }
0x1c: {  	p1 =	slt.u32 s9, $0xF7A;
	s5 =	simm.s32 @!p2 $0x0  }
0x1d: {  	s5 =	simm.s32 @p1 $0x1;
	p0 =	seq.s32 s7, s2  }
0x1e: {  	s7 =	smul.u32 @!p0 $0xF7A, s2;
	p2 =	seq.s32 @!p0 s5, $0x0  }
0x1f: {  	s9 =	smul.u32 $0xF7A, s1;
	s8 =	simm.s32 @!p0 $0x1BF5;
	p2 =	por !p2, p0  }
0x20: {  	[sflag:s8] =	ssyncset.s32 @!p0 $0xFFFFF086;
	s6 =	sadd.s32 @!p0 s3, s7;
	s7 =	simm.s32 @!p0 $0x108  }
0x21: {  	s3 =	sadd.s32 s3, s9;
	s6 =	sadd.s32 @!p0 $0x88, s6;
	s7 =	simm.s32 @p2 $0x1082  }
0x22: {  	[simem:s7], [sflag:s8] =	dma.local @!p0 [hbm:s6], $0xF7A  }
0x23: {  	s9 =	sor.u32 $0xD0000000, s2;
	s6 =	simm.s32 $0x108;
	_ =	swait.ge @!p0 [sflag:s8], $0x0  }
0x24: {  	s3 =	sadd.s32 $0x88, s3;
	s6 =	simm.s32 @!p1 $0x1082;
	[sflag:s4] =	ssyncset.s32 $0xFFFFF086  }
0x25: {  	[simem:s6], [sflag:s4] =	dma.local [hbm:s3], $0xF7A  }
0x26: {  	[smem:$0x3F85] =	sst s1;
	(tag) =	ssettag s2;
	_ =	strace s9  }
0x27: {  	s1 =	sld [smem:$0x3F95]  }
0x28: {  	s2 =	sld [smem:$0x3F96]  }
0x29: {  	s4 =	sld [smem:$0x3F98]  }
0x2a: {  	p0 =	seq.s32 s5, $0x0;
	s5 =	sld [smem:$0x3F99]  }
0x2b: {  	s6 =	sld [smem:$0x3F9A]  }
0x2c: {  	s7 =	sld [smem:$0x3F9B]  }
0x2d: {  	s3 =	simm.s32 $0x108;
	s8 =	sld [smem:$0x3F9C]  }
0x2e: {  	s3 =	simm.s32 @!p0 $0x1082;
	s9 =	sld [smem:$0x3F9D]  }
0x2f: {  	lr =	sadd.s32 s0, s3;
	s0 =	sld [smem:$0x3F94]  }
0x30: {  	s3 =	sld [smem:$0x3F97]  }
0x31: {  	[smem:$0x3FA0] =	sst s10  }
0x32: {  	s10 =	sld [smem:$0x3F9E];
	_ =	sdelay $0x3  }
0x33: {  	p0 =	seq.s32 s10, $0x1;
	s10 =	sld [smem:$0x3FA0];
	_ =	sdelay $0x3  }
0x34: {  	[smem:$0x3FA0] =	sst s10  }
0x35: {  	s10 =	sld [smem:$0x3F9F];
	_ =	sdelay $0x3  }
0x36: {  	p1 =	seq.s32 s10, $0x1;
	s10 =	sld [smem:$0x3FA0];
	_ =	sdelay $0x3  }
0x37: {  	[smem:$0x3FA0] =	sst s10  }
0x38: {  	s10 =	sld [smem:$0x3FA1]  }
0x39: {  	_ = 	snop;
	(pc) =	sbr.ind lr, $3  }
0x3a: {  	_ = 	snop  }
0x3b: {  	_ = 	snop  }
0x3c: {  	p2 =	seq.s32 s10, $0x1;
	s10 =	sld [smem:$0x3FA0]  }
0x3d: {  	_ =	shalt  }
0x3e: {  	_ =	shalt  }
0x3f: {  	_ =	shalt  }
0x40: {  	_ =	shalt  }
0x41: {  	_ =	shalt  }
0x42: {  	_ =	shalt  }
0x43: {  	_ =	shalt  }
0x44: {  	_ =	shalt  }
0x45: {  	_ =	shalt  }
0x46: {  	_ =	shalt  }
0x47: {  	_ =	shalt  }
0x48: {  	_ =	shalt  }
0x49: {  	_ =	shalt  }
0x4a: {  	_ =	shalt  }
0x4b: {  	_ =	shalt  }
0x4c: {  	_ =	shalt  }
0x4d: {  	_ =	shalt  }
0x4e: {  	_ =	shalt  }
0x4f: {  	_ =	shalt  }
0x50: {  	_ =	shalt  }
0x51: {  	_ =	shalt  }
0x52: {  	_ =	shalt  }
0x53: {  	_ =	shalt  }
0x54: {  	_ =	shalt  }
0x55: {  	_ =	shalt  }
0x56: {  	_ =	shalt  }
0x57: {  	_ =	shalt  }
0x58: {  	_ =	shalt  }
0x59: {  	_ =	shalt  }
0x5a: {  	_ =	shalt  }
0x5b: {  	_ =	shalt  }
0x5c: {  	_ =	shalt  }
0x5d: {  	_ =	shalt  }
0x5e: {  	_ =	shalt  }
0x5f: {  	_ =	shalt  }
0x60: {  	_ =	shalt  }
0x61: {  	_ =	shalt  }
0x62: {  	_ =	shalt  }
0x63: {  	_ =	shalt  }
0x64: {  	_ =	shalt  }
0x65: {  	_ =	shalt  }
0x66: {  	_ =	shalt  }
0x67: {  	_ =	shalt  }
0x68: {  	_ =	shalt  }
0x69: {  	_ =	shalt  }
0x6a: {  	_ =	shalt  }
0x6b: {  	_ =	shalt  }
0x6c: {  	_ =	shalt  }
0x6d: {  	_ =	shalt  }
0x6e: {  	_ =	shalt  }
0x6f: {  	_ =	shalt  }
0x70: {  	_ =	shalt  }
0x71: {  	_ =	shalt  }
0x72: {  	_ =	shalt  }
0x73: {  	_ =	shalt  }
0x74: {  	_ =	shalt  }
0x75: {  	_ =	shalt  }
0x76: {  	_ =	shalt  }
0x77: {  	_ =	shalt  }
0x78: {  	_ =	shalt  }
0x79: {  	_ =	shalt  }
0x7a: {  	_ =	shalt  }
0x7b: {  	_ =	shalt  }
0x7c: {  	_ =	shalt  }
0x7d: {  	_ =	shalt  }
0x7e: {  	_ =	shalt  }
0x7f: {  	_ =	shalt  }
0x80: {  	_ =	shalt  }
0x81: {  	_ =	shalt  }
0x82: {  	_ =	shalt  }
0x83: {  	_ =	shalt  }
0x84: {  	_ =	shalt  }
0x85: {  	_ =	shalt  }
0x86: {  	_ =	shalt  }
0x87: {  	_ =	shalt  }
.Lfunc_end0:
.L_simem_size_0:
called_computation.2_lowered:
.L_overlay_start_0:
0x88: {  	s2 =	sld [smem:$0x3FD9]  }
0x89: {  	s3 =	sld [smem:$0x3FFE];
	_ =	sdelay $0x1  }
0x8a: {  	s1 =	srdreg.scid  }
0x8b: {  	s0 =	sand.u32 $0x1, s1  }
0x8c: {  	s16 =	sshll.u32 s0, $0xA;
	s2 =	sadd.s32 s3, s2  }
0x8d: {  	s2 =	sadd.s32 s2, s16  }
0x8e: {  	[smem:$0x3FAC] =	sst s2  }
0x8f: {  	_ = 	snop  }
0x90: {  	(tm) =	ssettm $0x1  }
0x91: {  	s17 =	sld [smem:$0x3FFB];
	_ =	sdelay $0x3  }
0x92: {  	_ =	strace s17  }
0x93: {  	s2 =	sld [smem:$0x3FFC];
	_ =	sdelay $0x3  }
0x94: {  	_ =	strace s2  }
0x95: {  	s2 =	sld [smem:$0x3FFD];
	_ =	sdelay $0x3  }
0x96: {  	_ =	strace s2  }
0x97: {  	_ =	strace $0x8FFFFFFF  }
0x98: {  	s18 =	sld [smem:$0x3FDB];
	_ =	sdelay $0x1  }
0x99: {  	s19 =	simm.s32 $_scs_section_size  }
0x9a: {  	s4 =	simm.s32 $_size__tile_overlayer_lowered;
	s5 =	simm.s32 $_tile_overlayer_lowered  }
0x9b: {  	s22 =	simm.s32 $0x1BFF;
	s21 =	sshll.u32 s5, $0x1;
	s2 =	sadd.s32 s19, s18  }
0x9c: {  	s6 =	simm.s32 $0x0;
	s20 =	sshll.u32 s4, $0x1;
	s4 =	sadd.s32 s21, s2  }
0x9d: {  	[timem:s6], [sflag:s22] =	dma.local [hbm:s4], s20  }
0x9e: {  	_ =	swait.ge [sflag:s22], s20  }
0x9f: {  	s3 =	ssub.s32 $0x0, s20;
	[sflag:s22] =	ssyncset.done $0x0  }
0xa0: {  	[sflag:s22] =	ssyncadd.s32 s3;
	_ =	sdelay $0x1  }
0xa1: {  	s23 =	simm.s32 $0x1B8B  }
0xa2: {  	_ =	swait.ge [sflag:s23], $0x1  }
0xa3: {  	[sflag:s23] =	ssyncset.done $0x0  }
0xa4: {  	s25 =	simm.s32 $0x1B8E;
	s24 =	sld [smem:$0x3FFE];
	[sflag:s23] =	ssyncadd.s32 $0xFFFFFFFF  }
0xa5: {  	s26 =	simm.s32 $execute0_lowered;
	[smem:$0x3FD2] =	sst s25  }
0xa6: {  	s4 =	sshll.u32 s26, $0x1;
	_ =	strace $0x8000004C;
	[dreg:$0x1] =	wrdreg $0xFFFFFFFF  }
0xa7: {  	s28 =	simm.s32 $_size_execute0_lowered;
	s2 =	sadd.s32 s2, s4;
	[dreg:$0x0] =	wrdreg $0x0  }
0xa8: {  	s4 =	sshll.u32 s28, $0x1;
	[dreg:$0x2] =	wrdreg s2  }
0xa9: {  	[dreg:$0x3] =	wrdreg s4  }
0xaa: {  	[dreg:$0x4] =	wrdreg $0xC0  }
0xab: {  	_ =	task [dreg:s6], $0x5FFFF  }
0xac: {  	[dreg:$0x1] =	wrdreg $0xFFFFFFFF  }
0xad: {  	[dreg:$0x0] =	wrdreg $0x60  }
0xae: {  	[dreg:$0x2] =	wrdreg s24  }
0xaf: {  	[dreg:$0x3] =	wrdreg $0x9  }
0xb0: {  	_ =	task.clear_ibuf [dreg:s6], $0x4FFFF;
	_ =	strace $0x9000004C  }
0xb1: {  	s29 =	simm.s32 $0x9;
	_ =	strace $0x8000004E  }
0xb2: {  	_ =	swait.ge [sflag:s29], $0x1  }
0xb3: {  	[sflag:s29] =	ssyncadd.s32 $0xFFFFFFFF  }
0xb4: {  	_ =	strace $0x9000004E  }
0xb5: {  	_ =	sfence  }
0xb6: {  	s30 =	sld [smem:$0x0];
	_ =	sdelay $0x2  }
0xb7: {  	s31 =	sshll.u32 s1, $0xD;
	s1 =	sshrl.u32 s1, $0x2  }
0xb8: {  	s3 =	sand.u32 $0x4000, s31;
	s1 =	sadd.s32 s1, s30  }
0xb9: {  	s0 =	sor.u32 s3, s0;
	s1 =	sshll.u32 s1, $0x11  }
0xba: {  	s0 =	sor.u32 s1, s0  }
0xbb: {  	s0 =	sadd.s32 $0x8F2B, s0  }
0xbc: {  	[sflag:s0] =	ssyncadd.remote.s32 $0x1  }
0xbd: {  	_ =	sfence.sel $0xFFFF  }
0xbe: {  	[dreg:$0x0] =	wrdreg $0xFFFFFFFF;
	(pc) =	sbr.abs _section_cstart, $3  }
0xbf: {  	[dreg:$0x1] =	wrdreg $0xFFFFFFFF  }
0xc0: {  	_ =	task.clear_ibuf [dreg:s6], $0x2FFFF;
	_ =	strace $0x9FFFFFFF  }
0xc1: {  	(tm) =	ssettm $0x7FFFFFFF  }
tec
execute0_lowered:
.L_overlay_start_1:
0x0: {  	(tag) =	ssettag $0x1  }
0x1: {  	s4 =	rddreg [dreg:$0x0]  }
0x2: {  	s0 =	rddreg [dreg:$0x1]  }
0x3: {  	s2 =	simm.s32 $0x0;
	s3 =	srdreg.scid;
	s1 =	stileid.u32  }
0x4: {  	[smem:$0x7FF] =	sst s2;
	s5 =	sand.u32 $0x1, s3;
	s3 =	sadd.s32 $0xA4B400, s4  }
0x5: {  	s6 =	sshll.u32 s1, $0x5;
	s8 =	sshll.u32 s1, $0xC;
	_ =	strace $0x8000004D  }
0x6: {  	s7 =	ssub.s32 $0x2, s5;
	s6 =	sadd.s32 s6, s4;
	s8 =	sadd.s32 s8, s4  }
0x7: {  	s31 =	sshll.u32 s5, $0x4;
	s10 =	sshll.u32 s5, $0xB;
	s9 =	sshrl.u32 s7, $0x1  }
0x8: {  	s4 =	sshll.u32 s1, $0x1;
	s10 =	sadd.s32 s10, s8;
	s7 =	ssub.s32 s7, s9  }
0x9: {  	s9 =	sadd.s32 s31, s6;
	s8 =	sadd.s32 $0x50D000, s10;
	s5 =	smax.u32 s7, $0x1  }
0xa: {  	s6 =	sadd.s32 $0x21200, s9;
	s7 =	sadd.s32 $0x17400, s9;
	s9 =	sadd.s32 $0x2B000, s10  }
.LBB2_1:
0xb: {  	p0 =	sgt.u32 s4, $0x9C3  }
0xc: {  	s10 =	sadd.s32 @!p0 $0x0, s7;
	s11 =	simm.s32 @!p0 $0x0;
	s14 =	simm.s32 @!p0 $0x4  }
0xd: {  	[tilespmem:s11], [sflag:$0x4] =	stream.linear.gather @!p0 [hbm4b:s10+s11], $0x80, $0x38;
	[tilespmem:$0x8100] =	vst v63  }
0xe: {  	_ =	swait.ge @!p0 [sflag:s14], $0x80;
	p0 =	por p0, p0  }
0xf: {  	[sflag:s14] =	ssyncset.done @!p0 $0x0  }
0x10: {  	s10 =	sadd.s32 @!p0 $0x0, s6;
	s12 =	simm.s32 @!p0 $0x80;
	[sflag:s14] =	ssyncadd.s32 @!p0 $0xFFFFFF80  }
0x11: {  	[tilespmem:s12], [sflag:$0x4] =	stream.linear.gather @!p0 [hbm4b:s10+s11], $0x80, $0x38;
	[tilespmem:$0x8100] =	vst v63  }
0x12: {  	_ =	swait.ge @!p0 [sflag:s14], $0x80  }
0x13: {  	[sflag:s14] =	ssyncset.done @!p0 $0x0  }
0x14: {  	s10 =	simm.s32 @!p0 $0x100;
	[sflag:s14] =	ssyncadd.s32 @!p0 $0xFFFFFF80  }
0x15: {  	[tilespmem:s10], [sflag:$0x1] =	stream.indirect.gather @!p0 [hbm4b:s3+s12], $0x80, s11, s12, $0xb8;
	[tilespmem:$0x8100] =	vst v63  }
0x16: {  	s15 =	simm.s32 @!p0 $0x4100;
	s13 =	simm.s32 @!p0 $0x1  }
0x17: {  	[tilespmem:s15], [sflag:$0x2] =	stream.indirect.gather @!p0 [hbm4b:s3+s12], $0x80, s12, s12, $0xb8;
	[tilespmem:$0x8100] =	vst v63  }
0x18: {  	_ =	swait.ge @!p0 [sflag:s13], $0x4000  }
0x19: {  	[sflag:s13] =	ssyncset.done @!p0 $0x0  }
0x1a: {  	s12 =	simm.s32 @!p0 $0x2;
	[sflag:s13] =	ssyncadd.s32 @!p0 $0xFFFFC000  }
0x1b: {  	_ =	swait.ge @!p0 [sflag:s12], $0x4000  }
0x1c: {  	[sflag:s12] =	ssyncset.done @!p0 $0x0  }
0x1d: {  	[sflag:s12] =	ssyncadd.s32 @!p0 $0xFFFFC000  }
0x1e: {  	[hbm4b:s9+s11] =	stream.linear.scatter @!p0 [tilespmem:s10], [sflag:$0x4], $0x4000, $0x38;
	[tilespmem:$0x8100] =	vst v63  }
0x1f: {  	_ =	swait.ge @!p0 [sflag:s14], $0x4000  }
0x20: {  	[sflag:s14] =	ssyncset.done @!p0 $0x0  }
0x21: {  	s13 =	simm.s32 $0x400;
	s12 =	simm.s32 $0x200;
	[sflag:s14] =	ssyncadd.s32 @!p0 $0xFFFFC000  }
0x22: {  	[hbm4b:s8+s11] =	stream.linear.scatter @!p0 [tilespmem:s15], [sflag:$0x3], $0x4000, $0x38;
	[tilespmem:$0x8100] =	vst v63  }
0x23: {  	s10 =	sadd.s32 $0x10000, s9;
	s14 =	sadd.s32 $0x20, s4;
	s15 =	simm.s32 @!p0 $0x3  }
0x24: {  	p2 =	sgt.u32 s14, $0x9C3;
	s11 =	sadd.s32 $0x10000, s8;
	_ =	swait.ge @!p0 [sflag:s15], $0x4000  }
.LBB2_2:
0x25: {  	s16 =	sadd.s32 @!p2 s12, s7  }
0x26: {  	s17 =	simm.s32 @!p2 $0x0;
	[sflag:s15] =	ssyncset.done @!p0 $0x0;
	s18 =	smov.u32 s13  }
0x27: {  	s13 =	sadd.s32 $0x200, s13;
	s19 =	simm.s32 @!p2 $0x4;
	[sflag:s15] =	ssyncadd.s32 @!p0 $0xFFFFC000  }
0x28: {  	[tilespmem:s17], [sflag:$0x4] =	stream.linear.gather @!p2 [hbm4b:s16+s17], $0x80, $0x38;
	[tilespmem:$0x8100] =	vst v63  }
0x29: {  	p1 =	sne.s32 s13, $0x9E00;
	p0 =	por p2, p2;
	_ =	swait.ge @!p2 [sflag:s19], $0x80  }
0x2a: {  	[sflag:s19] =	ssyncset.done @!p0 $0x0  }
0x2b: {  	s12 =	sadd.s32 @!p0 s12, s6;
	s15 =	simm.s32 @!p0 $0x80;
	[sflag:s19] =	ssyncadd.s32 @!p0 $0xFFFFFF80  }
0x2c: {  	[tilespmem:s15], [sflag:$0x4] =	stream.linear.gather @!p0 [hbm4b:s12+s17], $0x80, $0x38;
	[tilespmem:$0x8100] =	vst v63  }
0x2d: {  	s12 =	smov.u32 s18;
	_ =	swait.ge @!p0 [sflag:s19], $0x80  }
0x2e: {  	[sflag:s19] =	ssyncset.done @!p0 $0x0  }
0x2f: {  	s16 =	simm.s32 @!p0 $0x100;
	[sflag:s19] =	ssyncadd.s32 @!p0 $0xFFFFFF80  }
0x30: {  	[tilespmem:s16], [sflag:$0x1] =	stream.indirect.gather @!p0 [hbm4b:s3+s15], $0x80, s17, s15, $0xb8;
	[tilespmem:$0x8100] =	vst v63  }
0x31: {  	s20 =	simm.s32 @!p0 $0x1;
	s18 =	simm.s32 @!p0 $0x4100  }
0x32: {  	[tilespmem:s18], [sflag:$0x2] =	stream.indirect.gather @!p0 [hbm4b:s3+s15], $0x80, s15, s15, $0xb8;
	[tilespmem:$0x8100] =	vst v63  }
0x33: {  	_ =	swait.ge @!p0 [sflag:s20], $0x4000  }
0x34: {  	[sflag:s20] =	ssyncset.done @!p0 $0x0  }
0x35: {  	s15 =	simm.s32 @!p0 $0x2;
	[sflag:s20] =	ssyncadd.s32 @!p0 $0xFFFFC000  }
0x36: {  	_ =	swait.ge @!p0 [sflag:s15], $0x4000  }
0x37: {  	[sflag:s15] =	ssyncset.done @!p0 $0x0  }
0x38: {  	[sflag:s15] =	ssyncadd.s32 @!p0 $0xFFFFC000  }
0x39: {  	[hbm4b:s10+s17] =	stream.linear.scatter @!p0 [tilespmem:s16], [sflag:$0x4], $0x4000, $0x38;
	[tilespmem:$0x8100] =	vst v63  }
.Ltmp0:
0x3a: {  	_ =	swait.ge @!p0 [sflag:s19], $0x4000;
	(pc) =	sbr.rel @p1 .LBB2_2-.Ltmp0, $4  }
0x3b: {  	s10 =	sadd.s32 $0x10000, s10;
	[sflag:s19] =	ssyncset.done @!p0 $0x0  }
0x3c: {  	s14 =	sadd.s32 $0x20, s14;
	s15 =	simm.s32 @!p0 $0x3;
	[sflag:s19] =	ssyncadd.s32 @!p0 $0xFFFFC000  }
0x3d: {  	[hbm4b:s11+s17] =	stream.linear.scatter @!p0 [tilespmem:s18], [sflag:$0x3], $0x4000, $0x38;
	[tilespmem:$0x8100] =	vst v63  }
0x3e: {  	p2 =	sgt.u32 s14, $0x9C3;
	s11 =	sadd.s32 $0x10000, s11;
	_ =	swait.ge @!p0 [sflag:s15], $0x4000  }
0x3f: {  	s13 =	sadd.s32 @!p2 s12, s7;
	[sflag:s15] =	ssyncset.done @!p0 $0x0  }
0x40: {  	s14 =	simm.s32 @!p2 $0x0;
	s16 =	simm.s32 @!p2 $0x4;
	[sflag:s15] =	ssyncadd.s32 @!p0 $0xFFFFC000  }
0x41: {  	[tilespmem:s14], [sflag:$0x4] =	stream.linear.gather @!p2 [hbm4b:s13+s14], $0x80, $0x38;
	[tilespmem:$0x8100] =	vst v63  }
0x42: {  	p0 =	por p2, p2;
	_ =	swait.ge @!p2 [sflag:s16], $0x80  }
0x43: {  	[sflag:s16] =	ssyncset.done @!p0 $0x0  }
0x44: {  	s12 =	sadd.s32 @!p0 s12, s6;
	s13 =	simm.s32 @!p0 $0x80;
	[sflag:s16] =	ssyncadd.s32 @!p0 $0xFFFFFF80  }
0x45: {  	[tilespmem:s13], [sflag:$0x4] =	stream.linear.gather @!p0 [hbm4b:s12+s14], $0x80, $0x38;
	[tilespmem:$0x8100] =	vst v63  }
0x46: {  	_ =	swait.ge @!p0 [sflag:s16], $0x80  }
0x47: {  	[sflag:s16] =	ssyncset.done @!p0 $0x0  }
0x48: {  	s12 =	simm.s32 @!p0 $0x100;
	[sflag:s16] =	ssyncadd.s32 @!p0 $0xFFFFFF80  }
0x49: {  	[tilespmem:s12], [sflag:$0x1] =	stream.indirect.gather @!p0 [hbm4b:s3+s13], $0x80, s14, s13, $0xb8;
	[tilespmem:$0x8100] =	vst v63  }
0x4a: {  	s15 =	simm.s32 @!p0 $0x4100;
	s17 =	simm.s32 @!p0 $0x1  }
0x4b: {  	[tilespmem:s15], [sflag:$0x2] =	stream.indirect.gather @!p0 [hbm4b:s3+s13], $0x80, s13, s13, $0xb8;
	[tilespmem:$0x8100] =	vst v63  }
0x4c: {  	_ =	swait.ge @!p0 [sflag:s17], $0x4000  }
0x4d: {  	[sflag:s17] =	ssyncset.done @!p0 $0x0  }
0x4e: {  	s13 =	simm.s32 @!p0 $0x2;
	[sflag:s17] =	ssyncadd.s32 @!p0 $0xFFFFC000  }
0x4f: {  	_ =	swait.ge @!p0 [sflag:s13], $0x4000  }
0x50: {  	[sflag:s13] =	ssyncset.done @!p0 $0x0  }
0x51: {  	[sflag:s13] =	ssyncadd.s32 @!p0 $0xFFFFC000  }
0x52: {  	[hbm4b:s10+s14] =	stream.linear.scatter @!p0 [tilespmem:s12], [sflag:$0x4], $0x4000, $0x38;
	[tilespmem:$0x8100] =	vst v63  }
0x53: {  	s2 =	sadd.s32 $0x1, s2;
	_ =	swait.ge @!p0 [sflag:s16], $0x4000  }
0x54: {  	p1 =	sne.s32 s2, s5;
	[sflag:s16] =	ssyncset.done @!p0 $0x0  }
.Ltmp1:
0x55: {  	s10 =	simm.s32 @!p0 $0x3;
	[sflag:s16] =	ssyncadd.s32 @!p0 $0xFFFFC000;
	(pc) =	sbr.rel @p1 .LBB2_1-.Ltmp1, $4  }
0x56: {  	[hbm4b:s11+s14] =	stream.linear.scatter @!p0 [tilespmem:s15], [sflag:$0x3], $0x4000, $0x38;
	[tilespmem:$0x8100] =	vst v63  }
0x57: {  	_ =	swait.ge @!p0 [sflag:s10], $0x4000  }
0x58: {  	[sflag:s10] =	ssyncset.done @!p0 $0x0  }
0x59: {  	[sflag:s10] =	ssyncadd.s32 @!p0 $0xFFFFC000  }
0x5a: {  	_ =	sfence.sel $0x180000  }
0x5b: {  	[bflag:$0x0] =	sbarrier.arrive $0xFFFF  }
0x5c: {  	p0 =	sne.s32 s1, $0x0;
	_ =	strace $0x9000004D  }
0x5d: {  	s0 =	sadd.s32 @!p0 $0x100000, s0;
	[bflag:$0x2] =	sbarrier.arrive $0xFFFF  }
0x5e: {  	[sflag:s0] =	ssyncadd.tile.s32 @!p0 $0x1;
	_ =	shalt  }
.Lfunc_end2:
_tile_overlayer_lowered:
.L_overlay_start_2:
0x5f: {  	(tag) =	ssettag $0x2  }
0x60: {  	s0 =	rddreg [dreg:$0x0];
	s2 =	stileid.u32  }
0x61: {  	s1 =	rddreg [dreg:$0x1];
	p0 =	sne.s32 s2, $0x0  }
0x62: {  	s3 =	rddreg [dreg:$0x2];
	[bflag:$0x3] =	sbarrier.arrive $0xFFFF;
	s2 =	simm.s32 @!p0 $0x1C03  }
0x63: {  	[timem:s3], [sflag:s2] =	dma.local @!p0 [hbm:s0], s1  }
0x64: {  	s0 =	simm.s32 @!p0 $0x3  }
0x65: {  	_ =	swait.ge @!p0 [sflag:s0], s1  }
0x66: {  	s1 =	ssub.s32 @!p0 $0x0, s1;
	[sflag:s0] =	ssyncset.done @!p0 $0x0  }
0x67: {  	[sflag:s0] =	ssyncadd.s32 @!p0 s1  }
0x68: {  	[bflag:$0x3] =	sbarrier.arrive $0xFFFF  }
0x69: {  	_ =	shalt  }

// kernel: kernel.39.cloned.1.call-start
scs
__scs_entry_jumppad:
0x0: {  	(pc) =	sbr.rel $0x88, $3  }
0x1: {  	(tag) =	ssettag $0x0;
	lr =	simm.s32 $0x1  }
0x2: {  	[smem:$0x3F85] =	sst lr;
	_ =	strace $0xD0000000  }
0x3: {  	_ = 	snop  }
0x4: {  	_ = 	snop  }
0x5: {  	_ = 	snop  }
0x6: {  	_ = 	snop  }
0x7: {  	_ = 	snop  }
__scs_overlays_trampoline_lowered:
0x8: {  	[smem:$0x3F94] =	sst s0  }
0x9: {  	[smem:$0x3F95] =	sst s1  }
0xa: {  	[smem:$0x3F96] =	sst s2  }
0xb: {  	[smem:$0x3F97] =	sst s3  }
0xc: {  	[smem:$0x3F98] =	sst s4  }
0xd: {  	[smem:$0x3F99] =	sst s5  }
0xe: {  	[smem:$0x3F9A] =	sst s6  }
0xf: {  	[smem:$0x3F9B] =	sst s7  }
0x10: {  	[smem:$0x3F9C] =	sst s8  }
0x11: {  	[smem:$0x3F9D] =	sst s9;
	s0 =	simm.s32 @!p0 $0x0  }
0x12: {  	s1 =	sld [smem:$0x3F83];
	s0 =	simm.s32 @p0 $0x1  }
0x13: {  	[smem:$0x3F9E] =	sst s0;
	s0 =	simm.s32 @!p1 $0x0  }
0x14: {  	s2 =	sld [smem:$0x3F82];
	s0 =	simm.s32 @p1 $0x1  }
0x15: {  	[smem:$0x3F9F] =	sst s0;
	s0 =	simm.s32 @!p2 $0x0  }
0x16: {  	s3 =	sld [smem:$0x3FDB];
	s0 =	simm.s32 @p2 $0x1  }
0x17: {  	s4 =	simm.s32 $0x1BF5;
	[smem:$0x3FA1] =	sst s0  }
0x18: {  	s0 =	sld [smem:$0x3F84];
	_ =	swait.ge [sflag:s4], $0x0  }
0x19: {  	s7 =	sld [smem:$0x3F85]  }
0x1a: {  	s8 =	sadd.s32 $0xFFFFE003, lr  }
0x1b: {  	s9 =	sadd.s32 $0xFFFFFEF7, lr;
	s5 =	simm.s32 $0xFFFFFFFF;
	p2 =	slt.u32 s8, $0xFFFFF086  }
0x1c: {  	p1 =	slt.u32 s9, $0xF7A;
	s5 =	simm.s32 @!p2 $0x0  }
0x1d: {  	s5 =	simm.s32 @p1 $0x1;
	p0 =	seq.s32 s7, s2  }
0x1e: {  	s7 =	smul.u32 @!p0 $0xF7A, s2;
	p2 =	seq.s32 @!p0 s5, $0x0  }
0x1f: {  	s9 =	smul.u32 $0xF7A, s1;
	s8 =	simm.s32 @!p0 $0x1BF5;
	p2 =	por !p2, p0  }
0x20: {  	[sflag:s8] =	ssyncset.s32 @!p0 $0xFFFFF086;
	s6 =	sadd.s32 @!p0 s3, s7;
	s7 =	simm.s32 @!p0 $0x108  }
0x21: {  	s3 =	sadd.s32 s3, s9;
	s6 =	sadd.s32 @!p0 $0x88, s6;
	s7 =	simm.s32 @p2 $0x1082  }
0x22: {  	[simem:s7], [sflag:s8] =	dma.local @!p0 [hbm:s6], $0xF7A  }
0x23: {  	s9 =	sor.u32 $0xD0000000, s2;
	s6 =	simm.s32 $0x108;
	_ =	swait.ge @!p0 [sflag:s8], $0x0  }
0x24: {  	s3 =	sadd.s32 $0x88, s3;
	s6 =	simm.s32 @!p1 $0x1082;
	[sflag:s4] =	ssyncset.s32 $0xFFFFF086  }
0x25: {  	[simem:s6], [sflag:s4] =	dma.local [hbm:s3], $0xF7A  }
0x26: {  	[smem:$0x3F85] =	sst s1;
	(tag) =	ssettag s2;
	_ =	strace s9  }
0x27: {  	s1 =	sld [smem:$0x3F95]  }
0x28: {  	s2 =	sld [smem:$0x3F96]  }
0x29: {  	s4 =	sld [smem:$0x3F98]  }
0x2a: {  	p0 =	seq.s32 s5, $0x0;
	s5 =	sld [smem:$0x3F99]  }
0x2b: {  	s6 =	sld [smem:$0x3F9A]  }
0x2c: {  	s7 =	sld [smem:$0x3F9B]  }
0x2d: {  	s3 =	simm.s32 $0x108;
	s8 =	sld [smem:$0x3F9C]  }
0x2e: {  	s3 =	simm.s32 @!p0 $0x1082;
	s9 =	sld [smem:$0x3F9D]  }
0x2f: {  	lr =	sadd.s32 s0, s3;
	s0 =	sld [smem:$0x3F94]  }
0x30: {  	s3 =	sld [smem:$0x3F97]  }
0x31: {  	[smem:$0x3FA0] =	sst s10  }
0x32: {  	s10 =	sld [smem:$0x3F9E];
	_ =	sdelay $0x3  }
0x33: {  	p0 =	seq.s32 s10, $0x1;
	s10 =	sld [smem:$0x3FA0];
	_ =	sdelay $0x3  }
0x34: {  	[smem:$0x3FA0] =	sst s10  }
0x35: {  	s10 =	sld [smem:$0x3F9F];
	_ =	sdelay $0x3  }
0x36: {  	p1 =	seq.s32 s10, $0x1;
	s10 =	sld [smem:$0x3FA0];
	_ =	sdelay $0x3  }
0x37: {  	[smem:$0x3FA0] =	sst s10  }
0x38: {  	s10 =	sld [smem:$0x3FA1]  }
0x39: {  	_ = 	snop;
	(pc) =	sbr.ind lr, $3  }
0x3a: {  	_ = 	snop  }
0x3b: {  	_ = 	snop  }
0x3c: {  	p2 =	seq.s32 s10, $0x1;
	s10 =	sld [smem:$0x3FA0]  }
0x3d: {  	_ =	shalt  }
0x3e: {  	_ =	shalt  }
0x3f: {  	_ =	shalt  }
0x40: {  	_ =	shalt  }
0x41: {  	_ =	shalt  }
0x42: {  	_ =	shalt  }
0x43: {  	_ =	shalt  }
0x44: {  	_ =	shalt  }
0x45: {  	_ =	shalt  }
0x46: {  	_ =	shalt  }
0x47: {  	_ =	shalt  }
0x48: {  	_ =	shalt  }
0x49: {  	_ =	shalt  }
0x4a: {  	_ =	shalt  }
0x4b: {  	_ =	shalt  }
0x4c: {  	_ =	shalt  }
0x4d: {  	_ =	shalt  }
0x4e: {  	_ =	shalt  }
0x4f: {  	_ =	shalt  }
0x50: {  	_ =	shalt  }
0x51: {  	_ =	shalt  }
0x52: {  	_ =	shalt  }
0x53: {  	_ =	shalt  }
0x54: {  	_ =	shalt  }
0x55: {  	_ =	shalt  }
0x56: {  	_ =	shalt  }
0x57: {  	_ =	shalt  }
0x58: {  	_ =	shalt  }
0x59: {  	_ =	shalt  }
0x5a: {  	_ =	shalt  }
0x5b: {  	_ =	shalt  }
0x5c: {  	_ =	shalt  }
0x5d: {  	_ =	shalt  }
0x5e: {  	_ =	shalt  }
0x5f: {  	_ =	shalt  }
0x60: {  	_ =	shalt  }
0x61: {  	_ =	shalt  }
0x62: {  	_ =	shalt  }
0x63: {  	_ =	shalt  }
0x64: {  	_ =	shalt  }
0x65: {  	_ =	shalt  }
0x66: {  	_ =	shalt  }
0x67: {  	_ =	shalt  }
0x68: {  	_ =	shalt  }
0x69: {  	_ =	shalt  }
0x6a: {  	_ =	shalt  }
0x6b: {  	_ =	shalt  }
0x6c: {  	_ =	shalt  }
0x6d: {  	_ =	shalt  }
0x6e: {  	_ =	shalt  }
0x6f: {  	_ =	shalt  }
0x70: {  	_ =	shalt  }
0x71: {  	_ =	shalt  }
0x72: {  	_ =	shalt  }
0x73: {  	_ =	shalt  }
0x74: {  	_ =	shalt  }
0x75: {  	_ =	shalt  }
0x76: {  	_ =	shalt  }
0x77: {  	_ =	shalt  }
0x78: {  	_ =	shalt  }
0x79: {  	_ =	shalt  }
0x7a: {  	_ =	shalt  }
0x7b: {  	_ =	shalt  }
0x7c: {  	_ =	shalt  }
0x7d: {  	_ =	shalt  }
0x7e: {  	_ =	shalt  }
0x7f: {  	_ =	shalt  }
0x80: {  	_ =	shalt  }
0x81: {  	_ =	shalt  }
0x82: {  	_ =	shalt  }
0x83: {  	_ =	shalt  }
0x84: {  	_ =	shalt  }
0x85: {  	_ =	shalt  }
0x86: {  	_ =	shalt  }
0x87: {  	_ =	shalt  }
.Lfunc_end0:
.L_simem_size_0:
called_computation.3_lowered:
.L_overlay_start_0:
0x88: {  	s2 =	sld [smem:$0x3FD9]  }
0x89: {  	s3 =	sld [smem:$0x3FFE];
	_ =	sdelay $0x1  }
0x8a: {  	s1 =	srdreg.scid  }
0x8b: {  	s0 =	sand.u32 $0x1, s1  }
0x8c: {  	s16 =	sshll.u32 s0, $0xA;
	s2 =	sadd.s32 s3, s2  }
0x8d: {  	s2 =	sadd.s32 s2, s16  }
0x8e: {  	[smem:$0x3FAC] =	sst s2  }
0x8f: {  	_ = 	snop  }
0x90: {  	(tm) =	ssettm $0x1  }
0x91: {  	s17 =	sld [smem:$0x3FFB];
	_ =	sdelay $0x3  }
0x92: {  	_ =	strace s17  }
0x93: {  	s2 =	sld [smem:$0x3FFC];
	_ =	sdelay $0x3  }
0x94: {  	_ =	strace s2  }
0x95: {  	s2 =	sld [smem:$0x3FFD];
	_ =	sdelay $0x3  }
0x96: {  	_ =	strace s2  }
0x97: {  	_ =	strace $0x8FFFFFFF  }
0x98: {  	s18 =	sld [smem:$0x3FDB];
	_ =	sdelay $0x1  }
0x99: {  	s19 =	simm.s32 $_scs_section_size  }
0x9a: {  	s4 =	simm.s32 $_size__tile_overlayer_lowered;
	s5 =	simm.s32 $_tile_overlayer_lowered  }
0x9b: {  	s22 =	simm.s32 $0x1BFF;
	s21 =	sshll.u32 s5, $0x1;
	s2 =	sadd.s32 s19, s18  }
0x9c: {  	s6 =	simm.s32 $0x0;
	s20 =	sshll.u32 s4, $0x1;
	s4 =	sadd.s32 s21, s2  }
0x9d: {  	[timem:s6], [sflag:s22] =	dma.local [hbm:s4], s20  }
0x9e: {  	_ =	swait.ge [sflag:s22], s20  }
0x9f: {  	s3 =	ssub.s32 $0x0, s20;
	[sflag:s22] =	ssyncset.done $0x0  }
0xa0: {  	[sflag:s22] =	ssyncadd.s32 s3;
	_ =	sdelay $0x1  }
0xa1: {  	s23 =	simm.s32 $0x1B8B  }
0xa2: {  	_ =	swait.ge [sflag:s23], $0x1  }
0xa3: {  	[sflag:s23] =	ssyncset.done $0x0  }
0xa4: {  	s25 =	simm.s32 $0x1B8E;
	s24 =	sld [smem:$0x3FFE];
	[sflag:s23] =	ssyncadd.s32 $0xFFFFFFFF  }
0xa5: {  	s26 =	simm.s32 $execute0_lowered;
	[smem:$0x3FD2] =	sst s25  }
0xa6: {  	s4 =	sshll.u32 s26, $0x1;
	_ =	strace $0x8000004F;
	[dreg:$0x1] =	wrdreg $0xFFFFFFFF  }
0xa7: {  	s28 =	simm.s32 $_size_execute0_lowered;
	s2 =	sadd.s32 s2, s4;
	[dreg:$0x0] =	wrdreg $0x0  }
0xa8: {  	s4 =	sshll.u32 s28, $0x1;
	[dreg:$0x2] =	wrdreg s2  }
0xa9: {  	[dreg:$0x3] =	wrdreg s4  }
0xaa: {  	[dreg:$0x4] =	wrdreg $0xC0  }
0xab: {  	_ =	task [dreg:s6], $0x5FFFF  }
0xac: {  	[dreg:$0x1] =	wrdreg $0xFFFFFFFF  }
0xad: {  	[dreg:$0x0] =	wrdreg $0x60  }
0xae: {  	[dreg:$0x2] =	wrdreg s24  }
0xaf: {  	[dreg:$0x3] =	wrdreg $0x40800  }
0xb0: {  	[dreg:$0x4] =	wrdreg $0x9  }
0xb1: {  	_ =	task.clear_ibuf [dreg:s6], $0x5FFFF;
	_ =	strace $0x9000004F  }
0xb2: {  	s29 =	simm.s32 $0x9;
	_ =	strace $0x80000051  }
0xb3: {  	_ =	swait.ge [sflag:s29], $0x1  }
0xb4: {  	[sflag:s29] =	ssyncadd.s32 $0xFFFFFFFF  }
0xb5: {  	_ =	strace $0x90000051  }
0xb6: {  	_ =	sfence  }
0xb7: {  	s30 =	sld [smem:$0x0];
	_ =	sdelay $0x2  }
0xb8: {  	s31 =	sshll.u32 s1, $0xD;
	s1 =	sshrl.u32 s1, $0x2  }
0xb9: {  	s3 =	sand.u32 $0x4000, s31;
	s1 =	sadd.s32 s1, s30  }
0xba: {  	s0 =	sor.u32 s3, s0;
	s1 =	sshll.u32 s1, $0x11  }
0xbb: {  	s0 =	sor.u32 s1, s0  }
0xbc: {  	s0 =	sadd.s32 $0x8F2B, s0  }
0xbd: {  	[sflag:s0] =	ssyncadd.remote.s32 $0x1  }
0xbe: {  	_ =	sfence.sel $0xFFFF  }
0xbf: {  	[dreg:$0x0] =	wrdreg $0xFFFFFFFF;
	(pc) =	sbr.abs _section_cstart, $3  }
0xc0: {  	[dreg:$0x1] =	wrdreg $0xFFFFFFFF  }
0xc1: {  	_ =	task.clear_ibuf [dreg:s6], $0x2FFFF;
	_ =	strace $0x9FFFFFFF  }
0xc2: {  	(tm) =	ssettm $0x7FFFFFFF  }
0xc3: {  	_ =	shalt  }
tec
execute0_lowered:
.L_overlay_start_1:
0x0: {  	(tag) =	ssettag $0x1  }
0x1: {  	s20 =	stileid.u32  }
0x2: {  	s0 =	srdreg.scid;
	s9 =	smul.u32 $0x500, s20  }
0x3: {  	s7 =	sand.u32 $0x1, s0;
	s23 =	smul.u32 $0x2800, s20  }
0x4: {  	s6 =	sor.u32 $0x10, s20;
	s8 =	smul.u32 $0x138800, s7  }
0x5: {  	s4 =	sor.u32 $0x20, s20;
	s10 =	smul.u32 $0x500, s6  }
0x6: {  	s5 =	sor.u32 $0x30, s20;
	s11 =	smul.u32 $0x500, s4  }
0x7: {  	s3 =	sor.u32 $0x40, s20;
	s12 =	smul.u32 $0x500, s5  }
0x8: {  	s2 =	sor.u32 $0x50, s20;
	s13 =	smul.u32 $0x500, s3  }
0x9: {  	s1 =	sor.u32 $0x60, s20;
	s14 =	smul.u32 $0x500, s2  }
0xa: {  	s0 =	sor.u32 $0x70, s20;
	s15 =	smul.u32 $0x500, s1  }
0xb: {  	s18 =	rddreg [dreg:$0x0];
	s17 =	smul.u32 $0x500, s0  }
0xc: {  	s21 =	sadd.s32 $0xA24200, s18;
	s24 =	smul.u32 $0x2800, s6  }
0xd: {  	s16 =	ssub.s32 $0x2, s7;
	s6 =	smul.u32 $0xA000, s6;
	s9 =	sadd.s32 s21, s9  }
0xe: {  	s19 =	sshrl.u32 s16, $0x1;
	[dreg:$0x3] =	wrdreg s9;
	s9 =	smul.u32 $0x2800, s4  }
0xf: {  	s22 =	ssub.s32 s16, s19;
	s19 =	smul.u32 $0x2800, s3  }
0x10: {  	s16 =	sadd.s32 s8, s24;
	s24 =	smul.u32 $0x2800, s1  }
0x11: {  	p0 =	sgt.u32 s0, $0x7C;
	s10 =	sadd.s32 s21, s10;
	s4 =	smul.u32 $0xA000, s4  }
0x12: {  	s11 =	sadd.s32 s21, s11;
	s3 =	smul.u32 $0xA000, s3;
	[dreg:$0x4] =	wrdreg s10  }
0x13: {  	s12 =	sadd.s32 s21, s12;
	s1 =	smul.u32 $0xA000, s1;
	[dreg:$0x5] =	wrdreg s11  }
0x14: {  	s13 =	sadd.s32 s21, s13;
	[dreg:$0x6] =	wrdreg s12;
	s10 =	smul.u32 $0x2800, s5  }
0x15: {  	s26 =	sadd.s32 s21, s17;
	[dreg:$0x7] =	wrdreg s13;
	s13 =	smul.u32 $0x2800, s2  }
0x16: {  	s14 =	sadd.s32 s21, s14;
	[dreg:$0xa] =	wrdreg s26;
	s26 =	smul.u32 $0x2800, s0  }
0x17: {  	s25 =	sadd.s32 s21, s15;
	[dreg:$0x8] =	wrdreg s14;
	s5 =	smul.u32 $0xA000, s5  }
0x18: {  	s6 =	sshrl.u32 s6, $0x2;
	[dreg:$0x9] =	wrdreg s25;
	s2 =	smul.u32 $0xA000, s2  }
0x19: {  	s14 =	sadd.s32 s8, s23;
	s23 =	sshll.u32 s20, $0x5;
	s0 =	smul.u32 $0xA000, s0  }
0x1a: {  	s25 =	sadd.s32 s8, s9;
	s11 =	sadd.s32 s8, s19;
	s17 =	sadd.s32 s8, s24  }
0x1b: {  	s9 =	simm.s32 $0x0;
	s19 =	sshll.u32 s20, $0xC;
	s15 =	sadd.s32 s23, s18  }
0x1c: {  	s24 =	sshrl.u32 s16, $0x3;
	s23 =	smul.u32 $0xA000, s20;
	s4 =	sshrl.u32 s4, $0x2  }
0x1d: {  	s3 =	sshrl.u32 s3, $0x2;
	s1 =	sshrl.u32 s1, $0x2;
	s10 =	sadd.s32 s8, s10  }
0x1e: {  	s12 =	sadd.s32 s8, s13;
	s8 =	sadd.s32 s8, s26;
	[smem:$0x7FF] =	sst s9  }
0x1f: {  	s21 =	sadd.s32 s19, s18;
	s18 =	sadd.s32 $0xAAAE00, s18;
	s13 =	sshrl.u32 s14, $0x3  }
0x20: {  	s25 =	sshrl.u32 s25, $0x3;
	s11 =	sshrl.u32 s11, $0x3;
	s16 =	sshrl.u32 s17, $0x3  }
0x21: {  	s17 =	sshll.u32 s7, $0xB;
	s19 =	rddreg [dreg:$0x1];
	s7 =	sshll.u32 s7, $0x4  }
0x22: {  	s2 =	sshrl.u32 s2, $0x2;
	s0 =	sshrl.u32 s0, $0x2;
	s13 =	sadd.s32 s18, s13  }
0x23: {  	s26 =	sadd.s32 s18, s25;
	s10 =	sshrl.u32 s10, $0x3;
	s8 =	sshrl.u32 s8, $0x3  }
0x24: {  	s7 =	sadd.s32 s7, s15;
	s25 =	sshll.u32 s20, $0x6;
	s28 =	sadd.s32 s2, s19  }
0x25: {  	s29 =	sadd.s32 s1, s19;
	s30 =	sadd.s32 s0, s19;
	s0 =	sshll.u32 s20, $0x1  }
0x26: {  	s1 =	simm.s32 $0x1;
	[dreg:$0xb] =	wrdreg s13;
	s13 =	sadd.s32 s18, s24  }
0x27: {  	[dreg:$0xd] =	wrdreg s26;
	s10 =	sadd.s32 s18, s10;
	s8 =	sadd.s32 s18, s8  }
0x28: {  	s24 =	smax.u32 s22, $0x1;
	s22 =	sor.u32 $0x1C01, s25;
	[dreg:$0xc] =	wrdreg s13  }
0x29: {  	s26 =	sshrl.u32 s5, $0x2;
	[dreg:$0xe] =	wrdreg s10;
	s13 =	sshrl.u32 s12, $0x3  }
0x2a: {  	s10 =	sadd.s32 s18, s11;
	[dreg:$0x12] =	wrdreg s8;
	s25 =	sadd.s32 s26, s19  }
0x2b: {  	s26 =	sadd.s32 s3, s19;
	[dreg:$0xf] =	wrdreg s10;
	s14 =	sadd.s32 s18, s13  }
0x2c: {  	s10 =	sadd.s32 s18, s16;
	s18 =	sadd.s32 s17, s21;
	[dreg:$0x10] =	wrdreg s14  }
0x2d: {  	s17 =	sadd.s32 $0x21200, s7;
	[dreg:$0x11] =	wrdreg s10;
	s10 =	sshrl.u32 s23, $0x2  }
0x2e: {  	s23 =	sadd.s32 s6, s19;
	s31 =	sadd.s32 $0x13DA200, s18;
	_ =	strace $0x80000050  }
0x2f: {  	[dreg:$0x13] =	wrdreg s24;
	s21 =	sadd.s32 s10, s19;
	s24 =	sadd.s32 s4, s19  }
.LBB2_1:
0x30: {  	s2 =	sshrl.u32 s21, $0x3;
	s3 =	rddreg [dreg:$0x3]  }
0x31: {  	[spmem:s2], [sflag:s22] =	dma.local [hbm:s3], $0x500  }
0x32: {  	_ =	swait.ge [sflag:s1], $0x500  }
0x33: {  	[sflag:s1] =	ssyncset.done $0x0  }
0x34: {  	s3 =	sshrl.u32 s23, $0x3;
	s4 =	rddreg [dreg:$0x4];
	[sflag:s1] =	ssyncadd.s32 $0xFFFFFB00  }
0x35: {  	[spmem:s3], [sflag:s22] =	dma.local [hbm:s4], $0x500  }
0x36: {  	_ =	swait.ge [sflag:s1], $0x500  }
0x37: {  	[sflag:s1] =	ssyncset.done $0x0  }
0x38: {  	s4 =	sshrl.u32 s24, $0x3;
	s5 =	rddreg [dreg:$0x5];
	[sflag:s1] =	ssyncadd.s32 $0xFFFFFB00  }
0x39: {  	[spmem:s4], [sflag:s22] =	dma.local [hbm:s5], $0x500  }
0x3a: {  	_ =	swait.ge [sflag:s1], $0x500  }
0x3b: {  	[sflag:s1] =	ssyncset.done $0x0  }
0x3c: {  	s5 =	sshrl.u32 s25, $0x3;
	s6 =	rddreg [dreg:$0x6];
	[sflag:s1] =	ssyncadd.s32 $0xFFFFFB00  }
0x3d: {  	[spmem:s5], [sflag:s22] =	dma.local [hbm:s6], $0x500  }
0x3e: {  	_ =	swait.ge [sflag:s1], $0x500  }
0x3f: {  	[sflag:s1] =	ssyncset.done $0x0  }
0x40: {  	s6 =	sshrl.u32 s26, $0x3;
	s7 =	rddreg [dreg:$0x7];
	[sflag:s1] =	ssyncadd.s32 $0xFFFFFB00  }
0x41: {  	[spmem:s6], [sflag:s22] =	dma.local [hbm:s7], $0x500  }
0x42: {  	_ =	swait.ge [sflag:s1], $0x500  }
0x43: {  	[sflag:s1] =	ssyncset.done $0x0  }
0x44: {  	s7 =	sshrl.u32 s28, $0x3;
	s8 =	rddreg [dreg:$0x8];
	[sflag:s1] =	ssyncadd.s32 $0xFFFFFB00  }
0x45: {  	[spmem:s7], [sflag:s22] =	dma.local [hbm:s8], $0x500  }
0x46: {  	_ =	swait.ge [sflag:s1], $0x500  }
0x47: {  	[sflag:s1] =	ssyncset.done $0x0  }
0x48: {  	s8 =	sshrl.u32 s29, $0x3;
	s10 =	rddreg [dreg:$0x9];
	[sflag:s1] =	ssyncadd.s32 $0xFFFFFB00  }
0x49: {  	[spmem:s8], [sflag:s22] =	dma.local [hbm:s10], $0x500  }
0x4a: {  	_ =	swait.ge [sflag:s1], $0x500  }
0x4b: {  	[sflag:s1] =	ssyncset.done $0x0  }
0x4c: {  	s10 =	sshrl.u32 @!p0 s30, $0x3;
	s11 =	rddreg [dreg:$0xa];
	[sflag:s1] =	ssyncadd.s32 $0xFFFFFB00  }
0x4d: {  	[spmem:s10], [sflag:s22] =	dma.local @!p0 [hbm:s11], $0x500  }
0x4e: {  	s11 =	simm.s32 @!p0 $0x1  }
0x4f: {  	_ =	swait.ge @!p0 [sflag:s11], $0x500  }
0x50: {  	s12 =	sadd.s32 $0x0, s0;
	[sflag:s11] =	ssyncset.done @!p0 $0x0  }
0x51: {  	p1 =	sgt.u32 s12, $0x9C3;
	[sflag:s11] =	ssyncadd.s32 @!p0 $0xFFFFFB00  }
0x52: {  	s13 =	simm.s32 @!p1 $0x2;
	s11 =	simm.s32 @!p1 $0x0;
	[bflag:$0x0] =	sbarrier.arrive $0xFFFF  }
0x53: {  	[tilespmem:s11], [sflag:$0x2] =	stream.linear.gather @!p1 [hbm4b:s17+s11], $0x80, $0x38;
	[tilespmem:$0x17900] =	vst v63  }
0x54: {  	_ =	swait.ge @!p1 [sflag:s13], $0x80  }
0x55: {  	[sflag:s13] =	ssyncset.done @!p1 $0x0;
	p1 =	por p1, p1  }
0x56: {  	[sflag:s13] =	ssyncadd.s32 @!p1 $0xFFFFFF80;
	s15 =	simm.s32 @!p1 $0x80  }
0x57: {  	[tilespmem:s15], [sflag:$0x2] =	stream.linear.gather @!p1 [hbm4b:s31+s11], $0x4000, $0x38;
	[tilespmem:$0x17900] =	vst v63  }
0x58: {  	_ =	swait.ge @!p1 [sflag:s13], $0x4000  }
0x59: {  	[sflag:s13] =	ssyncset.done @!p1 $0x0  }
0x5a: {  	s20 =	sadd.s32 $0x20, s0;
	s14 =	simm.s32 @!p1 $0x1;
	[sflag:s13] =	ssyncadd.s32 @!p1 $0xFFFFC000  }
0x5b: {  	[spmem:s19] =	stream.indirect.scatter.add.f32 @!p1 [tilespmem:s15], [sflag:$0x1], $0x80, s11, s15, $0xb8;
	[tilespmem:$0x17900] =	vst v63  }
0x5c: {  	s12 =	simm.s32 $0x40;
	p2 =	sgt.u32 s20, $0x9C3;
	_ =	swait.ge @!p1 [sflag:s14], $0x4000  }
0x5d: {  	s13 =	sadd.s32 $0x200, s17;
	s11 =	sadd.s32 $0x10000, s31;
	[sflag:s14] =	ssyncset.done @!p1 $0x0  }
.LBB2_2:
0x5e: {  	s15 =	simm.s32 @!p2 $0x0;
	s16 =	simm.s32 @!p2 $0x2;
	[sflag:s14] =	ssyncadd.s32 @!p1 $0xFFFFC000  }
0x5f: {  	[tilespmem:s15], [sflag:$0x2] =	stream.linear.gather @!p2 [hbm4b:s13+s15], $0x80, $0x38;
	[tilespmem:$0x17900] =	vst v63  }
0x60: {  	s18 =	smov.u32 s12;
	s12 =	sadd.s32 $0x20, s12;
	_ =	swait.ge @!p2 [sflag:s16], $0x80  }
0x61: {  	p1 =	por p2, p2;
	p3 =	sne.s32 s12, $0x9E0;
	[sflag:s16] =	ssyncset.done @!p2 $0x0  }
0x62: {  	s20 =	simm.s32 @!p1 $0x80;
	[sflag:s16] =	ssyncadd.s32 @!p1 $0xFFFFFF80  }
0x63: {  	[tilespmem:s20], [sflag:$0x2] =	stream.linear.gather @!p1 [hbm4b:s11+s15], $0x4000, $0x38;
	[tilespmem:$0x17900] =	vst v63  }
0x64: {  	_ =	swait.ge @!p1 [sflag:s16], $0x4000  }
.Ltmp0:
0x65: {  	[sflag:s16] =	ssyncset.done @!p1 $0x0;
	(pc) =	sbr.rel @p3 .LBB2_2-.Ltmp0, $4  }
0x66: {  	s14 =	simm.s32 @!p1 $0x1;
	[sflag:s16] =	ssyncadd.s32 @!p1 $0xFFFFC000  }
0x67: {  	[spmem:s19] =	stream.indirect.scatter.add.f32 @!p1 [tilespmem:s20], [sflag:$0x1], $0x80, s15, s20, $0xb8;
	[tilespmem:$0x17900] =	vst v63  }
0x68: {  	s13 =	sadd.s32 $0x200, s13;
	s15 =	sadd.s32 s18, s0;
	_ =	swait.ge @!p1 [sflag:s14], $0x4000  }
0x69: {  	s11 =	sadd.s32 $0x10000, s11;
	p2 =	sgt.u32 s15, $0x9C3;
	[sflag:s14] =	ssyncset.done @!p1 $0x0  }
0x6a: {  	s12 =	simm.s32 @!p2 $0x0;
	s15 =	simm.s32 @!p2 $0x2;
	[sflag:s14] =	ssyncadd.s32 @!p1 $0xFFFFC000  }
0x6b: {  	[tilespmem:s12], [sflag:$0x2] =	stream.linear.gather @!p2 [hbm4b:s13+s12], $0x80, $0x38;
	[tilespmem:$0x17900] =	vst v63  }
0x6c: {  	_ =	swait.ge @!p2 [sflag:s15], $0x80  }
0x6d: {  	p1 =	por p2, p2;
	[sflag:s15] =	ssyncset.done @!p2 $0x0  }
0x6e: {  	s13 =	simm.s32 @!p1 $0x80;
	[sflag:s15] =	ssyncadd.s32 @!p1 $0xFFFFFF80  }
0x6f: {  	[tilespmem:s13], [sflag:$0x2] =	stream.linear.gather @!p1 [hbm4b:s11+s12], $0x4000, $0x38;
	[tilespmem:$0x17900] =	vst v63  }
0x70: {  	_ =	swait.ge @!p1 [sflag:s15], $0x4000  }
0x71: {  	[sflag:s15] =	ssyncset.done @!p1 $0x0  }
0x72: {  	s11 =	simm.s32 @!p1 $0x1;
	[sflag:s15] =	ssyncadd.s32 @!p1 $0xFFFFC000  }
0x73: {  	[spmem:s19] =	stream.indirect.scatter.add.f32 @!p1 [tilespmem:s13], [sflag:$0x1], $0x80, s12, s13, $0xb8;
	[tilespmem:$0x17900] =	vst v63  }
0x74: {  	_ =	swait.ge @!p1 [sflag:s11], $0x4000  }
0x75: {  	[sflag:s11] =	ssyncset.done @!p1 $0x0  }
0x76: {  	[sflag:s11] =	ssyncadd.s32 @!p1 $0xFFFFC000  }
0x77: {  	[bflag:$0x0] =	sbarrier.arrive $0xFFFF  }
0x78: {  	s20 =	rddreg [dreg:$0xb]  }
0x79: {  	[hbm:s20], [sflag:s22] =	dma.local [spmem:s2], $0x500  }
0x7a: {  	_ =	swait.ge [sflag:s1], $0x500  }
0x7b: {  	[sflag:s1] =	ssyncset.done $0x0  }
0x7c: {  	s12 =	rddreg [dreg:$0xc];
	[sflag:s1] =	ssyncadd.s32 $0xFFFFFB00  }
0x7d: {  	[hbm:s12], [sflag:s22] =	dma.local [spmem:s3], $0x500  }
0x7e: {  	_ =	swait.ge [sflag:s1], $0x500  }
0x7f: {  	[sflag:s1] =	ssyncset.done $0x0  }
0x80: {  	s13 =	rddreg [dreg:$0xd];
	[sflag:s1] =	ssyncadd.s32 $0xFFFFFB00  }
0x81: {  	[hbm:s13], [sflag:s22] =	dma.local [spmem:s4], $0x500  }
0x82: {  	_ =	swait.ge [sflag:s1], $0x500  }
0x83: {  	[sflag:s1] =	ssyncset.done $0x0  }
0x84: {  	s14 =	rddreg [dreg:$0xe];
	[sflag:s1] =	ssyncadd.s32 $0xFFFFFB00  }
0x85: {  	[hbm:s14], [sflag:s22] =	dma.local [spmem:s5], $0x500  }
0x86: {  	_ =	swait.ge [sflag:s1], $0x500  }
0x87: {  	[sflag:s1] =	ssyncset.done $0x0  }
0x88: {  	s15 =	rddreg [dreg:$0xf];
	[sflag:s1] =	ssyncadd.s32 $0xFFFFFB00  }
0x89: {  	[hbm:s15], [sflag:s22] =	dma.local [spmem:s6], $0x500  }
0x8a: {  	_ =	swait.ge [sflag:s1], $0x500  }
0x8b: {  	[sflag:s1] =	ssyncset.done $0x0  }
0x8c: {  	s16 =	rddreg [dreg:$0x10];
	[sflag:s1] =	ssyncadd.s32 $0xFFFFFB00  }
0x8d: {  	[hbm:s16], [sflag:s22] =	dma.local [spmem:s7], $0x500  }
0x8e: {  	_ =	swait.ge [sflag:s1], $0x500  }
0x8f: {  	[sflag:s1] =	ssyncset.done $0x0  }
0x90: {  	s18 =	rddreg [dreg:$0x11];
	[sflag:s1] =	ssyncadd.s32 $0xFFFFFB00  }
0x91: {  	[hbm:s18], [sflag:s22] =	dma.local [spmem:s8], $0x500  }
0x92: {  	_ =	swait.ge [sflag:s1], $0x500  }
0x93: {  	[sflag:s1] =	ssyncset.done $0x0  }
0x94: {  	s2 =	rddreg [dreg:$0x12];
	[sflag:s1] =	ssyncadd.s32 $0xFFFFFB00  }
0x95: {  	[hbm:s2], [sflag:s22] =	dma.local @!p0 [spmem:s10], $0x500  }
0x96: {  	s2 =	simm.s32 @!p0 $0x1  }
0x97: {  	_ =	swait.ge @!p0 [sflag:s2], $0x500  }
0x98: {  	s9 =	sadd.s32 $0x1, s9;
	s20 =	rddreg [dreg:$0x13]  }
0x99: {  	p1 =	sne.s32 s9, s20  }
.Ltmp1:
0x9a: {  	_ = 	snop;
	(pc) =	sbr.rel @p1 .LBB2_1-.Ltmp1, $3  }
0x9b: {  	_ =	sdelay $0x1  }
0x9c: {  	[sflag:s2] =	ssyncset.done @!p0 $0x0  }
0x9d: {  	[sflag:s2] =	ssyncadd.s32 @!p0 $0xFFFFFB00  }
0x9e: {  	_ =	sfence.sel $0x180000  }
0x9f: {  	[bflag:$0x0] =	sbarrier.arrive $0xFFFF  }
0xa0: {  	_ =	strace $0x90000050  }
0xa1: {  	s0 =	stileid.u32;
	[bflag:$0x2] =	sbarrier.arrive $0xFFFF  }
0xa2: {  	p0 =	sne.s32 s0, $0x0;
	s0 =	rddreg [dreg:$0x2]  }
0xa3: {  	s0 =	sadd.s32 @!p0 $0x100000, s0  }
0xa4: {  	[sflag:s0] =	ssyncadd.tile.s32 @!p0 $0x1;
	_ =	shalt  }
.Lfunc_end2:
_tile_overlayer_lowered:
.L_overlay_start_2:
0xa5: {  	(tag) =	ssettag $0x2  }
0xa6: {  	s0 =	rddreg [dreg:$0x0];
	s2 =	stileid.u32  }
0xa7: {  	s1 =	rddreg [dreg:$0x1];
	p0 =	sne.s32 s2, $0x0  }
0xa8: {  	s3 =	rddreg [dreg:$0x2];
	[bflag:$0x3] =	sbarrier.arrive $0xFFFF;
	s2 =	simm.s32 @!p0 $0x1C01  }
0xa9: {  	[timem:s3], [sflag:s2] =	dma.local @!p0 [hbm:s0], s1  }
0xaa: {  	s0 =	simm.s32 @!p0 $0x1  }
0xab: {  	_ =	swait.ge @!p0 [sflag:s0], s1  }
0xac: {  	s1 =	ssub.s32 @!p0 $0x0, s1;
	[sflag:s0] =	ssyncset.done @!p0 $0x0  }
0xad: {  	[sflag:s0] =	ssyncadd.s32 @!p0 s1  }
0xae: {  	[bflag:$0x3] =	sbarrier.arrive $0xFFFF  }
0xaf: {  	_ =	shalt  }

// kernel: kernel.42.cloned.1.call-start
scs
__scs_entry_jumppad:
0x0: {  	(pc) =	sbr.rel $0x88, $3  }
0x1: {  	(tag) =	ssettag $0x0;
	lr =	simm.s32 $0x1  }
0x2: {  	[smem:$0x3F85] =	sst lr;
	_ =	strace $0xD0000000  }
0x3: {  	_ = 	snop  }
0x4: {  	_ = 	snop  }
0x5: {  	_ = 	snop  }
0x6: {  	_ = 	snop  }
0x7: {  	_ = 	snop  }
__scs_overlays_trampoline_lowered:
0x8: {  	[smem:$0x3F94] =	sst s0  }
0x9: {  	[smem:$0x3F95] =	sst s1  }
0xa: {  	[smem:$0x3F96] =	sst s2  }
0xb: {  	[smem:$0x3F97] =	sst s3  }
0xc: {  	[smem:$0x3F98] =	sst s4  }
0xd: {  	[smem:$0x3F99] =	sst s5  }
0xe: {  	[smem:$0x3F9A] =	sst s6  }
0xf: {  	[smem:$0x3F9B] =	sst s7  }
0x10: {  	[smem:$0x3F9C] =	sst s8  }
0x11: {  	[smem:$0x3F9D] =	sst s9;
	s0 =	simm.s32 @!p0 $0x0  }
0x12: {  	s1 =	sld [smem:$0x3F83];
	s0 =	simm.s32 @p0 $0x1  }
0x13: {  	[smem:$0x3F9E] =	sst s0;
	s0 =	simm.s32 @!p1 $0x0  }
0x14: {  	s2 =	sld [smem:$0x3F82];
	s0 =	simm.s32 @p1 $0x1  }
0x15: {  	[smem:$0x3F9F] =	sst s0;
	s0 =	simm.s32 @!p2 $0x0  }
0x16: {  	s3 =	sld [smem:$0x3FDB];
	s0 =	simm.s32 @p2 $0x1  }
0x17: {  	s4 =	simm.s32 $0x1BF5;
	[smem:$0x3FA1] =	sst s0  }
0x18: {  	s0 =	sld [smem:$0x3F84];
	_ =	swait.ge [sflag:s4], $0x0  }
0x19: {  	s7 =	sld [smem:$0x3F85]  }
0x1a: {  	s8 =	sadd.s32 $0xFFFFE003, lr  }
0x1b: {  	s9 =	sadd.s32 $0xFFFFFEF7, lr;
	s5 =	simm.s32 $0xFFFFFFFF;
	p2 =	slt.u32 s8, $0xFFFFF086  }
0x1c: {  	p1 =	slt.u32 s9, $0xF7A;
	s5 =	simm.s32 @!p2 $0x0  }
0x1d: {  	s5 =	simm.s32 @p1 $0x1;
	p0 =	seq.s32 s7, s2  }
0x1e: {  	s7 =	smul.u32 @!p0 $0xF7A, s2;
	p2 =	seq.s32 @!p0 s5, $0x0  }
0x1f: {  	s9 =	smul.u32 $0xF7A, s1;
	s8 =	simm.s32 @!p0 $0x1BF5;
	p2 =	por !p2, p0  }
0x20: {  	[sflag:s8] =	ssyncset.s32 @!p0 $0xFFFFF086;
	s6 =	sadd.s32 @!p0 s3, s7;
	s7 =	simm.s32 @!p0 $0x108  }
0x21: {  	s3 =	sadd.s32 s3, s9;
	s6 =	sadd.s32 @!p0 $0x88, s6;
	s7 =	simm.s32 @p2 $0x1082  }
0x22: {  	[simem:s7], [sflag:s8] =	dma.local @!p0 [hbm:s6], $0xF7A  }
0x23: {  	s9 =	sor.u32 $0xD0000000, s2;
	s6 =	simm.s32 $0x108;
	_ =	swait.ge @!p0 [sflag:s8], $0x0  }
0x24: {  	s3 =	sadd.s32 $0x88, s3;
	s6 =	simm.s32 @!p1 $0x1082;
	[sflag:s4] =	ssyncset.s32 $0xFFFFF086  }
0x25: {  	[simem:s6], [sflag:s4] =	dma.local [hbm:s3], $0xF7A  }
0x26: {  	[smem:$0x3F85] =	sst s1;
	(tag) =	ssettag s2;
	_ =	strace s9  }
0x27: {  	s1 =	sld [smem:$0x3F95]  }
0x28: {  	s2 =	sld [smem:$0x3F96]  }
0x29: {  	s4 =	sld [smem:$0x3F98]  }
0x2a: {  	p0 =	seq.s32 s5, $0x0;
	s5 =	sld [smem:$0x3F99]  }
0x2b: {  	s6 =	sld [smem:$0x3F9A]  }
0x2c: {  	s7 =	sld [smem:$0x3F9B]  }
0x2d: {  	s3 =	simm.s32 $0x108;
	s8 =	sld [smem:$0x3F9C]  }
0x2e: {  	s3 =	simm.s32 @!p0 $0x1082;
	s9 =	sld [smem:$0x3F9D]  }
0x2f: {  	lr =	sadd.s32 s0, s3;
	s0 =	sld [smem:$0x3F94]  }
0x30: {  	s3 =	sld [smem:$0x3F97]  }
0x31: {  	[smem:$0x3FA0] =	sst s10  }
0x32: {  	s10 =	sld [smem:$0x3F9E];
	_ =	sdelay $0x3  }
0x33: {  	p0 =	seq.s32 s10, $0x1;
	s10 =	sld [smem:$0x3FA0];
	_ =	sdelay $0x3  }
0x34: {  	[smem:$0x3FA0] =	sst s10  }
0x35: {  	s10 =	sld [smem:$0x3F9F];
	_ =	sdelay $0x3  }
0x36: {  	p1 =	seq.s32 s10, $0x1;
	s10 =	sld [smem:$0x3FA0];
	_ =	sdelay $0x3  }
0x37: {  	[smem:$0x3FA0] =	sst s10  }
0x38: {  	s10 =	sld [smem:$0x3FA1]  }
0x39: {  	_ = 	snop;
	(pc) =	sbr.ind lr, $3  }
0x3a: {  	_ = 	snop  }
0x3b: {  	_ = 	snop  }
0x3c: {  	p2 =	seq.s32 s10, $0x1;
	s10 =	sld [smem:$0x3FA0]  }
0x3d: {  	_ =	shalt  }
0x3e: {  	_ =	shalt  }
0x3f: {  	_ =	shalt  }
0x40: {  	_ =	shalt  }
0x41: {  	_ =	shalt  }
0x42: {  	_ =	shalt  }
0x43: {  	_ =	shalt  }
0x44: {  	_ =	shalt  }
0x45: {  	_ =	shalt  }
0x46: {  	_ =	shalt  }
0x47: {  	_ =	shalt  }
0x48: {  	_ =	shalt  }
0x49: {  	_ =	shalt  }
0x4a: {  	_ =	shalt  }
0x4b: {  	_ =	shalt  }
0x4c: {  	_ =	shalt  }
0x4d: {  	_ =	shalt  }
0x4e: {  	_ =	shalt  }
0x4f: {  	_ =	shalt  }
0x50: {  	_ =	shalt  }
0x51: {  	_ =	shalt  }
0x52: {  	_ =	shalt  }
0x53: {  	_ =	shalt  }
0x54: {  	_ =	shalt  }
0x55: {  	_ =	shalt  }
0x56: {  	_ =	shalt  }
0x57: {  	_ =	shalt  }
0x58: {  	_ =	shalt  }
0x59: {  	_ =	shalt  }
0x5a: {  	_ =	shalt  }
0x5b: {  	_ =	shalt  }
0x5c: {  	_ =	shalt  }
0x5d: {  	_ =	shalt  }
0x5e: {  	_ =	shalt  }
0x5f: {  	_ =	shalt  }
0x60: {  	_ =	shalt  }
0x61: {  	_ =	shalt  }
0x62: {  	_ =	shalt  }
0x63: {  	_ =	shalt  }
0x64: {  	_ =	shalt  }
0x65: {  	_ =	shalt  }
0x66: {  	_ =	shalt  }
0x67: {  	_ =	shalt  }
0x68: {  	_ =	shalt  }
0x69: {  	_ =	shalt  }
0x6a: {  	_ =	shalt  }
0x6b: {  	_ =	shalt  }
0x6c: {  	_ =	shalt  }
0x6d: {  	_ =	shalt  }
0x6e: {  	_ =	shalt  }
0x6f: {  	_ =	shalt  }
0x70: {  	_ =	shalt  }
0x71: {  	_ =	shalt  }
0x72: {  	_ =	shalt  }
0x73: {  	_ =	shalt  }
0x74: {  	_ =	shalt  }
0x75: {  	_ =	shalt  }
0x76: {  	_ =	shalt  }
0x77: {  	_ =	shalt  }
0x78: {  	_ =	shalt  }
0x79: {  	_ =	shalt  }
0x7a: {  	_ =	shalt  }
0x7b: {  	_ =	shalt  }
0x7c: {  	_ =	shalt  }
0x7d: {  	_ =	shalt  }
0x7e: {  	_ =	shalt  }
0x7f: {  	_ =	shalt  }
0x80: {  	_ =	shalt  }
0x81: {  	_ =	shalt  }
0x82: {  	_ =	shalt  }
0x83: {  	_ =	shalt  }
0x84: {  	_ =	shalt  }
0x85: {  	_ =	shalt  }
0x86: {  	_ =	shalt  }
0x87: {  	_ =	shalt  }
.Lfunc_end0:
.L_simem_size_0:
called_computation.4_lowered:
.L_overlay_start_0:
0x88: {  	s2 =	sld [smem:$0x3FD9]  }
0x89: {  	s3 =	sld [smem:$0x3FFE];
	_ =	sdelay $0x1  }
0x8a: {  	s1 =	srdreg.scid  }
0x8b: {  	s0 =	sand.u32 $0x1, s1  }
0x8c: {  	s16 =	sshll.u32 s0, $0xA;
	s2 =	sadd.s32 s3, s2  }
0x8d: {  	s2 =	sadd.s32 s2, s16  }
0x8e: {  	[smem:$0x3FAC] =	sst s2  }
0x8f: {  	_ = 	snop  }
0x90: {  	(tm) =	ssettm $0x1  }
0x91: {  	s17 =	sld [smem:$0x3FFB];
	_ =	sdelay $0x3  }
0x92: {  	_ =	strace s17  }
0x93: {  	s2 =	sld [smem:$0x3FFC];
	_ =	sdelay $0x3  }
0x94: {  	_ =	strace s2  }
0x95: {  	s2 =	sld [smem:$0x3FFD];
	_ =	sdelay $0x3  }
0x96: {  	_ =	strace s2  }
0x97: {  	_ =	strace $0x8FFFFFFF  }
0x98: {  	s18 =	sld [smem:$0x3FDB];
	_ =	sdelay $0x1  }
0x99: {  	s19 =	simm.s32 $_scs_section_size  }
0x9a: {  	s4 =	simm.s32 $_size__tile_overlayer_lowered;
	s5 =	simm.s32 $_tile_overlayer_lowered  }
0x9b: {  	s22 =	simm.s32 $0x1BFF;
	s21 =	sshll.u32 s5, $0x1;
	s2 =	sadd.s32 s19, s18  }
0x9c: {  	s6 =	simm.s32 $0x0;
	s20 =	sshll.u32 s4, $0x1;
	s4 =	sadd.s32 s21, s2  }
0x9d: {  	[timem:s6], [sflag:s22] =	dma.local [hbm:s4], s20  }
0x9e: {  	_ =	swait.ge [sflag:s22], s20  }
0x9f: {  	s3 =	ssub.s32 $0x0, s20;
	[sflag:s22] =	ssyncset.done $0x0  }
0xa0: {  	[sflag:s22] =	ssyncadd.s32 s3;
	_ =	sdelay $0x1  }
0xa1: {  	s23 =	simm.s32 $0x1B8B  }
0xa2: {  	_ =	swait.ge [sflag:s23], $0x1  }
0xa3: {  	[sflag:s23] =	ssyncset.done $0x0  }
0xa4: {  	s25 =	simm.s32 $0x1B8E;
	s24 =	sld [smem:$0x3FFE];
	[sflag:s23] =	ssyncadd.s32 $0xFFFFFFFF  }
0xa5: {  	s26 =	simm.s32 $execute0_lowered;
	[smem:$0x3FD2] =	sst s25  }
0xa6: {  	s4 =	sshll.u32 s26, $0x1;
	_ =	strace $0x80000052;
	[dreg:$0x1] =	wrdreg $0xFFFFFFFF  }
0xa7: {  	s28 =	simm.s32 $_size_execute0_lowered;
	s2 =	sadd.s32 s2, s4;
	[dreg:$0x0] =	wrdreg $0x0  }
0xa8: {  	s4 =	sshll.u32 s28, $0x1;
	[dreg:$0x2] =	wrdreg s2  }
0xa9: {  	[dreg:$0x3] =	wrdreg s4  }
0xaa: {  	[dreg:$0x4] =	wrdreg $0xC0  }
0xab: {  	_ =	task [dreg:s6], $0x5FFFF  }
0xac: {  	[dreg:$0x1] =	wrdreg $0xFFFFFFFF  }
0xad: {  	[dreg:$0x0] =	wrdreg $0x60  }
0xae: {  	[dreg:$0x2] =	wrdreg s24  }
0xaf: {  	[dreg:$0x3] =	wrdreg $0x9  }
0xb0: {  	_ =	task.clear_ibuf [dreg:s6], $0x4FFFF;
	_ =	strace $0x90000052  }
0xb1: {  	s29 =	simm.s32 $0x9;
	_ =	strace $0x80000054  }
0xb2: {  	_ =	swait.ge [sflag:s29], $0x1  }
0xb3: {  	[sflag:s29] =	ssyncadd.s32 $0xFFFFFFFF  }
0xb4: {  	_ =	strace $0x90000054  }
0xb5: {  	_ =	sfence  }
0xb6: {  	s30 =	sld [smem:$0x0];
	_ =	sdelay $0x2  }
0xb7: {  	s31 =	sshll.u32 s1, $0xD;
	s1 =	sshrl.u32 s1, $0x2  }
0xb8: {  	s3 =	sand.u32 $0x4000, s31;
	s1 =	sadd.s32 s1, s30  }
0xb9: {  	s0 =	sor.u32 s3, s0;
	s1 =	sshll.u32 s1, $0x11  }
0xba: {  	s0 =	sor.u32 s1, s0  }
0xbb: {  	s0 =	sadd.s32 $0x8F2B, s0  }
0xbc: {  	[sflag:s0] =	ssyncadd.remote.s32 $0x1  }
0xbd: {  	_ =	sfence.sel $0xFFFF  }
0xbe: {  	[dreg:$0x0] =	wrdreg $0xFFFFFFFF;
	(pc) =	sbr.abs _section_cstart, $3  }
0xbf: {  	[dreg:$0x1] =	wrdreg $0xFFFFFFFF  }
0xc0: {  	_ =	task.clear_ibuf [dreg:s6], $0x2FFFF;
	_ =	strace $0x9FFFFFFF  }
0xc1: {  	(tm) =	ssettm $0x7FFFFFFF  }
tec
execute0_lowered:
.L_overlay_start_1:
0x0: {  	(tag) =	ssettag $0x1  }
0x1: {  	s4 =	rddreg [dreg:$0x0]  }
0x2: {  	s0 =	rddreg [dreg:$0x1]  }
0x3: {  	s2 =	simm.s32 $0x0;
	s3 =	srdreg.scid;
	s1 =	stileid.u32  }
0x4: {  	[smem:$0x7FF] =	sst s2;
	s5 =	sand.u32 $0x1, s3;
	s3 =	sadd.s32 $0xA4B400, s4  }
0x5: {  	s6 =	sshll.u32 s1, $0x5;
	s8 =	sshll.u32 s1, $0xC;
	_ =	strace $0x80000053  }
0x6: {  	s7 =	ssub.s32 $0x2, s5;
	s6 =	sadd.s32 s6, s4;
	s8 =	sadd.s32 s8, s4  }
0x7: {  	s31 =	sshll.u32 s5, $0x4;
	s10 =	sshll.u32 s5, $0xB;
	s9 =	sshrl.u32 s7, $0x1  }
0x8: {  	s4 =	sshll.u32 s1, $0x1;
	s10 =	sadd.s32 s10, s8;
	s7 =	ssub.s32 s7, s9  }
0x9: {  	s9 =	sadd.s32 s31, s6;
	s8 =	sadd.s32 $0x50D000, s10;
	s5 =	smax.u32 s7, $0x1  }
0xa: {  	s6 =	sadd.s32 $0x21200, s9;
	s7 =	sadd.s32 $0x17400, s9;
	s9 =	sadd.s32 $0x2B000, s10  }
.LBB2_1:
0xb: {  	p0 =	sgt.u32 s4, $0x9C3  }
0xc: {  	s10 =	sadd.s32 @!p0 $0x0, s7;
	s11 =	simm.s32 @!p0 $0x0;
	s14 =	simm.s32 @!p0 $0x4  }
0xd: {  	[tilespmem:s11], [sflag:$0x4] =	stream.linear.gather @!p0 [hbm4b:s10+s11], $0x80, $0x38;
	[tilespmem:$0x8100] =	vst v63  }
0xe: {  	_ =	swait.ge @!p0 [sflag:s14], $0x80;
	p0 =	por p0, p0  }
0xf: {  	[sflag:s14] =	ssyncset.done @!p0 $0x0  }
0x10: {  	s10 =	sadd.s32 @!p0 $0x0, s6;
	s12 =	simm.s32 @!p0 $0x80;
	[sflag:s14] =	ssyncadd.s32 @!p0 $0xFFFFFF80  }
0x11: {  	[tilespmem:s12], [sflag:$0x4] =	stream.linear.gather @!p0 [hbm4b:s10+s11], $0x80, $0x38;
	[tilespmem:$0x8100] =	vst v63  }
0x12: {  	_ =	swait.ge @!p0 [sflag:s14], $0x80  }
0x13: {  	[sflag:s14] =	ssyncset.done @!p0 $0x0  }
0x14: {  	s10 =	simm.s32 @!p0 $0x100;
	[sflag:s14] =	ssyncadd.s32 @!p0 $0xFFFFFF80  }
0x15: {  	[tilespmem:s10], [sflag:$0x1] =	stream.indirect.gather @!p0 [hbm4b:s3+s12], $0x80, s11, s12, $0xb8;
	[tilespmem:$0x8100] =	vst v63  }
0x16: {  	s15 =	simm.s32 @!p0 $0x4100;
	s13 =	simm.s32 @!p0 $0x1  }
0x17: {  	[tilespmem:s15], [sflag:$0x2] =	stream.indirect.gather @!p0 [hbm4b:s3+s12], $0x80, s12, s12, $0xb8;
	[tilespmem:$0x8100] =	vst v63  }
0x18: {  	_ =	swait.ge @!p0 [sflag:s13], $0x4000  }
0x19: {  	[sflag:s13] =	ssyncset.done @!p0 $0x0  }
0x1a: {  	s12 =	simm.s32 @!p0 $0x2;
	[sflag:s13] =	ssyncadd.s32 @!p0 $0xFFFFC000  }
0x1b: {  	_ =	swait.ge @!p0 [sflag:s12], $0x4000  }
0x1c: {  	[sflag:s12] =	ssyncset.done @!p0 $0x0  }
0x1d: {  	[sflag:s12] =	ssyncadd.s32 @!p0 $0xFFFFC000  }
0x1e: {  	[hbm4b:s9+s11] =	stream.linear.scatter @!p0 [tilespmem:s10], [sflag:$0x4], $0x4000, $0x38;
	[tilespmem:$0x8100] =	vst v63  }
0x1f: {  	_ =	swait.ge @!p0 [sflag:s14], $0x4000  }
0x20: {  	[sflag:s14] =	ssyncset.done @!p0 $0x0  }
0x21: {  	s13 =	simm.s32 $0x400;
	s12 =	simm.s32 $0x200;
	[sflag:s14] =	ssyncadd.s32 @!p0 $0xFFFFC000  }
0x22: {  	[hbm4b:s8+s11] =	stream.linear.scatter @!p0 [tilespmem:s15], [sflag:$0x3], $0x4000, $0x38;
	[tilespmem:$0x8100] =	vst v63  }
0x23: {  	s10 =	sadd.s32 $0x10000, s9;
	s14 =	sadd.s32 $0x20, s4;
	s15 =	simm.s32 @!p0 $0x3  }
0x24: {  	p2 =	sgt.u32 s14, $0x9C3;
	s11 =	sadd.s32 $0x10000, s8;
	_ =	swait.ge @!p0 [sflag:s15], $0x4000  }
.LBB2_2:
0x25: {  	s16 =	sadd.s32 @!p2 s12, s7  }
0x26: {  	s17 =	simm.s32 @!p2 $0x0;
	[sflag:s15] =	ssyncset.done @!p0 $0x0;
	s18 =	smov.u32 s13  }
0x27: {  	s13 =	sadd.s32 $0x200, s13;
	s19 =	simm.s32 @!p2 $0x4;
	[sflag:s15] =	ssyncadd.s32 @!p0 $0xFFFFC000  }
0x28: {  	[tilespmem:s17], [sflag:$0x4] =	stream.linear.gather @!p2 [hbm4b:s16+s17], $0x80, $0x38;
	[tilespmem:$0x8100] =	vst v63  }
0x29: {  	p1 =	sne.s32 s13, $0x9E00;
	p0 =	por p2, p2;
	_ =	swait.ge @!p2 [sflag:s19], $0x80  }
0x2a: {  	[sflag:s19] =	ssyncset.done @!p0 $0x0  }
0x2b: {  	s12 =	sadd.s32 @!p0 s12, s6;
	s15 =	simm.s32 @!p0 $0x80;
	[sflag:s19] =	ssyncadd.s32 @!p0 $0xFFFFFF80  }
0x2c: {  	[tilespmem:s15], [sflag:$0x4] =	stream.linear.gather @!p0 [hbm4b:s12+s17], $0x80, $0x38;
	[tilespmem:$0x8100] =	vst v63  }
0x2d: {  	s12 =	smov.u32 s18;
	_ =	swait.ge @!p0 [sflag:s19], $0x80  }
0x2e: {  	[sflag:s19] =	ssyncset.done @!p0 $0x0  }
0x2f: {  	s16 =	simm.s32 @!p0 $0x100;
	[sflag:s19] =	ssyncadd.s32 @!p0 $0xFFFFFF80  }
0x30: {  	[tilespmem:s16], [sflag:$0x1] =	stream.indirect.gather @!p0 [hbm4b:s3+s15], $0x80, s17, s15, $0xb8;
	[tilespmem:$0x8100] =	vst v63  }
0x31: {  	s20 =	simm.s32 @!p0 $0x1;
	s18 =	simm.s32 @!p0 $0x4100  }
0x32: {  	[tilespmem:s18], [sflag:$0x2] =	stream.indirect.gather @!p0 [hbm4b:s3+s15], $0x80, s15, s15, $0xb8;
	[tilespmem:$0x8100] =	vst v63  }
0x33: {  	_ =	swait.ge @!p0 [sflag:s20], $0x4000  }
0x34: {  	[sflag:s20] =	ssyncset.done @!p0 $0x0  }
0x35: {  	s15 =	simm.s32 @!p0 $0x2;
	[sflag:s20] =	ssyncadd.s32 @!p0 $0xFFFFC000  }
0x36: {  	_ =	swait.ge @!p0 [sflag:s15], $0x4000  }
0x37: {  	[sflag:s15] =	ssyncset.done @!p0 $0x0  }
0x38: {  	[sflag:s15] =	ssyncadd.s32 @!p0 $0xFFFFC000  }
0x39: {  	[hbm4b:s10+s17] =	stream.linear.scatter @!p0 [tilespmem:s16], [sflag:$0x4], $0x4000, $0x38;
	[tilespmem:$0x8100] =	vst v63  }
.Ltmp0:
0x3a: {  	_ =	swait.ge @!p0 [sflag:s19], $0x4000;
	(pc) =	sbr.rel @p1 .LBB2_2-.Ltmp0, $4  }
0x3b: {  	s10 =	sadd.s32 $0x10000, s10;
	[sflag:s19] =	ssyncset.done @!p0 $0x0  }
0x3c: {  	s14 =	sadd.s32 $0x20, s14;
	s15 =	simm.s32 @!p0 $0x3;
	[sflag:s19] =	ssyncadd.s32 @!p0 $0xFFFFC000  }
0x3d: {  	[hbm4b:s11+s17] =	stream.linear.scatter @!p0 [tilespmem:s18], [sflag:$0x3], $0x4000, $0x38;
	[tilespmem:$0x8100] =	vst v63  }
0x3e: {  	p2 =	sgt.u32 s14, $0x9C3;
	s11 =	sadd.s32 $0x10000, s11;
	_ =	swait.ge @!p0 [sflag:s15], $0x4000  }
0x3f: {  	s13 =	sadd.s32 @!p2 s12, s7;
	[sflag:s15] =	ssyncset.done @!p0 $0x0  }
0x40: {  	s14 =	simm.s32 @!p2 $0x0;
	s16 =	simm.s32 @!p2 $0x4;
	[sflag:s15] =	ssyncadd.s32 @!p0 $0xFFFFC000  }
0x41: {  	[tilespmem:s14], [sflag:$0x4] =	stream.linear.gather @!p2 [hbm4b:s13+s14], $0x80, $0x38;
	[tilespmem:$0x8100] =	vst v63  }
0x42: {  	p0 =	por p2, p2;
	_ =	swait.ge @!p2 [sflag:s16], $0x80  }
0x43: {  	[sflag:s16] =	ssyncset.done @!p0 $0x0  }
0x44: {  	s12 =	sadd.s32 @!p0 s12, s6;
	s13 =	simm.s32 @!p0 $0x80;
	[sflag:s16] =	ssyncadd.s32 @!p0 $0xFFFFFF80  }
0x45: {  	[tilespmem:s13], [sflag:$0x4] =	stream.linear.gather @!p0 [hbm4b:s12+s14], $0x80, $0x38;
	[tilespmem:$0x8100] =	vst v63  }
0x46: {  	_ =	swait.ge @!p0 [sflag:s16], $0x80  }
0x47: {  	[sflag:s16] =	ssyncset.done @!p0 $0x0  }
0x48: {  	s12 =	simm.s32 @!p0 $0x100;
	[sflag:s16] =	ssyncadd.s32 @!p0 $0xFFFFFF80  }
0x49: {  	[tilespmem:s12], [sflag:$0x1] =	stream.indirect.gather @!p0 [hbm4b:s3+s13], $0x80, s14, s13, $0xb8;
	[tilespmem:$0x8100] =	vst v63  }
0x4a: {  	s15 =	simm.s32 @!p0 $0x4100;
	s17 =	simm.s32 @!p0 $0x1  }
0x4b: {  	[tilespmem:s15], [sflag:$0x2] =	stream.indirect.gather @!p0 [hbm4b:s3+s13], $0x80, s13, s13, $0xb8;
	[tilespmem:$0x8100] =	vst v63  }
0x4c: {  	_ =	swait.ge @!p0 [sflag:s17], $0x4000  }
0x4d: {  	[sflag:s17] =	ssyncset.done @!p0 $0x0  }
0x4e: {  	s13 =	simm.s32 @!p0 $0x2;
	[sflag:s17] =	ssyncadd.s32 @!p0 $0xFFFFC000  }
0x4f: {  	_ =	swait.ge @!p0 [sflag:s13], $0x4000  }
0x50: {  	[sflag:s13] =	ssyncset.done @!p0 $0x0  }
0x51: {  	[sflag:s13] =	ssyncadd.s32 @!p0 $0xFFFFC000  }
0x52: {  	[hbm4b:s10+s14] =	stream.linear.scatter @!p0 [tilespmem:s12], [sflag:$0x4], $0x4000, $0x38;
	[tilespmem:$0x8100] =	vst v63  }
0x53: {  	s2 =	sadd.s32 $0x1, s2;
	_ =	swait.ge @!p0 [sflag:s16], $0x4000  }
0x54: {  	p1 =	sne.s32 s2, s5;
	[sflag:s16] =	ssyncset.done @!p0 $0x0  }
.Ltmp1:
0x55: {  	s10 =	simm.s32 @!p0 $0x3;
	[sflag:s16] =	ssyncadd.s32 @!p0 $0xFFFFC000;
	(pc) =	sbr.rel @p1 .LBB2_1-.Ltmp1, $4  }
0x56: {  	[hbm4b:s11+s14] =	stream.linear.scatter @!p0 [tilespmem:s15], [sflag:$0x3], $0x4000, $0x38;
	[tilespmem:$0x8100] =	vst v63  }
0x57: {  	_ =	swait.ge @!p0 [sflag:s10], $0x4000  }
0x58: {  	[sflag:s10] =	ssyncset.done @!p0 $0x0  }
0x59: {  	[sflag:s10] =	ssyncadd.s32 @!p0 $0xFFFFC000  }
0x5a: {  	_ =	sfence.sel $0x180000  }
0x5b: {  	[bflag:$0x0] =	sbarrier.arrive $0xFFFF  }
0x5c: {  	p0 =	sne.s32 s1, $0x0;
	_ =	strace $0x90000053  }
0x5d: {  	s0 =	sadd.s32 @!p0 $0x100000, s0;
	[bflag:$0x2] =	sbarrier.arrive $0xFFFF  }
0x5e: {  	[sflag:s0] =	ssyncadd.tile.s32 @!p0 $0x1;
	_ =	shalt  }
.Lfunc_end2:
_tile_overlayer_lowered:
.L_overlay_start_2:
0x5f: {  	(tag) =	ssettag $0x2  }
0x60: {  	s0 =	rddreg [dreg:$0x0];
	s2 =	stileid.u32  }
0x61: {  	s1 =	rddreg [dreg:$0x1];
	p0 =	sne.s32 s2, $0x0  }
0x62: {  	s3 =	rddreg [dreg:$0x2];
	[bflag:$0x3] =	sbarrier.arrive $0xFFFF;
	s2 =	simm.s32 @!p0 $0x1C03  }
0x63: {  	[timem:s3], [sflag:s2] =	dma.local @!p0 [hbm:s0], s1  }
0x64: {  	s0 =	simm.s32 @!p0 $0x3  }
0x65: {  	_ =	swait.ge @!p0 [sflag:s0], s1  }
0x66: {  	s1 =	ssub.s32 @!p0 $0x0, s1;
	[sflag:s0] =	ssyncset.done @!p0 $0x0  }
0x67: {  	[sflag:s0] =	ssyncadd.s32 @!p0 s1  }
0x68: {  	[bflag:$0x3] =	sbarrier.arrive $0xFFFF  }
0x69: {  	_ =	shalt  }

// kernel: kernel.45.cloned.1.call-start
scs
__scs_entry_jumppad:
0x0: {  	(pc) =	sbr.rel $0x88, $3  }
0x1: {  	(tag) =	ssettag $0x0;
	lr =	simm.s32 $0x1  }
0x2: {  	[smem:$0x3F85] =	sst lr;
	_ =	strace $0xD0000000  }
0x3: {  	_ = 	snop  }
0x4: {  	_ = 	snop  }
0x5: {  	_ = 	snop  }
0x6: {  	_ = 	snop  }
0x7: {  	_ = 	snop  }
__scs_overlays_trampoline_lowered:
0x8: {  	[smem:$0x3F94] =	sst s0  }
0x9: {  	[smem:$0x3F95] =	sst s1  }
0xa: {  	[smem:$0x3F96] =	sst s2  }
0xb: {  	[smem:$0x3F97] =	sst s3  }
0xc: {  	[smem:$0x3F98] =	sst s4  }
0xd: {  	[smem:$0x3F99] =	sst s5  }
0xe: {  	[smem:$0x3F9A] =	sst s6  }
0xf: {  	[smem:$0x3F9B] =	sst s7  }
0x10: {  	[smem:$0x3F9C] =	sst s8  }
0x11: {  	[smem:$0x3F9D] =	sst s9;
	s0 =	simm.s32 @!p0 $0x0  }
0x12: {  	s1 =	sld [smem:$0x3F83];
	s0 =	simm.s32 @p0 $0x1  }
0x13: {  	[smem:$0x3F9E] =	sst s0;
	s0 =	simm.s32 @!p1 $0x0  }
0x14: {  	s2 =	sld [smem:$0x3F82];
	s0 =	simm.s32 @p1 $0x1  }
0x15: {  	[smem:$0x3F9F] =	sst s0;
	s0 =	simm.s32 @!p2 $0x0  }
0x16: {  	s3 =	sld [smem:$0x3FDB];
	s0 =	simm.s32 @p2 $0x1  }
0x17: {  	s4 =	simm.s32 $0x1BF5;
	[smem:$0x3FA1] =	sst s0  }
0x18: {  	s0 =	sld [smem:$0x3F84];
	_ =	swait.ge [sflag:s4], $0x0  }
0x19: {  	s7 =	sld [smem:$0x3F85]  }
0x1a: {  	s8 =	sadd.s32 $0xFFFFE003, lr  }
0x1b: {  	s9 =	sadd.s32 $0xFFFFFEF7, lr;
	s5 =	simm.s32 $0xFFFFFFFF;
	p2 =	slt.u32 s8, $0xFFFFF086  }
0x1c: {  	p1 =	slt.u32 s9, $0xF7A;
	s5 =	simm.s32 @!p2 $0x0  }
0x1d: {  	s5 =	simm.s32 @p1 $0x1;
	p0 =	seq.s32 s7, s2  }
0x1e: {  	s7 =	smul.u32 @!p0 $0xF7A, s2;
	p2 =	seq.s32 @!p0 s5, $0x0  }
0x1f: {  	s9 =	smul.u32 $0xF7A, s1;
	s8 =	simm.s32 @!p0 $0x1BF5;
	p2 =	por !p2, p0  }
0x20: {  	[sflag:s8] =	ssyncset.s32 @!p0 $0xFFFFF086;
	s6 =	sadd.s32 @!p0 s3, s7;
	s7 =	simm.s32 @!p0 $0x108  }
0x21: {  	s3 =	sadd.s32 s3, s9;
	s6 =	sadd.s32 @!p0 $0x88, s6;
	s7 =	simm.s32 @p2 $0x1082  }
0x22: {  	[simem:s7], [sflag:s8] =	dma.local @!p0 [hbm:s6], $0xF7A  }
0x23: {  	s9 =	sor.u32 $0xD0000000, s2;
	s6 =	simm.s32 $0x108;
	_ =	swait.ge @!p0 [sflag:s8], $0x0  }
0x24: {  	s3 =	sadd.s32 $0x88, s3;
	s6 =	simm.s32 @!p1 $0x1082;
	[sflag:s4] =	ssyncset.s32 $0xFFFFF086  }
0x25: {  	[simem:s6], [sflag:s4] =	dma.local [hbm:s3], $0xF7A  }
0x26: {  	[smem:$0x3F85] =	sst s1;
	(tag) =	ssettag s2;
	_ =	strace s9  }
0x27: {  	s1 =	sld [smem:$0x3F95]  }
0x28: {  	s2 =	sld [smem:$0x3F96]  }
0x29: {  	s4 =	sld [smem:$0x3F98]  }
0x2a: {  	p0 =	seq.s32 s5, $0x0;
	s5 =	sld [smem:$0x3F99]  }
0x2b: {  	s6 =	sld [smem:$0x3F9A]  }
0x2c: {  	s7 =	sld [smem:$0x3F9B]  }
0x2d: {  	s3 =	simm.s32 $0x108;
	s8 =	sld [smem:$0x3F9C]  }
0x2e: {  	s3 =	simm.s32 @!p0 $0x1082;
	s9 =	sld [smem:$0x3F9D]  }
0x2f: {  	lr =	sadd.s32 s0, s3;
	s0 =	sld [smem:$0x3F94]  }
0x30: {  	s3 =	sld [smem:$0x3F97]  }
0x31: {  	[smem:$0x3FA0] =	sst s10  }
0x32: {  	s10 =	sld [smem:$0x3F9E];
	_ =	sdelay $0x3  }
0x33: {  	p0 =	seq.s32 s10, $0x1;
	s10 =	sld [smem:$0x3FA0];
	_ =	sdelay $0x3  }
0x34: {  	[smem:$0x3FA0] =	sst s10  }
0x35: {  	s10 =	sld [smem:$0x3F9F];
	_ =	sdelay $0x3  }
0x36: {  	p1 =	seq.s32 s10, $0x1;
	s10 =	sld [smem:$0x3FA0];
	_ =	sdelay $0x3  }
0x37: {  	[smem:$0x3FA0] =	sst s10  }
0x38: {  	s10 =	sld [smem:$0x3FA1]  }
0x39: {  	_ = 	snop;
	(pc) =	sbr.ind lr, $3  }
0x3a: {  	_ = 	snop  }
0x3b: {  	_ = 	snop  }
0x3c: {  	p2 =	seq.s32 s10, $0x1;
	s10 =	sld [smem:$0x3FA0]  }
0x3d: {  	_ =	shalt  }
0x3e: {  	_ =	shalt  }
0x3f: {  	_ =	shalt  }
0x40: {  	_ =	shalt  }
0x41: {  	_ =	shalt  }
0x42: {  	_ =	shalt  }
0x43: {  	_ =	shalt  }
0x44: {  	_ =	shalt  }
0x45: {  	_ =	shalt  }
0x46: {  	_ =	shalt  }
0x47: {  	_ =	shalt  }
0x48: {  	_ =	shalt  }
0x49: {  	_ =	shalt  }
0x4a: {  	_ =	shalt  }
0x4b: {  	_ =	shalt  }
0x4c: {  	_ =	shalt  }
0x4d: {  	_ =	shalt  }
0x4e: {  	_ =	shalt  }
0x4f: {  	_ =	shalt  }
0x50: {  	_ =	shalt  }
0x51: {  	_ =	shalt  }
0x52: {  	_ =	shalt  }
0x53: {  	_ =	shalt  }
0x54: {  	_ =	shalt  }
0x55: {  	_ =	shalt  }
0x56: {  	_ =	shalt  }
0x57: {  	_ =	shalt  }
0x58: {  	_ =	shalt  }
0x59: {  	_ =	shalt  }
0x5a: {  	_ =	shalt  }
0x5b: {  	_ =	shalt  }
0x5c: {  	_ =	shalt  }
0x5d: {  	_ =	shalt  }
0x5e: {  	_ =	shalt  }
0x5f: {  	_ =	shalt  }
0x60: {  	_ =	shalt  }
0x61: {  	_ =	shalt  }
0x62: {  	_ =	shalt  }
0x63: {  	_ =	shalt  }
0x64: {  	_ =	shalt  }
0x65: {  	_ =	shalt  }
0x66: {  	_ =	shalt  }
0x67: {  	_ =	shalt  }
0x68: {  	_ =	shalt  }
0x69: {  	_ =	shalt  }
0x6a: {  	_ =	shalt  }
0x6b: {  	_ =	shalt  }
0x6c: {  	_ =	shalt  }
0x6d: {  	_ =	shalt  }
0x6e: {  	_ =	shalt  }
0x6f: {  	_ =	shalt  }
0x70: {  	_ =	shalt  }
0x71: {  	_ =	shalt  }
0x72: {  	_ =	shalt  }
0x73: {  	_ =	shalt  }
0x74: {  	_ =	shalt  }
0x75: {  	_ =	shalt  }
0x76: {  	_ =	shalt  }
0x77: {  	_ =	shalt  }
0x78: {  	_ =	shalt  }
0x79: {  	_ =	shalt  }
0x7a: {  	_ =	shalt  }
0x7b: {  	_ =	shalt  }
0x7c: {  	_ =	shalt  }
0x7d: {  	_ =	shalt  }
0x7e: {  	_ =	shalt  }
0x7f: {  	_ =	shalt  }
0x80: {  	_ =	shalt  }
0x81: {  	_ =	shalt  }
0x82: {  	_ =	shalt  }
0x83: {  	_ =	shalt  }
0x84: {  	_ =	shalt  }
0x85: {  	_ =	shalt  }
0x86: {  	_ =	shalt  }
0x87: {  	_ =	shalt  }
.Lfunc_end0:
.L_simem_size_0:
called_computation.5_lowered:
.L_overlay_start_0:
0x88: {  	s2 =	sld [smem:$0x3FD9]  }
0x89: {  	s3 =	sld [smem:$0x3FFE];
	_ =	sdelay $0x1  }
0x8a: {  	s1 =	srdreg.scid  }
0x8b: {  	s0 =	sand.u32 $0x1, s1  }
0x8c: {  	s16 =	sshll.u32 s0, $0xA;
	s2 =	sadd.s32 s3, s2  }
0x8d: {  	s2 =	sadd.s32 s2, s16  }
0x8e: {  	[smem:$0x3FAC] =	sst s2  }
0x8f: {  	_ = 	snop  }
0x90: {  	(tm) =	ssettm $0x1  }
0x91: {  	s17 =	sld [smem:$0x3FFB];
	_ =	sdelay $0x3  }
0x92: {  	_ =	strace s17  }
0x93: {  	s2 =	sld [smem:$0x3FFC];
	_ =	sdelay $0x3  }
0x94: {  	_ =	strace s2  }
0x95: {  	s2 =	sld [smem:$0x3FFD];
	_ =	sdelay $0x3  }
0x96: {  	_ =	strace s2  }
0x97: {  	_ =	strace $0x8FFFFFFF  }
0x98: {  	s18 =	sld [smem:$0x3FDB];
	_ =	sdelay $0x1  }
0x99: {  	s19 =	simm.s32 $_scs_section_size  }
0x9a: {  	s4 =	simm.s32 $_size__tile_overlayer_lowered;
	s5 =	simm.s32 $_tile_overlayer_lowered  }
0x9b: {  	s22 =	simm.s32 $0x1BFF;
	s21 =	sshll.u32 s5, $0x1;
	s2 =	sadd.s32 s19, s18  }
0x9c: {  	s6 =	simm.s32 $0x0;
	s20 =	sshll.u32 s4, $0x1;
	s4 =	sadd.s32 s21, s2  }
0x9d: {  	[timem:s6], [sflag:s22] =	dma.local [hbm:s4], s20  }
0x9e: {  	_ =	swait.ge [sflag:s22], s20  }
0x9f: {  	s3 =	ssub.s32 $0x0, s20;
	[sflag:s22] =	ssyncset.done $0x0  }
0xa0: {  	[sflag:s22] =	ssyncadd.s32 s3;
	_ =	sdelay $0x1  }
0xa1: {  	s23 =	simm.s32 $0x1B8B  }
0xa2: {  	_ =	swait.ge [sflag:s23], $0x1  }
0xa3: {  	[sflag:s23] =	ssyncset.done $0x0  }
0xa4: {  	s25 =	simm.s32 $0x1B8E;
	s24 =	sld [smem:$0x3FFE];
	[sflag:s23] =	ssyncadd.s32 $0xFFFFFFFF  }
0xa5: {  	s26 =	simm.s32 $execute0_lowered;
	[smem:$0x3FD2] =	sst s25  }
0xa6: {  	s4 =	sshll.u32 s26, $0x1;
	_ =	strace $0x80000055;
	[dreg:$0x1] =	wrdreg $0xFFFFFFFF  }
0xa7: {  	s28 =	simm.s32 $_size_execute0_lowered;
	s2 =	sadd.s32 s2, s4;
	[dreg:$0x0] =	wrdreg $0x0  }
0xa8: {  	s4 =	sshll.u32 s28, $0x1;
	[dreg:$0x2] =	wrdreg s2  }
0xa9: {  	[dreg:$0x3] =	wrdreg s4  }
0xaa: {  	[dreg:$0x4] =	wrdreg $0xC0  }
0xab: {  	_ =	task [dreg:s6], $0x5FFFF  }
0xac: {  	[dreg:$0x1] =	wrdreg $0xFFFFFFFF  }
0xad: {  	[dreg:$0x0] =	wrdreg $0x60  }
0xae: {  	[dreg:$0x2] =	wrdreg s24  }
0xaf: {  	[dreg:$0x3] =	wrdreg $0x40800  }
0xb0: {  	[dreg:$0x4] =	wrdreg $0x9  }
0xb1: {  	_ =	task.clear_ibuf [dreg:s6], $0x5FFFF;
	_ =	strace $0x90000055  }
0xb2: {  	s29 =	simm.s32 $0x9;
	_ =	strace $0x80000057  }
0xb3: {  	_ =	swait.ge [sflag:s29], $0x1  }
0xb4: {  	[sflag:s29] =	ssyncadd.s32 $0xFFFFFFFF  }
0xb5: {  	_ =	strace $0x90000057  }
0xb6: {  	_ =	sfence  }
0xb7: {  	s30 =	sld [smem:$0x0];
	_ =	sdelay $0x2  }
0xb8: {  	s31 =	sshll.u32 s1, $0xD;
	s1 =	sshrl.u32 s1, $0x2  }
0xb9: {  	s3 =	sand.u32 $0x4000, s31;
	s1 =	sadd.s32 s1, s30  }
0xba: {  	s0 =	sor.u32 s3, s0;
	s1 =	sshll.u32 s1, $0x11  }
0xbb: {  	s0 =	sor.u32 s1, s0  }
0xbc: {  	s0 =	sadd.s32 $0x8F2B, s0  }
0xbd: {  	[sflag:s0] =	ssyncadd.remote.s32 $0x1  }
0xbe: {  	_ =	sfence.sel $0xFFFF  }
0xbf: {  	[dreg:$0x0] =	wrdreg $0xFFFFFFFF;
	(pc) =	sbr.abs _section_cstart, $3  }
0xc0: {  	[dreg:$0x1] =	wrdreg $0xFFFFFFFF  }
0xc1: {  	_ =	task.clear_ibuf [dreg:s6], $0x2FFFF;
	_ =	strace $0x9FFFFFFF  }
0xc2: {  	(tm) =	ssettm $0x7FFFFFFF  }
0xc3: {  	_ =	shalt  }
tec
execute0_lowered:
.L_overlay_start_1:
0x0: {  	(tag) =	ssettag $0x1  }
0x1: {  	s20 =	stileid.u32  }
0x2: {  	s0 =	srdreg.scid;
	s9 =	smul.u32 $0x500, s20  }
0x3: {  	s7 =	sand.u32 $0x1, s0;
	s23 =	smul.u32 $0x2800, s20  }
0x4: {  	s6 =	sor.u32 $0x10, s20;
	s8 =	smul.u32 $0x138800, s7  }
0x5: {  	s4 =	sor.u32 $0x20, s20;
	s10 =	smul.u32 $0x500, s6  }
0x6: {  	s5 =	sor.u32 $0x30, s20;
	s11 =	smul.u32 $0x500, s4  }
0x7: {  	s3 =	sor.u32 $0x40, s20;
	s12 =	smul.u32 $0x500, s5  }
0x8: {  	s2 =	sor.u32 $0x50, s20;
	s13 =	smul.u32 $0x500, s3  }
0x9: {  	s1 =	sor.u32 $0x60, s20;
	s14 =	smul.u32 $0x500, s2  }
0xa: {  	s0 =	sor.u32 $0x70, s20;
	s15 =	smul.u32 $0x500, s1  }
0xb: {  	s18 =	rddreg [dreg:$0x0];
	s17 =	smul.u32 $0x500, s0  }
0xc: {  	s21 =	sadd.s32 $0xA24200, s18;
	s24 =	smul.u32 $0x2800, s6  }
0xd: {  	s16 =	ssub.s32 $0x2, s7;
	s6 =	smul.u32 $0xA000, s6;
	s9 =	sadd.s32 s21, s9  }
0xe: {  	s19 =	sshrl.u32 s16, $0x1;
	[dreg:$0x3] =	wrdreg s9;
	s9 =	smul.u32 $0x2800, s4  }
0xf: {  	s22 =	ssub.s32 s16, s19;
	s19 =	smul.u32 $0x2800, s3  }
0x10: {  	s16 =	sadd.s32 s8, s24;
	s24 =	smul.u32 $0x2800, s1  }
0x11: {  	p0 =	sgt.u32 s0, $0x7C;
	s10 =	sadd.s32 s21, s10;
	s4 =	smul.u32 $0xA000, s4  }
0x12: {  	s11 =	sadd.s32 s21, s11;
	s3 =	smul.u32 $0xA000, s3;
	[dreg:$0x4] =	wrdreg s10  }
0x13: {  	s12 =	sadd.s32 s21, s12;
	s1 =	smul.u32 $0xA000, s1;
	[dreg:$0x5] =	wrdreg s11  }
0x14: {  	s13 =	sadd.s32 s21, s13;
	[dreg:$0x6] =	wrdreg s12;
	s10 =	smul.u32 $0x2800, s5  }
0x15: {  	s26 =	sadd.s32 s21, s17;
	[dreg:$0x7] =	wrdreg s13;
	s13 =	smul.u32 $0x2800, s2  }
0x16: {  	s14 =	sadd.s32 s21, s14;
	[dreg:$0xa] =	wrdreg s26;
	s26 =	smul.u32 $0x2800, s0  }
0x17: {  	s25 =	sadd.s32 s21, s15;
	[dreg:$0x8] =	wrdreg s14;
	s5 =	smul.u32 $0xA000, s5  }
0x18: {  	s6 =	sshrl.u32 s6, $0x2;
	[dreg:$0x9] =	wrdreg s25;
	s2 =	smul.u32 $0xA000, s2  }
0x19: {  	s14 =	sadd.s32 s8, s23;
	s23 =	sshll.u32 s20, $0x5;
	s0 =	smul.u32 $0xA000, s0  }
0x1a: {  	s25 =	sadd.s32 s8, s9;
	s11 =	sadd.s32 s8, s19;
	s17 =	sadd.s32 s8, s24  }
0x1b: {  	s9 =	simm.s32 $0x0;
	s19 =	sshll.u32 s20, $0xC;
	s15 =	sadd.s32 s23, s18  }
0x1c: {  	s24 =	sshrl.u32 s16, $0x3;
	s23 =	smul.u32 $0xA000, s20;
	s4 =	sshrl.u32 s4, $0x2  }
0x1d: {  	s3 =	sshrl.u32 s3, $0x2;
	s1 =	sshrl.u32 s1, $0x2;
	s10 =	sadd.s32 s8, s10  }
0x1e: {  	s12 =	sadd.s32 s8, s13;
	s8 =	sadd.s32 s8, s26;
	[smem:$0x7FF] =	sst s9  }
0x1f: {  	s21 =	sadd.s32 s19, s18;
	s18 =	sadd.s32 $0xAAAE00, s18;
	s13 =	sshrl.u32 s14, $0x3  }
0x20: {  	s25 =	sshrl.u32 s25, $0x3;
	s11 =	sshrl.u32 s11, $0x3;
	s16 =	sshrl.u32 s17, $0x3  }
0x21: {  	s17 =	sshll.u32 s7, $0xB;
	s19 =	rddreg [dreg:$0x1];
	s7 =	sshll.u32 s7, $0x4  }
0x22: {  	s2 =	sshrl.u32 s2, $0x2;
	s0 =	sshrl.u32 s0, $0x2;
	s13 =	sadd.s32 s18, s13  }
0x23: {  	s26 =	sadd.s32 s18, s25;
	s10 =	sshrl.u32 s10, $0x3;
	s8 =	sshrl.u32 s8, $0x3  }
0x24: {  	s7 =	sadd.s32 s7, s15;
	s25 =	sshll.u32 s20, $0x6;
	s28 =	sadd.s32 s2, s19  }
0x25: {  	s29 =	sadd.s32 s1, s19;
	s30 =	sadd.s32 s0, s19;
	s0 =	sshll.u32 s20, $0x1  }
0x26: {  	s1 =	simm.s32 $0x1;
	[dreg:$0xb] =	wrdreg s13;
	s13 =	sadd.s32 s18, s24  }
0x27: {  	[dreg:$0xd] =	wrdreg s26;
	s10 =	sadd.s32 s18, s10;
	s8 =	sadd.s32 s18, s8  }
0x28: {  	s24 =	smax.u32 s22, $0x1;
	s22 =	sor.u32 $0x1C01, s25;
	[dreg:$0xc] =	wrdreg s13  }
0x29: {  	s26 =	sshrl.u32 s5, $0x2;
	[dreg:$0xe] =	wrdreg s10;
	s13 =	sshrl.u32 s12, $0x3  }
0x2a: {  	s10 =	sadd.s32 s18, s11;
	[dreg:$0x12] =	wrdreg s8;
	s25 =	sadd.s32 s26, s19  }
0x2b: {  	s26 =	sadd.s32 s3, s19;
	[dreg:$0xf] =	wrdreg s10;
	s14 =	sadd.s32 s18, s13  }
0x2c: {  	s10 =	sadd.s32 s18, s16;
	s18 =	sadd.s32 s17, s21;
	[dreg:$0x10] =	wrdreg s14  }
0x2d: {  	s17 =	sadd.s32 $0x21200, s7;
	[dreg:$0x11] =	wrdreg s10;
	s10 =	sshrl.u32 s23, $0x2  }
0x2e: {  	s23 =	sadd.s32 s6, s19;
	s31 =	sadd.s32 $0x13DA200, s18;
	_ =	strace $0x80000056  }
0x2f: {  	[dreg:$0x13] =	wrdreg s24;
	s21 =	sadd.s32 s10, s19;
	s24 =	sadd.s32 s4, s19  }
.LBB2_1:
0x30: {  	s2 =	sshrl.u32 s21, $0x3;
	s3 =	rddreg [dreg:$0x3]  }
0x31: {  	[spmem:s2], [sflag:s22] =	dma.local [hbm:s3], $0x500  }
0x32: {  	_ =	swait.ge [sflag:s1], $0x500  }
0x33: {  	[sflag:s1] =	ssyncset.done $0x0  }
0x34: {  	s3 =	sshrl.u32 s23, $0x3;
	s4 =	rddreg [dreg:$0x4];
	[sflag:s1] =	ssyncadd.s32 $0xFFFFFB00  }
0x35: {  	[spmem:s3], [sflag:s22] =	dma.local [hbm:s4], $0x500  }
0x36: {  	_ =	swait.ge [sflag:s1], $0x500  }
0x37: {  	[sflag:s1] =	ssyncset.done $0x0  }
0x38: {  	s4 =	sshrl.u32 s24, $0x3;
	s5 =	rddreg [dreg:$0x5];
	[sflag:s1] =	ssyncadd.s32 $0xFFFFFB00  }
0x39: {  	[spmem:s4], [sflag:s22] =	dma.local [hbm:s5], $0x500  }
0x3a: {  	_ =	swait.ge [sflag:s1], $0x500  }
0x3b: {  	[sflag:s1] =	ssyncset.done $0x0  }
0x3c: {  	s5 =	sshrl.u32 s25, $0x3;
	s6 =	rddreg [dreg:$0x6];
	[sflag:s1] =	ssyncadd.s32 $0xFFFFFB00  }
0x3d: {  	[spmem:s5], [sflag:s22] =	dma.local [hbm:s6], $0x500  }
0x3e: {  	_ =	swait.ge [sflag:s1], $0x500  }
0x3f: {  	[sflag:s1] =	ssyncset.done $0x0  }
0x40: {  	s6 =	sshrl.u32 s26, $0x3;
	s7 =	rddreg [dreg:$0x7];
	[sflag:s1] =	ssyncadd.s32 $0xFFFFFB00  }
0x41: {  	[spmem:s6], [sflag:s22] =	dma.local [hbm:s7], $0x500  }
0x42: {  	_ =	swait.ge [sflag:s1], $0x500  }
0x43: {  	[sflag:s1] =	ssyncset.done $0x0  }
0x44: {  	s7 =	sshrl.u32 s28, $0x3;
	s8 =	rddreg [dreg:$0x8];
	[sflag:s1] =	ssyncadd.s32 $0xFFFFFB00  }
0x45: {  	[spmem:s7], [sflag:s22] =	dma.local [hbm:s8], $0x500  }
0x46: {  	_ =	swait.ge [sflag:s1], $0x500  }
0x47: {  	[sflag:s1] =	ssyncset.done $0x0  }
0x48: {  	s8 =	sshrl.u32 s29, $0x3;
	s10 =	rddreg [dreg:$0x9];
	[sflag:s1] =	ssyncadd.s32 $0xFFFFFB00  }
0x49: {  	[spmem:s8], [sflag:s22] =	dma.local [hbm:s10], $0x500  }
0x4a: {  	_ =	swait.ge [sflag:s1], $0x500  }
0x4b: {  	[sflag:s1] =	ssyncset.done $0x0  }
0x4c: {  	s10 =	sshrl.u32 @!p0 s30, $0x3;
	s11 =	rddreg [dreg:$0xa];
	[sflag:s1] =	ssyncadd.s32 $0xFFFFFB00  }
0x4d: {  	[spmem:s10], [sflag:s22] =	dma.local @!p0 [hbm:s11], $0x500  }
0x4e: {  	s11 =	simm.s32 @!p0 $0x1  }
0x4f: {  	_ =	swait.ge @!p0 [sflag:s11], $0x500  }
0x50: {  	s12 =	sadd.s32 $0x0, s0;
	[sflag:s11] =	ssyncset.done @!p0 $0x0  }
0x51: {  	p1 =	sgt.u32 s12, $0x9C3;
	[sflag:s11] =	ssyncadd.s32 @!p0 $0xFFFFFB00  }
0x52: {  	s13 =	simm.s32 @!p1 $0x2;
	s11 =	simm.s32 @!p1 $0x0;
	[bflag:$0x0] =	sbarrier.arrive $0xFFFF  }
0x53: {  	[tilespmem:s11], [sflag:$0x2] =	stream.linear.gather @!p1 [hbm4b:s17+s11], $0x80, $0x38;
	[tilespmem:$0x17900] =	vst v63  }
0x54: {  	_ =	swait.ge @!p1 [sflag:s13], $0x80  }
0x55: {  	[sflag:s13] =	ssyncset.done @!p1 $0x0;
	p1 =	por p1, p1  }
0x56: {  	[sflag:s13] =	ssyncadd.s32 @!p1 $0xFFFFFF80;
	s15 =	simm.s32 @!p1 $0x80  }
0x57: {  	[tilespmem:s15], [sflag:$0x2] =	stream.linear.gather @!p1 [hbm4b:s31+s11], $0x4000, $0x38;
	[tilespmem:$0x17900] =	vst v63  }
0x58: {  	_ =	swait.ge @!p1 [sflag:s13], $0x4000  }
0x59: {  	[sflag:s13] =	ssyncset.done @!p1 $0x0  }
0x5a: {  	s20 =	sadd.s32 $0x20, s0;
	s14 =	simm.s32 @!p1 $0x1;
	[sflag:s13] =	ssyncadd.s32 @!p1 $0xFFFFC000  }
0x5b: {  	[spmem:s19] =	stream.indirect.scatter.add.f32 @!p1 [tilespmem:s15], [sflag:$0x1], $0x80, s11, s15, $0xb8;
	[tilespmem:$0x17900] =	vst v63  }
0x5c: {  	s12 =	simm.s32 $0x40;
	p2 =	sgt.u32 s20, $0x9C3;
	_ =	swait.ge @!p1 [sflag:s14], $0x4000  }
0x5d: {  	s13 =	sadd.s32 $0x200, s17;
	s11 =	sadd.s32 $0x10000, s31;
	[sflag:s14] =	ssyncset.done @!p1 $0x0  }
.LBB2_2:
0x5e: {  	s15 =	simm.s32 @!p2 $0x0;
	s16 =	simm.s32 @!p2 $0x2;
	[sflag:s14] =	ssyncadd.s32 @!p1 $0xFFFFC000  }
0x5f: {  	[tilespmem:s15], [sflag:$0x2] =	stream.linear.gather @!p2 [hbm4b:s13+s15], $0x80, $0x38;
	[tilespmem:$0x17900] =	vst v63  }
0x60: {  	s18 =	smov.u32 s12;
	s12 =	sadd.s32 $0x20, s12;
	_ =	swait.ge @!p2 [sflag:s16], $0x80  }
0x61: {  	p1 =	por p2, p2;
	p3 =	sne.s32 s12, $0x9E0;
	[sflag:s16] =	ssyncset.done @!p2 $0x0  }
0x62: {  	s20 =	simm.s32 @!p1 $0x80;
	[sflag:s16] =	ssyncadd.s32 @!p1 $0xFFFFFF80  }
0x63: {  	[tilespmem:s20], [sflag:$0x2] =	stream.linear.gather @!p1 [hbm4b:s11+s15], $0x4000, $0x38;
	[tilespmem:$0x17900] =	vst v63  }
0x64: {  	_ =	swait.ge @!p1 [sflag:s16], $0x4000  }
.Ltmp0:
0x65: {  	[sflag:s16] =	ssyncset.done @!p1 $0x0;
	(pc) =	sbr.rel @p3 .LBB2_2-.Ltmp0, $4  }
0x66: {  	s14 =	simm.s32 @!p1 $0x1;
	[sflag:s16] =	ssyncadd.s32 @!p1 $0xFFFFC000  }
0x67: {  	[spmem:s19] =	stream.indirect.scatter.add.f32 @!p1 [tilespmem:s20], [sflag:$0x1], $0x80, s15, s20, $0xb8;
	[tilespmem:$0x17900] =	vst v63  }
0x68: {  	s13 =	sadd.s32 $0x200, s13;
	s15 =	sadd.s32 s18, s0;
	_ =	swait.ge @!p1 [sflag:s14], $0x4000  }
0x69: {  	s11 =	sadd.s32 $0x10000, s11;
	p2 =	sgt.u32 s15, $0x9C3;
	[sflag:s14] =	ssyncset.done @!p1 $0x0  }
0x6a: {  	s12 =	simm.s32 @!p2 $0x0;
	s15 =	simm.s32 @!p2 $0x2;
	[sflag:s14] =	ssyncadd.s32 @!p1 $0xFFFFC000  }
0x6b: {  	[tilespmem:s12], [sflag:$0x2] =	stream.linear.gather @!p2 [hbm4b:s13+s12], $0x80, $0x38;
	[tilespmem:$0x17900] =	vst v63  }
0x6c: {  	_ =	swait.ge @!p2 [sflag:s15], $0x80  }
0x6d: {  	p1 =	por p2, p2;
	[sflag:s15] =	ssyncset.done @!p2 $0x0  }
0x6e: {  	s13 =	simm.s32 @!p1 $0x80;
	[sflag:s15] =	ssyncadd.s32 @!p1 $0xFFFFFF80  }
0x6f: {  	[tilespmem:s13], [sflag:$0x2] =	stream.linear.gather @!p1 [hbm4b:s11+s12], $0x4000, $0x38;
	[tilespmem:$0x17900] =	vst v63  }
0x70: {  	_ =	swait.ge @!p1 [sflag:s15], $0x4000  }
0x71: {  	[sflag:s15] =	ssyncset.done @!p1 $0x0  }
0x72: {  	s11 =	simm.s32 @!p1 $0x1;
	[sflag:s15] =	ssyncadd.s32 @!p1 $0xFFFFC000  }
0x73: {  	[spmem:s19] =	stream.indirect.scatter.add.f32 @!p1 [tilespmem:s13], [sflag:$0x1], $0x80, s12, s13, $0xb8;
	[tilespmem:$0x17900] =	vst v63  }
0x74: {  	_ =	swait.ge @!p1 [sflag:s11], $0x4000  }
0x75: {  	[sflag:s11] =	ssyncset.done @!p1 $0x0  }
0x76: {  	[sflag:s11] =	ssyncadd.s32 @!p1 $0xFFFFC000  }
0x77: {  	[bflag:$0x0] =	sbarrier.arrive $0xFFFF  }
0x78: {  	s20 =	rddreg [dreg:$0xb]  }
0x79: {  	[hbm:s20], [sflag:s22] =	dma.local [spmem:s2], $0x500  }
0x7a: {  	_ =	swait.ge [sflag:s1], $0x500  }
0x7b: {  	[sflag:s1] =	ssyncset.done $0x0  }
0x7c: {  	s12 =	rddreg [dreg:$0xc];
	[sflag:s1] =	ssyncadd.s32 $0xFFFFFB00  }
0x7d: {  	[hbm:s12], [sflag:s22] =	dma.local [spmem:s3], $0x500  }
0x7e: {  	_ =	swait.ge [sflag:s1], $0x500  }
0x7f: {  	[sflag:s1] =	ssyncset.done $0x0  }
0x80: {  	s13 =	rddreg [dreg:$0xd];
	[sflag:s1] =	ssyncadd.s32 $0xFFFFFB00  }
0x81: {  	[hbm:s13], [sflag:s22] =	dma.local [spmem:s4], $0x500  }
0x82: {  	_ =	swait.ge [sflag:s1], $0x500  }
0x83: {  	[sflag:s1] =	ssyncset.done $0x0  }
0x84: {  	s14 =	rddreg [dreg:$0xe];
	[sflag:s1] =	ssyncadd.s32 $0xFFFFFB00  }
0x85: {  	[hbm:s14], [sflag:s22] =	dma.local [spmem:s5], $0x500  }
0x86: {  	_ =	swait.ge [sflag:s1], $0x500  }
0x87: {  	[sflag:s1] =	ssyncset.done $0x0  }
0x88: {  	s15 =	rddreg [dreg:$0xf];
	[sflag:s1] =	ssyncadd.s32 $0xFFFFFB00  }
0x89: {  	[hbm:s15], [sflag:s22] =	dma.local [spmem:s6], $0x500  }
0x8a: {  	_ =	swait.ge [sflag:s1], $0x500  }
0x8b: {  	[sflag:s1] =	ssyncset.done $0x0  }
0x8c: {  	s16 =	rddreg [dreg:$0x10];
	[sflag:s1] =	ssyncadd.s32 $0xFFFFFB00  }
0x8d: {  	[hbm:s16], [sflag:s22] =	dma.local [spmem:s7], $0x500  }
0x8e: {  	_ =	swait.ge [sflag:s1], $0x500  }
0x8f: {  	[sflag:s1] =	ssyncset.done $0x0  }
0x90: {  	s18 =	rddreg [dreg:$0x11];
	[sflag:s1] =	ssyncadd.s32 $0xFFFFFB00  }
0x91: {  	[hbm:s18], [sflag:s22] =	dma.local [spmem:s8], $0x500  }
0x92: {  	_ =	swait.ge [sflag:s1], $0x500  }
0x93: {  	[sflag:s1] =	ssyncset.done $0x0  }
0x94: {  	s2 =	rddreg [dreg:$0x12];
	[sflag:s1] =	ssyncadd.s32 $0xFFFFFB00  }
0x95: {  	[hbm:s2], [sflag:s22] =	dma.local @!p0 [spmem:s10], $0x500  }
0x96: {  	s2 =	simm.s32 @!p0 $0x1  }
0x97: {  	_ =	swait.ge @!p0 [sflag:s2], $0x500  }
0x98: {  	s9 =	sadd.s32 $0x1, s9;
	s20 =	rddreg [dreg:$0x13]  }
0x99: {  	p1 =	sne.s32 s9, s20  }
.Ltmp1:
0x9a: {  	_ = 	snop;
	(pc) =	sbr.rel @p1 .LBB2_1-.Ltmp1, $3  }
0x9b: {  	_ =	sdelay $0x1  }
0x9c: {  	[sflag:s2] =	ssyncset.done @!p0 $0x0  }
0x9d: {  	[sflag:s2] =	ssyncadd.s32 @!p0 $0xFFFFFB00  }
0x9e: {  	_ =	sfence.sel $0x180000  }
0x9f: {  	[bflag:$0x0] =	sbarrier.arrive $0xFFFF  }
0xa0: {  	_ =	strace $0x90000056  }
0xa1: {  	s0 =	stileid.u32;
	[bflag:$0x2] =	sbarrier.arrive $0xFFFF  }
0xa2: {  	p0 =	sne.s32 s0, $0x0;
	s0 =	rddreg [dreg:$0x2]  }
0xa3: {  	s0 =	sadd.s32 @!p0 $0x100000, s0  }
0xa4: {  	[sflag:s0] =	ssyncadd.tile.s32 @!p0 $0x1;
	_ =	shalt  }
.Lfunc_end2:
_tile_overlayer_lowered:
.L_overlay_start_2:
0xa5: {  	(tag) =	ssettag $0x2  }
0xa6: {  	s0 =	rddreg [dreg:$0x0];
	s2 =	stileid.u32  }
0xa7: {  	s1 =	rddreg [dreg:$0x1];
	p0 =	sne.s32 s2, $0x0  }
0xa8: {  	s3 =	rddreg [dreg:$0x2];
	[bflag:$0x3] =	sbarrier.arrive $0xFFFF;
	s2 =	simm.s32 @!p0 $0x1C01  }
0xa9: {  	[timem:s3], [sflag:s2] =	dma.local @!p0 [hbm:s0], s1  }
0xaa: {  	s0 =	simm.s32 @!p0 $0x1  }
0xab: {  	_ =	swait.ge @!p0 [sflag:s0], s1  }
0xac: {  	s1 =	ssub.s32 @!p0 $0x0, s1;
	[sflag:s0] =	ssyncset.done @!p0 $0x0  }
0xad: {  	[sflag:s0] =	ssyncadd.s32 @!p0 s1  }
0xae: {  	[bflag:$0x3] =	sbarrier.arrive $0xFFFF  }
0xaf: {  	_ =	shalt  }

// kernel: kernel.48.cloned.1.call-start
scs
__scs_entry_jumppad:
0x0: {  	(pc) =	sbr.rel $0x88, $3  }
0x1: {  	(tag) =	ssettag $0x0;
	lr =	simm.s32 $0x1  }
0x2: {  	[smem:$0x3F85] =	sst lr;
	_ =	strace $0xD0000000  }
0x3: {  	_ = 	snop  }
0x4: {  	_ = 	snop  }
0x5: {  	_ = 	snop  }
0x6: {  	_ = 	snop  }
0x7: {  	_ = 	snop  }
__scs_overlays_trampoline_lowered:
0x8: {  	[smem:$0x3F94] =	sst s0  }
0x9: {  	[smem:$0x3F95] =	sst s1  }
0xa: {  	[smem:$0x3F96] =	sst s2  }
0xb: {  	[smem:$0x3F97] =	sst s3  }
0xc: {  	[smem:$0x3F98] =	sst s4  }
0xd: {  	[smem:$0x3F99] =	sst s5  }
0xe: {  	[smem:$0x3F9A] =	sst s6  }
0xf: {  	[smem:$0x3F9B] =	sst s7  }
0x10: {  	[smem:$0x3F9C] =	sst s8  }
0x11: {  	[smem:$0x3F9D] =	sst s9;
	s0 =	simm.s32 @!p0 $0x0  }
0x12: {  	s1 =	sld [smem:$0x3F83];
	s0 =	simm.s32 @p0 $0x1  }
0x13: {  	[smem:$0x3F9E] =	sst s0;
	s0 =	simm.s32 @!p1 $0x0  }
0x14: {  	s2 =	sld [smem:$0x3F82];
	s0 =	simm.s32 @p1 $0x1  }
0x15: {  	[smem:$0x3F9F] =	sst s0;
	s0 =	simm.s32 @!p2 $0x0  }
0x16: {  	s3 =	sld [smem:$0x3FDB];
	s0 =	simm.s32 @p2 $0x1  }
0x17: {  	s4 =	simm.s32 $0x1BF5;
	[smem:$0x3FA1] =	sst s0  }
0x18: {  	s0 =	sld [smem:$0x3F84];
	_ =	swait.ge [sflag:s4], $0x0  }
0x19: {  	s7 =	sld [smem:$0x3F85]  }
0x1a: {  	s8 =	sadd.s32 $0xFFFFE003, lr  }
0x1b: {  	s9 =	sadd.s32 $0xFFFFFEF7, lr;
	s5 =	simm.s32 $0xFFFFFFFF;
	p2 =	slt.u32 s8, $0xFFFFF086  }
0x1c: {  	p1 =	slt.u32 s9, $0xF7A;
	s5 =	simm.s32 @!p2 $0x0  }
0x1d: {  	s5 =	simm.s32 @p1 $0x1;
	p0 =	seq.s32 s7, s2  }
0x1e: {  	s7 =	smul.u32 @!p0 $0xF7A, s2;
	p2 =	seq.s32 @!p0 s5, $0x0  }
0x1f: {  	s9 =	smul.u32 $0xF7A, s1;
	s8 =	simm.s32 @!p0 $0x1BF5;
	p2 =	por !p2, p0  }
0x20: {  	[sflag:s8] =	ssyncset.s32 @!p0 $0xFFFFF086;
	s6 =	sadd.s32 @!p0 s3, s7;
	s7 =	simm.s32 @!p0 $0x108  }
0x21: {  	s3 =	sadd.s32 s3, s9;
	s6 =	sadd.s32 @!p0 $0x88, s6;
	s7 =	simm.s32 @p2 $0x1082  }
0x22: {  	[simem:s7], [sflag:s8] =	dma.local @!p0 [hbm:s6], $0xF7A  }
0x23: {  	s9 =	sor.u32 $0xD0000000, s2;
	s6 =	simm.s32 $0x108;
	_ =	swait.ge @!p0 [sflag:s8], $0x0  }
0x24: {  	s3 =	sadd.s32 $0x88, s3;
	s6 =	simm.s32 @!p1 $0x1082;
	[sflag:s4] =	ssyncset.s32 $0xFFFFF086  }
0x25: {  	[simem:s6], [sflag:s4] =	dma.local [hbm:s3], $0xF7A  }
0x26: {  	[smem:$0x3F85] =	sst s1;
	(tag) =	ssettag s2;
	_ =	strace s9  }
0x27: {  	s1 =	sld [smem:$0x3F95]  }
0x28: {  	s2 =	sld [smem:$0x3F96]  }
0x29: {  	s4 =	sld [smem:$0x3F98]  }
0x2a: {  	p0 =	seq.s32 s5, $0x0;
	s5 =	sld [smem:$0x3F99]  }
0x2b: {  	s6 =	sld [smem:$0x3F9A]  }
0x2c: {  	s7 =	sld [smem:$0x3F9B]  }
0x2d: {  	s3 =	simm.s32 $0x108;
	s8 =	sld [smem:$0x3F9C]  }
0x2e: {  	s3 =	simm.s32 @!p0 $0x1082;
	s9 =	sld [smem:$0x3F9D]  }
0x2f: {  	lr =	sadd.s32 s0, s3;
	s0 =	sld [smem:$0x3F94]  }
0x30: {  	s3 =	sld [smem:$0x3F97]  }
0x31: {  	[smem:$0x3FA0] =	sst s10  }
0x32: {  	s10 =	sld [smem:$0x3F9E];
	_ =	sdelay $0x3  }
0x33: {  	p0 =	seq.s32 s10, $0x1;
	s10 =	sld [smem:$0x3FA0];
	_ =	sdelay $0x3  }
0x34: {  	[smem:$0x3FA0] =	sst s10  }
0x35: {  	s10 =	sld [smem:$0x3F9F];
	_ =	sdelay $0x3  }
0x36: {  	p1 =	seq.s32 s10, $0x1;
	s10 =	sld [smem:$0x3FA0];
	_ =	sdelay $0x3  }
0x37: {  	[smem:$0x3FA0] =	sst s10  }
0x38: {  	s10 =	sld [smem:$0x3FA1]  }
0x39: {  	_ = 	snop;
	(pc) =	sbr.ind lr, $3  }
0x3a: {  	_ = 	snop  }
0x3b: {  	_ = 	snop  }
0x3c: {  	p2 =	seq.s32 s10, $0x1;
	s10 =	sld [smem:$0x3FA0]  }
0x3d: {  	_ =	shalt  }
0x3e: {  	_ =	shalt  }
0x3f: {  	_ =	shalt  }
0x40: {  	_ =	shalt  }
0x41: {  	_ =	shalt  }
0x42: {  	_ =	shalt  }
0x43: {  	_ =	shalt  }
0x44: {  	_ =	shalt  }
0x45: {  	_ =	shalt  }
0x46: {  	_ =	shalt  }
0x47: {  	_ =	shalt  }
0x48: {  	_ =	shalt  }
0x49: {  	_ =	shalt  }
0x4a: {  	_ =	shalt  }
0x4b: {  	_ =	shalt  }
0x4c: {  	_ =	shalt  }
0x4d: {  	_ =	shalt  }
0x4e: {  	_ =	shalt  }
0x4f: {  	_ =	shalt  }
0x50: {  	_ =	shalt  }
0x51: {  	_ =	shalt  }
0x52: {  	_ =	shalt  }
0x53: {  	_ =	shalt  }
0x54: {  	_ =	shalt  }
0x55: {  	_ =	shalt  }
0x56: {  	_ =	shalt  }
0x57: {  	_ =	shalt  }
0x58: {  	_ =	shalt  }
0x59: {  	_ =	shalt  }
0x5a: {  	_ =	shalt  }
0x5b: {  	_ =	shalt  }
0x5c: {  	_ =	shalt  }
0x5d: {  	_ =	shalt  }
0x5e: {  	_ =	shalt  }
0x5f: {  	_ =	shalt  }
0x60: {  	_ =	shalt  }
0x61: {  	_ =	shalt  }
0x62: {  	_ =	shalt  }
0x63: {  	_ =	shalt  }
0x64: {  	_ =	shalt  }
0x65: {  	_ =	shalt  }
0x66: {  	_ =	shalt  }
0x67: {  	_ =	shalt  }
0x68: {  	_ =	shalt  }
0x69: {  	_ =	shalt  }
0x6a: {  	_ =	shalt  }
0x6b: {  	_ =	shalt  }
0x6c: {  	_ =	shalt  }
0x6d: {  	_ =	shalt  }
0x6e: {  	_ =	shalt  }
0x6f: {  	_ =	shalt  }
0x70: {  	_ =	shalt  }
0x71: {  	_ =	shalt  }
0x72: {  	_ =	shalt  }
0x73: {  	_ =	shalt  }
0x74: {  	_ =	shalt  }
0x75: {  	_ =	shalt  }
0x76: {  	_ =	shalt  }
0x77: {  	_ =	shalt  }
0x78: {  	_ =	shalt  }
0x79: {  	_ =	shalt  }
0x7a: {  	_ =	shalt  }
0x7b: {  	_ =	shalt  }
0x7c: {  	_ =	shalt  }
0x7d: {  	_ =	shalt  }
0x7e: {  	_ =	shalt  }
0x7f: {  	_ =	shalt  }
0x80: {  	_ =	shalt  }
0x81: {  	_ =	shalt  }
0x82: {  	_ =	shalt  }
0x83: {  	_ =	shalt  }
0x84: {  	_ =	shalt  }
0x85: {  	_ =	shalt  }
0x86: {  	_ =	shalt  }
0x87: {  	_ =	shalt  }
.Lfunc_end0:
.L_simem_size_0:
called_computation.6_lowered:
.L_overlay_start_0:
0x88: {  	s2 =	sld [smem:$0x3FD9]  }
0x89: {  	s3 =	sld [smem:$0x3FFE];
	_ =	sdelay $0x1  }
0x8a: {  	s1 =	srdreg.scid  }
0x8b: {  	s0 =	sand.u32 $0x1, s1  }
0x8c: {  	s16 =	sshll.u32 s0, $0xA;
	s2 =	sadd.s32 s3, s2  }
0x8d: {  	s2 =	sadd.s32 s2, s16  }
0x8e: {  	[smem:$0x3FAC] =	sst s2  }
0x8f: {  	_ = 	snop  }
0x90: {  	(tm) =	ssettm $0x1  }
0x91: {  	s17 =	sld [smem:$0x3FFB];
	_ =	sdelay $0x3  }
0x92: {  	_ =	strace s17  }
0x93: {  	s2 =	sld [smem:$0x3FFC];
	_ =	sdelay $0x3  }
0x94: {  	_ =	strace s2  }
0x95: {  	s2 =	sld [smem:$0x3FFD];
	_ =	sdelay $0x3  }
0x96: {  	_ =	strace s2  }
0x97: {  	_ =	strace $0x8FFFFFFF  }
0x98: {  	s18 =	sld [smem:$0x3FDB];
	_ =	sdelay $0x1  }
0x99: {  	s19 =	simm.s32 $_scs_section_size  }
0x9a: {  	s4 =	simm.s32 $_size__tile_overlayer_lowered;
	s5 =	simm.s32 $_tile_overlayer_lowered  }
0x9b: {  	s22 =	simm.s32 $0x1BFF;
	s21 =	sshll.u32 s5, $0x1;
	s2 =	sadd.s32 s19, s18  }
0x9c: {  	s6 =	simm.s32 $0x0;
	s20 =	sshll.u32 s4, $0x1;
	s4 =	sadd.s32 s21, s2  }
0x9d: {  	[timem:s6], [sflag:s22] =	dma.local [hbm:s4], s20  }
0x9e: {  	_ =	swait.ge [sflag:s22], s20  }
0x9f: {  	s3 =	ssub.s32 $0x0, s20;
	[sflag:s22] =	ssyncset.done $0x0  }
0xa0: {  	[sflag:s22] =	ssyncadd.s32 s3;
	_ =	sdelay $0x1  }
0xa1: {  	s23 =	simm.s32 $0x1B8B  }
0xa2: {  	_ =	swait.ge [sflag:s23], $0x1  }
0xa3: {  	[sflag:s23] =	ssyncset.done $0x0  }
0xa4: {  	s25 =	simm.s32 $0x1B8E;
	s24 =	sld [smem:$0x3FFE];
	[sflag:s23] =	ssyncadd.s32 $0xFFFFFFFF  }
0xa5: {  	s26 =	simm.s32 $execute0_lowered;
	[smem:$0x3FD2] =	sst s25  }
0xa6: {  	s4 =	sshll.u32 s26, $0x1;
	_ =	strace $0x80000058;
	[dreg:$0x1] =	wrdreg $0xFFFFFFFF  }
0xa7: {  	s28 =	simm.s32 $_size_execute0_lowered;
	s2 =	sadd.s32 s2, s4;
	[dreg:$0x0] =	wrdreg $0x0  }
0xa8: {  	s4 =	sshll.u32 s28, $0x1;
	[dreg:$0x2] =	wrdreg s2  }
0xa9: {  	[dreg:$0x3] =	wrdreg s4  }
0xaa: {  	[dreg:$0x4] =	wrdreg $0xC0  }
0xab: {  	_ =	task [dreg:s6], $0x5FFFF  }
0xac: {  	[dreg:$0x1] =	wrdreg $0xFFFFFFFF  }
0xad: {  	[dreg:$0x0] =	wrdreg $0x60  }
0xae: {  	[dreg:$0x2] =	wrdreg s24  }
0xaf: {  	[dreg:$0x3] =	wrdreg $0x9  }
0xb0: {  	_ =	task.clear_ibuf [dreg:s6], $0x4FFFF;
	_ =	strace $0x90000058  }
0xb1: {  	s29 =	simm.s32 $0x9;
	_ =	strace $0x8000005A  }
0xb2: {  	_ =	swait.ge [sflag:s29], $0x1  }
0xb3: {  	[sflag:s29] =	ssyncadd.s32 $0xFFFFFFFF  }
0xb4: {  	_ =	strace $0x9000005A  }
0xb5: {  	_ =	sfence  }
0xb6: {  	s30 =	sld [smem:$0x0];
	_ =	sdelay $0x2  }
0xb7: {  	s31 =	sshll.u32 s1, $0xD;
	s1 =	sshrl.u32 s1, $0x2  }
0xb8: {  	s3 =	sand.u32 $0x4000, s31;
	s1 =	sadd.s32 s1, s30  }
0xb9: {  	s0 =	sor.u32 s3, s0;
	s1 =	sshll.u32 s1, $0x11  }
0xba: {  	s0 =	sor.u32 s1, s0  }
0xbb: {  	s0 =	sadd.s32 $0x8F2B, s0  }
0xbc: {  	[sflag:s0] =	ssyncadd.remote.s32 $0x1  }
0xbd: {  	_ =	sfence.sel $0xFFFF  }
0xbe: {  	[dreg:$0x0] =	wrdreg $0xFFFFFFFF;
	(pc) =	sbr.abs _section_cstart, $3  }
0xbf: {  	[dreg:$0x1] =	wrdreg $0xFFFFFFFF  }
0xc0: {  	_ =	task.clear_ibuf [dreg:s6], $0x2FFFF;
	_ =	strace $0x9FFFFFFF  }
0xc1: {  	(tm) =	ssettm $0x7FFFFFFF  }
tec
execute0_lowered:
.L_overlay_start_1:
0x0: {  	(tag) =	ssettag $0x1  }
0x1: {  	s4 =	rddreg [dreg:$0x0]  }
0x2: {  	s0 =	rddreg [dreg:$0x1]  }
0x3: {  	s2 =	simm.s32 $0x0;
	s3 =	srdreg.scid;
	s1 =	stileid.u32  }
0x4: {  	[smem:$0x7FF] =	sst s2;
	s5 =	sand.u32 $0x1, s3;
	s3 =	sadd.s32 $0xA4B400, s4  }
0x5: {  	s6 =	sshll.u32 s1, $0x5;
	s8 =	sshll.u32 s1, $0xC;
	_ =	strace $0x80000059  }
0x6: {  	s7 =	ssub.s32 $0x2, s5;
	s6 =	sadd.s32 s6, s4;
	s8 =	sadd.s32 s8, s4  }
0x7: {  	s31 =	sshll.u32 s5, $0x4;
	s10 =	sshll.u32 s5, $0xB;
	s9 =	sshrl.u32 s7, $0x1  }
0x8: {  	s4 =	sshll.u32 s1, $0x1;
	s10 =	sadd.s32 s10, s8;
	s7 =	ssub.s32 s7, s9  }
0x9: {  	s9 =	sadd.s32 s31, s6;
	s8 =	sadd.s32 $0x50D000, s10;
	s5 =	smax.u32 s7, $0x1  }
0xa: {  	s6 =	sadd.s32 $0x21200, s9;
	s7 =	sadd.s32 $0x17400, s9;
	s9 =	sadd.s32 $0x2B000, s10  }
.LBB2_1:
0xb: {  	p0 =	sgt.u32 s4, $0x9C3  }
0xc: {  	s10 =	sadd.s32 @!p0 $0x0, s7;
	s11 =	simm.s32 @!p0 $0x0;
	s14 =	simm.s32 @!p0 $0x4  }
0xd: {  	[tilespmem:s11], [sflag:$0x4] =	stream.linear.gather @!p0 [hbm4b:s10+s11], $0x80, $0x38;
	[tilespmem:$0x8100] =	vst v63  }
0xe: {  	_ =	swait.ge @!p0 [sflag:s14], $0x80;
	p0 =	por p0, p0  }
0xf: {  	[sflag:s14] =	ssyncset.done @!p0 $0x0  }
0x10: {  	s10 =	sadd.s32 @!p0 $0x0, s6;
	s12 =	simm.s32 @!p0 $0x80;
	[sflag:s14] =	ssyncadd.s32 @!p0 $0xFFFFFF80  }
0x11: {  	[tilespmem:s12], [sflag:$0x4] =	stream.linear.gather @!p0 [hbm4b:s10+s11], $0x80, $0x38;
	[tilespmem:$0x8100] =	vst v63  }
0x12: {  	_ =	swait.ge @!p0 [sflag:s14], $0x80  }
0x13: {  	[sflag:s14] =	ssyncset.done @!p0 $0x0  }
0x14: {  	s10 =	simm.s32 @!p0 $0x100;
	[sflag:s14] =	ssyncadd.s32 @!p0 $0xFFFFFF80  }
0x15: {  	[tilespmem:s10], [sflag:$0x1] =	stream.indirect.gather @!p0 [hbm4b:s3+s12], $0x80, s11, s12, $0xb8;
	[tilespmem:$0x8100] =	vst v63  }
0x16: {  	s15 =	simm.s32 @!p0 $0x4100;
	s13 =	simm.s32 @!p0 $0x1  }
0x17: {  	[tilespmem:s15], [sflag:$0x2] =	stream.indirect.gather @!p0 [hbm4b:s3+s12], $0x80, s12, s12, $0xb8;
	[tilespmem:$0x8100] =	vst v63  }
0x18: {  	_ =	swait.ge @!p0 [sflag:s13], $0x4000  }
0x19: {  	[sflag:s13] =	ssyncset.done @!p0 $0x0  }
0x1a: {  	s12 =	simm.s32 @!p0 $0x2;
	[sflag:s13] =	ssyncadd.s32 @!p0 $0xFFFFC000  }
0x1b: {  	_ =	swait.ge @!p0 [sflag:s12], $0x4000  }
0x1c: {  	[sflag:s12] =	ssyncset.done @!p0 $0x0  }
0x1d: {  	[sflag:s12] =	ssyncadd.s32 @!p0 $0xFFFFC000  }
0x1e: {  	[hbm4b:s9+s11] =	stream.linear.scatter @!p0 [tilespmem:s10], [sflag:$0x4], $0x4000, $0x38;
	[tilespmem:$0x8100] =	vst v63  }
0x1f: {  	_ =	swait.ge @!p0 [sflag:s14], $0x4000  }
0x20: {  	[sflag:s14] =	ssyncset.done @!p0 $0x0  }
0x21: {  	s13 =	simm.s32 $0x400;
	s12 =	simm.s32 $0x200;
	[sflag:s14] =	ssyncadd.s32 @!p0 $0xFFFFC000  }
0x22: {  	[hbm4b:s8+s11] =	stream.linear.scatter @!p0 [tilespmem:s15], [sflag:$0x3], $0x4000, $0x38;
	[tilespmem:$0x8100] =	vst v63  }
0x23: {  	s10 =	sadd.s32 $0x10000, s9;
	s14 =	sadd.s32 $0x20, s4;
	s15 =	simm.s32 @!p0 $0x3  }
0x24: {  	p2 =	sgt.u32 s14, $0x9C3;
	s11 =	sadd.s32 $0x10000, s8;
	_ =	swait.ge @!p0 [sflag:s15], $0x4000  }
.LBB2_2:
0x25: {  	s16 =	sadd.s32 @!p2 s12, s7  }
0x26: {  	s17 =	simm.s32 @!p2 $0x0;
	[sflag:s15] =	ssyncset.done @!p0 $0x0;
	s18 =	smov.u32 s13  }
0x27: {  	s13 =	sadd.s32 $0x200, s13;
	s19 =	simm.s32 @!p2 $0x4;
	[sflag:s15] =	ssyncadd.s32 @!p0 $0xFFFFC000  }
0x28: {  	[tilespmem:s17], [sflag:$0x4] =	stream.linear.gather @!p2 [hbm4b:s16+s17], $0x80, $0x38;
	[tilespmem:$0x8100] =	vst v63  }
0x29: {  	p1 =	sne.s32 s13, $0x9E00;
	p0 =	por p2, p2;
	_ =	swait.ge @!p2 [sflag:s19], $0x80  }
0x2a: {  	[sflag:s19] =	ssyncset.done @!p0 $0x0  }
0x2b: {  	s12 =	sadd.s32 @!p0 s12, s6;
	s15 =	simm.s32 @!p0 $0x80;
	[sflag:s19] =	ssyncadd.s32 @!p0 $0xFFFFFF80  }
0x2c: {  	[tilespmem:s15], [sflag:$0x4] =	stream.linear.gather @!p0 [hbm4b:s12+s17], $0x80, $0x38;
	[tilespmem:$0x8100] =	vst v63  }
0x2d: {  	s12 =	smov.u32 s18;
	_ =	swait.ge @!p0 [sflag:s19], $0x80  }
0x2e: {  	[sflag:s19] =	ssyncset.done @!p0 $0x0  }
0x2f: {  	s16 =	simm.s32 @!p0 $0x100;
	[sflag:s19] =	ssyncadd.s32 @!p0 $0xFFFFFF80  }
0x30: {  	[tilespmem:s16], [sflag:$0x1] =	stream.indirect.gather @!p0 [hbm4b:s3+s15], $0x80, s17, s15, $0xb8;
	[tilespmem:$0x8100] =	vst v63  }
0x31: {  	s20 =	simm.s32 @!p0 $0x1;
	s18 =	simm.s32 @!p0 $0x4100  }
0x32: {  	[tilespmem:s18], [sflag:$0x2] =	stream.indirect.gather @!p0 [hbm4b:s3+s15], $0x80, s15, s15, $0xb8;
	[tilespmem:$0x8100] =	vst v63  }
0x33: {  	_ =	swait.ge @!p0 [sflag:s20], $0x4000  }
0x34: {  	[sflag:s20] =	ssyncset.done @!p0 $0x0  }
0x35: {  	s15 =	simm.s32 @!p0 $0x2;
	[sflag:s20] =	ssyncadd.s32 @!p0 $0xFFFFC000  }
0x36: {  	_ =	swait.ge @!p0 [sflag:s15], $0x4000  }
0x37: {  	[sflag:s15] =	ssyncset.done @!p0 $0x0  }
0x38: {  	[sflag:s15] =	ssyncadd.s32 @!p0 $0xFFFFC000  }
0x39: {  	[hbm4b:s10+s17] =	stream.linear.scatter @!p0 [tilespmem:s16], [sflag:$0x4], $0x4000, $0x38;
	[tilespmem:$0x8100] =	vst v63  }
.Ltmp0:
0x3a: {  	_ =	swait.ge @!p0 [sflag:s19], $0x4000;
	(pc) =	sbr.rel @p1 .LBB2_2-.Ltmp0, $4  }
0x3b: {  	s10 =	sadd.s32 $0x10000, s10;
	[sflag:s19] =	ssyncset.done @!p0 $0x0  }
0x3c: {  	s14 =	sadd.s32 $0x20, s14;
	s15 =	simm.s32 @!p0 $0x3;
	[sflag:s19] =	ssyncadd.s32 @!p0 $0xFFFFC000  }
0x3d: {  	[hbm4b:s11+s17] =	stream.linear.scatter @!p0 [tilespmem:s18], [sflag:$0x3], $0x4000, $0x38;
	[tilespmem:$0x8100] =	vst v63  }
0x3e: {  	p2 =	sgt.u32 s14, $0x9C3;
	s11 =	sadd.s32 $0x10000, s11;
	_ =	swait.ge @!p0 [sflag:s15], $0x4000  }
0x3f: {  	s13 =	sadd.s32 @!p2 s12, s7;
	[sflag:s15] =	ssyncset.done @!p0 $0x0  }
0x40: {  	s14 =	simm.s32 @!p2 $0x0;
	s16 =	simm.s32 @!p2 $0x4;
	[sflag:s15] =	ssyncadd.s32 @!p0 $0xFFFFC000  }
0x41: {  	[tilespmem:s14], [sflag:$0x4] =	stream.linear.gather @!p2 [hbm4b:s13+s14], $0x80, $0x38;
	[tilespmem:$0x8100] =	vst v63  }
0x42: {  	p0 =	por p2, p2;
	_ =	swait.ge @!p2 [sflag:s16], $0x80  }
0x43: {  	[sflag:s16] =	ssyncset.done @!p0 $0x0  }
0x44: {  	s12 =	sadd.s32 @!p0 s12, s6;
	s13 =	simm.s32 @!p0 $0x80;
	[sflag:s16] =	ssyncadd.s32 @!p0 $0xFFFFFF80  }
0x45: {  	[tilespmem:s13], [sflag:$0x4] =	stream.linear.gather @!p0 [hbm4b:s12+s14], $0x80, $0x38;
	[tilespmem:$0x8100] =	vst v63  }
0x46: {  	_ =	swait.ge @!p0 [sflag:s16], $0x80  }
0x47: {  	[sflag:s16] =	ssyncset.done @!p0 $0x0  }
0x48: {  	s12 =	simm.s32 @!p0 $0x100;
	[sflag:s16] =	ssyncadd.s32 @!p0 $0xFFFFFF80  }
0x49: {  	[tilespmem:s12], [sflag:$0x1] =	stream.indirect.gather @!p0 [hbm4b:s3+s13], $0x80, s14, s13, $0xb8;
	[tilespmem:$0x8100] =	vst v63  }
0x4a: {  	s15 =	simm.s32 @!p0 $0x4100;
	s17 =	simm.s32 @!p0 $0x1  }
0x4b: {  	[tilespmem:s15], [sflag:$0x2] =	stream.indirect.gather @!p0 [hbm4b:s3+s13], $0x80, s13, s13, $0xb8;
	[tilespmem:$0x8100] =	vst v63  }
0x4c: {  	_ =	swait.ge @!p0 [sflag:s17], $0x4000  }
0x4d: {  	[sflag:s17] =	ssyncset.done @!p0 $0x0  }
0x4e: {  	s13 =	simm.s32 @!p0 $0x2;
	[sflag:s17] =	ssyncadd.s32 @!p0 $0xFFFFC000  }
0x4f: {  	_ =	swait.ge @!p0 [sflag:s13], $0x4000  }
0x50: {  	[sflag:s13] =	ssyncset.done @!p0 $0x0  }
0x51: {  	[sflag:s13] =	ssyncadd.s32 @!p0 $0xFFFFC000  }
0x52: {  	[hbm4b:s10+s14] =	stream.linear.scatter @!p0 [tilespmem:s12], [sflag:$0x4], $0x4000, $0x38;
	[tilespmem:$0x8100] =	vst v63  }
0x53: {  	s2 =	sadd.s32 $0x1, s2;
	_ =	swait.ge @!p0 [sflag:s16], $0x4000  }
0x54: {  	p1 =	sne.s32 s2, s5;
	[sflag:s16] =	ssyncset.done @!p0 $0x0  }
.Ltmp1:
0x55: {  	s10 =	simm.s32 @!p0 $0x3;
	[sflag:s16] =	ssyncadd.s32 @!p0 $0xFFFFC000;
	(pc) =	sbr.rel @p1 .LBB2_1-.Ltmp1, $4  }
0x56: {  	[hbm4b:s11+s14] =	stream.linear.scatter @!p0 [tilespmem:s15], [sflag:$0x3], $0x4000, $0x38;
	[tilespmem:$0x8100] =	vst v63  }
0x57: {  	_ =	swait.ge @!p0 [sflag:s10], $0x4000  }
0x58: {  	[sflag:s10] =	ssyncset.done @!p0 $0x0  }
0x59: {  	[sflag:s10] =	ssyncadd.s32 @!p0 $0xFFFFC000  }
0x5a: {  	_ =	sfence.sel $0x180000  }
0x5b: {  	[bflag:$0x0] =	sbarrier.arrive $0xFFFF  }
0x5c: {  	p0 =	sne.s32 s1, $0x0;
	_ =	strace $0x90000059  }
0x5d: {  	s0 =	sadd.s32 @!p0 $0x100000, s0;
	[bflag:$0x2] =	sbarrier.arrive $0xFFFF  }
0x5e: {  	[sflag:s0] =	ssyncadd.tile.s32 @!p0 $0x1;
	_ =	shalt  }
.Lfunc_end2:
_tile_overlayer_lowered:
.L_overlay_start_2:
0x5f: {  	(tag) =	ssettag $0x2  }
0x60: {  	s0 =	rddreg [dreg:$0x0];
	s2 =	stileid.u32  }
0x61: {  	s1 =	rddreg [dreg:$0x1];
	p0 =	sne.s32 s2, $0x0  }
0x62: {  	s3 =	rddreg [dreg:$0x2];
	[bflag:$0x3] =	sbarrier.arrive $0xFFFF;
	s2 =	simm.s32 @!p0 $0x1C03  }
0x63: {  	[timem:s3], [sflag:s2] =	dma.local @!p0 [hbm:s0], s1  }
0x64: {  	s0 =	simm.s32 @!p0 $0x3  }
0x65: {  	_ =	swait.ge @!p0 [sflag:s0], s1  }
0x66: {  	s1 =	ssub.s32 @!p0 $0x0, s1;
	[sflag:s0] =	ssyncset.done @!p0 $0x0  }
0x67: {  	[sflag:s0] =	ssyncadd.s32 @!p0 s1  }
0x68: {  	[bflag:$0x3] =	sbarrier.arrive $0xFFFF  }
0x69: {  	_ =	shalt  }

// kernel: kernel.51.cloned.1.call-start
scs
__scs_entry_jumppad:
0x0: {  	(pc) =	sbr.rel $0x88, $3  }
0x1: {  	(tag) =	ssettag $0x0;
	lr =	simm.s32 $0x1  }
0x2: {  	[smem:$0x3F85] =	sst lr;
	_ =	strace $0xD0000000  }
0x3: {  	_ = 	snop  }
0x4: {  	_ = 	snop  }
0x5: {  	_ = 	snop  }
0x6: {  	_ = 	snop  }
0x7: {  	_ = 	snop  }
__scs_overlays_trampoline_lowered:
0x8: {  	[smem:$0x3F94] =	sst s0  }
0x9: {  	[smem:$0x3F95] =	sst s1  }
0xa: {  	[smem:$0x3F96] =	sst s2  }
0xb: {  	[smem:$0x3F97] =	sst s3  }
0xc: {  	[smem:$0x3F98] =	sst s4  }
0xd: {  	[smem:$0x3F99] =	sst s5  }
0xe: {  	[smem:$0x3F9A] =	sst s6  }
0xf: {  	[smem:$0x3F9B] =	sst s7  }
0x10: {  	[smem:$0x3F9C] =	sst s8  }
0x11: {  	[smem:$0x3F9D] =	sst s9;
	s0 =	simm.s32 @!p0 $0x0  }
0x12: {  	s1 =	sld [smem:$0x3F83];
	s0 =	simm.s32 @p0 $0x1  }
0x13: {  	[smem:$0x3F9E] =	sst s0;
	s0 =	simm.s32 @!p1 $0x0  }
0x14: {  	s2 =	sld [smem:$0x3F82];
	s0 =	simm.s32 @p1 $0x1  }
0x15: {  	[smem:$0x3F9F] =	sst s0;
	s0 =	simm.s32 @!p2 $0x0  }
0x16: {  	s3 =	sld [smem:$0x3FDB];
	s0 =	simm.s32 @p2 $0x1  }
0x17: {  	s4 =	simm.s32 $0x1BF5;
	[smem:$0x3FA1] =	sst s0  }
0x18: {  	s0 =	sld [smem:$0x3F84];
	_ =	swait.ge [sflag:s4], $0x0  }
0x19: {  	s7 =	sld [smem:$0x3F85]  }
0x1a: {  	s8 =	sadd.s32 $0xFFFFE003, lr  }
0x1b: {  	s9 =	sadd.s32 $0xFFFFFEF7, lr;
	s5 =	simm.s32 $0xFFFFFFFF;
	p2 =	slt.u32 s8, $0xFFFFF086  }
0x1c: {  	p1 =	slt.u32 s9, $0xF7A;
	s5 =	simm.s32 @!p2 $0x0  }
0x1d: {  	s5 =	simm.s32 @p1 $0x1;
	p0 =	seq.s32 s7, s2  }
0x1e: {  	s7 =	smul.u32 @!p0 $0xF7A, s2;
	p2 =	seq.s32 @!p0 s5, $0x0  }
0x1f: {  	s9 =	smul.u32 $0xF7A, s1;
	s8 =	simm.s32 @!p0 $0x1BF5;
	p2 =	por !p2, p0  }
0x20: {  	[sflag:s8] =	ssyncset.s32 @!p0 $0xFFFFF086;
	s6 =	sadd.s32 @!p0 s3, s7;
	s7 =	simm.s32 @!p0 $0x108  }
0x21: {  	s3 =	sadd.s32 s3, s9;
	s6 =	sadd.s32 @!p0 $0x88, s6;
	s7 =	simm.s32 @p2 $0x1082  }
0x22: {  	[simem:s7], [sflag:s8] =	dma.local @!p0 [hbm:s6], $0xF7A  }
0x23: {  	s9 =	sor.u32 $0xD0000000, s2;
	s6 =	simm.s32 $0x108;
	_ =	swait.ge @!p0 [sflag:s8], $0x0  }
0x24: {  	s3 =	sadd.s32 $0x88, s3;
	s6 =	simm.s32 @!p1 $0x1082;
	[sflag:s4] =	ssyncset.s32 $0xFFFFF086  }
0x25: {  	[simem:s6], [sflag:s4] =	dma.local [hbm:s3], $0xF7A  }
0x26: {  	[smem:$0x3F85] =	sst s1;
	(tag) =	ssettag s2;
	_ =	strace s9  }
0x27: {  	s1 =	sld [smem:$0x3F95]  }
0x28: {  	s2 =	sld [smem:$0x3F96]  }
0x29: {  	s4 =	sld [smem:$0x3F98]  }
0x2a: {  	p0 =	seq.s32 s5, $0x0;
	s5 =	sld [smem:$0x3F99]  }
0x2b: {  	s6 =	sld [smem:$0x3F9A]  }
0x2c: {  	s7 =	sld [smem:$0x3F9B]  }
0x2d: {  	s3 =	simm.s32 $0x108;
	s8 =	sld [smem:$0x3F9C]  }
0x2e: {  	s3 =	simm.s32 @!p0 $0x1082;
	s9 =	sld [smem:$0x3F9D]  }
0x2f: {  	lr =	sadd.s32 s0, s3;
	s0 =	sld [smem:$0x3F94]  }
0x30: {  	s3 =	sld [smem:$0x3F97]  }
0x31: {  	[smem:$0x3FA0] =	sst s10  }
0x32: {  	s10 =	sld [smem:$0x3F9E];
	_ =	sdelay $0x3  }
0x33: {  	p0 =	seq.s32 s10, $0x1;
	s10 =	sld [smem:$0x3FA0];
	_ =	sdelay $0x3  }
0x34: {  	[smem:$0x3FA0] =	sst s10  }
0x35: {  	s10 =	sld [smem:$0x3F9F];
	_ =	sdelay $0x3  }
0x36: {  	p1 =	seq.s32 s10, $0x1;
	s10 =	sld [smem:$0x3FA0];
	_ =	sdelay $0x3  }
0x37: {  	[smem:$0x3FA0] =	sst s10  }
0x38: {  	s10 =	sld [smem:$0x3FA1]  }
0x39: {  	_ = 	snop;
	(pc) =	sbr.ind lr, $3  }
0x3a: {  	_ = 	snop  }
0x3b: {  	_ = 	snop  }
0x3c: {  	p2 =	seq.s32 s10, $0x1;
	s10 =	sld [smem:$0x3FA0]  }
0x3d: {  	_ =	shalt  }
0x3e: {  	_ =	shalt  }
0x3f: {  	_ =	shalt  }
0x40: {  	_ =	shalt  }
0x41: {  	_ =	shalt  }
0x42: {  	_ =	shalt  }
0x43: {  	_ =	shalt  }
0x44: {  	_ =	shalt  }
0x45: {  	_ =	shalt  }
0x46: {  	_ =	shalt  }
0x47: {  	_ =	shalt  }
0x48: {  	_ =	shalt  }
0x49: {  	_ =	shalt  }
0x4a: {  	_ =	shalt  }
0x4b: {  	_ =	shalt  }
0x4c: {  	_ =	shalt  }
0x4d: {  	_ =	shalt  }
0x4e: {  	_ =	shalt  }
0x4f: {  	_ =	shalt  }
0x50: {  	_ =	shalt  }
0x51: {  	_ =	shalt  }
0x52: {  	_ =	shalt  }
0x53: {  	_ =	shalt  }
0x54: {  	_ =	shalt  }
0x55: {  	_ =	shalt  }
0x56: {  	_ =	shalt  }
0x57: {  	_ =	shalt  }
0x58: {  	_ =	shalt  }
0x59: {  	_ =	shalt  }
0x5a: {  	_ =	shalt  }
0x5b: {  	_ =	shalt  }
0x5c: {  	_ =	shalt  }
0x5d: {  	_ =	shalt  }
0x5e: {  	_ =	shalt  }
0x5f: {  	_ =	shalt  }
0x60: {  	_ =	shalt  }
0x61: {  	_ =	shalt  }
0x62: {  	_ =	shalt  }
0x63: {  	_ =	shalt  }
0x64: {  	_ =	shalt  }
0x65: {  	_ =	shalt  }
0x66: {  	_ =	shalt  }
0x67: {  	_ =	shalt  }
0x68: {  	_ =	shalt  }
0x69: {  	_ =	shalt  }
0x6a: {  	_ =	shalt  }
0x6b: {  	_ =	shalt  }
0x6c: {  	_ =	shalt  }
0x6d: {  	_ =	shalt  }
0x6e: {  	_ =	shalt  }
0x6f: {  	_ =	shalt  }
0x70: {  	_ =	shalt  }
0x71: {  	_ =	shalt  }
0x72: {  	_ =	shalt  }
0x73: {  	_ =	shalt  }
0x74: {  	_ =	shalt  }
0x75: {  	_ =	shalt  }
0x76: {  	_ =	shalt  }
0x77: {  	_ =	shalt  }
0x78: {  	_ =	shalt  }
0x79: {  	_ =	shalt  }
0x7a: {  	_ =	shalt  }
0x7b: {  	_ =	shalt  }
0x7c: {  	_ =	shalt  }
0x7d: {  	_ =	shalt  }
0x7e: {  	_ =	shalt  }
0x7f: {  	_ =	shalt  }
0x80: {  	_ =	shalt  }
0x81: {  	_ =	shalt  }
0x82: {  	_ =	shalt  }
0x83: {  	_ =	shalt  }
0x84: {  	_ =	shalt  }
0x85: {  	_ =	shalt  }
0x86: {  	_ =	shalt  }
0x87: {  	_ =	shalt  }
.Lfunc_end0:
.L_simem_size_0:
called_computation.7_lowered:
.L_overlay_start_0:
0x88: {  	s2 =	sld [smem:$0x3FD9]  }
0x89: {  	s3 =	sld [smem:$0x3FFE];
	_ =	sdelay $0x1  }
0x8a: {  	s1 =	srdreg.scid  }
0x8b: {  	s0 =	sand.u32 $0x1, s1  }
0x8c: {  	s16 =	sshll.u32 s0, $0xA;
	s2 =	sadd.s32 s3, s2  }
0x8d: {  	s2 =	sadd.s32 s2, s16  }
0x8e: {  	[smem:$0x3FAC] =	sst s2  }
0x8f: {  	_ = 	snop  }
0x90: {  	(tm) =	ssettm $0x1  }
0x91: {  	s17 =	sld [smem:$0x3FFB];
	_ =	sdelay $0x3  }
0x92: {  	_ =	strace s17  }
0x93: {  	s2 =	sld [smem:$0x3FFC];
	_ =	sdelay $0x3  }
0x94: {  	_ =	strace s2  }
0x95: {  	s2 =	sld [smem:$0x3FFD];
	_ =	sdelay $0x3  }
0x96: {  	_ =	strace s2  }
0x97: {  	_ =	strace $0x8FFFFFFF  }
0x98: {  	s18 =	sld [smem:$0x3FDB];
	_ =	sdelay $0x1  }
0x99: {  	s19 =	simm.s32 $_scs_section_size  }
0x9a: {  	s4 =	simm.s32 $_size__tile_overlayer_lowered;
	s5 =	simm.s32 $_tile_overlayer_lowered  }
0x9b: {  	s22 =	simm.s32 $0x1BFF;
	s21 =	sshll.u32 s5, $0x1;
	s2 =	sadd.s32 s19, s18  }
0x9c: {  	s6 =	simm.s32 $0x0;
	s20 =	sshll.u32 s4, $0x1;
	s4 =	sadd.s32 s21, s2  }
0x9d: {  	[timem:s6], [sflag:s22] =	dma.local [hbm:s4], s20  }
0x9e: {  	_ =	swait.ge [sflag:s22], s20  }
0x9f: {  	s3 =	ssub.s32 $0x0, s20;
	[sflag:s22] =	ssyncset.done $0x0  }
0xa0: {  	[sflag:s22] =	ssyncadd.s32 s3;
	_ =	sdelay $0x1  }
0xa1: {  	s23 =	simm.s32 $0x1B8B  }
0xa2: {  	_ =	swait.ge [sflag:s23], $0x1  }
0xa3: {  	[sflag:s23] =	ssyncset.done $0x0  }
0xa4: {  	s25 =	simm.s32 $0x1B8E;
	s24 =	sld [smem:$0x3FFE];
	[sflag:s23] =	ssyncadd.s32 $0xFFFFFFFF  }
0xa5: {  	s26 =	simm.s32 $execute0_lowered;
	[smem:$0x3FD2] =	sst s25  }
0xa6: {  	s4 =	sshll.u32 s26, $0x1;
	_ =	strace $0x8000005B;
	[dreg:$0x1] =	wrdreg $0xFFFFFFFF  }
0xa7: {  	s28 =	simm.s32 $_size_execute0_lowered;
	s2 =	sadd.s32 s2, s4;
	[dreg:$0x0] =	wrdreg $0x0  }
0xa8: {  	s4 =	sshll.u32 s28, $0x1;
	[dreg:$0x2] =	wrdreg s2  }
0xa9: {  	[dreg:$0x3] =	wrdreg s4  }
0xaa: {  	[dreg:$0x4] =	wrdreg $0xC0  }
0xab: {  	_ =	task [dreg:s6], $0x5FFFF  }
0xac: {  	[dreg:$0x1] =	wrdreg $0xFFFFFFFF  }
0xad: {  	[dreg:$0x0] =	wrdreg $0x60  }
0xae: {  	[dreg:$0x2] =	wrdreg s24  }
0xaf: {  	[dreg:$0x3] =	wrdreg $0x40800  }
0xb0: {  	[dreg:$0x4] =	wrdreg $0x9  }
0xb1: {  	_ =	task.clear_ibuf [dreg:s6], $0x5FFFF;
	_ =	strace $0x9000005B  }
0xb2: {  	s29 =	simm.s32 $0x9;
	_ =	strace $0x8000005D  }
0xb3: {  	_ =	swait.ge [sflag:s29], $0x1  }
0xb4: {  	[sflag:s29] =	ssyncadd.s32 $0xFFFFFFFF  }
0xb5: {  	_ =	strace $0x9000005D  }
0xb6: {  	_ =	sfence  }
0xb7: {  	s30 =	sld [smem:$0x0];
	_ =	sdelay $0x2  }
0xb8: {  	s31 =	sshll.u32 s1, $0xD;
	s1 =	sshrl.u32 s1, $0x2  }
0xb9: {  	s3 =	sand.u32 $0x4000, s31;
	s1 =	sadd.s32 s1, s30  }
0xba: {  	s0 =	sor.u32 s3, s0;
	s1 =	sshll.u32 s1, $0x11  }
0xbb: {  	s0 =	sor.u32 s1, s0  }
0xbc: {  	s0 =	sadd.s32 $0x8F2B, s0  }
0xbd: {  	[sflag:s0] =	ssyncadd.remote.s32 $0x1  }
0xbe: {  	_ =	sfence.sel $0xFFFF  }
0xbf: {  	[dreg:$0x0] =	wrdreg $0xFFFFFFFF;
	(pc) =	sbr.abs _section_cstart, $3  }
0xc0: {  	[dreg:$0x1] =	wrdreg $0xFFFFFFFF  }
0xc1: {  	_ =	task.clear_ibuf [dreg:s6], $0x2FFFF;
	_ =	strace $0x9FFFFFFF  }
0xc2: {  	(tm) =	ssettm $0x7FFFFFFF  }
0xc3: {  	_ =	shalt  }
tec
execute0_lowered:
.L_overlay_start_1:
0x0: {  	(tag) =	ssettag $0x1  }
0x1: {  	s20 =	stileid.u32  }
0x2: {  	s0 =	srdreg.scid;
	s9 =	smul.u32 $0x500, s20  }
0x3: {  	s7 =	sand.u32 $0x1, s0;
	s23 =	smul.u32 $0x2800, s20  }
0x4: {  	s6 =	sor.u32 $0x10, s20;
	s8 =	smul.u32 $0x138800, s7  }
0x5: {  	s4 =	sor.u32 $0x20, s20;
	s10 =	smul.u32 $0x500, s6  }
0x6: {  	s5 =	sor.u32 $0x30, s20;
	s11 =	smul.u32 $0x500, s4  }
0x7: {  	s3 =	sor.u32 $0x40, s20;
	s12 =	smul.u32 $0x500, s5  }
0x8: {  	s2 =	sor.u32 $0x50, s20;
	s13 =	smul.u32 $0x500, s3  }
0x9: {  	s1 =	sor.u32 $0x60, s20;
	s14 =	smul.u32 $0x500, s2  }
0xa: {  	s0 =	sor.u32 $0x70, s20;
	s15 =	smul.u32 $0x500, s1  }
0xb: {  	s18 =	rddreg [dreg:$0x0];
	s17 =	smul.u32 $0x500, s0  }
0xc: {  	s21 =	sadd.s32 $0xA24200, s18;
	s24 =	smul.u32 $0x2800, s6  }
0xd: {  	s16 =	ssub.s32 $0x2, s7;
	s6 =	smul.u32 $0xA000, s6;
	s9 =	sadd.s32 s21, s9  }
0xe: {  	s19 =	sshrl.u32 s16, $0x1;
	[dreg:$0x3] =	wrdreg s9;
	s9 =	smul.u32 $0x2800, s4  }
0xf: {  	s22 =	ssub.s32 s16, s19;
	s19 =	smul.u32 $0x2800, s3  }
0x10: {  	s16 =	sadd.s32 s8, s24;
	s24 =	smul.u32 $0x2800, s1  }
0x11: {  	p0 =	sgt.u32 s0, $0x7C;
	s10 =	sadd.s32 s21, s10;
	s4 =	smul.u32 $0xA000, s4  }
0x12: {  	s11 =	sadd.s32 s21, s11;
	s3 =	smul.u32 $0xA000, s3;
	[dreg:$0x4] =	wrdreg s10  }
0x13: {  	s12 =	sadd.s32 s21, s12;
	s1 =	smul.u32 $0xA000, s1;
	[dreg:$0x5] =	wrdreg s11  }
0x14: {  	s13 =	sadd.s32 s21, s13;
	[dreg:$0x6] =	wrdreg s12;
	s10 =	smul.u32 $0x2800, s5  }
0x15: {  	s26 =	sadd.s32 s21, s17;
	[dreg:$0x7] =	wrdreg s13;
	s13 =	smul.u32 $0x2800, s2  }
0x16: {  	s14 =	sadd.s32 s21, s14;
	[dreg:$0xa] =	wrdreg s26;
	s26 =	smul.u32 $0x2800, s0  }
0x17: {  	s25 =	sadd.s32 s21, s15;
	[dreg:$0x8] =	wrdreg s14;
	s5 =	smul.u32 $0xA000, s5  }
0x18: {  	s6 =	sshrl.u32 s6, $0x2;
	[dreg:$0x9] =	wrdreg s25;
	s2 =	smul.u32 $0xA000, s2  }
0x19: {  	s14 =	sadd.s32 s8, s23;
	s23 =	sshll.u32 s20, $0x5;
	s0 =	smul.u32 $0xA000, s0  }
0x1a: {  	s25 =	sadd.s32 s8, s9;
	s11 =	sadd.s32 s8, s19;
	s17 =	sadd.s32 s8, s24  }
0x1b: {  	s9 =	simm.s32 $0x0;
	s19 =	sshll.u32 s20, $0xC;
	s15 =	sadd.s32 s23, s18  }
0x1c: {  	s24 =	sshrl.u32 s16, $0x3;
	s23 =	smul.u32 $0xA000, s20;
	s4 =	sshrl.u32 s4, $0x2  }
0x1d: {  	s3 =	sshrl.u32 s3, $0x2;
	s1 =	sshrl.u32 s1, $0x2;
	s10 =	sadd.s32 s8, s10  }
0x1e: {  	s12 =	sadd.s32 s8, s13;
	s8 =	sadd.s32 s8, s26;
	[smem:$0x7FF] =	sst s9  }
0x1f: {  	s21 =	sadd.s32 s19, s18;
	s18 =	sadd.s32 $0xAAAE00, s18;
	s13 =	sshrl.u32 s14, $0x3  }
0x20: {  	s25 =	sshrl.u32 s25, $0x3;
	s11 =	sshrl.u32 s11, $0x3;
	s16 =	sshrl.u32 s17, $0x3  }
0x21: {  	s17 =	sshll.u32 s7, $0xB;
	s19 =	rddreg [dreg:$0x1];
	s7 =	sshll.u32 s7, $0x4  }
0x22: {  	s2 =	sshrl.u32 s2, $0x2;
	s0 =	sshrl.u32 s0, $0x2;
	s13 =	sadd.s32 s18, s13  }
0x23: {  	s26 =	sadd.s32 s18, s25;
	s10 =	sshrl.u32 s10, $0x3;
	s8 =	sshrl.u32 s8, $0x3  }
0x24: {  	s7 =	sadd.s32 s7, s15;
	s25 =	sshll.u32 s20, $0x6;
	s28 =	sadd.s32 s2, s19  }
0x25: {  	s29 =	sadd.s32 s1, s19;
	s30 =	sadd.s32 s0, s19;
	s0 =	sshll.u32 s20, $0x1  }
0x26: {  	s1 =	simm.s32 $0x1;
	[dreg:$0xb] =	wrdreg s13;
	s13 =	sadd.s32 s18, s24  }
0x27: {  	[dreg:$0xd] =	wrdreg s26;
	s10 =	sadd.s32 s18, s10;
	s8 =	sadd.s32 s18, s8  }
0x28: {  	s24 =	smax.u32 s22, $0x1;
	s22 =	sor.u32 $0x1C01, s25;
	[dreg:$0xc] =	wrdreg s13  }
0x29: {  	s26 =	sshrl.u32 s5, $0x2;
	[dreg:$0xe] =	wrdreg s10;
	s13 =	sshrl.u32 s12, $0x3  }
0x2a: {  	s10 =	sadd.s32 s18, s11;
	[dreg:$0x12] =	wrdreg s8;
	s25 =	sadd.s32 s26, s19  }
0x2b: {  	s26 =	sadd.s32 s3, s19;
	[dreg:$0xf] =	wrdreg s10;
	s14 =	sadd.s32 s18, s13  }
0x2c: {  	s10 =	sadd.s32 s18, s16;
	s18 =	sadd.s32 s17, s21;
	[dreg:$0x10] =	wrdreg s14  }
0x2d: {  	s17 =	sadd.s32 $0x21200, s7;
	[dreg:$0x11] =	wrdreg s10;
	s10 =	sshrl.u32 s23, $0x2  }
0x2e: {  	s23 =	sadd.s32 s6, s19;
	s31 =	sadd.s32 $0x13DA200, s18;
	_ =	strace $0x8000005C  }
0x2f: {  	[dreg:$0x13] =	wrdreg s24;
	s21 =	sadd.s32 s10, s19;
	s24 =	sadd.s32 s4, s19  }
.LBB2_1:
0x30: {  	s2 =	sshrl.u32 s21, $0x3;
	s3 =	rddreg [dreg:$0x3]  }
0x31: {  	[spmem:s2], [sflag:s22] =	dma.local [hbm:s3], $0x500  }
0x32: {  	_ =	swait.ge [sflag:s1], $0x500  }
0x33: {  	[sflag:s1] =	ssyncset.done $0x0  }
0x34: {  	s3 =	sshrl.u32 s23, $0x3;
	s4 =	rddreg [dreg:$0x4];
	[sflag:s1] =	ssyncadd.s32 $0xFFFFFB00  }
0x35: {  	[spmem:s3], [sflag:s22] =	dma.local [hbm:s4], $0x500  }
0x36: {  	_ =	swait.ge [sflag:s1], $0x500  }
0x37: {  	[sflag:s1] =	ssyncset.done $0x0  }
0x38: {  	s4 =	sshrl.u32 s24, $0x3;
	s5 =	rddreg [dreg:$0x5];
	[sflag:s1] =	ssyncadd.s32 $0xFFFFFB00  }
0x39: {  	[spmem:s4], [sflag:s22] =	dma.local [hbm:s5], $0x500  }
0x3a: {  	_ =	swait.ge [sflag:s1], $0x500  }
0x3b: {  	[sflag:s1] =	ssyncset.done $0x0  }
0x3c: {  	s5 =	sshrl.u32 s25, $0x3;
	s6 =	rddreg [dreg:$0x6];
	[sflag:s1] =	ssyncadd.s32 $0xFFFFFB00  }
0x3d: {  	[spmem:s5], [sflag:s22] =	dma.local [hbm:s6], $0x500  }
0x3e: {  	_ =	swait.ge [sflag:s1], $0x500  }
0x3f: {  	[sflag:s1] =	ssyncset.done $0x0  }
0x40: {  	s6 =	sshrl.u32 s26, $0x3;
	s7 =	rddreg [dreg:$0x7];
	[sflag:s1] =	ssyncadd.s32 $0xFFFFFB00  }
0x41: {  	[spmem:s6], [sflag:s22] =	dma.local [hbm:s7], $0x500  }
0x42: {  	_ =	swait.ge [sflag:s1], $0x500  }
0x43: {  	[sflag:s1] =	ssyncset.done $0x0  }
0x44: {  	s7 =	sshrl.u32 s28, $0x3;
	s8 =	rddreg [dreg:$0x8];
	[sflag:s1] =	ssyncadd.s32 $0xFFFFFB00  }
0x45: {  	[spmem:s7], [sflag:s22] =	dma.local [hbm:s8], $0x500  }
0x46: {  	_ =	swait.ge [sflag:s1], $0x500  }
0x47: {  	[sflag:s1] =	ssyncset.done $0x0  }
0x48: {  	s8 =	sshrl.u32 s29, $0x3;
	s10 =	rddreg [dreg:$0x9];
	[sflag:s1] =	ssyncadd.s32 $0xFFFFFB00  }
0x49: {  	[spmem:s8], [sflag:s22] =	dma.local [hbm:s10], $0x500  }
0x4a: {  	_ =	swait.ge [sflag:s1], $0x500  }
0x4b: {  	[sflag:s1] =	ssyncset.done $0x0  }
0x4c: {  	s10 =	sshrl.u32 @!p0 s30, $0x3;
	s11 =	rddreg [dreg:$0xa];
	[sflag:s1] =	ssyncadd.s32 $0xFFFFFB00  }
0x4d: {  	[spmem:s10], [sflag:s22] =	dma.local @!p0 [hbm:s11], $0x500  }
0x4e: {  	s11 =	simm.s32 @!p0 $0x1  }
0x4f: {  	_ =	swait.ge @!p0 [sflag:s11], $0x500  }
0x50: {  	s12 =	sadd.s32 $0x0, s0;
	[sflag:s11] =	ssyncset.done @!p0 $0x0  }
0x51: {  	p1 =	sgt.u32 s12, $0x9C3;
	[sflag:s11] =	ssyncadd.s32 @!p0 $0xFFFFFB00  }
0x52: {  	s13 =	simm.s32 @!p1 $0x2;
	s11 =	simm.s32 @!p1 $0x0;
	[bflag:$0x0] =	sbarrier.arrive $0xFFFF  }
0x53: {  	[tilespmem:s11], [sflag:$0x2] =	stream.linear.gather @!p1 [hbm4b:s17+s11], $0x80, $0x38;
	[tilespmem:$0x17900] =	vst v63  }
0x54: {  	_ =	swait.ge @!p1 [sflag:s13], $0x80  }
0x55: {  	[sflag:s13] =	ssyncset.done @!p1 $0x0;
	p1 =	por p1, p1  }
0x56: {  	[sflag:s13] =	ssyncadd.s32 @!p1 $0xFFFFFF80;
	s15 =	simm.s32 @!p1 $0x80  }
0x57: {  	[tilespmem:s15], [sflag:$0x2] =	stream.linear.gather @!p1 [hbm4b:s31+s11], $0x4000, $0x38;
	[tilespmem:$0x17900] =	vst v63  }
0x58: {  	_ =	swait.ge @!p1 [sflag:s13], $0x4000  }
0x59: {  	[sflag:s13] =	ssyncset.done @!p1 $0x0  }
0x5a: {  	s20 =	sadd.s32 $0x20, s0;
	s14 =	simm.s32 @!p1 $0x1;
	[sflag:s13] =	ssyncadd.s32 @!p1 $0xFFFFC000  }
0x5b: {  	[spmem:s19] =	stream.indirect.scatter.add.f32 @!p1 [tilespmem:s15], [sflag:$0x1], $0x80, s11, s15, $0xb8;
	[tilespmem:$0x17900] =	vst v63  }
0x5c: {  	s12 =	simm.s32 $0x40;
	p2 =	sgt.u32 s20, $0x9C3;
	_ =	swait.ge @!p1 [sflag:s14], $0x4000  }
0x5d: {  	s13 =	sadd.s32 $0x200, s17;
	s11 =	sadd.s32 $0x10000, s31;
	[sflag:s14] =	ssyncset.done @!p1 $0x0  }
.LBB2_2:
0x5e: {  	s15 =	simm.s32 @!p2 $0x0;
	s16 =	simm.s32 @!p2 $0x2;
	[sflag:s14] =	ssyncadd.s32 @!p1 $0xFFFFC000  }
0x5f: {  	[tilespmem:s15], [sflag:$0x2] =	stream.linear.gather @!p2 [hbm4b:s13+s15], $0x80, $0x38;
	[tilespmem:$0x17900] =	vst v63  }
0x60: {  	s18 =	smov.u32 s12;
	s12 =	sadd.s32 $0x20, s12;
	_ =	swait.ge @!p2 [sflag:s16], $0x80  }
0x61: {  	p1 =	por p2, p2;
	p3 =	sne.s32 s12, $0x9E0;
	[sflag:s16] =	ssyncset.done @!p2 $0x0  }
0x62: {  	s20 =	simm.s32 @!p1 $0x80;
	[sflag:s16] =	ssyncadd.s32 @!p1 $0xFFFFFF80  }
0x63: {  	[tilespmem:s20], [sflag:$0x2] =	stream.linear.gather @!p1 [hbm4b:s11+s15], $0x4000, $0x38;
	[tilespmem:$0x17900] =	vst v63  }
0x64: {  	_ =	swait.ge @!p1 [sflag:s16], $0x4000  }
.Ltmp0:
0x65: {  	[sflag:s16] =	ssyncset.done @!p1 $0x0;
	(pc) =	sbr.rel @p3 .LBB2_2-.Ltmp0, $4  }
0x66: {  	s14 =	simm.s32 @!p1 $0x1;
	[sflag:s16] =	ssyncadd.s32 @!p1 $0xFFFFC000  }
0x67: {  	[spmem:s19] =	stream.indirect.scatter.add.f32 @!p1 [tilespmem:s20], [sflag:$0x1], $0x80, s15, s20, $0xb8;
	[tilespmem:$0x17900] =	vst v63  }
0x68: {  	s13 =	sadd.s32 $0x200, s13;
	s15 =	sadd.s32 s18, s0;
	_ =	swait.ge @!p1 [sflag:s14], $0x4000  }
0x69: {  	s11 =	sadd.s32 $0x10000, s11;
	p2 =	sgt.u32 s15, $0x9C3;
	[sflag:s14] =	ssyncset.done @!p1 $0x0  }
0x6a: {  	s12 =	simm.s32 @!p2 $0x0;
	s15 =	simm.s32 @!p2 $0x2;
	[sflag:s14] =	ssyncadd.s32 @!p1 $0xFFFFC000  }
0x6b: {  	[tilespmem:s12], [sflag:$0x2] =	stream.linear.gather @!p2 [hbm4b:s13+s12], $0x80, $0x38;
	[tilespmem:$0x17900] =	vst v63  }
0x6c: {  	_ =	swait.ge @!p2 [sflag:s15], $0x80  }
0x6d: {  	p1 =	por p2, p2;
	[sflag:s15] =	ssyncset.done @!p2 $0x0  }
0x6e: {  	s13 =	simm.s32 @!p1 $0x80;
	[sflag:s15] =	ssyncadd.s32 @!p1 $0xFFFFFF80  }
0x6f: {  	[tilespmem:s13], [sflag:$0x2] =	stream.linear.gather @!p1 [hbm4b:s11+s12], $0x4000, $0x38;
	[tilespmem:$0x17900] =	vst v63  }
0x70: {  	_ =	swait.ge @!p1 [sflag:s15], $0x4000  }
0x71: {  	[sflag:s15] =	ssyncset.done @!p1 $0x0  }
0x72: {  	s11 =	simm.s32 @!p1 $0x1;
	[sflag:s15] =	ssyncadd.s32 @!p1 $0xFFFFC000  }
0x73: {  	[spmem:s19] =	stream.indirect.scatter.add.f32 @!p1 [tilespmem:s13], [sflag:$0x1], $0x80, s12, s13, $0xb8;
	[tilespmem:$0x17900] =	vst v63  }
0x74: {  	_ =	swait.ge @!p1 [sflag:s11], $0x4000  }
0x75: {  	[sflag:s11] =	ssyncset.done @!p1 $0x0  }
0x76: {  	[sflag:s11] =	ssyncadd.s32 @!p1 $0xFFFFC000  }
0x77: {  	[bflag:$0x0] =	sbarrier.arrive $0xFFFF  }
0x78: {  	s20 =	rddreg [dreg:$0xb]  }
0x79: {  	[hbm:s20], [sflag:s22] =	dma.local [spmem:s2], $0x500  }
0x7a: {  	_ =	swait.ge [sflag:s1], $0x500  }
0x7b: {  	[sflag:s1] =	ssyncset.done $0x0  }
0x7c: {  	s12 =	rddreg [dreg:$0xc];
	[sflag:s1] =	ssyncadd.s32 $0xFFFFFB00  }
0x7d: {  	[hbm:s12], [sflag:s22] =	dma.local [spmem:s3], $0x500  }
0x7e: {  	_ =	swait.ge [sflag:s1], $0x500  }
0x7f: {  	[sflag:s1] =	ssyncset.done $0x0  }
0x80: {  	s13 =	rddreg [dreg:$0xd];
	[sflag:s1] =	ssyncadd.s32 $0xFFFFFB00  }
0x81: {  	[hbm:s13], [sflag:s22] =	dma.local [spmem:s4], $0x500  }
0x82: {  	_ =	swait.ge [sflag:s1], $0x500  }
0x83: {  	[sflag:s1] =	ssyncset.done $0x0  }
0x84: {  	s14 =	rddreg [dreg:$0xe];
	[sflag:s1] =	ssyncadd.s32 $0xFFFFFB00  }
0x85: {  	[hbm:s14], [sflag:s22] =	dma.local [spmem:s5], $0x500  }
0x86: {  	_ =	swait.ge [sflag:s1], $0x500  }
0x87: {  	[sflag:s1] =	ssyncset.done $0x0  }
0x88: {  	s15 =	rddreg [dreg:$0xf];
	[sflag:s1] =	ssyncadd.s32 $0xFFFFFB00  }
0x89: {  	[hbm:s15], [sflag:s22] =	dma.local [spmem:s6], $0x500  }
0x8a: {  	_ =	swait.ge [sflag:s1], $0x500  }
0x8b: {  	[sflag:s1] =	ssyncset.done $0x0  }
0x8c: {  	s16 =	rddreg [dreg:$0x10];
	[sflag:s1] =	ssyncadd.s32 $0xFFFFFB00  }
0x8d: {  	[hbm:s16], [sflag:s22] =	dma.local [spmem:s7], $0x500  }
0x8e: {  	_ =	swait.ge [sflag:s1], $0x500  }
0x8f: {  	[sflag:s1] =	ssyncset.done $0x0  }
0x90: {  	s18 =	rddreg [dreg:$0x11];
	[sflag:s1] =	ssyncadd.s32 $0xFFFFFB00  }
0x91: {  	[hbm:s18], [sflag:s22] =	dma.local [spmem:s8], $0x500  }
0x92: {  	_ =	swait.ge [sflag:s1], $0x500  }
0x93: {  	[sflag:s1] =	ssyncset.done $0x0  }
0x94: {  	s2 =	rddreg [dreg:$0x12];
	[sflag:s1] =	ssyncadd.s32 $0xFFFFFB00  }
0x95: {  	[hbm:s2], [sflag:s22] =	dma.local @!p0 [spmem:s10], $0x500  }
0x96: {  	s2 =	simm.s32 @!p0 $0x1  }
0x97: {  	_ =	swait.ge @!p0 [sflag:s2], $0x500  }
0x98: {  	s9 =	sadd.s32 $0x1, s9;
	s20 =	rddreg [dreg:$0x13]  }
0x99: {  	p1 =	sne.s32 s9, s20  }
.Ltmp1:
0x9a: {  	_ = 	snop;
	(pc) =	sbr.rel @p1 .LBB2_1-.Ltmp1, $3  }
0x9b: {  	_ =	sdelay $0x1  }
0x9c: {  	[sflag:s2] =	ssyncset.done @!p0 $0x0  }
0x9d: {  	[sflag:s2] =	ssyncadd.s32 @!p0 $0xFFFFFB00  }
0x9e: {  	_ =	sfence.sel $0x180000  }
0x9f: {  	[bflag:$0x0] =	sbarrier.arrive $0xFFFF  }
0xa0: {  	_ =	strace $0x9000005C  }
0xa1: {  	s0 =	stileid.u32;
	[bflag:$0x2] =	sbarrier.arrive $0xFFFF  }
0xa2: {  	p0 =	sne.s32 s0, $0x0;
	s0 =	rddreg [dreg:$0x2]  }
0xa3: {  	s0 =	sadd.s32 @!p0 $0x100000, s0  }
0xa4: {  	[sflag:s0] =	ssyncadd.tile.s32 @!p0 $0x1;
	_ =	shalt  }
.Lfunc_end2:
_tile_overlayer_lowered:
.L_overlay_start_2:
0xa5: {  	(tag) =	ssettag $0x2  }
0xa6: {  	s0 =	rddreg [dreg:$0x0];
	s2 =	stileid.u32  }
0xa7: {  	s1 =	rddreg [dreg:$0x1];
	p0 =	sne.s32 s2, $0x0  }
0xa8: {  	s3 =	rddreg [dreg:$0x2];
	[bflag:$0x3] =	sbarrier.arrive $0xFFFF;
	s2 =	simm.s32 @!p0 $0x1C01  }
0xa9: {  	[timem:s3], [sflag:s2] =	dma.local @!p0 [hbm:s0], s1  }
0xaa: {  	s0 =	simm.s32 @!p0 $0x1  }
0xab: {  	_ =	swait.ge @!p0 [sflag:s0], s1  }
0xac: {  	s1 =	ssub.s32 @!p0 $0x0, s1;
	[sflag:s0] =	ssyncset.done @!p0 $0x0  }
0xad: {  	[sflag:s0] =	ssyncadd.s32 @!p0 s1  }
0xae: {  	[bflag:$0x3] =	sbarrier.arrive $0xFFFF  }
0xaf: {  	_ =	shalt  }

// kernel: kernel.54.cloned.1.call-start
scs
__scs_entry_jumppad:
0x0: {  	(pc) =	sbr.rel $0x88, $3  }
0x1: {  	(tag) =	ssettag $0x0;
	lr =	simm.s32 $0x1  }
0x2: {  	[smem:$0x3F85] =	sst lr;
	_ =	strace $0xD0000000  }
0x3: {  	_ = 	snop  }
0x4: {  	_ = 	snop  }
0x5: {  	_ = 	snop  }
0x6: {  	_ = 	snop  }
0x7: {  	_ = 	snop  }
__scs_overlays_trampoline_lowered:
0x8: {  	[smem:$0x3F94] =	sst s0  }
0x9: {  	[smem:$0x3F95] =	sst s1  }
0xa: {  	[smem:$0x3F96] =	sst s2  }
0xb: {  	[smem:$0x3F97] =	sst s3  }
0xc: {  	[smem:$0x3F98] =	sst s4  }
0xd: {  	[smem:$0x3F99] =	sst s5  }
0xe: {  	[smem:$0x3F9A] =	sst s6  }
0xf: {  	[smem:$0x3F9B] =	sst s7  }
0x10: {  	[smem:$0x3F9C] =	sst s8  }
0x11: {  	[smem:$0x3F9D] =	sst s9;
	s0 =	simm.s32 @!p0 $0x0  }
0x12: {  	s1 =	sld [smem:$0x3F83];
	s0 =	simm.s32 @p0 $0x1  }
0x13: {  	[smem:$0x3F9E] =	sst s0;
	s0 =	simm.s32 @!p1 $0x0  }
0x14: {  	s2 =	sld [smem:$0x3F82];
	s0 =	simm.s32 @p1 $0x1  }
0x15: {  	[smem:$0x3F9F] =	sst s0;
	s0 =	simm.s32 @!p2 $0x0  }
0x16: {  	s3 =	sld [smem:$0x3FDB];
	s0 =	simm.s32 @p2 $0x1  }
0x17: {  	s4 =	simm.s32 $0x1BF5;
	[smem:$0x3FA1] =	sst s0  }
0x18: {  	s0 =	sld [smem:$0x3F84];
	_ =	swait.ge [sflag:s4], $0x0  }
0x19: {  	s7 =	sld [smem:$0x3F85]  }
0x1a: {  	s8 =	sadd.s32 $0xFFFFE003, lr  }
0x1b: {  	s9 =	sadd.s32 $0xFFFFFEF7, lr;
	s5 =	simm.s32 $0xFFFFFFFF;
	p2 =	slt.u32 s8, $0xFFFFF086  }
0x1c: {  	p1 =	slt.u32 s9, $0xF7A;
	s5 =	simm.s32 @!p2 $0x0  }
0x1d: {  	s5 =	simm.s32 @p1 $0x1;
	p0 =	seq.s32 s7, s2  }
0x1e: {  	s7 =	smul.u32 @!p0 $0xF7A, s2;
	p2 =	seq.s32 @!p0 s5, $0x0  }
0x1f: {  	s9 =	smul.u32 $0xF7A, s1;
	s8 =	simm.s32 @!p0 $0x1BF5;
	p2 =	por !p2, p0  }
0x20: {  	[sflag:s8] =	ssyncset.s32 @!p0 $0xFFFFF086;
	s6 =	sadd.s32 @!p0 s3, s7;
	s7 =	simm.s32 @!p0 $0x108  }
0x21: {  	s3 =	sadd.s32 s3, s9;
	s6 =	sadd.s32 @!p0 $0x88, s6;
	s7 =	simm.s32 @p2 $0x1082  }
0x22: {  	[simem:s7], [sflag:s8] =	dma.local @!p0 [hbm:s6], $0xF7A  }
0x23: {  	s9 =	sor.u32 $0xD0000000, s2;
	s6 =	simm.s32 $0x108;
	_ =	swait.ge @!p0 [sflag:s8], $0x0  }
0x24: {  	s3 =	sadd.s32 $0x88, s3;
	s6 =	simm.s32 @!p1 $0x1082;
	[sflag:s4] =	ssyncset.s32 $0xFFFFF086  }
0x25: {  	[simem:s6], [sflag:s4] =	dma.local [hbm:s3], $0xF7A  }
0x26: {  	[smem:$0x3F85] =	sst s1;
	(tag) =	ssettag s2;
	_ =	strace s9  }
0x27: {  	s1 =	sld [smem:$0x3F95]  }
0x28: {  	s2 =	sld [smem:$0x3F96]  }
0x29: {  	s4 =	sld [smem:$0x3F98]  }
0x2a: {  	p0 =	seq.s32 s5, $0x0;
	s5 =	sld [smem:$0x3F99]  }
0x2b: {  	s6 =	sld [smem:$0x3F9A]  }
0x2c: {  	s7 =	sld [smem:$0x3F9B]  }
0x2d: {  	s3 =	simm.s32 $0x108;
	s8 =	sld [smem:$0x3F9C]  }
0x2e: {  	s3 =	simm.s32 @!p0 $0x1082;
	s9 =	sld [smem:$0x3F9D]  }
0x2f: {  	lr =	sadd.s32 s0, s3;
	s0 =	sld [smem:$0x3F94]  }
0x30: {  	s3 =	sld [smem:$0x3F97]  }
0x31: {  	[smem:$0x3FA0] =	sst s10  }
0x32: {  	s10 =	sld [smem:$0x3F9E];
	_ =	sdelay $0x3  }
0x33: {  	p0 =	seq.s32 s10, $0x1;
	s10 =	sld [smem:$0x3FA0];
	_ =	sdelay $0x3  }
0x34: {  	[smem:$0x3FA0] =	sst s10  }
0x35: {  	s10 =	sld [smem:$0x3F9F];
	_ =	sdelay $0x3  }
0x36: {  	p1 =	seq.s32 s10, $0x1;
	s10 =	sld [smem:$0x3FA0];
	_ =	sdelay $0x3  }
0x37: {  	[smem:$0x3FA0] =	sst s10  }
0x38: {  	s10 =	sld [smem:$0x3FA1]  }
0x39: {  	_ = 	snop;
	(pc) =	sbr.ind lr, $3  }
0x3a: {  	_ = 	snop  }
0x3b: {  	_ = 	snop  }
0x3c: {  	p2 =	seq.s32 s10, $0x1;
	s10 =	sld [smem:$0x3FA0]  }
0x3d: {  	_ =	shalt  }
0x3e: {  	_ =	shalt  }
0x3f: {  	_ =	shalt  }
0x40: {  	_ =	shalt  }
0x41: {  	_ =	shalt  }
0x42: {  	_ =	shalt  }
0x43: {  	_ =	shalt  }
0x44: {  	_ =	shalt  }
0x45: {  	_ =	shalt  }
0x46: {  	_ =	shalt  }
0x47: {  	_ =	shalt  }
0x48: {  	_ =	shalt  }
0x49: {  	_ =	shalt  }
0x4a: {  	_ =	shalt  }
0x4b: {  	_ =	shalt  }
0x4c: {  	_ =	shalt  }
0x4d: {  	_ =	shalt  }
0x4e: {  	_ =	shalt  }
0x4f: {  	_ =	shalt  }
0x50: {  	_ =	shalt  }
0x51: {  	_ =	shalt  }
0x52: {  	_ =	shalt  }
0x53: {  	_ =	shalt  }
0x54: {  	_ =	shalt  }
0x55: {  	_ =	shalt  }
0x56: {  	_ =	shalt  }
0x57: {  	_ =	shalt  }
0x58: {  	_ =	shalt  }
0x59: {  	_ =	shalt  }
0x5a: {  	_ =	shalt  }
0x5b: {  	_ =	shalt  }
0x5c: {  	_ =	shalt  }
0x5d: {  	_ =	shalt  }
0x5e: {  	_ =	shalt  }
0x5f: {  	_ =	shalt  }
0x60: {  	_ =	shalt  }
0x61: {  	_ =	shalt  }
0x62: {  	_ =	shalt  }
0x63: {  	_ =	shalt  }
0x64: {  	_ =	shalt  }
0x65: {  	_ =	shalt  }
0x66: {  	_ =	shalt  }
0x67: {  	_ =	shalt  }
0x68: {  	_ =	shalt  }
0x69: {  	_ =	shalt  }
0x6a: {  	_ =	shalt  }
0x6b: {  	_ =	shalt  }
0x6c: {  	_ =	shalt  }
0x6d: {  	_ =	shalt  }
0x6e: {  	_ =	shalt  }
0x6f: {  	_ =	shalt  }
0x70: {  	_ =	shalt  }
0x71: {  	_ =	shalt  }
0x72: {  	_ =	shalt  }
0x73: {  	_ =	shalt  }
0x74: {  	_ =	shalt  }
0x75: {  	_ =	shalt  }
0x76: {  	_ =	shalt  }
0x77: {  	_ =	shalt  }
0x78: {  	_ =	shalt  }
0x79: {  	_ =	shalt  }
0x7a: {  	_ =	shalt  }
0x7b: {  	_ =	shalt  }
0x7c: {  	_ =	shalt  }
0x7d: {  	_ =	shalt  }
0x7e: {  	_ =	shalt  }
0x7f: {  	_ =	shalt  }
0x80: {  	_ =	shalt  }
0x81: {  	_ =	shalt  }
0x82: {  	_ =	shalt  }
0x83: {  	_ =	shalt  }
0x84: {  	_ =	shalt  }
0x85: {  	_ =	shalt  }
0x86: {  	_ =	shalt  }
0x87: {  	_ =	shalt  }
.Lfunc_end0:
.L_simem_size_0:
called_computation.8_lowered:
.L_overlay_start_0:
0x88: {  	s2 =	sld [smem:$0x3FD9]  }
0x89: {  	s3 =	sld [smem:$0x3FFE];
	_ =	sdelay $0x1  }
0x8a: {  	s1 =	srdreg.scid  }
0x8b: {  	s0 =	sand.u32 $0x1, s1  }
0x8c: {  	s16 =	sshll.u32 s0, $0xA;
	s2 =	sadd.s32 s3, s2  }
0x8d: {  	s2 =	sadd.s32 s2, s16  }
0x8e: {  	[smem:$0x3FAC] =	sst s2  }
0x8f: {  	_ = 	snop  }
0x90: {  	(tm) =	ssettm $0x1  }
0x91: {  	s17 =	sld [smem:$0x3FFB];
	_ =	sdelay $0x3  }
0x92: {  	_ =	strace s17  }
0x93: {  	s2 =	sld [smem:$0x3FFC];
	_ =	sdelay $0x3  }
0x94: {  	_ =	strace s2  }
0x95: {  	s2 =	sld [smem:$0x3FFD];
	_ =	sdelay $0x3  }
0x96: {  	_ =	strace s2  }
0x97: {  	_ =	strace $0x8FFFFFFF  }
0x98: {  	s18 =	sld [smem:$0x3FDB];
	_ =	sdelay $0x1  }
0x99: {  	s19 =	simm.s32 $_scs_section_size  }
0x9a: {  	s4 =	simm.s32 $_size__tile_overlayer_lowered;
	s5 =	simm.s32 $_tile_overlayer_lowered  }
0x9b: {  	s22 =	simm.s32 $0x1BFF;
	s21 =	sshll.u32 s5, $0x1;
	s2 =	sadd.s32 s19, s18  }
0x9c: {  	s6 =	simm.s32 $0x0;
	s20 =	sshll.u32 s4, $0x1;
	s4 =	sadd.s32 s21, s2  }
0x9d: {  	[timem:s6], [sflag:s22] =	dma.local [hbm:s4], s20  }
0x9e: {  	_ =	swait.ge [sflag:s22], s20  }
0x9f: {  	s3 =	ssub.s32 $0x0, s20;
	[sflag:s22] =	ssyncset.done $0x0  }
0xa0: {  	[sflag:s22] =	ssyncadd.s32 s3;
	_ =	sdelay $0x1  }
0xa1: {  	s23 =	simm.s32 $0x1B8B  }
0xa2: {  	_ =	swait.ge [sflag:s23], $0x1  }
0xa3: {  	[sflag:s23] =	ssyncset.done $0x0  }
0xa4: {  	s25 =	simm.s32 $0x1B8E;
	s24 =	sld [smem:$0x3FFE];
	[sflag:s23] =	ssyncadd.s32 $0xFFFFFFFF  }
0xa5: {  	s26 =	simm.s32 $execute0_lowered;
	[smem:$0x3FD2] =	sst s25  }
0xa6: {  	s4 =	sshll.u32 s26, $0x1;
	_ =	strace $0x8000005E;
	[dreg:$0x1] =	wrdreg $0xFFFFFFFF  }
0xa7: {  	s28 =	simm.s32 $_size_execute0_lowered;
	s2 =	sadd.s32 s2, s4;
	[dreg:$0x0] =	wrdreg $0x0  }
0xa8: {  	s4 =	sshll.u32 s28, $0x1;
	[dreg:$0x2] =	wrdreg s2  }
0xa9: {  	[dreg:$0x3] =	wrdreg s4  }
0xaa: {  	[dreg:$0x4] =	wrdreg $0xC0  }
0xab: {  	_ =	task [dreg:s6], $0x5FFFF  }
0xac: {  	[dreg:$0x1] =	wrdreg $0xFFFFFFFF  }
0xad: {  	[dreg:$0x0] =	wrdreg $0x60  }
0xae: {  	[dreg:$0x2] =	wrdreg s24  }
0xaf: {  	[dreg:$0x3] =	wrdreg $0x9  }
0xb0: {  	_ =	task.clear_ibuf [dreg:s6], $0x4FFFF;
	_ =	strace $0x9000005E  }
0xb1: {  	s29 =	simm.s32 $0x9;
	_ =	strace $0x80000060  }
0xb2: {  	_ =	swait.ge [sflag:s29], $0x1  }
0xb3: {  	[sflag:s29] =	ssyncadd.s32 $0xFFFFFFFF  }
0xb4: {  	_ =	strace $0x90000060  }
0xb5: {  	_ =	sfence  }
0xb6: {  	s30 =	sld [smem:$0x0];
	_ =	sdelay $0x2  }
0xb7: {  	s31 =	sshll.u32 s1, $0xD;
	s1 =	sshrl.u32 s1, $0x2  }
0xb8: {  	s3 =	sand.u32 $0x4000, s31;
	s1 =	sadd.s32 s1, s30  }
0xb9: {  	s0 =	sor.u32 s3, s0;
	s1 =	sshll.u32 s1, $0x11  }
0xba: {  	s0 =	sor.u32 s1, s0  }
0xbb: {  	s0 =	sadd.s32 $0x8F2B, s0  }
0xbc: {  	[sflag:s0] =	ssyncadd.remote.s32 $0x1  }
0xbd: {  	_ =	sfence.sel $0xFFFF  }
0xbe: {  	[dreg:$0x0] =	wrdreg $0xFFFFFFFF;
	(pc) =	sbr.abs _section_cstart, $3  }
0xbf: {  	[dreg:$0x1] =	wrdreg $0xFFFFFFFF  }
0xc0: {  	_ =	task.clear_ibuf [dreg:s6], $0x2FFFF;
	_ =	strace $0x9FFFFFFF  }
0xc1: {  	(tm) =	ssettm $0x7FFFFFFF  }
tec
execute0_lowered:
.L_overlay_start_1:
0x0: {  	(tag) =	ssettag $0x1  }
0x1: {  	s4 =	rddreg [dreg:$0x0]  }
0x2: {  	s0 =	rddreg [dreg:$0x1]  }
0x3: {  	s2 =	simm.s32 $0x0;
	s3 =	srdreg.scid;
	s1 =	stileid.u32  }
0x4: {  	[smem:$0x7FF] =	sst s2;
	s5 =	sand.u32 $0x1, s3;
	s3 =	sadd.s32 $0xA4B400, s4  }
0x5: {  	s6 =	sshll.u32 s1, $0x5;
	s8 =	sshll.u32 s1, $0xC;
	_ =	strace $0x8000005F  }
0x6: {  	s7 =	ssub.s32 $0x2, s5;
	s6 =	sadd.s32 s6, s4;
	s8 =	sadd.s32 s8, s4  }
0x7: {  	s31 =	sshll.u32 s5, $0x4;
	s10 =	sshll.u32 s5, $0xB;
	s9 =	sshrl.u32 s7, $0x1  }
0x8: {  	s4 =	sshll.u32 s1, $0x1;
	s10 =	sadd.s32 s10, s8;
	s7 =	ssub.s32 s7, s9  }
0x9: {  	s9 =	sadd.s32 s31, s6;
	s8 =	sadd.s32 $0x50D000, s10;
	s5 =	smax.u32 s7, $0x1  }
0xa: {  	s6 =	sadd.s32 $0x21200, s9;
	s7 =	sadd.s32 $0x17400, s9;
	s9 =	sadd.s32 $0x2B000, s10  }
.LBB2_1:
0xb: {  	p0 =	sgt.u32 s4, $0x9C3  }
0xc: {  	s10 =	sadd.s32 @!p0 $0x0, s7;
	s11 =	simm.s32 @!p0 $0x0;
	s14 =	simm.s32 @!p0 $0x4  }
0xd: {  	[tilespmem:s11], [sflag:$0x4] =	stream.linear.gather @!p0 [hbm4b:s10+s11], $0x80, $0x38;
	[tilespmem:$0x8100] =	vst v63  }
0xe: {  	_ =	swait.ge @!p0 [sflag:s14], $0x80;
	p0 =	por p0, p0  }
0xf: {  	[sflag:s14] =	ssyncset.done @!p0 $0x0  }
0x10: {  	s10 =	sadd.s32 @!p0 $0x0, s6;
	s12 =	simm.s32 @!p0 $0x80;
	[sflag:s14] =	ssyncadd.s32 @!p0 $0xFFFFFF80  }
0x11: {  	[tilespmem:s12], [sflag:$0x4] =	stream.linear.gather @!p0 [hbm4b:s10+s11], $0x80, $0x38;
	[tilespmem:$0x8100] =	vst v63  }
0x12: {  	_ =	swait.ge @!p0 [sflag:s14], $0x80  }
0x13: {  	[sflag:s14] =	ssyncset.done @!p0 $0x0  }
0x14: {  	s10 =	simm.s32 @!p0 $0x100;
	[sflag:s14] =	ssyncadd.s32 @!p0 $0xFFFFFF80  }
0x15: {  	[tilespmem:s10], [sflag:$0x1] =	stream.indirect.gather @!p0 [hbm4b:s3+s12], $0x80, s11, s12, $0xb8;
	[tilespmem:$0x8100] =	vst v63  }
0x16: {  	s15 =	simm.s32 @!p0 $0x4100;
	s13 =	simm.s32 @!p0 $0x1  }
0x17: {  	[tilespmem:s15], [sflag:$0x2] =	stream.indirect.gather @!p0 [hbm4b:s3+s12], $0x80, s12, s12, $0xb8;
	[tilespmem:$0x8100] =	vst v63  }
0x18: {  	_ =	swait.ge @!p0 [sflag:s13], $0x4000  }
0x19: {  	[sflag:s13] =	ssyncset.done @!p0 $0x0  }
0x1a: {  	s12 =	simm.s32 @!p0 $0x2;
	[sflag:s13] =	ssyncadd.s32 @!p0 $0xFFFFC000  }
0x1b: {  	_ =	swait.ge @!p0 [sflag:s12], $0x4000  }
0x1c: {  	[sflag:s12] =	ssyncset.done @!p0 $0x0  }
0x1d: {  	[sflag:s12] =	ssyncadd.s32 @!p0 $0xFFFFC000  }
0x1e: {  	[hbm4b:s9+s11] =	stream.linear.scatter @!p0 [tilespmem:s10], [sflag:$0x4], $0x4000, $0x38;
	[tilespmem:$0x8100] =	vst v63  }
0x1f: {  	_ =	swait.ge @!p0 [sflag:s14], $0x4000  }
0x20: {  	[sflag:s14] =	ssyncset.done @!p0 $0x0  }
0x21: {  	s13 =	simm.s32 $0x400;
	s12 =	simm.s32 $0x200;
	[sflag:s14] =	ssyncadd.s32 @!p0 $0xFFFFC000  }
0x22: {  	[hbm4b:s8+s11] =	stream.linear.scatter @!p0 [tilespmem:s15], [sflag:$0x3], $0x4000, $0x38;
	[tilespmem:$0x8100] =	vst v63  }
0x23: {  	s10 =	sadd.s32 $0x10000, s9;
	s14 =	sadd.s32 $0x20, s4;
	s15 =	simm.s32 @!p0 $0x3  }
0x24: {  	p2 =	sgt.u32 s14, $0x9C3;
	s11 =	sadd.s32 $0x10000, s8;
	_ =	swait.ge @!p0 [sflag:s15], $0x4000  }
.LBB2_2:
0x25: {  	s16 =	sadd.s32 @!p2 s12, s7  }
0x26: {  	s17 =	simm.s32 @!p2 $0x0;
	[sflag:s15] =	ssyncset.done @!p0 $0x0;
	s18 =	smov.u32 s13  }
0x27: {  	s13 =	sadd.s32 $0x200, s13;
	s19 =	simm.s32 @!p2 $0x4;
	[sflag:s15] =	ssyncadd.s32 @!p0 $0xFFFFC000  }
0x28: {  	[tilespmem:s17], [sflag:$0x4] =	stream.linear.gather @!p2 [hbm4b:s16+s17], $0x80, $0x38;
	[tilespmem:$0x8100] =	vst v63  }
0x29: {  	p1 =	sne.s32 s13, $0x9E00;
	p0 =	por p2, p2;
	_ =	swait.ge @!p2 [sflag:s19], $0x80  }
0x2a: {  	[sflag:s19] =	ssyncset.done @!p0 $0x0  }
0x2b: {  	s12 =	sadd.s32 @!p0 s12, s6;
	s15 =	simm.s32 @!p0 $0x80;
	[sflag:s19] =	ssyncadd.s32 @!p0 $0xFFFFFF80  }
0x2c: {  	[tilespmem:s15], [sflag:$0x4] =	stream.linear.gather @!p0 [hbm4b:s12+s17], $0x80, $0x38;
	[tilespmem:$0x8100] =	vst v63  }
0x2d: {  	s12 =	smov.u32 s18;
	_ =	swait.ge @!p0 [sflag:s19], $0x80  }
0x2e: {  	[sflag:s19] =	ssyncset.done @!p0 $0x0  }
0x2f: {  	s16 =	simm.s32 @!p0 $0x100;
	[sflag:s19] =	ssyncadd.s32 @!p0 $0xFFFFFF80  }
0x30: {  	[tilespmem:s16], [sflag:$0x1] =	stream.indirect.gather @!p0 [hbm4b:s3+s15], $0x80, s17, s15, $0xb8;
	[tilespmem:$0x8100] =	vst v63  }
0x31: {  	s20 =	simm.s32 @!p0 $0x1;
	s18 =	simm.s32 @!p0 $0x4100  }
0x32: {  	[tilespmem:s18], [sflag:$0x2] =	stream.indirect.gather @!p0 [hbm4b:s3+s15], $0x80, s15, s15, $0xb8;
	[tilespmem:$0x8100] =	vst v63  }
0x33: {  	_ =	swait.ge @!p0 [sflag:s20], $0x4000  }
0x34: {  	[sflag:s20] =	ssyncset.done @!p0 $0x0  }
0x35: {  	s15 =	simm.s32 @!p0 $0x2;
	[sflag:s20] =	ssyncadd.s32 @!p0 $0xFFFFC000  }
0x36: {  	_ =	swait.ge @!p0 [sflag:s15], $0x4000  }
0x37: {  	[sflag:s15] =	ssyncset.done @!p0 $0x0  }
0x38: {  	[sflag:s15] =	ssyncadd.s32 @!p0 $0xFFFFC000  }
0x39: {  	[hbm4b:s10+s17] =	stream.linear.scatter @!p0 [tilespmem:s16], [sflag:$0x4], $0x4000, $0x38;
	[tilespmem:$0x8100] =	vst v63  }
.Ltmp0:
0x3a: {  	_ =	swait.ge @!p0 [sflag:s19], $0x4000;
	(pc) =	sbr.rel @p1 .LBB2_2-.Ltmp0, $4  }
0x3b: {  	s10 =	sadd.s32 $0x10000, s10;
	[sflag:s19] =	ssyncset.done @!p0 $0x0  }
0x3c: {  	s14 =	sadd.s32 $0x20, s14;
	s15 =	simm.s32 @!p0 $0x3;
	[sflag:s19] =	ssyncadd.s32 @!p0 $0xFFFFC000  }
0x3d: {  	[hbm4b:s11+s17] =	stream.linear.scatter @!p0 [tilespmem:s18], [sflag:$0x3], $0x4000, $0x38;
	[tilespmem:$0x8100] =	vst v63  }
0x3e: {  	p2 =	sgt.u32 s14, $0x9C3;
	s11 =	sadd.s32 $0x10000, s11;
	_ =	swait.ge @!p0 [sflag:s15], $0x4000  }
0x3f: {  	s13 =	sadd.s32 @!p2 s12, s7;
	[sflag:s15] =	ssyncset.done @!p0 $0x0  }
0x40: {  	s14 =	simm.s32 @!p2 $0x0;
	s16 =	simm.s32 @!p2 $0x4;
	[sflag:s15] =	ssyncadd.s32 @!p0 $0xFFFFC000  }
0x41: {  	[tilespmem:s14], [sflag:$0x4] =	stream.linear.gather @!p2 [hbm4b:s13+s14], $0x80, $0x38;
	[tilespmem:$0x8100] =	vst v63  }
0x42: {  	p0 =	por p2, p2;
	_ =	swait.ge @!p2 [sflag:s16], $0x80  }
0x43: {  	[sflag:s16] =	ssyncset.done @!p0 $0x0  }
0x44: {  	s12 =	sadd.s32 @!p0 s12, s6;
	s13 =	simm.s32 @!p0 $0x80;
	[sflag:s16] =	ssyncadd.s32 @!p0 $0xFFFFFF80  }
0x45: {  	[tilespmem:s13], [sflag:$0x4] =	stream.linear.gather @!p0 [hbm4b:s12+s14], $0x80, $0x38;
	[tilespmem:$0x8100] =	vst v63  }
0x46: {  	_ =	swait.ge @!p0 [sflag:s16], $0x80  }
0x47: {  	[sflag:s16] =	ssyncset.done @!p0 $0x0  }
0x48: {  	s12 =	simm.s32 @!p0 $0x100;
	[sflag:s16] =	ssyncadd.s32 @!p0 $0xFFFFFF80  }
0x49: {  	[tilespmem:s12], [sflag:$0x1] =	stream.indirect.gather @!p0 [hbm4b:s3+s13], $0x80, s14, s13, $0xb8;
	[tilespmem:$0x8100] =	vst v63  }
0x4a: {  	s15 =	simm.s32 @!p0 $0x4100;
	s17 =	simm.s32 @!p0 $0x1  }
0x4b: {  	[tilespmem:s15], [sflag:$0x2] =	stream.indirect.gather @!p0 [hbm4b:s3+s13], $0x80, s13, s13, $0xb8;
	[tilespmem:$0x8100] =	vst v63  }
0x4c: {  	_ =	swait.ge @!p0 [sflag:s17], $0x4000  }
0x4d: {  	[sflag:s17] =	ssyncset.done @!p0 $0x0  }
0x4e: {  	s13 =	simm.s32 @!p0 $0x2;
	[sflag:s17] =	ssyncadd.s32 @!p0 $0xFFFFC000  }
0x4f: {  	_ =	swait.ge @!p0 [sflag:s13], $0x4000  }
0x50: {  	[sflag:s13] =	ssyncset.done @!p0 $0x0  }
0x51: {  	[sflag:s13] =	ssyncadd.s32 @!p0 $0xFFFFC000  }
0x52: {  	[hbm4b:s10+s14] =	stream.linear.scatter @!p0 [tilespmem:s12], [sflag:$0x4], $0x4000, $0x38;
	[tilespmem:$0x8100] =	vst v63  }
0x53: {  	s2 =	sadd.s32 $0x1, s2;
	_ =	swait.ge @!p0 [sflag:s16], $0x4000  }
0x54: {  	p1 =	sne.s32 s2, s5;
	[sflag:s16] =	ssyncset.done @!p0 $0x0  }
.Ltmp1:
0x55: {  	s10 =	simm.s32 @!p0 $0x3;
	[sflag:s16] =	ssyncadd.s32 @!p0 $0xFFFFC000;
	(pc) =	sbr.rel @p1 .LBB2_1-.Ltmp1, $4  }
0x56: {  	[hbm4b:s11+s14] =	stream.linear.scatter @!p0 [tilespmem:s15], [sflag:$0x3], $0x4000, $0x38;
	[tilespmem:$0x8100] =	vst v63  }
0x57: {  	_ =	swait.ge @!p0 [sflag:s10], $0x4000  }
0x58: {  	[sflag:s10] =	ssyncset.done @!p0 $0x0  }
0x59: {  	[sflag:s10] =	ssyncadd.s32 @!p0 $0xFFFFC000  }
0x5a: {  	_ =	sfence.sel $0x180000  }
0x5b: {  	[bflag:$0x0] =	sbarrier.arrive $0xFFFF  }
0x5c: {  	p0 =	sne.s32 s1, $0x0;
	_ =	strace $0x9000005F  }
0x5d: {  	s0 =	sadd.s32 @!p0 $0x100000, s0;
	[bflag:$0x2] =	sbarrier.arrive $0xFFFF  }
0x5e: {  	[sflag:s0] =	ssyncadd.tile.s32 @!p0 $0x1;
	_ =	shalt  }
.Lfunc_end2:
_tile_overlayer_lowered:
.L_overlay_start_2:
0x5f: {  	(tag) =	ssettag $0x2  }
0x60: {  	s0 =	rddreg [dreg:$0x0];
	s2 =	stileid.u32  }
0x61: {  	s1 =	rddreg [dreg:$0x1];
	p0 =	sne.s32 s2, $0x0  }
0x62: {  	s3 =	rddreg [dreg:$0x2];
	[bflag:$0x3] =	sbarrier.arrive $0xFFFF;
	s2 =	simm.s32 @!p0 $0x1C03  }
0x63: {  	[timem:s3], [sflag:s2] =	dma.local @!p0 [hbm:s0], s1  }
0x64: {  	s0 =	simm.s32 @!p0 $0x3  }
0x65: {  	_ =	swait.ge @!p0 [sflag:s0], s1  }
0x66: {  	s1 =	ssub.s32 @!p0 $0x0, s1;
	[sflag:s0] =	ssyncset.done @!p0 $0x0  }
0x67: {  	[sflag:s0] =	ssyncadd.s32 @!p0 s1  }
0x68: {  	[bflag:$0x3] =	sbarrier.arrive $0xFFFF  }
0x69: {  	_ =	shalt  }

// kernel: kernel.57.cloned.1.call-start
scs
__scs_entry_jumppad:
0x0: {  	(pc) =	sbr.rel $0x88, $3  }
0x1: {  	(tag) =	ssettag $0x0;
	lr =	simm.s32 $0x1  }
0x2: {  	[smem:$0x3F85] =	sst lr;
	_ =	strace $0xD0000000  }
0x3: {  	_ = 	snop  }
0x4: {  	_ = 	snop  }
0x5: {  	_ = 	snop  }
0x6: {  	_ = 	snop  }
0x7: {  	_ = 	snop  }
__scs_overlays_trampoline_lowered:
0x8: {  	[smem:$0x3F94] =	sst s0  }
0x9: {  	[smem:$0x3F95] =	sst s1  }
0xa: {  	[smem:$0x3F96] =	sst s2  }
0xb: {  	[smem:$0x3F97] =	sst s3  }
0xc: {  	[smem:$0x3F98] =	sst s4  }
0xd: {  	[smem:$0x3F99] =	sst s5  }
0xe: {  	[smem:$0x3F9A] =	sst s6  }
0xf: {  	[smem:$0x3F9B] =	sst s7  }
0x10: {  	[smem:$0x3F9C] =	sst s8  }
0x11: {  	[smem:$0x3F9D] =	sst s9;
	s0 =	simm.s32 @!p0 $0x0  }
0x12: {  	s1 =	sld [smem:$0x3F83];
	s0 =	simm.s32 @p0 $0x1  }
0x13: {  	[smem:$0x3F9E] =	sst s0;
	s0 =	simm.s32 @!p1 $0x0  }
0x14: {  	s2 =	sld [smem:$0x3F82];
	s0 =	simm.s32 @p1 $0x1  }
0x15: {  	[smem:$0x3F9F] =	sst s0;
	s0 =	simm.s32 @!p2 $0x0  }
0x16: {  	s3 =	sld [smem:$0x3FDB];
	s0 =	simm.s32 @p2 $0x1  }
0x17: {  	s4 =	simm.s32 $0x1BF5;
	[smem:$0x3FA1] =	sst s0  }
0x18: {  	s0 =	sld [smem:$0x3F84];
	_ =	swait.ge [sflag:s4], $0x0  }
0x19: {  	s7 =	sld [smem:$0x3F85]  }
0x1a: {  	s8 =	sadd.s32 $0xFFFFE003, lr  }
0x1b: {  	s9 =	sadd.s32 $0xFFFFFEF7, lr;
	s5 =	simm.s32 $0xFFFFFFFF;
	p2 =	slt.u32 s8, $0xFFFFF086  }
0x1c: {  	p1 =	slt.u32 s9, $0xF7A;
	s5 =	simm.s32 @!p2 $0x0  }
0x1d: {  	s5 =	simm.s32 @p1 $0x1;
	p0 =	seq.s32 s7, s2  }
0x1e: {  	s7 =	smul.u32 @!p0 $0xF7A, s2;
	p2 =	seq.s32 @!p0 s5, $0x0  }
0x1f: {  	s9 =	smul.u32 $0xF7A, s1;
	s8 =	simm.s32 @!p0 $0x1BF5;
	p2 =	por !p2, p0  }
0x20: {  	[sflag:s8] =	ssyncset.s32 @!p0 $0xFFFFF086;
	s6 =	sadd.s32 @!p0 s3, s7;
	s7 =	simm.s32 @!p0 $0x108  }
0x21: {  	s3 =	sadd.s32 s3, s9;
	s6 =	sadd.s32 @!p0 $0x88, s6;
	s7 =	simm.s32 @p2 $0x1082  }
0x22: {  	[simem:s7], [sflag:s8] =	dma.local @!p0 [hbm:s6], $0xF7A  }
0x23: {  	s9 =	sor.u32 $0xD0000000, s2;
	s6 =	simm.s32 $0x108;
	_ =	swait.ge @!p0 [sflag:s8], $0x0  }
0x24: {  	s3 =	sadd.s32 $0x88, s3;
	s6 =	simm.s32 @!p1 $0x1082;
	[sflag:s4] =	ssyncset.s32 $0xFFFFF086  }
0x25: {  	[simem:s6], [sflag:s4] =	dma.local [hbm:s3], $0xF7A  }
0x26: {  	[smem:$0x3F85] =	sst s1;
	(tag) =	ssettag s2;
	_ =	strace s9  }
0x27: {  	s1 =	sld [smem:$0x3F95]  }
0x28: {  	s2 =	sld [smem:$0x3F96]  }
0x29: {  	s4 =	sld [smem:$0x3F98]  }
0x2a: {  	p0 =	seq.s32 s5, $0x0;
	s5 =	sld [smem:$0x3F99]  }
0x2b: {  	s6 =	sld [smem:$0x3F9A]  }
0x2c: {  	s7 =	sld [smem:$0x3F9B]  }
0x2d: {  	s3 =	simm.s32 $0x108;
	s8 =	sld [smem:$0x3F9C]  }
0x2e: {  	s3 =	simm.s32 @!p0 $0x1082;
	s9 =	sld [smem:$0x3F9D]  }
0x2f: {  	lr =	sadd.s32 s0, s3;
	s0 =	sld [smem:$0x3F94]  }
0x30: {  	s3 =	sld [smem:$0x3F97]  }
0x31: {  	[smem:$0x3FA0] =	sst s10  }
0x32: {  	s10 =	sld [smem:$0x3F9E];
	_ =	sdelay $0x3  }
0x33: {  	p0 =	seq.s32 s10, $0x1;
	s10 =	sld [smem:$0x3FA0];
	_ =	sdelay $0x3  }
0x34: {  	[smem:$0x3FA0] =	sst s10  }
0x35: {  	s10 =	sld [smem:$0x3F9F];
	_ =	sdelay $0x3  }
0x36: {  	p1 =	seq.s32 s10, $0x1;
	s10 =	sld [smem:$0x3FA0];
	_ =	sdelay $0x3  }
0x37: {  	[smem:$0x3FA0] =	sst s10  }
0x38: {  	s10 =	sld [smem:$0x3FA1]  }
0x39: {  	_ = 	snop;
	(pc) =	sbr.ind lr, $3  }
0x3a: {  	_ = 	snop  }
0x3b: {  	_ = 	snop  }
0x3c: {  	p2 =	seq.s32 s10, $0x1;
	s10 =	sld [smem:$0x3FA0]  }
0x3d: {  	_ =	shalt  }
0x3e: {  	_ =	shalt  }
0x3f: {  	_ =	shalt  }
0x40: {  	_ =	shalt  }
0x41: {  	_ =	shalt  }
0x42: {  	_ =	shalt  }
0x43: {  	_ =	shalt  }
0x44: {  	_ =	shalt  }
0x45: {  	_ =	shalt  }
0x46: {  	_ =	shalt  }
0x47: {  	_ =	shalt  }
0x48: {  	_ =	shalt  }
0x49: {  	_ =	shalt  }
0x4a: {  	_ =	shalt  }
0x4b: {  	_ =	shalt  }
0x4c: {  	_ =	shalt  }
0x4d: {  	_ =	shalt  }
0x4e: {  	_ =	shalt  }
0x4f: {  	_ =	shalt  }
0x50: {  	_ =	shalt  }
0x51: {  	_ =	shalt  }
0x52: {  	_ =	shalt  }
0x53: {  	_ =	shalt  }
0x54: {  	_ =	shalt  }
0x55: {  	_ =	shalt  }
0x56: {  	_ =	shalt  }
0x57: {  	_ =	shalt  }
0x58: {  	_ =	shalt  }
0x59: {  	_ =	shalt  }
0x5a: {  	_ =	shalt  }
0x5b: {  	_ =	shalt  }
0x5c: {  	_ =	shalt  }
0x5d: {  	_ =	shalt  }
0x5e: {  	_ =	shalt  }
0x5f: {  	_ =	shalt  }
0x60: {  	_ =	shalt  }
0x61: {  	_ =	shalt  }
0x62: {  	_ =	shalt  }
0x63: {  	_ =	shalt  }
0x64: {  	_ =	shalt  }
0x65: {  	_ =	shalt  }
0x66: {  	_ =	shalt  }
0x67: {  	_ =	shalt  }
0x68: {  	_ =	shalt  }
0x69: {  	_ =	shalt  }
0x6a: {  	_ =	shalt  }
0x6b: {  	_ =	shalt  }
0x6c: {  	_ =	shalt  }
0x6d: {  	_ =	shalt  }
0x6e: {  	_ =	shalt  }
0x6f: {  	_ =	shalt  }
0x70: {  	_ =	shalt  }
0x71: {  	_ =	shalt  }
0x72: {  	_ =	shalt  }
0x73: {  	_ =	shalt  }
0x74: {  	_ =	shalt  }
0x75: {  	_ =	shalt  }
0x76: {  	_ =	shalt  }
0x77: {  	_ =	shalt  }
0x78: {  	_ =	shalt  }
0x79: {  	_ =	shalt  }
0x7a: {  	_ =	shalt  }
0x7b: {  	_ =	shalt  }
0x7c: {  	_ =	shalt  }
0x7d: {  	_ =	shalt  }
0x7e: {  	_ =	shalt  }
0x7f: {  	_ =	shalt  }
0x80: {  	_ =	shalt  }
0x81: {  	_ =	shalt  }
0x82: {  	_ =	shalt  }
0x83: {  	_ =	shalt  }
0x84: {  	_ =	shalt  }
0x85: {  	_ =	shalt  }
0x86: {  	_ =	shalt  }
0x87: {  	_ =	shalt  }
.Lfunc_end0:
.L_simem_size_0:
called_computation.9_lowered:
.L_overlay_start_0:
0x88: {  	s2 =	sld [smem:$0x3FD9]  }
0x89: {  	s3 =	sld [smem:$0x3FFE];
	_ =	sdelay $0x1  }
0x8a: {  	s1 =	srdreg.scid  }
0x8b: {  	s0 =	sand.u32 $0x1, s1  }
0x8c: {  	s16 =	sshll.u32 s0, $0xA;
	s2 =	sadd.s32 s3, s2  }
0x8d: {  	s2 =	sadd.s32 s2, s16  }
0x8e: {  	[smem:$0x3FAC] =	sst s2  }
0x8f: {  	_ = 	snop  }
0x90: {  	(tm) =	ssettm $0x1  }
0x91: {  	s17 =	sld [smem:$0x3FFB];
	_ =	sdelay $0x3  }
0x92: {  	_ =	strace s17  }
0x93: {  	s2 =	sld [smem:$0x3FFC];
	_ =	sdelay $0x3  }
0x94: {  	_ =	strace s2  }
0x95: {  	s2 =	sld [smem:$0x3FFD];
	_ =	sdelay $0x3  }
0x96: {  	_ =	strace s2  }
0x97: {  	_ =	strace $0x8FFFFFFF  }
0x98: {  	s18 =	sld [smem:$0x3FDB];
	_ =	sdelay $0x1  }
0x99: {  	s19 =	simm.s32 $_scs_section_size  }
0x9a: {  	s4 =	simm.s32 $_size__tile_overlayer_lowered;
	s5 =	simm.s32 $_tile_overlayer_lowered  }
0x9b: {  	s22 =	simm.s32 $0x1BFF;
	s21 =	sshll.u32 s5, $0x1;
	s2 =	sadd.s32 s19, s18  }
0x9c: {  	s6 =	simm.s32 $0x0;
	s20 =	sshll.u32 s4, $0x1;
	s4 =	sadd.s32 s21, s2  }
0x9d: {  	[timem:s6], [sflag:s22] =	dma.local [hbm:s4], s20  }
0x9e: {  	_ =	swait.ge [sflag:s22], s20  }
0x9f: {  	s3 =	ssub.s32 $0x0, s20;
	[sflag:s22] =	ssyncset.done $0x0  }
0xa0: {  	[sflag:s22] =	ssyncadd.s32 s3;
	_ =	sdelay $0x1  }
0xa1: {  	s23 =	simm.s32 $0x1B8B  }
0xa2: {  	_ =	swait.ge [sflag:s23], $0x1  }
0xa3: {  	[sflag:s23] =	ssyncset.done $0x0  }
0xa4: {  	s25 =	simm.s32 $0x1B8E;
	s24 =	sld [smem:$0x3FFE];
	[sflag:s23] =	ssyncadd.s32 $0xFFFFFFFF  }
0xa5: {  	s26 =	simm.s32 $execute0_lowered;
	[smem:$0x3FD2] =	sst s25  }
0xa6: {  	s4 =	sshll.u32 s26, $0x1;
	_ =	strace $0x80000061;
	[dreg:$0x1] =	wrdreg $0xFFFFFFFF  }
0xa7: {  	s28 =	simm.s32 $_size_execute0_lowered;
	s2 =	sadd.s32 s2, s4;
	[dreg:$0x0] =	wrdreg $0x0  }
0xa8: {  	s4 =	sshll.u32 s28, $0x1;
	[dreg:$0x2] =	wrdreg s2  }
0xa9: {  	[dreg:$0x3] =	wrdreg s4  }
0xaa: {  	[dreg:$0x4] =	wrdreg $0xC0  }
0xab: {  	_ =	task [dreg:s6], $0x5FFFF  }
0xac: {  	[dreg:$0x1] =	wrdreg $0xFFFFFFFF  }
0xad: {  	[dreg:$0x0] =	wrdreg $0x60  }
0xae: {  	[dreg:$0x2] =	wrdreg s24  }
0xaf: {  	[dreg:$0x3] =	wrdreg $0x40800  }
0xb0: {  	[dreg:$0x4] =	wrdreg $0x9  }
0xb1: {  	_ =	task.clear_ibuf [dreg:s6], $0x5FFFF;
	_ =	strace $0x90000061  }
0xb2: {  	s29 =	simm.s32 $0x9;
	_ =	strace $0x80000063  }
0xb3: {  	_ =	swait.ge [sflag:s29], $0x1  }
0xb4: {  	[sflag:s29] =	ssyncadd.s32 $0xFFFFFFFF  }
0xb5: {  	_ =	strace $0x90000063  }
0xb6: {  	_ =	sfence  }
0xb7: {  	s30 =	sld [smem:$0x0];
	_ =	sdelay $0x2  }
0xb8: {  	s31 =	sshll.u32 s1, $0xD;
	s1 =	sshrl.u32 s1, $0x2  }
0xb9: {  	s3 =	sand.u32 $0x4000, s31;
	s1 =	sadd.s32 s1, s30  }
0xba: {  	s0 =	sor.u32 s3, s0;
	s1 =	sshll.u32 s1, $0x11  }
0xbb: {  	s0 =	sor.u32 s1, s0  }
0xbc: {  	s0 =	sadd.s32 $0x8F2B, s0  }
0xbd: {  	[sflag:s0] =	ssyncadd.remote.s32 $0x1  }
0xbe: {  	_ =	sfence.sel $0xFFFF  }
0xbf: {  	[dreg:$0x0] =	wrdreg $0xFFFFFFFF;
	(pc) =	sbr.abs _section_cstart, $3  }
0xc0: {  	[dreg:$0x1] =	wrdreg $0xFFFFFFFF  }
0xc1: {  	_ =	task.clear_ibuf [dreg:s6], $0x2FFFF;
	_ =	strace $0x9FFFFFFF  }
0xc2: {  	(tm) =	ssettm $0x7FFFFFFF  }
0xc3: {  	_ =	shalt  }
tec
execute0_lowered:
.L_overlay_start_1:
0x0: {  	(tag) =	ssettag $0x1  }
0x1: {  	s20 =	stileid.u32  }
0x2: {  	s0 =	srdreg.scid;
	s9 =	smul.u32 $0x500, s20  }
0x3: {  	s7 =	sand.u32 $0x1, s0;
	s23 =	smul.u32 $0x2800, s20  }
0x4: {  	s6 =	sor.u32 $0x10, s20;
	s8 =	smul.u32 $0x138800, s7  }
0x5: {  	s4 =	sor.u32 $0x20, s20;
	s10 =	smul.u32 $0x500, s6  }
0x6: {  	s5 =	sor.u32 $0x30, s20;
	s11 =	smul.u32 $0x500, s4  }
0x7: {  	s3 =	sor.u32 $0x40, s20;
	s12 =	smul.u32 $0x500, s5  }
0x8: {  	s2 =	sor.u32 $0x50, s20;
	s13 =	smul.u32 $0x500, s3  }
0x9: {  	s1 =	sor.u32 $0x60, s20;
	s14 =	smul.u32 $0x500, s2  }
0xa: {  	s0 =	sor.u32 $0x70, s20;
	s15 =	smul.u32 $0x500, s1  }
0xb: {  	s18 =	rddreg [dreg:$0x0];
	s17 =	smul.u32 $0x500, s0  }
0xc: {  	s21 =	sadd.s32 $0xA24200, s18;
	s24 =	smul.u32 $0x2800, s6  }
0xd: {  	s16 =	ssub.s32 $0x2, s7;
	s6 =	smul.u32 $0xA000, s6;
	s9 =	sadd.s32 s21, s9  }
0xe: {  	s19 =	sshrl.u32 s16, $0x1;
	[dreg:$0x3] =	wrdreg s9;
	s9 =	smul.u32 $0x2800, s4  }
0xf: {  	s22 =	ssub.s32 s16, s19;
	s19 =	smul.u32 $0x2800, s3  }
0x10: {  	s16 =	sadd.s32 s8, s24;
	s24 =	smul.u32 $0x2800, s1  }
0x11: {  	p0 =	sgt.u32 s0, $0x7C;
	s10 =	sadd.s32 s21, s10;
	s4 =	smul.u32 $0xA000, s4  }
0x12: {  	s11 =	sadd.s32 s21, s11;
	s3 =	smul.u32 $0xA000, s3;
	[dreg:$0x4] =	wrdreg s10  }
0x13: {  	s12 =	sadd.s32 s21, s12;
	s1 =	smul.u32 $0xA000, s1;
	[dreg:$0x5] =	wrdreg s11  }
0x14: {  	s13 =	sadd.s32 s21, s13;
	[dreg:$0x6] =	wrdreg s12;
	s10 =	smul.u32 $0x2800, s5  }
0x15: {  	s26 =	sadd.s32 s21, s17;
	[dreg:$0x7] =	wrdreg s13;
	s13 =	smul.u32 $0x2800, s2  }
0x16: {  	s14 =	sadd.s32 s21, s14;
	[dreg:$0xa] =	wrdreg s26;
	s26 =	smul.u32 $0x2800, s0  }
0x17: {  	s25 =	sadd.s32 s21, s15;
	[dreg:$0x8] =	wrdreg s14;
	s5 =	smul.u32 $0xA000, s5  }
0x18: {  	s6 =	sshrl.u32 s6, $0x2;
	[dreg:$0x9] =	wrdreg s25;
	s2 =	smul.u32 $0xA000, s2  }
0x19: {  	s14 =	sadd.s32 s8, s23;
	s23 =	sshll.u32 s20, $0x5;
	s0 =	smul.u32 $0xA000, s0  }
0x1a: {  	s25 =	sadd.s32 s8, s9;
	s11 =	sadd.s32 s8, s19;
	s17 =	sadd.s32 s8, s24  }
0x1b: {  	s9 =	simm.s32 $0x0;
	s19 =	sshll.u32 s20, $0xC;
	s15 =	sadd.s32 s23, s18  }
0x1c: {  	s24 =	sshrl.u32 s16, $0x3;
	s23 =	smul.u32 $0xA000, s20;
	s4 =	sshrl.u32 s4, $0x2  }
0x1d: {  	s3 =	sshrl.u32 s3, $0x2;
	s1 =	sshrl.u32 s1, $0x2;
	s10 =	sadd.s32 s8, s10  }
0x1e: {  	s12 =	sadd.s32 s8, s13;
	s8 =	sadd.s32 s8, s26;
	[smem:$0x7FF] =	sst s9  }
0x1f: {  	s21 =	sadd.s32 s19, s18;
	s18 =	sadd.s32 $0xAAAE00, s18;
	s13 =	sshrl.u32 s14, $0x3  }
0x20: {  	s25 =	sshrl.u32 s25, $0x3;
	s11 =	sshrl.u32 s11, $0x3;
	s16 =	sshrl.u32 s17, $0x3  }
0x21: {  	s17 =	sshll.u32 s7, $0xB;
	s19 =	rddreg [dreg:$0x1];
	s7 =	sshll.u32 s7, $0x4  }
0x22: {  	s2 =	sshrl.u32 s2, $0x2;
	s0 =	sshrl.u32 s0, $0x2;
	s13 =	sadd.s32 s18, s13  }
0x23: {  	s26 =	sadd.s32 s18, s25;
	s10 =	sshrl.u32 s10, $0x3;
	s8 =	sshrl.u32 s8, $0x3  }
0x24: {  	s7 =	sadd.s32 s7, s15;
	s25 =	sshll.u32 s20, $0x6;
	s28 =	sadd.s32 s2, s19  }
0x25: {  	s29 =	sadd.s32 s1, s19;
	s30 =	sadd.s32 s0, s19;
	s0 =	sshll.u32 s20, $0x1  }
0x26: {  	s1 =	simm.s32 $0x1;
	[dreg:$0xb] =	wrdreg s13;
	s13 =	sadd.s32 s18, s24  }
0x27: {  	[dreg:$0xd] =	wrdreg s26;
	s10 =	sadd.s32 s18, s10;
	s8 =	sadd.s32 s18, s8  }
0x28: {  	s24 =	smax.u32 s22, $0x1;
	s22 =	sor.u32 $0x1C01, s25;
	[dreg:$0xc] =	wrdreg s13  }
0x29: {  	s26 =	sshrl.u32 s5, $0x2;
	[dreg:$0xe] =	wrdreg s10;
	s13 =	sshrl.u32 s12, $0x3  }
0x2a: {  	s10 =	sadd.s32 s18, s11;
	[dreg:$0x12] =	wrdreg s8;
	s25 =	sadd.s32 s26, s19  }
0x2b: {  	s26 =	sadd.s32 s3, s19;
	[dreg:$0xf] =	wrdreg s10;
	s14 =	sadd.s32 s18, s13  }
0x2c: {  	s10 =	sadd.s32 s18, s16;
	s18 =	sadd.s32 s17, s21;
	[dreg:$0x10] =	wrdreg s14  }
0x2d: {  	s17 =	sadd.s32 $0x21200, s7;
	[dreg:$0x11] =	wrdreg s10;
	s10 =	sshrl.u32 s23, $0x2  }
0x2e: {  	s23 =	sadd.s32 s6, s19;
	s31 =	sadd.s32 $0x13DA200, s18;
	_ =	strace $0x80000062  }
0x2f: {  	[dreg:$0x13] =	wrdreg s24;
	s21 =	sadd.s32 s10, s19;
	s24 =	sadd.s32 s4, s19  }
.LBB2_1:
0x30: {  	s2 =	sshrl.u32 s21, $0x3;
	s3 =	rddreg [dreg:$0x3]  }
0x31: {  	[spmem:s2], [sflag:s22] =	dma.local [hbm:s3], $0x500  }
0x32: {  	_ =	swait.ge [sflag:s1], $0x500  }
0x33: {  	[sflag:s1] =	ssyncset.done $0x0  }
0x34: {  	s3 =	sshrl.u32 s23, $0x3;
	s4 =	rddreg [dreg:$0x4];
	[sflag:s1] =	ssyncadd.s32 $0xFFFFFB00  }
0x35: {  	[spmem:s3], [sflag:s22] =	dma.local [hbm:s4], $0x500  }
0x36: {  	_ =	swait.ge [sflag:s1], $0x500  }
0x37: {  	[sflag:s1] =	ssyncset.done $0x0  }
0x38: {  	s4 =	sshrl.u32 s24, $0x3;
	s5 =	rddreg [dreg:$0x5];
	[sflag:s1] =	ssyncadd.s32 $0xFFFFFB00  }
0x39: {  	[spmem:s4], [sflag:s22] =	dma.local [hbm:s5], $0x500  }
0x3a: {  	_ =	swait.ge [sflag:s1], $0x500  }
0x3b: {  	[sflag:s1] =	ssyncset.done $0x0  }
0x3c: {  	s5 =	sshrl.u32 s25, $0x3;
	s6 =	rddreg [dreg:$0x6];
	[sflag:s1] =	ssyncadd.s32 $0xFFFFFB00  }
0x3d: {  	[spmem:s5], [sflag:s22] =	dma.local [hbm:s6], $0x500  }
0x3e: {  	_ =	swait.ge [sflag:s1], $0x500  }
0x3f: {  	[sflag:s1] =	ssyncset.done $0x0  }
0x40: {  	s6 =	sshrl.u32 s26, $0x3;
	s7 =	rddreg [dreg:$0x7];
	[sflag:s1] =	ssyncadd.s32 $0xFFFFFB00  }
0x41: {  	[spmem:s6], [sflag:s22] =	dma.local [hbm:s7], $0x500  }
0x42: {  	_ =	swait.ge [sflag:s1], $0x500  }
0x43: {  	[sflag:s1] =	ssyncset.done $0x0  }
0x44: {  	s7 =	sshrl.u32 s28, $0x3;
	s8 =	rddreg [dreg:$0x8];
	[sflag:s1] =	ssyncadd.s32 $0xFFFFFB00  }
0x45: {  	[spmem:s7], [sflag:s22] =	dma.local [hbm:s8], $0x500  }
0x46: {  	_ =	swait.ge [sflag:s1], $0x500  }
0x47: {  	[sflag:s1] =	ssyncset.done $0x0  }
0x48: {  	s8 =	sshrl.u32 s29, $0x3;
	s10 =	rddreg [dreg:$0x9];
	[sflag:s1] =	ssyncadd.s32 $0xFFFFFB00  }
0x49: {  	[spmem:s8], [sflag:s22] =	dma.local [hbm:s10], $0x500  }
0x4a: {  	_ =	swait.ge [sflag:s1], $0x500  }
0x4b: {  	[sflag:s1] =	ssyncset.done $0x0  }
0x4c: {  	s10 =	sshrl.u32 @!p0 s30, $0x3;
	s11 =	rddreg [dreg:$0xa];
	[sflag:s1] =	ssyncadd.s32 $0xFFFFFB00  }
0x4d: {  	[spmem:s10], [sflag:s22] =	dma.local @!p0 [hbm:s11], $0x500  }
0x4e: {  	s11 =	simm.s32 @!p0 $0x1  }
0x4f: {  	_ =	swait.ge @!p0 [sflag:s11], $0x500  }
0x50: {  	s12 =	sadd.s32 $0x0, s0;
	[sflag:s11] =	ssyncset.done @!p0 $0x0  }
0x51: {  	p1 =	sgt.u32 s12, $0x9C3;
	[sflag:s11] =	ssyncadd.s32 @!p0 $0xFFFFFB00  }
0x52: {  	s13 =	simm.s32 @!p1 $0x2;
	s11 =	simm.s32 @!p1 $0x0;
	[bflag:$0x0] =	sbarrier.arrive $0xFFFF  }
0x53: {  	[tilespmem:s11], [sflag:$0x2] =	stream.linear.gather @!p1 [hbm4b:s17+s11], $0x80, $0x38;
	[tilespmem:$0x17900] =	vst v63  }
0x54: {  	_ =	swait.ge @!p1 [sflag:s13], $0x80  }
0x55: {  	[sflag:s13] =	ssyncset.done @!p1 $0x0;
	p1 =	por p1, p1  }
0x56: {  	[sflag:s13] =	ssyncadd.s32 @!p1 $0xFFFFFF80;
	s15 =	simm.s32 @!p1 $0x80  }
0x57: {  	[tilespmem:s15], [sflag:$0x2] =	stream.linear.gather @!p1 [hbm4b:s31+s11], $0x4000, $0x38;
	[tilespmem:$0x17900] =	vst v63  }
0x58: {  	_ =	swait.ge @!p1 [sflag:s13], $0x4000  }
0x59: {  	[sflag:s13] =	ssyncset.done @!p1 $0x0  }
0x5a: {  	s20 =	sadd.s32 $0x20, s0;
	s14 =	simm.s32 @!p1 $0x1;
	[sflag:s13] =	ssyncadd.s32 @!p1 $0xFFFFC000  }
0x5b: {  	[spmem:s19] =	stream.indirect.scatter.add.f32 @!p1 [tilespmem:s15], [sflag:$0x1], $0x80, s11, s15, $0xb8;
	[tilespmem:$0x17900] =	vst v63  }
0x5c: {  	s12 =	simm.s32 $0x40;
	p2 =	sgt.u32 s20, $0x9C3;
	_ =	swait.ge @!p1 [sflag:s14], $0x4000  }
0x5d: {  	s13 =	sadd.s32 $0x200, s17;
	s11 =	sadd.s32 $0x10000, s31;
	[sflag:s14] =	ssyncset.done @!p1 $0x0  }
.LBB2_2:
0x5e: {  	s15 =	simm.s32 @!p2 $0x0;
	s16 =	simm.s32 @!p2 $0x2;
	[sflag:s14] =	ssyncadd.s32 @!p1 $0xFFFFC000  }
0x5f: {  	[tilespmem:s15], [sflag:$0x2] =	stream.linear.gather @!p2 [hbm4b:s13+s15], $0x80, $0x38;
	[tilespmem:$0x17900] =	vst v63  }
0x60: {  	s18 =	smov.u32 s12;
	s12 =	sadd.s32 $0x20, s12;
	_ =	swait.ge @!p2 [sflag:s16], $0x80  }
0x61: {  	p1 =	por p2, p2;
	p3 =	sne.s32 s12, $0x9E0;
	[sflag:s16] =	ssyncset.done @!p2 $0x0  }
0x62: {  	s20 =	simm.s32 @!p1 $0x80;
	[sflag:s16] =	ssyncadd.s32 @!p1 $0xFFFFFF80  }
0x63: {  	[tilespmem:s20], [sflag:$0x2] =	stream.linear.gather @!p1 [hbm4b:s11+s15], $0x4000, $0x38;
	[tilespmem:$0x17900] =	vst v63  }
0x64: {  	_ =	swait.ge @!p1 [sflag:s16], $0x4000  }
.Ltmp0:
0x65: {  	[sflag:s16] =	ssyncset.done @!p1 $0x0;
	(pc) =	sbr.rel @p3 .LBB2_2-.Ltmp0, $4  }
0x66: {  	s14 =	simm.s32 @!p1 $0x1;
	[sflag:s16] =	ssyncadd.s32 @!p1 $0xFFFFC000  }
0x67: {  	[spmem:s19] =	stream.indirect.scatter.add.f32 @!p1 [tilespmem:s20], [sflag:$0x1], $0x80, s15, s20, $0xb8;
	[tilespmem:$0x17900] =	vst v63  }
0x68: {  	s13 =	sadd.s32 $0x200, s13;
	s15 =	sadd.s32 s18, s0;
	_ =	swait.ge @!p1 [sflag:s14], $0x4000  }
0x69: {  	s11 =	sadd.s32 $0x10000, s11;
	p2 =	sgt.u32 s15, $0x9C3;
	[sflag:s14] =	ssyncset.done @!p1 $0x0  }
0x6a: {  	s12 =	simm.s32 @!p2 $0x0;
	s15 =	simm.s32 @!p2 $0x2;
	[sflag:s14] =	ssyncadd.s32 @!p1 $0xFFFFC000  }
0x6b: {  	[tilespmem:s12], [sflag:$0x2] =	stream.linear.gather @!p2 [hbm4b:s13+s12], $0x80, $0x38;
	[tilespmem:$0x17900] =	vst v63  }
0x6c: {  	_ =	swait.ge @!p2 [sflag:s15], $0x80  }
0x6d: {  	p1 =	por p2, p2;
	[sflag:s15] =	ssyncset.done @!p2 $0x0  }
0x6e: {  	s13 =	simm.s32 @!p1 $0x80;
	[sflag:s15] =	ssyncadd.s32 @!p1 $0xFFFFFF80  }
0x6f: {  	[tilespmem:s13], [sflag:$0x2] =	stream.linear.gather @!p1 [hbm4b:s11+s12], $0x4000, $0x38;
	[tilespmem:$0x17900] =	vst v63  }
0x70: {  	_ =	swait.ge @!p1 [sflag:s15], $0x4000  }
0x71: {  	[sflag:s15] =	ssyncset.done @!p1 $0x0  }
0x72: {  	s11 =	simm.s32 @!p1 $0x1;
	[sflag:s15] =	ssyncadd.s32 @!p1 $0xFFFFC000  }
0x73: {  	[spmem:s19] =	stream.indirect.scatter.add.f32 @!p1 [tilespmem:s13], [sflag:$0x1], $0x80, s12, s13, $0xb8;
	[tilespmem:$0x17900] =	vst v63  }
0x74: {  	_ =	swait.ge @!p1 [sflag:s11], $0x4000  }
0x75: {  	[sflag:s11] =	ssyncset.done @!p1 $0x0  }
0x76: {  	[sflag:s11] =	ssyncadd.s32 @!p1 $0xFFFFC000  }
0x77: {  	[bflag:$0x0] =	sbarrier.arrive $0xFFFF  }
0x78: {  	s20 =	rddreg [dreg:$0xb]  }
0x79: {  	[hbm:s20], [sflag:s22] =	dma.local [spmem:s2], $0x500  }
0x7a: {  	_ =	swait.ge [sflag:s1], $0x500  }
0x7b: {  	[sflag:s1] =	ssyncset.done $0x0  }
0x7c: {  	s12 =	rddreg [dreg:$0xc];
	[sflag:s1] =	ssyncadd.s32 $0xFFFFFB00  }
0x7d: {  	[hbm:s12], [sflag:s22] =	dma.local [spmem:s3], $0x500  }
0x7e: {  	_ =	swait.ge [sflag:s1], $0x500  }
0x7f: {  	[sflag:s1] =	ssyncset.done $0x0  }
0x80: {  	s13 =	rddreg [dreg:$0xd];
	[sflag:s1] =	ssyncadd.s32 $0xFFFFFB00  }
0x81: {  	[hbm:s13], [sflag:s22] =	dma.local [spmem:s4], $0x500  }
0x82: {  	_ =	swait.ge [sflag:s1], $0x500  }
0x83: {  	[sflag:s1] =	ssyncset.done $0x0  }
0x84: {  	s14 =	rddreg [dreg:$0xe];
	[sflag:s1] =	ssyncadd.s32 $0xFFFFFB00  }
0x85: {  	[hbm:s14], [sflag:s22] =	dma.local [spmem:s5], $0x500  }
0x86: {  	_ =	swait.ge [sflag:s1], $0x500  }
0x87: {  	[sflag:s1] =	ssyncset.done $0x0  }
0x88: {  	s15 =	rddreg [dreg:$0xf];
	[sflag:s1] =	ssyncadd.s32 $0xFFFFFB00  }
0x89: {  	[hbm:s15], [sflag:s22] =	dma.local [spmem:s6], $0x500  }
0x8a: {  	_ =	swait.ge [sflag:s1], $0x500  }
0x8b: {  	[sflag:s1] =	ssyncset.done $0x0  }
0x8c: {  	s16 =	rddreg [dreg:$0x10];
	[sflag:s1] =	ssyncadd.s32 $0xFFFFFB00  }
0x8d: {  	[hbm:s16], [sflag:s22] =	dma.local [spmem:s7], $0x500  }
0x8e: {  	_ =	swait.ge [sflag:s1], $0x500  }
0x8f: {  	[sflag:s1] =	ssyncset.done $0x0  }
0x90: {  	s18 =	rddreg [dreg:$0x11];
	[sflag:s1] =	ssyncadd.s32 $0xFFFFFB00  }
0x91: {  	[hbm:s18], [sflag:s22] =	dma.local [spmem:s8], $0x500  }
0x92: {  	_ =	swait.ge [sflag:s1], $0x500  }
0x93: {  	[sflag:s1] =	ssyncset.done $0x0  }
0x94: {  	s2 =	rddreg [dreg:$0x12];
	[sflag:s1] =	ssyncadd.s32 $0xFFFFFB00  }
0x95: {  	[hbm:s2], [sflag:s22] =	dma.local @!p0 [spmem:s10], $0x500  }
0x96: {  	s2 =	simm.s32 @!p0 $0x1  }
0x97: {  	_ =	swait.ge @!p0 [sflag:s2], $0x500  }
0x98: {  	s9 =	sadd.s32 $0x1, s9;
	s20 =	rddreg [dreg:$0x13]  }
0x99: {  	p1 =	sne.s32 s9, s20  }
.Ltmp1:
0x9a: {  	_ = 	snop;
	(pc) =	sbr.rel @p1 .LBB2_1-.Ltmp1, $3  }
0x9b: {  	_ =	sdelay $0x1  }
0x9c: {  	[sflag:s2] =	ssyncset.done @!p0 $0x0  }
0x9d: {  	[sflag:s2] =	ssyncadd.s32 @!p0 $0xFFFFFB00  }
0x9e: {  	_ =	sfence.sel $0x180000  }
0x9f: {  	[bflag:$0x0] =	sbarrier.arrive $0xFFFF  }
0xa0: {  	_ =	strace $0x90000062  }
0xa1: {  	s0 =	stileid.u32;
	[bflag:$0x2] =	sbarrier.arrive $0xFFFF  }
0xa2: {  	p0 =	sne.s32 s0, $0x0;
	s0 =	rddreg [dreg:$0x2]  }
0xa3: {  	s0 =	sadd.s32 @!p0 $0x100000, s0  }
0xa4: {  	[sflag:s0] =	ssyncadd.tile.s32 @!p0 $0x1;
	_ =	shalt  }
.Lfunc_end2:
_tile_overlayer_lowered:
.L_overlay_start_2:
0xa5: {  	(tag) =	ssettag $0x2  }
0xa6: {  	s0 =	rddreg [dreg:$0x0];
	s2 =	stileid.u32  }
0xa7: {  	s1 =	rddreg [dreg:$0x1];
	p0 =	sne.s32 s2, $0x0  }
0xa8: {  	s3 =	rddreg [dreg:$0x2];
	[bflag:$0x3] =	sbarrier.arrive $0xFFFF;
	s2 =	simm.s32 @!p0 $0x1C01  }
0xa9: {  	[timem:s3], [sflag:s2] =	dma.local @!p0 [hbm:s0], s1  }
0xaa: {  	s0 =	simm.s32 @!p0 $0x1  }
0xab: {  	_ =	swait.ge @!p0 [sflag:s0], s1  }
0xac: {  	s1 =	ssub.s32 @!p0 $0x0, s1;
	[sflag:s0] =	ssyncset.done @!p0 $0x0  }
0xad: {  	[sflag:s0] =	ssyncadd.s32 @!p0 s1  }
0xae: {  	[bflag:$0x3] =	sbarrier.arrive $0xFFFF  }
0xaf: {  	_ =	shalt  }

// kernel: kernel.60.cloned.1.call-start
scs
__scs_entry_jumppad:
0x0: {  	(pc) =	sbr.rel $0x88, $3  }
0x1: {  	(tag) =	ssettag $0x0;
	lr =	simm.s32 $0x1  }
0x2: {  	[smem:$0x3F85] =	sst lr;
	_ =	strace $0xD0000000  }
0x3: {  	_ = 	snop  }
0x4: {  	_ = 	snop  }
0x5: {  	_ = 	snop  }
0x6: {  	_ = 	snop  }
0x7: {  	_ = 	snop  }
__scs_overlays_trampoline_lowered:
0x8: {  	[smem:$0x3F94] =	sst s0  }
0x9: {  	[smem:$0x3F95] =	sst s1  }
0xa: {  	[smem:$0x3F96] =	sst s2  }
0xb: {  	[smem:$0x3F97] =	sst s3  }
0xc: {  	[smem:$0x3F98] =	sst s4  }
0xd: {  	[smem:$0x3F99] =	sst s5  }
0xe: {  	[smem:$0x3F9A] =	sst s6  }
0xf: {  	[smem:$0x3F9B] =	sst s7  }
0x10: {  	[smem:$0x3F9C] =	sst s8  }
0x11: {  	[smem:$0x3F9D] =	sst s9;
	s0 =	simm.s32 @!p0 $0x0  }
0x12: {  	s1 =	sld [smem:$0x3F83];
	s0 =	simm.s32 @p0 $0x1  }
0x13: {  	[smem:$0x3F9E] =	sst s0;
	s0 =	simm.s32 @!p1 $0x0  }
0x14: {  	s2 =	sld [smem:$0x3F82];
	s0 =	simm.s32 @p1 $0x1  }
0x15: {  	[smem:$0x3F9F] =	sst s0;
	s0 =	simm.s32 @!p2 $0x0  }
0x16: {  	s3 =	sld [smem:$0x3FDB];
	s0 =	simm.s32 @p2 $0x1  }
0x17: {  	s4 =	simm.s32 $0x1BF5;
	[smem:$0x3FA1] =	sst s0  }
0x18: {  	s0 =	sld [smem:$0x3F84];
	_ =	swait.ge [sflag:s4], $0x0  }
0x19: {  	s7 =	sld [smem:$0x3F85]  }
0x1a: {  	s8 =	sadd.s32 $0xFFFFE003, lr  }
0x1b: {  	s9 =	sadd.s32 $0xFFFFFEF7, lr;
	s5 =	simm.s32 $0xFFFFFFFF;
	p2 =	slt.u32 s8, $0xFFFFF086  }
0x1c: {  	p1 =	slt.u32 s9, $0xF7A;
	s5 =	simm.s32 @!p2 $0x0  }
0x1d: {  	s5 =	simm.s32 @p1 $0x1;
	p0 =	seq.s32 s7, s2  }
0x1e: {  	s7 =	smul.u32 @!p0 $0xF7A, s2;
	p2 =	seq.s32 @!p0 s5, $0x0  }
0x1f: {  	s9 =	smul.u32 $0xF7A, s1;
	s8 =	simm.s32 @!p0 $0x1BF5;
	p2 =	por !p2, p0  }
0x20: {  	[sflag:s8] =	ssyncset.s32 @!p0 $0xFFFFF086;
	s6 =	sadd.s32 @!p0 s3, s7;
	s7 =	simm.s32 @!p0 $0x108  }
0x21: {  	s3 =	sadd.s32 s3, s9;
	s6 =	sadd.s32 @!p0 $0x88, s6;
	s7 =	simm.s32 @p2 $0x1082  }
0x22: {  	[simem:s7], [sflag:s8] =	dma.local @!p0 [hbm:s6], $0xF7A  }
0x23: {  	s9 =	sor.u32 $0xD0000000, s2;
	s6 =	simm.s32 $0x108;
	_ =	swait.ge @!p0 [sflag:s8], $0x0  }
0x24: {  	s3 =	sadd.s32 $0x88, s3;
	s6 =	simm.s32 @!p1 $0x1082;
	[sflag:s4] =	ssyncset.s32 $0xFFFFF086  }
0x25: {  	[simem:s6], [sflag:s4] =	dma.local [hbm:s3], $0xF7A  }
0x26: {  	[smem:$0x3F85] =	sst s1;
	(tag) =	ssettag s2;
	_ =	strace s9  }
0x27: {  	s1 =	sld [smem:$0x3F95]  }
0x28: {  	s2 =	sld [smem:$0x3F96]  }
0x29: {  	s4 =	sld [smem:$0x3F98]  }
0x2a: {  	p0 =	seq.s32 s5, $0x0;
	s5 =	sld [smem:$0x3F99]  }
0x2b: {  	s6 =	sld [smem:$0x3F9A]  }
0x2c: {  	s7 =	sld [smem:$0x3F9B]  }
0x2d: {  	s3 =	simm.s32 $0x108;
	s8 =	sld [smem:$0x3F9C]  }
0x2e: {  	s3 =	simm.s32 @!p0 $0x1082;
	s9 =	sld [smem:$0x3F9D]  }
0x2f: {  	lr =	sadd.s32 s0, s3;
	s0 =	sld [smem:$0x3F94]  }
0x30: {  	s3 =	sld [smem:$0x3F97]  }
0x31: {  	[smem:$0x3FA0] =	sst s10  }
0x32: {  	s10 =	sld [smem:$0x3F9E];
	_ =	sdelay $0x3  }
0x33: {  	p0 =	seq.s32 s10, $0x1;
	s10 =	sld [smem:$0x3FA0];
	_ =	sdelay $0x3  }
0x34: {  	[smem:$0x3FA0] =	sst s10  }
0x35: {  	s10 =	sld [smem:$0x3F9F];
	_ =	sdelay $0x3  }
0x36: {  	p1 =	seq.s32 s10, $0x1;
	s10 =	sld [smem:$0x3FA0];
	_ =	sdelay $0x3  }
0x37: {  	[smem:$0x3FA0] =	sst s10  }
0x38: {  	s10 =	sld [smem:$0x3FA1]  }
0x39: {  	_ = 	snop;
	(pc) =	sbr.ind lr, $3  }
0x3a: {  	_ = 	snop  }
0x3b: {  	_ = 	snop  }
0x3c: {  	p2 =	seq.s32 s10, $0x1;
	s10 =	sld [smem:$0x3FA0]  }
0x3d: {  	_ =	shalt  }
0x3e: {  	_ =	shalt  }
0x3f: {  	_ =	shalt  }
0x40: {  	_ =	shalt  }
0x41: {  	_ =	shalt  }
0x42: {  	_ =	shalt  }
0x43: {  	_ =	shalt  }
0x44: {  	_ =	shalt  }
0x45: {  	_ =	shalt  }
0x46: {  	_ =	shalt  }
0x47: {  	_ =	shalt  }
0x48: {  	_ =	shalt  }
0x49: {  	_ =	shalt  }
0x4a: {  	_ =	shalt  }
0x4b: {  	_ =	shalt  }
0x4c: {  	_ =	shalt  }
0x4d: {  	_ =	shalt  }
0x4e: {  	_ =	shalt  }
0x4f: {  	_ =	shalt  }
0x50: {  	_ =	shalt  }
0x51: {  	_ =	shalt  }
0x52: {  	_ =	shalt  }
0x53: {  	_ =	shalt  }
0x54: {  	_ =	shalt  }
0x55: {  	_ =	shalt  }
0x56: {  	_ =	shalt  }
0x57: {  	_ =	shalt  }
0x58: {  	_ =	shalt  }
0x59: {  	_ =	shalt  }
0x5a: {  	_ =	shalt  }
0x5b: {  	_ =	shalt  }
0x5c: {  	_ =	shalt  }
0x5d: {  	_ =	shalt  }
0x5e: {  	_ =	shalt  }
0x5f: {  	_ =	shalt  }
0x60: {  	_ =	shalt  }
0x61: {  	_ =	shalt  }
0x62: {  	_ =	shalt  }
0x63: {  	_ =	shalt  }
0x64: {  	_ =	shalt  }
0x65: {  	_ =	shalt  }
0x66: {  	_ =	shalt  }
0x67: {  	_ =	shalt  }
0x68: {  	_ =	shalt  }
0x69: {  	_ =	shalt  }
0x6a: {  	_ =	shalt  }
0x6b: {  	_ =	shalt  }
0x6c: {  	_ =	shalt  }
0x6d: {  	_ =	shalt  }
0x6e: {  	_ =	shalt  }
0x6f: {  	_ =	shalt  }
0x70: {  	_ =	shalt  }
0x71: {  	_ =	shalt  }
0x72: {  	_ =	shalt  }
0x73: {  	_ =	shalt  }
0x74: {  	_ =	shalt  }
0x75: {  	_ =	shalt  }
0x76: {  	_ =	shalt  }
0x77: {  	_ =	shalt  }
0x78: {  	_ =	shalt  }
0x79: {  	_ =	shalt  }
0x7a: {  	_ =	shalt  }
0x7b: {  	_ =	shalt  }
0x7c: {  	_ =	shalt  }
0x7d: {  	_ =	shalt  }
0x7e: {  	_ =	shalt  }
0x7f: {  	_ =	shalt  }
0x80: {  	_ =	shalt  }
0x81: {  	_ =	shalt  }
0x82: {  	_ =	shalt  }
0x83: {  	_ =	shalt  }
0x84: {  	_ =	shalt  }
0x85: {  	_ =	shalt  }
0x86: {  	_ =	shalt  }
0x87: {  	_ =	shalt  }
.Lfunc_end0:
.L_simem_size_0:
called_computation.10_lowered:
.L_overlay_start_0:
0x88: {  	s2 =	sld [smem:$0x3FD9]  }
0x89: {  	s3 =	sld [smem:$0x3FFE];
	_ =	sdelay $0x1  }
0x8a: {  	s1 =	srdreg.scid  }
0x8b: {  	s0 =	sand.u32 $0x1, s1  }
0x8c: {  	s16 =	sshll.u32 s0, $0xA;
	s2 =	sadd.s32 s3, s2  }
0x8d: {  	s2 =	sadd.s32 s2, s16  }
0x8e: {  	[smem:$0x3FAC] =	sst s2  }
0x8f: {  	_ = 	snop  }
0x90: {  	(tm) =	ssettm $0x1  }
0x91: {  	s17 =	sld [smem:$0x3FFB];
	_ =	sdelay $0x3  }
0x92: {  	_ =	strace s17  }
0x93: {  	s2 =	sld [smem:$0x3FFC];
	_ =	sdelay $0x3  }
0x94: {  	_ =	strace s2  }
0x95: {  	s2 =	sld [smem:$0x3FFD];
	_ =	sdelay $0x3  }
0x96: {  	_ =	strace s2  }
0x97: {  	_ =	strace $0x8FFFFFFF  }
0x98: {  	s18 =	sld [smem:$0x3FDB];
	_ =	sdelay $0x1  }
0x99: {  	s19 =	simm.s32 $_scs_section_size  }
0x9a: {  	s4 =	simm.s32 $_size__tile_overlayer_lowered;
	s5 =	simm.s32 $_tile_overlayer_lowered  }
0x9b: {  	s22 =	simm.s32 $0x1BFF;
	s21 =	sshll.u32 s5, $0x1;
	s2 =	sadd.s32 s19, s18  }
0x9c: {  	s6 =	simm.s32 $0x0;
	s20 =	sshll.u32 s4, $0x1;
	s4 =	sadd.s32 s21, s2  }
0x9d: {  	[timem:s6], [sflag:s22] =	dma.local [hbm:s4], s20  }
0x9e: {  	_ =	swait.ge [sflag:s22], s20  }
0x9f: {  	s3 =	ssub.s32 $0x0, s20;
	[sflag:s22] =	ssyncset.done $0x0  }
0xa0: {  	[sflag:s22] =	ssyncadd.s32 s3;
	_ =	sdelay $0x1  }
0xa1: {  	s23 =	simm.s32 $0x1B8B  }
0xa2: {  	_ =	swait.ge [sflag:s23], $0x1  }
0xa3: {  	[sflag:s23] =	ssyncset.done $0x0  }
0xa4: {  	s25 =	simm.s32 $0x1B8E;
	s24 =	sld [smem:$0x3FFE];
	[sflag:s23] =	ssyncadd.s32 $0xFFFFFFFF  }
0xa5: {  	s26 =	simm.s32 $execute0_lowered;
	[smem:$0x3FD2] =	sst s25  }
0xa6: {  	s4 =	sshll.u32 s26, $0x1;
	_ =	strace $0x80000064;
	[dreg:$0x1] =	wrdreg $0xFFFFFFFF  }
0xa7: {  	s28 =	simm.s32 $_size_execute0_lowered;
	s2 =	sadd.s32 s2, s4;
	[dreg:$0x0] =	wrdreg $0x0  }
0xa8: {  	s4 =	sshll.u32 s28, $0x1;
	[dreg:$0x2] =	wrdreg s2  }
0xa9: {  	[dreg:$0x3] =	wrdreg s4  }
0xaa: {  	[dreg:$0x4] =	wrdreg $0xC0  }
0xab: {  	_ =	task [dreg:s6], $0x5FFFF  }
0xac: {  	[dreg:$0x1] =	wrdreg $0xFFFFFFFF  }
0xad: {  	[dreg:$0x0] =	wrdreg $0x60  }
0xae: {  	[dreg:$0x2] =	wrdreg s24  }
0xaf: {  	[dreg:$0x3] =	wrdreg $0x9  }
0xb0: {  	_ =	task.clear_ibuf [dreg:s6], $0x4FFFF;
	_ =	strace $0x90000064  }
0xb1: {  	s29 =	simm.s32 $0x9;
	_ =	strace $0x80000066  }
0xb2: {  	_ =	swait.ge [sflag:s29], $0x1  }
0xb3: {  	[sflag:s29] =	ssyncadd.s32 $0xFFFFFFFF  }
0xb4: {  	_ =	strace $0x90000066  }
0xb5: {  	_ =	sfence  }
0xb6: {  	s30 =	sld [smem:$0x0];
	_ =	sdelay $0x2  }
0xb7: {  	s31 =	sshll.u32 s1, $0xD;
	s1 =	sshrl.u32 s1, $0x2  }
0xb8: {  	s3 =	sand.u32 $0x4000, s31;
	s1 =	sadd.s32 s1, s30  }
0xb9: {  	s0 =	sor.u32 s3, s0;
	s1 =	sshll.u32 s1, $0x11  }
0xba: {  	s0 =	sor.u32 s1, s0  }
0xbb: {  	s0 =	sadd.s32 $0x8F2B, s0  }
0xbc: {  	[sflag:s0] =	ssyncadd.remote.s32 $0x1  }
0xbd: {  	_ =	sfence.sel $0xFFFF  }
0xbe: {  	[dreg:$0x0] =	wrdreg $0xFFFFFFFF;
	(pc) =	sbr.abs _section_cstart, $3  }
0xbf: {  	[dreg:$0x1] =	wrdreg $0xFFFFFFFF  }
0xc0: {  	_ =	task.clear_ibuf [dreg:s6], $0x2FFFF;
	_ =	strace $0x9FFFFFFF  }
0xc1: {  	(tm) =	ssettm $0x7FFFFFFF  }
tec
execute0_lowered:
.L_overlay_start_1:
0x0: {  	(tag) =	ssettag $0x1  }
0x1: {  	s4 =	rddreg [dreg:$0x0]  }
0x2: {  	s0 =	rddreg [dreg:$0x1]  }
0x3: {  	s2 =	simm.s32 $0x0;
	s3 =	srdreg.scid;
	s1 =	stileid.u32  }
0x4: {  	[smem:$0x7FF] =	sst s2;
	s5 =	sand.u32 $0x1, s3;
	s3 =	sadd.s32 $0xA4B400, s4  }
0x5: {  	s6 =	sshll.u32 s1, $0x5;
	s8 =	sshll.u32 s1, $0xC;
	_ =	strace $0x80000065  }
0x6: {  	s7 =	ssub.s32 $0x2, s5;
	s6 =	sadd.s32 s6, s4;
	s8 =	sadd.s32 s8, s4  }
0x7: {  	s31 =	sshll.u32 s5, $0x4;
	s10 =	sshll.u32 s5, $0xB;
	s9 =	sshrl.u32 s7, $0x1  }
0x8: {  	s4 =	sshll.u32 s1, $0x1;
	s10 =	sadd.s32 s10, s8;
	s7 =	ssub.s32 s7, s9  }
0x9: {  	s9 =	sadd.s32 s31, s6;
	s8 =	sadd.s32 $0x50D000, s10;
	s5 =	smax.u32 s7, $0x1  }
0xa: {  	s6 =	sadd.s32 $0x21200, s9;
	s7 =	sadd.s32 $0x17400, s9;
	s9 =	sadd.s32 $0x2B000, s10  }
.LBB2_1:
0xb: {  	p0 =	sgt.u32 s4, $0x9C3  }
0xc: {  	s10 =	sadd.s32 @!p0 $0x0, s7;
	s11 =	simm.s32 @!p0 $0x0;
	s14 =	simm.s32 @!p0 $0x4  }
0xd: {  	[tilespmem:s11], [sflag:$0x4] =	stream.linear.gather @!p0 [hbm4b:s10+s11], $0x80, $0x38;
	[tilespmem:$0x8100] =	vst v63  }
0xe: {  	_ =	swait.ge @!p0 [sflag:s14], $0x80;
	p0 =	por p0, p0  }
0xf: {  	[sflag:s14] =	ssyncset.done @!p0 $0x0  }
0x10: {  	s10 =	sadd.s32 @!p0 $0x0, s6;
	s12 =	simm.s32 @!p0 $0x80;
	[sflag:s14] =	ssyncadd.s32 @!p0 $0xFFFFFF80  }
0x11: {  	[tilespmem:s12], [sflag:$0x4] =	stream.linear.gather @!p0 [hbm4b:s10+s11], $0x80, $0x38;
	[tilespmem:$0x8100] =	vst v63  }
0x12: {  	_ =	swait.ge @!p0 [sflag:s14], $0x80  }
0x13: {  	[sflag:s14] =	ssyncset.done @!p0 $0x0  }
0x14: {  	s10 =	simm.s32 @!p0 $0x100;
	[sflag:s14] =	ssyncadd.s32 @!p0 $0xFFFFFF80  }
0x15: {  	[tilespmem:s10], [sflag:$0x1] =	stream.indirect.gather @!p0 [hbm4b:s3+s12], $0x80, s11, s12, $0xb8;
	[tilespmem:$0x8100] =	vst v63  }
0x16: {  	s15 =	simm.s32 @!p0 $0x4100;
	s13 =	simm.s32 @!p0 $0x1  }
0x17: {  	[tilespmem:s15], [sflag:$0x2] =	stream.indirect.gather @!p0 [hbm4b:s3+s12], $0x80, s12, s12, $0xb8;
	[tilespmem:$0x8100] =	vst v63  }
0x18: {  	_ =	swait.ge @!p0 [sflag:s13], $0x4000  }
0x19: {  	[sflag:s13] =	ssyncset.done @!p0 $0x0  }
0x1a: {  	s12 =	simm.s32 @!p0 $0x2;
	[sflag:s13] =	ssyncadd.s32 @!p0 $0xFFFFC000  }
0x1b: {  	_ =	swait.ge @!p0 [sflag:s12], $0x4000  }
0x1c: {  	[sflag:s12] =	ssyncset.done @!p0 $0x0  }
0x1d: {  	[sflag:s12] =	ssyncadd.s32 @!p0 $0xFFFFC000  }
0x1e: {  	[hbm4b:s9+s11] =	stream.linear.scatter @!p0 [tilespmem:s10], [sflag:$0x4], $0x4000, $0x38;
	[tilespmem:$0x8100] =	vst v63  }
0x1f: {  	_ =	swait.ge @!p0 [sflag:s14], $0x4000  }
0x20: {  	[sflag:s14] =	ssyncset.done @!p0 $0x0  }
0x21: {  	s13 =	simm.s32 $0x400;
	s12 =	simm.s32 $0x200;
	[sflag:s14] =	ssyncadd.s32 @!p0 $0xFFFFC000  }
0x22: {  	[hbm4b:s8+s11] =	stream.linear.scatter @!p0 [tilespmem:s15], [sflag:$0x3], $0x4000, $0x38;
	[tilespmem:$0x8100] =	vst v63  }
0x23: {  	s10 =	sadd.s32 $0x10000, s9;
	s14 =	sadd.s32 $0x20, s4;
	s15 =	simm.s32 @!p0 $0x3  }
0x24: {  	p2 =	sgt.u32 s14, $0x9C3;
	s11 =	sadd.s32 $0x10000, s8;
	_ =	swait.ge @!p0 [sflag:s15], $0x4000  }
.LBB2_2:
0x25: {  	s16 =	sadd.s32 @!p2 s12, s7  }
0x26: {  	s17 =	simm.s32 @!p2 $0x0;
	[sflag:s15] =	ssyncset.done @!p0 $0x0;
	s18 =	smov.u32 s13  }
0x27: {  	s13 =	sadd.s32 $0x200, s13;
	s19 =	simm.s32 @!p2 $0x4;
	[sflag:s15] =	ssyncadd.s32 @!p0 $0xFFFFC000  }
0x28: {  	[tilespmem:s17], [sflag:$0x4] =	stream.linear.gather @!p2 [hbm4b:s16+s17], $0x80, $0x38;
	[tilespmem:$0x8100] =	vst v63  }
0x29: {  	p1 =	sne.s32 s13, $0x9E00;
	p0 =	por p2, p2;
	_ =	swait.ge @!p2 [sflag:s19], $0x80  }
0x2a: {  	[sflag:s19] =	ssyncset.done @!p0 $0x0  }
0x2b: {  	s12 =	sadd.s32 @!p0 s12, s6;
	s15 =	simm.s32 @!p0 $0x80;
	[sflag:s19] =	ssyncadd.s32 @!p0 $0xFFFFFF80  }
0x2c: {  	[tilespmem:s15], [sflag:$0x4] =	stream.linear.gather @!p0 [hbm4b:s12+s17], $0x80, $0x38;
	[tilespmem:$0x8100] =	vst v63  }
0x2d: {  	s12 =	smov.u32 s18;
	_ =	swait.ge @!p0 [sflag:s19], $0x80  }
0x2e: {  	[sflag:s19] =	ssyncset.done @!p0 $0x0  }
0x2f: {  	s16 =	simm.s32 @!p0 $0x100;
	[sflag:s19] =	ssyncadd.s32 @!p0 $0xFFFFFF80  }
0x30: {  	[tilespmem:s16], [sflag:$0x1] =	stream.indirect.gather @!p0 [hbm4b:s3+s15], $0x80, s17, s15, $0xb8;
	[tilespmem:$0x8100] =	vst v63  }
0x31: {  	s20 =	simm.s32 @!p0 $0x1;
	s18 =	simm.s32 @!p0 $0x4100  }
0x32: {  	[tilespmem:s18], [sflag:$0x2] =	stream.indirect.gather @!p0 [hbm4b:s3+s15], $0x80, s15, s15, $0xb8;
	[tilespmem:$0x8100] =	vst v63  }
0x33: {  	_ =	swait.ge @!p0 [sflag:s20], $0x4000  }
0x34: {  	[sflag:s20] =	ssyncset.done @!p0 $0x0  }
0x35: {  	s15 =	simm.s32 @!p0 $0x2;
	[sflag:s20] =	ssyncadd.s32 @!p0 $0xFFFFC000  }
0x36: {  	_ =	swait.ge @!p0 [sflag:s15], $0x4000  }
0x37: {  	[sflag:s15] =	ssyncset.done @!p0 $0x0  }
0x38: {  	[sflag:s15] =	ssyncadd.s32 @!p0 $0xFFFFC000  }
0x39: {  	[hbm4b:s10+s17] =	stream.linear.scatter @!p0 [tilespmem:s16], [sflag:$0x4], $0x4000, $0x38;
	[tilespmem:$0x8100] =	vst v63  }
.Ltmp0:
0x3a: {  	_ =	swait.ge @!p0 [sflag:s19], $0x4000;
	(pc) =	sbr.rel @p1 .LBB2_2-.Ltmp0, $4  }
0x3b: {  	s10 =	sadd.s32 $0x10000, s10;
	[sflag:s19] =	ssyncset.done @!p0 $0x0  }
0x3c: {  	s14 =	sadd.s32 $0x20, s14;
	s15 =	simm.s32 @!p0 $0x3;
	[sflag:s19] =	ssyncadd.s32 @!p0 $0xFFFFC000  }
0x3d: {  	[hbm4b:s11+s17] =	stream.linear.scatter @!p0 [tilespmem:s18], [sflag:$0x3], $0x4000, $0x38;
	[tilespmem:$0x8100] =	vst v63  }
0x3e: {  	p2 =	sgt.u32 s14, $0x9C3;
	s11 =	sadd.s32 $0x10000, s11;
	_ =	swait.ge @!p0 [sflag:s15], $0x4000  }
0x3f: {  	s13 =	sadd.s32 @!p2 s12, s7;
	[sflag:s15] =	ssyncset.done @!p0 $0x0  }
0x40: {  	s14 =	simm.s32 @!p2 $0x0;
	s16 =	simm.s32 @!p2 $0x4;
	[sflag:s15] =	ssyncadd.s32 @!p0 $0xFFFFC000  }
0x41: {  	[tilespmem:s14], [sflag:$0x4] =	stream.linear.gather @!p2 [hbm4b:s13+s14], $0x80, $0x38;
	[tilespmem:$0x8100] =	vst v63  }
0x42: {  	p0 =	por p2, p2;
	_ =	swait.ge @!p2 [sflag:s16], $0x80  }
0x43: {  	[sflag:s16] =	ssyncset.done @!p0 $0x0  }
0x44: {  	s12 =	sadd.s32 @!p0 s12, s6;
	s13 =	simm.s32 @!p0 $0x80;
	[sflag:s16] =	ssyncadd.s32 @!p0 $0xFFFFFF80  }
0x45: {  	[tilespmem:s13], [sflag:$0x4] =	stream.linear.gather @!p0 [hbm4b:s12+s14], $0x80, $0x38;
	[tilespmem:$0x8100] =	vst v63  }
0x46: {  	_ =	swait.ge @!p0 [sflag:s16], $0x80  }
0x47: {  	[sflag:s16] =	ssyncset.done @!p0 $0x0  }
0x48: {  	s12 =	simm.s32 @!p0 $0x100;
	[sflag:s16] =	ssyncadd.s32 @!p0 $0xFFFFFF80  }
0x49: {  	[tilespmem:s12], [sflag:$0x1] =	stream.indirect.gather @!p0 [hbm4b:s3+s13], $0x80, s14, s13, $0xb8;
	[tilespmem:$0x8100] =	vst v63  }
0x4a: {  	s15 =	simm.s32 @!p0 $0x4100;
	s17 =	simm.s32 @!p0 $0x1  }
0x4b: {  	[tilespmem:s15], [sflag:$0x2] =	stream.indirect.gather @!p0 [hbm4b:s3+s13], $0x80, s13, s13, $0xb8;
	[tilespmem:$0x8100] =	vst v63  }
0x4c: {  	_ =	swait.ge @!p0 [sflag:s17], $0x4000  }
0x4d: {  	[sflag:s17] =	ssyncset.done @!p0 $0x0  }
0x4e: {  	s13 =	simm.s32 @!p0 $0x2;
	[sflag:s17] =	ssyncadd.s32 @!p0 $0xFFFFC000  }
0x4f: {  	_ =	swait.ge @!p0 [sflag:s13], $0x4000  }
0x50: {  	[sflag:s13] =	ssyncset.done @!p0 $0x0  }
0x51: {  	[sflag:s13] =	ssyncadd.s32 @!p0 $0xFFFFC000  }
0x52: {  	[hbm4b:s10+s14] =	stream.linear.scatter @!p0 [tilespmem:s12], [sflag:$0x4], $0x4000, $0x38;
	[tilespmem:$0x8100] =	vst v63  }
0x53: {  	s2 =	sadd.s32 $0x1, s2;
	_ =	swait.ge @!p0 [sflag:s16], $0x4000  }
0x54: {  	p1 =	sne.s32 s2, s5;
	[sflag:s16] =	ssyncset.done @!p0 $0x0  }
.Ltmp1:
0x55: {  	s10 =	simm.s32 @!p0 $0x3;
	[sflag:s16] =	ssyncadd.s32 @!p0 $0xFFFFC000;
	(pc) =	sbr.rel @p1 .LBB2_1-.Ltmp1, $4  }
0x56: {  	[hbm4b:s11+s14] =	stream.linear.scatter @!p0 [tilespmem:s15], [sflag:$0x3], $0x4000, $0x38;
	[tilespmem:$0x8100] =	vst v63  }
0x57: {  	_ =	swait.ge @!p0 [sflag:s10], $0x4000  }
0x58: {  	[sflag:s10] =	ssyncset.done @!p0 $0x0  }
0x59: {  	[sflag:s10] =	ssyncadd.s32 @!p0 $0xFFFFC000  }
0x5a: {  	_ =	sfence.sel $0x180000  }
0x5b: {  	[bflag:$0x0] =	sbarrier.arrive $0xFFFF  }
0x5c: {  	p0 =	sne.s32 s1, $0x0;
	_ =	strace $0x90000065  }
0x5d: {  	s0 =	sadd.s32 @!p0 $0x100000, s0;
	[bflag:$0x2] =	sbarrier.arrive $0xFFFF  }
0x5e: {  	[sflag:s0] =	ssyncadd.tile.s32 @!p0 $0x1;
	_ =	shalt  }
.Lfunc_end2:
_tile_overlayer_lowered:
.L_overlay_start_2:
0x5f: {  	(tag) =	ssettag $0x2  }
0x60: {  	s0 =	rddreg [dreg:$0x0];
	s2 =	stileid.u32  }
0x61: {  	s1 =	rddreg [dreg:$0x1];
	p0 =	sne.s32 s2, $0x0  }
0x62: {  	s3 =	rddreg [dreg:$0x2];
	[bflag:$0x3] =	sbarrier.arrive $0xFFFF;
	s2 =	simm.s32 @!p0 $0x1C03  }
0x63: {  	[timem:s3], [sflag:s2] =	dma.local @!p0 [hbm:s0], s1  }
0x64: {  	s0 =	simm.s32 @!p0 $0x3  }
0x65: {  	_ =	swait.ge @!p0 [sflag:s0], s1  }
0x66: {  	s1 =	ssub.s32 @!p0 $0x0, s1;
	[sflag:s0] =	ssyncset.done @!p0 $0x0  }
0x67: {  	[sflag:s0] =	ssyncadd.s32 @!p0 s1  }
0x68: {  	[bflag:$0x3] =	sbarrier.arrive $0xFFFF  }
0x69: {  	_ =	shalt  }

// kernel: kernel.63.cloned.1.call-start
scs
__scs_entry_jumppad:
0x0: {  	(pc) =	sbr.rel $0x88, $3  }
0x1: {  	(tag) =	ssettag $0x0;
	lr =	simm.s32 $0x1  }
0x2: {  	[smem:$0x3F85] =	sst lr;
	_ =	strace $0xD0000000  }
0x3: {  	_ = 	snop  }
0x4: {  	_ = 	snop  }
0x5: {  	_ = 	snop  }
0x6: {  	_ = 	snop  }
0x7: {  	_ = 	snop  }
__scs_overlays_trampoline_lowered:
0x8: {  	[smem:$0x3F94] =	sst s0  }
0x9: {  	[smem:$0x3F95] =	sst s1  }
0xa: {  	[smem:$0x3F96] =	sst s2  }
0xb: {  	[smem:$0x3F97] =	sst s3  }
0xc: {  	[smem:$0x3F98] =	sst s4  }
0xd: {  	[smem:$0x3F99] =	sst s5  }
0xe: {  	[smem:$0x3F9A] =	sst s6  }
0xf: {  	[smem:$0x3F9B] =	sst s7  }
0x10: {  	[smem:$0x3F9C] =	sst s8  }
0x11: {  	[smem:$0x3F9D] =	sst s9;
	s0 =	simm.s32 @!p0 $0x0  }
0x12: {  	s1 =	sld [smem:$0x3F83];
	s0 =	simm.s32 @p0 $0x1  }
0x13: {  	[smem:$0x3F9E] =	sst s0;
	s0 =	simm.s32 @!p1 $0x0  }
0x14: {  	s2 =	sld [smem:$0x3F82];
	s0 =	simm.s32 @p1 $0x1  }
0x15: {  	[smem:$0x3F9F] =	sst s0;
	s0 =	simm.s32 @!p2 $0x0  }
0x16: {  	s3 =	sld [smem:$0x3FDB];
	s0 =	simm.s32 @p2 $0x1  }
0x17: {  	s4 =	simm.s32 $0x1BF5;
	[smem:$0x3FA1] =	sst s0  }
0x18: {  	s0 =	sld [smem:$0x3F84];
	_ =	swait.ge [sflag:s4], $0x0  }
0x19: {  	s7 =	sld [smem:$0x3F85]  }
0x1a: {  	s8 =	sadd.s32 $0xFFFFE003, lr  }
0x1b: {  	s9 =	sadd.s32 $0xFFFFFEF7, lr;
	s5 =	simm.s32 $0xFFFFFFFF;
	p2 =	slt.u32 s8, $0xFFFFF086  }
0x1c: {  	p1 =	slt.u32 s9, $0xF7A;
	s5 =	simm.s32 @!p2 $0x0  }
0x1d: {  	s5 =	simm.s32 @p1 $0x1;
	p0 =	seq.s32 s7, s2  }
0x1e: {  	s7 =	smul.u32 @!p0 $0xF7A, s2;
	p2 =	seq.s32 @!p0 s5, $0x0  }
0x1f: {  	s9 =	smul.u32 $0xF7A, s1;
	s8 =	simm.s32 @!p0 $0x1BF5;
	p2 =	por !p2, p0  }
0x20: {  	[sflag:s8] =	ssyncset.s32 @!p0 $0xFFFFF086;
	s6 =	sadd.s32 @!p0 s3, s7;
	s7 =	simm.s32 @!p0 $0x108  }
0x21: {  	s3 =	sadd.s32 s3, s9;
	s6 =	sadd.s32 @!p0 $0x88, s6;
	s7 =	simm.s32 @p2 $0x1082  }
0x22: {  	[simem:s7], [sflag:s8] =	dma.local @!p0 [hbm:s6], $0xF7A  }
0x23: {  	s9 =	sor.u32 $0xD0000000, s2;
	s6 =	simm.s32 $0x108;
	_ =	swait.ge @!p0 [sflag:s8], $0x0  }
0x24: {  	s3 =	sadd.s32 $0x88, s3;
	s6 =	simm.s32 @!p1 $0x1082;
	[sflag:s4] =	ssyncset.s32 $0xFFFFF086  }
0x25: {  	[simem:s6], [sflag:s4] =	dma.local [hbm:s3], $0xF7A  }
0x26: {  	[smem:$0x3F85] =	sst s1;
	(tag) =	ssettag s2;
	_ =	strace s9  }
0x27: {  	s1 =	sld [smem:$0x3F95]  }
0x28: {  	s2 =	sld [smem:$0x3F96]  }
0x29: {  	s4 =	sld [smem:$0x3F98]  }
0x2a: {  	p0 =	seq.s32 s5, $0x0;
	s5 =	sld [smem:$0x3F99]  }
0x2b: {  	s6 =	sld [smem:$0x3F9A]  }
0x2c: {  	s7 =	sld [smem:$0x3F9B]  }
0x2d: {  	s3 =	simm.s32 $0x108;
	s8 =	sld [smem:$0x3F9C]  }
0x2e: {  	s3 =	simm.s32 @!p0 $0x1082;
	s9 =	sld [smem:$0x3F9D]  }
0x2f: {  	lr =	sadd.s32 s0, s3;
	s0 =	sld [smem:$0x3F94]  }
0x30: {  	s3 =	sld [smem:$0x3F97]  }
0x31: {  	[smem:$0x3FA0] =	sst s10  }
0x32: {  	s10 =	sld [smem:$0x3F9E];
	_ =	sdelay $0x3  }
0x33: {  	p0 =	seq.s32 s10, $0x1;
	s10 =	sld [smem:$0x3FA0];
	_ =	sdelay $0x3  }
0x34: {  	[smem:$0x3FA0] =	sst s10  }
0x35: {  	s10 =	sld [smem:$0x3F9F];
	_ =	sdelay $0x3  }
0x36: {  	p1 =	seq.s32 s10, $0x1;
	s10 =	sld [smem:$0x3FA0];
	_ =	sdelay $0x3  }
0x37: {  	[smem:$0x3FA0] =	sst s10  }
0x38: {  	s10 =	sld [smem:$0x3FA1]  }
0x39: {  	_ = 	snop;
	(pc) =	sbr.ind lr, $3  }
0x3a: {  	_ = 	snop  }
0x3b: {  	_ = 	snop  }
0x3c: {  	p2 =	seq.s32 s10, $0x1;
	s10 =	sld [smem:$0x3FA0]  }
0x3d: {  	_ =	shalt  }
0x3e: {  	_ =	shalt  }
0x3f: {  	_ =	shalt  }
0x40: {  	_ =	shalt  }
0x41: {  	_ =	shalt  }
0x42: {  	_ =	shalt  }
0x43: {  	_ =	shalt  }
0x44: {  	_ =	shalt  }
0x45: {  	_ =	shalt  }
0x46: {  	_ =	shalt  }
0x47: {  	_ =	shalt  }
0x48: {  	_ =	shalt  }
0x49: {  	_ =	shalt  }
0x4a: {  	_ =	shalt  }
0x4b: {  	_ =	shalt  }
0x4c: {  	_ =	shalt  }
0x4d: {  	_ =	shalt  }
0x4e: {  	_ =	shalt  }
0x4f: {  	_ =	shalt  }
0x50: {  	_ =	shalt  }
0x51: {  	_ =	shalt  }
0x52: {  	_ =	shalt  }
0x53: {  	_ =	shalt  }
0x54: {  	_ =	shalt  }
0x55: {  	_ =	shalt  }
0x56: {  	_ =	shalt  }
0x57: {  	_ =	shalt  }
0x58: {  	_ =	shalt  }
0x59: {  	_ =	shalt  }
0x5a: {  	_ =	shalt  }
0x5b: {  	_ =	shalt  }
0x5c: {  	_ =	shalt  }
0x5d: {  	_ =	shalt  }
0x5e: {  	_ =	shalt  }
0x5f: {  	_ =	shalt  }
0x60: {  	_ =	shalt  }
0x61: {  	_ =	shalt  }
0x62: {  	_ =	shalt  }
0x63: {  	_ =	shalt  }
0x64: {  	_ =	shalt  }
0x65: {  	_ =	shalt  }
0x66: {  	_ =	shalt  }
0x67: {  	_ =	shalt  }
0x68: {  	_ =	shalt  }
0x69: {  	_ =	shalt  }
0x6a: {  	_ =	shalt  }
0x6b: {  	_ =	shalt  }
0x6c: {  	_ =	shalt  }
0x6d: {  	_ =	shalt  }
0x6e: {  	_ =	shalt  }
0x6f: {  	_ =	shalt  }
0x70: {  	_ =	shalt  }
0x71: {  	_ =	shalt  }
0x72: {  	_ =	shalt  }
0x73: {  	_ =	shalt  }
0x74: {  	_ =	shalt  }
0x75: {  	_ =	shalt  }
0x76: {  	_ =	shalt  }
0x77: {  	_ =	shalt  }
0x78: {  	_ =	shalt  }
0x79: {  	_ =	shalt  }
0x7a: {  	_ =	shalt  }
0x7b: {  	_ =	shalt  }
0x7c: {  	_ =	shalt  }
0x7d: {  	_ =	shalt  }
0x7e: {  	_ =	shalt  }
0x7f: {  	_ =	shalt  }
0x80: {  	_ =	shalt  }
0x81: {  	_ =	shalt  }
0x82: {  	_ =	shalt  }
0x83: {  	_ =	shalt  }
0x84: {  	_ =	shalt  }
0x85: {  	_ =	shalt  }
0x86: {  	_ =	shalt  }
0x87: {  	_ =	shalt  }
.Lfunc_end0:
.L_simem_size_0:
called_computation.11_lowered:
.L_overlay_start_0:
0x88: {  	s2 =	sld [smem:$0x3FD9]  }
0x89: {  	s3 =	sld [smem:$0x3FFE];
	_ =	sdelay $0x1  }
0x8a: {  	s1 =	srdreg.scid  }
0x8b: {  	s0 =	sand.u32 $0x1, s1  }
0x8c: {  	s16 =	sshll.u32 s0, $0xA;
	s2 =	sadd.s32 s3, s2  }
0x8d: {  	s2 =	sadd.s32 s2, s16  }
0x8e: {  	[smem:$0x3FAC] =	sst s2  }
0x8f: {  	_ = 	snop  }
0x90: {  	(tm) =	ssettm $0x1  }
0x91: {  	s17 =	sld [smem:$0x3FFB];
	_ =	sdelay $0x3  }
0x92: {  	_ =	strace s17  }
0x93: {  	s2 =	sld [smem:$0x3FFC];
	_ =	sdelay $0x3  }
0x94: {  	_ =	strace s2  }
0x95: {  	s2 =	sld [smem:$0x3FFD];
	_ =	sdelay $0x3  }
0x96: {  	_ =	strace s2  }
0x97: {  	_ =	strace $0x8FFFFFFF  }
0x98: {  	s18 =	sld [smem:$0x3FDB];
	_ =	sdelay $0x1  }
0x99: {  	s19 =	simm.s32 $_scs_section_size  }
0x9a: {  	s4 =	simm.s32 $_size__tile_overlayer_lowered;
	s5 =	simm.s32 $_tile_overlayer_lowered  }
0x9b: {  	s22 =	simm.s32 $0x1BFF;
	s21 =	sshll.u32 s5, $0x1;
	s2 =	sadd.s32 s19, s18  }
0x9c: {  	s6 =	simm.s32 $0x0;
	s20 =	sshll.u32 s4, $0x1;
	s4 =	sadd.s32 s21, s2  }
0x9d: {  	[timem:s6], [sflag:s22] =	dma.local [hbm:s4], s20  }
0x9e: {  	_ =	swait.ge [sflag:s22], s20  }
0x9f: {  	s3 =	ssub.s32 $0x0, s20;
	[sflag:s22] =	ssyncset.done $0x0  }
0xa0: {  	[sflag:s22] =	ssyncadd.s32 s3;
	_ =	sdelay $0x1  }
0xa1: {  	s23 =	simm.s32 $0x1B8B  }
0xa2: {  	_ =	swait.ge [sflag:s23], $0x1  }
0xa3: {  	[sflag:s23] =	ssyncset.done $0x0  }
0xa4: {  	s25 =	simm.s32 $0x1B8E;
	s24 =	sld [smem:$0x3FFE];
	[sflag:s23] =	ssyncadd.s32 $0xFFFFFFFF  }
0xa5: {  	s26 =	simm.s32 $execute0_lowered;
	[smem:$0x3FD2] =	sst s25  }
0xa6: {  	s4 =	sshll.u32 s26, $0x1;
	_ =	strace $0x80000067;
	[dreg:$0x1] =	wrdreg $0xFFFFFFFF  }
0xa7: {  	s28 =	simm.s32 $_size_execute0_lowered;
	s2 =	sadd.s32 s2, s4;
	[dreg:$0x0] =	wrdreg $0x0  }
0xa8: {  	s4 =	sshll.u32 s28, $0x1;
	[dreg:$0x2] =	wrdreg s2  }
0xa9: {  	[dreg:$0x3] =	wrdreg s4  }
0xaa: {  	[dreg:$0x4] =	wrdreg $0xC0  }
0xab: {  	_ =	task [dreg:s6], $0x5FFFF  }
0xac: {  	[dreg:$0x1] =	wrdreg $0xFFFFFFFF  }
0xad: {  	[dreg:$0x0] =	wrdreg $0x60  }
0xae: {  	[dreg:$0x2] =	wrdreg s24  }
0xaf: {  	[dreg:$0x3] =	wrdreg $0x40800  }
0xb0: {  	[dreg:$0x4] =	wrdreg $0x9  }
0xb1: {  	_ =	task.clear_ibuf [dreg:s6], $0x5FFFF;
	_ =	strace $0x90000067  }
0xb2: {  	s29 =	simm.s32 $0x9;
	_ =	strace $0x80000069  }
0xb3: {  	_ =	swait.ge [sflag:s29], $0x1  }
0xb4: {  	[sflag:s29] =	ssyncadd.s32 $0xFFFFFFFF  }
0xb5: {  	_ =	strace $0x90000069  }
0xb6: {  	_ =	sfence  }
0xb7: {  	s30 =	sld [smem:$0x0];
	_ =	sdelay $0x2  }
0xb8: {  	s31 =	sshll.u32 s1, $0xD;
	s1 =	sshrl.u32 s1, $0x2  }
0xb9: {  	s3 =	sand.u32 $0x4000, s31;
	s1 =	sadd.s32 s1, s30  }
0xba: {  	s0 =	sor.u32 s3, s0;
	s1 =	sshll.u32 s1, $0x11  }
0xbb: {  	s0 =	sor.u32 s1, s0  }
0xbc: {  	s0 =	sadd.s32 $0x8F2B, s0  }
0xbd: {  	[sflag:s0] =	ssyncadd.remote.s32 $0x1  }
0xbe: {  	_ =	sfence.sel $0xFFFF  }
0xbf: {  	[dreg:$0x0] =	wrdreg $0xFFFFFFFF;
	(pc) =	sbr.abs _section_cstart, $3  }
0xc0: {  	[dreg:$0x1] =	wrdreg $0xFFFFFFFF  }
0xc1: {  	_ =	task.clear_ibuf [dreg:s6], $0x2FFFF;
	_ =	strace $0x9FFFFFFF  }
0xc2: {  	(tm) =	ssettm $0x7FFFFFFF  }
0xc3: {  	_ =	shalt  }
tec
execute0_lowered:
.L_overlay_start_1:
0x0: {  	(tag) =	ssettag $0x1  }
0x1: {  	s20 =	stileid.u32  }
0x2: {  	s0 =	srdreg.scid;
	s9 =	smul.u32 $0x500, s20  }
0x3: {  	s7 =	sand.u32 $0x1, s0;
	s23 =	smul.u32 $0x2800, s20  }
0x4: {  	s6 =	sor.u32 $0x10, s20;
	s8 =	smul.u32 $0x138800, s7  }
0x5: {  	s4 =	sor.u32 $0x20, s20;
	s10 =	smul.u32 $0x500, s6  }
0x6: {  	s5 =	sor.u32 $0x30, s20;
	s11 =	smul.u32 $0x500, s4  }
0x7: {  	s3 =	sor.u32 $0x40, s20;
	s12 =	smul.u32 $0x500, s5  }
0x8: {  	s2 =	sor.u32 $0x50, s20;
	s13 =	smul.u32 $0x500, s3  }
0x9: {  	s1 =	sor.u32 $0x60, s20;
	s14 =	smul.u32 $0x500, s2  }
0xa: {  	s0 =	sor.u32 $0x70, s20;
	s15 =	smul.u32 $0x500, s1  }
0xb: {  	s18 =	rddreg [dreg:$0x0];
	s17 =	smul.u32 $0x500, s0  }
0xc: {  	s21 =	sadd.s32 $0xA24200, s18;
	s24 =	smul.u32 $0x2800, s6  }
0xd: {  	s16 =	ssub.s32 $0x2, s7;
	s6 =	smul.u32 $0xA000, s6;
	s9 =	sadd.s32 s21, s9  }
0xe: {  	s19 =	sshrl.u32 s16, $0x1;
	[dreg:$0x3] =	wrdreg s9;
	s9 =	smul.u32 $0x2800, s4  }
0xf: {  	s22 =	ssub.s32 s16, s19;
	s19 =	smul.u32 $0x2800, s3  }
0x10: {  	s16 =	sadd.s32 s8, s24;
	s24 =	smul.u32 $0x2800, s1  }
0x11: {  	p0 =	sgt.u32 s0, $0x7C;
	s10 =	sadd.s32 s21, s10;
	s4 =	smul.u32 $0xA000, s4  }
0x12: {  	s11 =	sadd.s32 s21, s11;
	s3 =	smul.u32 $0xA000, s3;
	[dreg:$0x4] =	wrdreg s10  }
0x13: {  	s12 =	sadd.s32 s21, s12;
	s1 =	smul.u32 $0xA000, s1;
	[dreg:$0x5] =	wrdreg s11  }
0x14: {  	s13 =	sadd.s32 s21, s13;
	[dreg:$0x6] =	wrdreg s12;
	s10 =	smul.u32 $0x2800, s5  }
0x15: {  	s26 =	sadd.s32 s21, s17;
	[dreg:$0x7] =	wrdreg s13;
	s13 =	smul.u32 $0x2800, s2  }
0x16: {  	s14 =	sadd.s32 s21, s14;
	[dreg:$0xa] =	wrdreg s26;
	s26 =	smul.u32 $0x2800, s0  }
0x17: {  	s25 =	sadd.s32 s21, s15;
	[dreg:$0x8] =	wrdreg s14;
	s5 =	smul.u32 $0xA000, s5  }
0x18: {  	s6 =	sshrl.u32 s6, $0x2;
	[dreg:$0x9] =	wrdreg s25;
	s2 =	smul.u32 $0xA000, s2  }
0x19: {  	s14 =	sadd.s32 s8, s23;
	s23 =	sshll.u32 s20, $0x5;
	s0 =	smul.u32 $0xA000, s0  }
0x1a: {  	s25 =	sadd.s32 s8, s9;
	s11 =	sadd.s32 s8, s19;
	s17 =	sadd.s32 s8, s24  }
0x1b: {  	s9 =	simm.s32 $0x0;
	s19 =	sshll.u32 s20, $0xC;
	s15 =	sadd.s32 s23, s18  }
0x1c: {  	s24 =	sshrl.u32 s16, $0x3;
	s23 =	smul.u32 $0xA000, s20;
	s4 =	sshrl.u32 s4, $0x2  }
0x1d: {  	s3 =	sshrl.u32 s3, $0x2;
	s1 =	sshrl.u32 s1, $0x2;
	s10 =	sadd.s32 s8, s10  }
0x1e: {  	s12 =	sadd.s32 s8, s13;
	s8 =	sadd.s32 s8, s26;
	[smem:$0x7FF] =	sst s9  }
0x1f: {  	s21 =	sadd.s32 s19, s18;
	s18 =	sadd.s32 $0xAAAE00, s18;
	s13 =	sshrl.u32 s14, $0x3  }
0x20: {  	s25 =	sshrl.u32 s25, $0x3;
	s11 =	sshrl.u32 s11, $0x3;
	s16 =	sshrl.u32 s17, $0x3  }
0x21: {  	s17 =	sshll.u32 s7, $0xB;
	s19 =	rddreg [dreg:$0x1];
	s7 =	sshll.u32 s7, $0x4  }
0x22: {  	s2 =	sshrl.u32 s2, $0x2;
	s0 =	sshrl.u32 s0, $0x2;
	s13 =	sadd.s32 s18, s13  }
0x23: {  	s26 =	sadd.s32 s18, s25;
	s10 =	sshrl.u32 s10, $0x3;
	s8 =	sshrl.u32 s8, $0x3  }
0x24: {  	s7 =	sadd.s32 s7, s15;
	s25 =	sshll.u32 s20, $0x6;
	s28 =	sadd.s32 s2, s19  }
0x25: {  	s29 =	sadd.s32 s1, s19;
	s30 =	sadd.s32 s0, s19;
	s0 =	sshll.u32 s20, $0x1  }
0x26: {  	s1 =	simm.s32 $0x1;
	[dreg:$0xb] =	wrdreg s13;
	s13 =	sadd.s32 s18, s24  }
0x27: {  	[dreg:$0xd] =	wrdreg s26;
	s10 =	sadd.s32 s18, s10;
	s8 =	sadd.s32 s18, s8  }
0x28: {  	s24 =	smax.u32 s22, $0x1;
	s22 =	sor.u32 $0x1C01, s25;
	[dreg:$0xc] =	wrdreg s13  }
0x29: {  	s26 =	sshrl.u32 s5, $0x2;
	[dreg:$0xe] =	wrdreg s10;
	s13 =	sshrl.u32 s12, $0x3  }
0x2a: {  	s10 =	sadd.s32 s18, s11;
	[dreg:$0x12] =	wrdreg s8;
	s25 =	sadd.s32 s26, s19  }
0x2b: {  	s26 =	sadd.s32 s3, s19;
	[dreg:$0xf] =	wrdreg s10;
	s14 =	sadd.s32 s18, s13  }
0x2c: {  	s10 =	sadd.s32 s18, s16;
	s18 =	sadd.s32 s17, s21;
	[dreg:$0x10] =	wrdreg s14  }
0x2d: {  	s17 =	sadd.s32 $0x21200, s7;
	[dreg:$0x11] =	wrdreg s10;
	s10 =	sshrl.u32 s23, $0x2  }
0x2e: {  	s23 =	sadd.s32 s6, s19;
	s31 =	sadd.s32 $0x13DA200, s18;
	_ =	strace $0x80000068  }
0x2f: {  	[dreg:$0x13] =	wrdreg s24;
	s21 =	sadd.s32 s10, s19;
	s24 =	sadd.s32 s4, s19  }
.LBB2_1:
0x30: {  	s2 =	sshrl.u32 s21, $0x3;
	s3 =	rddreg [dreg:$0x3]  }
0x31: {  	[spmem:s2], [sflag:s22] =	dma.local [hbm:s3], $0x500  }
0x32: {  	_ =	swait.ge [sflag:s1], $0x500  }
0x33: {  	[sflag:s1] =	ssyncset.done $0x0  }
0x34: {  	s3 =	sshrl.u32 s23, $0x3;
	s4 =	rddreg [dreg:$0x4];
	[sflag:s1] =	ssyncadd.s32 $0xFFFFFB00  }
0x35: {  	[spmem:s3], [sflag:s22] =	dma.local [hbm:s4], $0x500  }
0x36: {  	_ =	swait.ge [sflag:s1], $0x500  }
0x37: {  	[sflag:s1] =	ssyncset.done $0x0  }
0x38: {  	s4 =	sshrl.u32 s24, $0x3;
	s5 =	rddreg [dreg:$0x5];
	[sflag:s1] =	ssyncadd.s32 $0xFFFFFB00  }
0x39: {  	[spmem:s4], [sflag:s22] =	dma.local [hbm:s5], $0x500  }
0x3a: {  	_ =	swait.ge [sflag:s1], $0x500  }
0x3b: {  	[sflag:s1] =	ssyncset.done $0x0  }
0x3c: {  	s5 =	sshrl.u32 s25, $0x3;
	s6 =	rddreg [dreg:$0x6];
	[sflag:s1] =	ssyncadd.s32 $0xFFFFFB00  }
0x3d: {  	[spmem:s5], [sflag:s22] =	dma.local [hbm:s6], $0x500  }
0x3e: {  	_ =	swait.ge [sflag:s1], $0x500  }
0x3f: {  	[sflag:s1] =	ssyncset.done $0x0  }
0x40: {  	s6 =	sshrl.u32 s26, $0x3;
	s7 =	rddreg [dreg:$0x7];
	[sflag:s1] =	ssyncadd.s32 $0xFFFFFB00  }
0x41: {  	[spmem:s6], [sflag:s22] =	dma.local [hbm:s7], $0x500  }
0x42: {  	_ =	swait.ge [sflag:s1], $0x500  }
0x43: {  	[sflag:s1] =	ssyncset.done $0x0  }
0x44: {  	s7 =	sshrl.u32 s28, $0x3;
	s8 =	rddreg [dreg:$0x8];
	[sflag:s1] =	ssyncadd.s32 $0xFFFFFB00  }
0x45: {  	[spmem:s7], [sflag:s22] =	dma.local [hbm:s8], $0x500  }
0x46: {  	_ =	swait.ge [sflag:s1], $0x500  }
0x47: {  	[sflag:s1] =	ssyncset.done $0x0  }
0x48: {  	s8 =	sshrl.u32 s29, $0x3;
	s10 =	rddreg [dreg:$0x9];
	[sflag:s1] =	ssyncadd.s32 $0xFFFFFB00  }
0x49: {  	[spmem:s8], [sflag:s22] =	dma.local [hbm:s10], $0x500  }
0x4a: {  	_ =	swait.ge [sflag:s1], $0x500  }
0x4b: {  	[sflag:s1] =	ssyncset.done $0x0  }
0x4c: {  	s10 =	sshrl.u32 @!p0 s30, $0x3;
	s11 =	rddreg [dreg:$0xa];
	[sflag:s1] =	ssyncadd.s32 $0xFFFFFB00  }
0x4d: {  	[spmem:s10], [sflag:s22] =	dma.local @!p0 [hbm:s11], $0x500  }
0x4e: {  	s11 =	simm.s32 @!p0 $0x1  }
0x4f: {  	_ =	swait.ge @!p0 [sflag:s11], $0x500  }
0x50: {  	s12 =	sadd.s32 $0x0, s0;
	[sflag:s11] =	ssyncset.done @!p0 $0x0  }
0x51: {  	p1 =	sgt.u32 s12, $0x9C3;
	[sflag:s11] =	ssyncadd.s32 @!p0 $0xFFFFFB00  }
0x52: {  	s13 =	simm.s32 @!p1 $0x2;
	s11 =	simm.s32 @!p1 $0x0;
	[bflag:$0x0] =	sbarrier.arrive $0xFFFF  }
0x53: {  	[tilespmem:s11], [sflag:$0x2] =	stream.linear.gather @!p1 [hbm4b:s17+s11], $0x80, $0x38;
	[tilespmem:$0x17900] =	vst v63  }
0x54: {  	_ =	swait.ge @!p1 [sflag:s13], $0x80  }
0x55: {  	[sflag:s13] =	ssyncset.done @!p1 $0x0;
	p1 =	por p1, p1  }
0x56: {  	[sflag:s13] =	ssyncadd.s32 @!p1 $0xFFFFFF80;
	s15 =	simm.s32 @!p1 $0x80  }
0x57: {  	[tilespmem:s15], [sflag:$0x2] =	stream.linear.gather @!p1 [hbm4b:s31+s11], $0x4000, $0x38;
	[tilespmem:$0x17900] =	vst v63  }
0x58: {  	_ =	swait.ge @!p1 [sflag:s13], $0x4000  }
0x59: {  	[sflag:s13] =	ssyncset.done @!p1 $0x0  }
0x5a: {  	s20 =	sadd.s32 $0x20, s0;
	s14 =	simm.s32 @!p1 $0x1;
	[sflag:s13] =	ssyncadd.s32 @!p1 $0xFFFFC000  }
0x5b: {  	[spmem:s19] =	stream.indirect.scatter.add.f32 @!p1 [tilespmem:s15], [sflag:$0x1], $0x80, s11, s15, $0xb8;
	[tilespmem:$0x17900] =	vst v63  }
0x5c: {  	s12 =	simm.s32 $0x40;
	p2 =	sgt.u32 s20, $0x9C3;
	_ =	swait.ge @!p1 [sflag:s14], $0x4000  }
0x5d: {  	s13 =	sadd.s32 $0x200, s17;
	s11 =	sadd.s32 $0x10000, s31;
	[sflag:s14] =	ssyncset.done @!p1 $0x0  }
.LBB2_2:
0x5e: {  	s15 =	simm.s32 @!p2 $0x0;
	s16 =	simm.s32 @!p2 $0x2;
	[sflag:s14] =	ssyncadd.s32 @!p1 $0xFFFFC000  }
0x5f: {  	[tilespmem:s15], [sflag:$0x2] =	stream.linear.gather @!p2 [hbm4b:s13+s15], $0x80, $0x38;
	[tilespmem:$0x17900] =	vst v63  }
0x60: {  	s18 =	smov.u32 s12;
	s12 =	sadd.s32 $0x20, s12;
	_ =	swait.ge @!p2 [sflag:s16], $0x80  }
0x61: {  	p1 =	por p2, p2;
	p3 =	sne.s32 s12, $0x9E0;
	[sflag:s16] =	ssyncset.done @!p2 $0x0  }
0x62: {  	s20 =	simm.s32 @!p1 $0x80;
	[sflag:s16] =	ssyncadd.s32 @!p1 $0xFFFFFF80  }
0x63: {  	[tilespmem:s20], [sflag:$0x2] =	stream.linear.gather @!p1 [hbm4b:s11+s15], $0x4000, $0x38;
	[tilespmem:$0x17900] =	vst v63  }
0x64: {  	_ =	swait.ge @!p1 [sflag:s16], $0x4000  }
.Ltmp0:
0x65: {  	[sflag:s16] =	ssyncset.done @!p1 $0x0;
	(pc) =	sbr.rel @p3 .LBB2_2-.Ltmp0, $4  }
0x66: {  	s14 =	simm.s32 @!p1 $0x1;
	[sflag:s16] =	ssyncadd.s32 @!p1 $0xFFFFC000  }
0x67: {  	[spmem:s19] =	stream.indirect.scatter.add.f32 @!p1 [tilespmem:s20], [sflag:$0x1], $0x80, s15, s20, $0xb8;
	[tilespmem:$0x17900] =	vst v63  }
0x68: {  	s13 =	sadd.s32 $0x200, s13;
	s15 =	sadd.s32 s18, s0;
	_ =	swait.ge @!p1 [sflag:s14], $0x4000  }
0x69: {  	s11 =	sadd.s32 $0x10000, s11;
	p2 =	sgt.u32 s15, $0x9C3;
	[sflag:s14] =	ssyncset.done @!p1 $0x0  }
0x6a: {  	s12 =	simm.s32 @!p2 $0x0;
	s15 =	simm.s32 @!p2 $0x2;
	[sflag:s14] =	ssyncadd.s32 @!p1 $0xFFFFC000  }
0x6b: {  	[tilespmem:s12], [sflag:$0x2] =	stream.linear.gather @!p2 [hbm4b:s13+s12], $0x80, $0x38;
	[tilespmem:$0x17900] =	vst v63  }
0x6c: {  	_ =	swait.ge @!p2 [sflag:s15], $0x80  }
0x6d: {  	p1 =	por p2, p2;
	[sflag:s15] =	ssyncset.done @!p2 $0x0  }
0x6e: {  	s13 =	simm.s32 @!p1 $0x80;
	[sflag:s15] =	ssyncadd.s32 @!p1 $0xFFFFFF80  }
0x6f: {  	[tilespmem:s13], [sflag:$0x2] =	stream.linear.gather @!p1 [hbm4b:s11+s12], $0x4000, $0x38;
	[tilespmem:$0x17900] =	vst v63  }
0x70: {  	_ =	swait.ge @!p1 [sflag:s15], $0x4000  }
0x71: {  	[sflag:s15] =	ssyncset.done @!p1 $0x0  }
0x72: {  	s11 =	simm.s32 @!p1 $0x1;
	[sflag:s15] =	ssyncadd.s32 @!p1 $0xFFFFC000  }
0x73: {  	[spmem:s19] =	stream.indirect.scatter.add.f32 @!p1 [tilespmem:s13], [sflag:$0x1], $0x80, s12, s13, $0xb8;
	[tilespmem:$0x17900] =	vst v63  }
0x74: {  	_ =	swait.ge @!p1 [sflag:s11], $0x4000  }
0x75: {  	[sflag:s11] =	ssyncset.done @!p1 $0x0  }
0x76: {  	[sflag:s11] =	ssyncadd.s32 @!p1 $0xFFFFC000  }
0x77: {  	[bflag:$0x0] =	sbarrier.arrive $0xFFFF  }
0x78: {  	s20 =	rddreg [dreg:$0xb]  }
0x79: {  	[hbm:s20], [sflag:s22] =	dma.local [spmem:s2], $0x500  }
0x7a: {  	_ =	swait.ge [sflag:s1], $0x500  }
0x7b: {  	[sflag:s1] =	ssyncset.done $0x0  }
0x7c: {  	s12 =	rddreg [dreg:$0xc];
	[sflag:s1] =	ssyncadd.s32 $0xFFFFFB00  }
0x7d: {  	[hbm:s12], [sflag:s22] =	dma.local [spmem:s3], $0x500  }
0x7e: {  	_ =	swait.ge [sflag:s1], $0x500  }
0x7f: {  	[sflag:s1] =	ssyncset.done $0x0  }
0x80: {  	s13 =	rddreg [dreg:$0xd];
	[sflag:s1] =	ssyncadd.s32 $0xFFFFFB00  }
0x81: {  	[hbm:s13], [sflag:s22] =	dma.local [spmem:s4], $0x500  }
0x82: {  	_ =	swait.ge [sflag:s1], $0x500  }
0x83: {  	[sflag:s1] =	ssyncset.done $0x0  }
0x84: {  	s14 =	rddreg [dreg:$0xe];
	[sflag:s1] =	ssyncadd.s32 $0xFFFFFB00  }
0x85: {  	[hbm:s14], [sflag:s22] =	dma.local [spmem:s5], $0x500  }
0x86: {  	_ =	swait.ge [sflag:s1], $0x500  }
0x87: {  	[sflag:s1] =	ssyncset.done $0x0  }
0x88: {  	s15 =	rddreg [dreg:$0xf];
	[sflag:s1] =	ssyncadd.s32 $0xFFFFFB00  }
0x89: {  	[hbm:s15], [sflag:s22] =	dma.local [spmem:s6], $0x500  }
0x8a: {  	_ =	swait.ge [sflag:s1], $0x500  }
0x8b: {  	[sflag:s1] =	ssyncset.done $0x0  }
0x8c: {  	s16 =	rddreg [dreg:$0x10];
	[sflag:s1] =	ssyncadd.s32 $0xFFFFFB00  }
0x8d: {  	[hbm:s16], [sflag:s22] =	dma.local [spmem:s7], $0x500  }
0x8e: {  	_ =	swait.ge [sflag:s1], $0x500  }
0x8f: {  	[sflag:s1] =	ssyncset.done $0x0  }
0x90: {  	s18 =	rddreg [dreg:$0x11];
	[sflag:s1] =	ssyncadd.s32 $0xFFFFFB00  }
0x91: {  	[hbm:s18], [sflag:s22] =	dma.local [spmem:s8], $0x500  }
0x92: {  	_ =	swait.ge [sflag:s1], $0x500  }
0x93: {  	[sflag:s1] =	ssyncset.done $0x0  }
0x94: {  	s2 =	rddreg [dreg:$0x12];
	[sflag:s1] =	ssyncadd.s32 $0xFFFFFB00  }
0x95: {  	[hbm:s2], [sflag:s22] =	dma.local @!p0 [spmem:s10], $0x500  }
0x96: {  	s2 =	simm.s32 @!p0 $0x1  }
0x97: {  	_ =	swait.ge @!p0 [sflag:s2], $0x500  }
0x98: {  	s9 =	sadd.s32 $0x1, s9;
	s20 =	rddreg [dreg:$0x13]  }
0x99: {  	p1 =	sne.s32 s9, s20  }
.Ltmp1:
0x9a: {  	_ = 	snop;
	(pc) =	sbr.rel @p1 .LBB2_1-.Ltmp1, $3  }
0x9b: {  	_ =	sdelay $0x1  }
0x9c: {  	[sflag:s2] =	ssyncset.done @!p0 $0x0  }
0x9d: {  	[sflag:s2] =	ssyncadd.s32 @!p0 $0xFFFFFB00  }
0x9e: {  	_ =	sfence.sel $0x180000  }
0x9f: {  	[bflag:$0x0] =	sbarrier.arrive $0xFFFF  }
0xa0: {  	_ =	strace $0x90000068  }
0xa1: {  	s0 =	stileid.u32;
	[bflag:$0x2] =	sbarrier.arrive $0xFFFF  }
0xa2: {  	p0 =	sne.s32 s0, $0x0;
	s0 =	rddreg [dreg:$0x2]  }
0xa3: {  	s0 =	sadd.s32 @!p0 $0x100000, s0  }
0xa4: {  	[sflag:s0] =	ssyncadd.tile.s32 @!p0 $0x1;
	_ =	shalt  }
.Lfunc_end2:
_tile_overlayer_lowered:
.L_overlay_start_2:
0xa5: {  	(tag) =	ssettag $0x2  }
0xa6: {  	s0 =	rddreg [dreg:$0x0];
	s2 =	stileid.u32  }
0xa7: {  	s1 =	rddreg [dreg:$0x1];
	p0 =	sne.s32 s2, $0x0  }
0xa8: {  	s3 =	rddreg [dreg:$0x2];
	[bflag:$0x3] =	sbarrier.arrive $0xFFFF;
	s2 =	simm.s32 @!p0 $0x1C01  }
0xa9: {  	[timem:s3], [sflag:s2] =	dma.local @!p0 [hbm:s0], s1  }
0xaa: {  	s0 =	simm.s32 @!p0 $0x1  }
0xab: {  	_ =	swait.ge @!p0 [sflag:s0], s1  }
0xac: {  	s1 =	ssub.s32 @!p0 $0x0, s1;
	[sflag:s0] =	ssyncset.done @!p0 $0x0  }
0xad: {  	[sflag:s0] =	ssyncadd.s32 @!p0 s1  }
0xae: {  	[bflag:$0x3] =	sbarrier.arrive $0xFFFF  }
0xaf: {  	_ =	shalt  }

</sc_bundles>
